<compile_context>
chip_gen: v7x
topology: tpu7x:2x2x1
jax: 0.10.2.dev20260603
libtpu: 0.0.44.dev20260713+nightly
codegen_flags: <defaults>
</compile_context>

<pallas_src>
import jax
import jax.numpy as jnp
from jax import lax
from jax.experimental import pallas as pl
from jax.experimental.pallas import tpu as pltpu
from jax.experimental.pallas import tpu_sc as plsc

NC = 2
NS = 16
NW = NC * NS
CH = 128

N = 10000
E = 320000
C = 128
NPAD = 10240
RPS = NPAD // NS
CPW = -(-E // (NW * CH * 8)) * 8
EPAD = NW * CH * CPW


def _mesh():
    return plsc.VectorSubcoreMesh(core_axis_name="c", subcore_axis_name="s")


def _hist_body(dstc_hbm, ones_hbm, z_hbm, out_hbm, dst_v, ones_v, acc):
    c = lax.axis_index("c")
    s = lax.axis_index("s")
    wid = s * NC + c
    r0 = s * RPS
    pltpu.sync_copy(z_hbm.at[pl.ds(r0, RPS)], acc.at[pl.ds(r0, RPS)])
    pltpu.sync_copy(dstc_hbm.at[pl.ds(wid * CPW, CPW)], dst_v)
    pltpu.sync_copy(ones_hbm, ones_v)
    plsc.subcore_barrier()

    def step(j, carry):
        pltpu.sync_copy(ones_v, acc.at[dst_v.at[j]], add=True)
        return carry

    lax.fori_loop(0, CPW, step, 0)
    plsc.subcore_barrier()
    pltpu.sync_copy(acc.at[pl.ds(r0, RPS)], out_hbm.at[c, pl.ds(r0, RPS)])


def _sc_hist(dst_chunks, ones128, zeros128):
    f = pl.kernel(
        _hist_body,
        out_type=jax.ShapeDtypeStruct((NC, NPAD, C), jnp.float32),
        mesh=_mesh(),
        scratch_types=[
            pltpu.VMEM((CPW, CH), jnp.int32),
            pltpu.VMEM((CH, C), jnp.float32),
            pltpu.VMEM_SHARED((NPAD, C), jnp.float32),
        ],
    )
    return f(dst_chunks, ones128, zeros128)


IB = 8
NG = CPW // IB

K0 = 80
K1 = 2 * CPW - K0


def _agg_body(gp_hbm, srcc_hbm, dstc_hbm, z_hbm, out_hbm,
              srcA, dstA, srcB, dstB, rows0, rows1, acc,
              isemA, isemB, sem0, sem1):
    c = lax.axis_index("c")
    s = lax.axis_index("s")
    wid = s * NC + c
    r0 = s * RPS

    @pl.when(c == 0)
    def _():
        pltpu.sync_copy(gp_hbm.at[pl.ds(r0, RPS)], acc.at[pl.ds(r0, RPS)])

    @pl.when(c != 0)
    def _():
        pltpu.sync_copy(z_hbm.at[pl.ds(r0, RPS)], acc.at[pl.ds(r0, RPS)])

    base = jnp.where(c == 0, s * K0, 16 * K0 + s * K1)
    ngroups = jnp.where(c == 0, K0 // IB, K1 // IB)

    def load_idx(g, sbuf, dbuf, isem):
        pltpu.async_copy(srcc_hbm.at[pl.ds(base + g * IB, IB)], sbuf, isem)
        pltpu.async_copy(dstc_hbm.at[pl.ds(base + g * IB, IB)], dbuf, isem)

    def drain_idx(sbuf, dbuf, isem):
        pltpu.make_async_copy(srcc_hbm.at[pl.ds(base, IB)], sbuf, isem).wait()
        pltpu.make_async_copy(srcc_hbm.at[pl.ds(base, IB)], dbuf, isem).wait()

    def process_group(sbuf, dbuf):
        pltpu.async_copy(gp_hbm.at[sbuf.at[0]], rows0, sem0)
        for k in range(IB):
            cbuf, csem = (rows0, sem0) if k % 2 == 0 else (rows1, sem1)
            nbuf, nsem = (rows1, sem1) if k % 2 == 0 else (rows0, sem0)
            if k + 1 < IB:
                pltpu.async_copy(gp_hbm.at[sbuf.at[k + 1]], nbuf, nsem)
            pltpu.make_async_copy(gp_hbm.at[sbuf.at[0]], cbuf, csem).wait()
            pltpu.sync_copy(cbuf, acc.at[dbuf.at[k]], add=True)

    load_idx(0, srcA, dstA, isemA)
    plsc.subcore_barrier()

    def group_pair(gp, carry):
        g = 2 * gp
        load_idx(g + 1, srcB, dstB, isemB)
        drain_idx(srcA, dstA, isemA)
        process_group(srcA, dstA)

        @pl.when(g + 2 < ngroups)
        def _():
            load_idx(g + 2, srcA, dstA, isemA)

        drain_idx(srcB, dstB, isemB)
        process_group(srcB, dstB)
        return carry

    lax.fori_loop(0, ngroups // 2, group_pair, 0)
    plsc.subcore_barrier()
    pltpu.sync_copy(acc.at[pl.ds(r0, RPS)], out_hbm.at[c, pl.ds(r0, RPS)])


def _sc_agg(gp, src_chunks, dst_chunks, zeros128):
    f = pl.kernel(
        _agg_body,
        out_type=jax.ShapeDtypeStruct((NC, NPAD, C), jnp.float32),
        mesh=_mesh(),
        scratch_types=[
            pltpu.VMEM((IB, CH), jnp.int32),
            pltpu.VMEM((IB, CH), jnp.int32),
            pltpu.VMEM((IB, CH), jnp.int32),
            pltpu.VMEM((IB, CH), jnp.int32),
            pltpu.VMEM((CH, C), jnp.float32),
            pltpu.VMEM((CH, C), jnp.float32),
            pltpu.VMEM_SHARED((NPAD, C), jnp.float32),
            pltpu.SemaphoreType.DMA,
            pltpu.SemaphoreType.DMA,
            pltpu.SemaphoreType.DMA,
            pltpu.SemaphoreType.DMA,
        ],
    )
    return f(gp, src_chunks, dst_chunks, zeros128)


BR = 512


def _prep_body(h0_ref, h1_ref, x_ref, xp_ref, dinvb_ref):
    deg = h0_ref[0, :, :1] + h1_ref[0, :, :1] + 1.0
    db = jnp.broadcast_to(lax.rsqrt(deg), (BR, C))
    dinvb_ref[...] = db
    xp_ref[...] = x_ref[...] * db


def _tc_prep(hist, x_pad):
    grid = NPAD // BR
    return pl.pallas_call(
        _prep_body,
        grid=(grid,),
        in_specs=[
            pl.BlockSpec((1, BR, C), lambda i: (0, i, 0)),
            pl.BlockSpec((1, BR, C), lambda i: (1, i, 0)),
            pl.BlockSpec((BR, C), lambda i: (i, 0)),
        ],
        out_specs=[
            pl.BlockSpec((BR, C), lambda i: (i, 0)),
            pl.BlockSpec((BR, C), lambda i: (i, 0)),
        ],
        out_shape=[
            jax.ShapeDtypeStruct((NPAD, C), jnp.float32),
            jax.ShapeDtypeStruct((NPAD, C), jnp.float32),
        ],
    )(hist, hist, x_pad)


def _mid_body(p0_ref, p1_ref, dinvb_ref, W1_ref, b1_ref, W2_ref, tp_ref):
    ax = (p0_ref[0] + p1_ref[0]) * dinvb_ref[...]
    h = jnp.maximum(
        jnp.dot(ax, W1_ref[...], precision=lax.Precision.DEFAULT) + b1_ref[...],
        0.0,
    )
    t = jnp.dot(h, W2_ref[...], precision=lax.Precision.DEFAULT)
    tp_ref[...] = t * dinvb_ref[...]


def _tc_mid(parts, dinvb, W1, b1, W2):
    grid = NPAD // BR
    hw = W1.shape[1]
    return pl.pallas_call(
        _mid_body,
        grid=(grid,),
        in_specs=[
            pl.BlockSpec((1, BR, C), lambda i: (0, i, 0)),
            pl.BlockSpec((1, BR, C), lambda i: (1, i, 0)),
            pl.BlockSpec((BR, C), lambda i: (i, 0)),
            pl.BlockSpec((C, hw), lambda i: (0, 0)),
            pl.BlockSpec((1, hw), lambda i: (0, 0)),
            pl.BlockSpec((hw, C), lambda i: (0, 0)),
        ],
        out_specs=pl.BlockSpec((BR, C), lambda i: (i, 0)),
        out_shape=jax.ShapeDtypeStruct((NPAD, C), jnp.float32),
    )(parts, parts, dinvb, W1, b1.reshape(1, hw), W2)


def _final_body(q0_ref, q1_ref, dinvb_ref, b2_ref, out_ref):
    out_ref[...] = (q0_ref[0] + q1_ref[0]) * dinvb_ref[...] + b2_ref[...]


def _tc_final(parts, dinvb, b2):
    grid = NPAD // BR
    return pl.pallas_call(
        _final_body,
        grid=(grid,),
        in_specs=[
            pl.BlockSpec((1, BR, C), lambda i: (0, i, 0)),
            pl.BlockSpec((1, BR, C), lambda i: (1, i, 0)),
            pl.BlockSpec((BR, C), lambda i: (i, 0)),
            pl.BlockSpec((1, C), lambda i: (0, 0)),
        ],
        out_specs=pl.BlockSpec((BR, C), lambda i: (i, 0)),
        out_shape=jax.ShapeDtypeStruct((N, C), jnp.float32),
    )(parts, parts, dinvb, b2.reshape(1, C))


def kernel(x, edge_index, W1, b1, W2, b2):
    src = edge_index[0]
    dst = edge_index[1]
    padlen = EPAD - E
    pad_idx = N + (jnp.arange(padlen, dtype=jnp.int32) % (NPAD - N))
    srcc = jnp.concatenate([src, pad_idx]).reshape(EPAD // CH, CH)
    dstc = jnp.concatenate([dst, pad_idx]).reshape(EPAD // CH, CH)
    x_pad = jnp.pad(x, ((0, NPAD - N), (0, 0)))
    zeros128 = jnp.zeros((NPAD, C), jnp.float32)
    ones128 = jnp.ones((CH, C), jnp.float32)

    hist = _sc_hist(dstc, ones128, zeros128)
    xp, dinvb = _tc_prep(hist, x_pad)
    parts1 = _sc_agg(xp, srcc, dstc, zeros128)
    tp = _tc_mid(parts1, dinvb, W1, b1, W2)
    parts2 = _sc_agg(tp, srcc, dstc, zeros128)
    return _tc_final(parts2, dinvb, b2)

# --- scband reference (transcript-rebuilt; emitter-appended) ---
"""Pipeline reference for scband-encoder-26336739459290 (READ-ONLY COPY).

The authoritative reference and input builder live on the scoring server;
editing this copy changes nothing except your own understanding.
"""

import jax, jax.numpy as jnp
import numpy as np

N = 10000
E = 320000
IN_C = 128
OUT_C = 128


def gcn_conv(x, edge_index, W, b):
    # linear transform
    h = x @ W
    # add self loops
    loops = jnp.arange(N, dtype=edge_index.dtype)
    src = jnp.concatenate([edge_index[0], loops])
    dst = jnp.concatenate([edge_index[1], loops])
    # symmetric normalization deg^-1/2[src] * deg^-1/2[dst]
    deg = jnp.zeros((N,), h.dtype).at[dst].add(1.0)
    dinv = jnp.where(deg > 0, jax.lax.rsqrt(jnp.maximum(deg, 1e-12)), 0.0)
    norm = dinv[src] * dinv[dst]
    # gather messages from src, scale, scatter-add into dst
    msg = h[src] * norm[:, None]
    out = jnp.zeros((N, h.shape[1]), h.dtype).at[dst].add(msg)
    return out + b


def setup_inputs(seed: int = 0) -> dict:
    key = jax.random.key(seed)
    k0, k1, k2, k3, k4, k5 = jax.random.split(key, 6)
    x = jax.random.normal(k0, (N, IN_C), dtype=jnp.float32)
    edge_index = jax.random.randint(k1, (2, E), 0, N, dtype=jnp.int32)
    W1 = jax.random.normal(k2, (IN_C, 2 * OUT_C), dtype=jnp.float32) * (1.0 / np.sqrt(IN_C))
    b1 = jnp.zeros((2 * OUT_C,), dtype=jnp.float32)
    W2 = jax.random.normal(k3, (2 * OUT_C, OUT_C), dtype=jnp.float32) * (1.0 / np.sqrt(2 * OUT_C))
    b2 = jnp.zeros((OUT_C,), dtype=jnp.float32)
    return {"x": x, "edge_index": edge_index, "W1": W1, "b1": b1, "W2": W2, "b2": b2}


def reference(x, edge_index, W1, b1, W2, b2):
    h = gcn_conv(x, edge_index, W1, b1)
    h = jax.nn.relu(h)
    out = gcn_conv(h, edge_index, W2, b2)
    return out

if __name__ == "__main__":
    import jax
    _d = setup_inputs()
    print(jax.jit(kernel)(*tuple(_d.values())))

</pallas_src>

<mosaic_0001>
#map = affine_map<(d0, d1) -> (0, 0)>
#map1 = affine_map<(d0, d1) -> (0, 0, 0)>
module attributes {stable_mosaic.version = 14 : i64} {
  func.func @_agg_body(%arg0: i32, %arg1: i32, %arg2: memref<10240x128xf32, #tpu.memory_space<hbm>>, %arg3: memref<2560x128xi32, #tpu.memory_space<hbm>>, %arg4: memref<2560x128xi32, #tpu.memory_space<hbm>>, %arg5: memref<10240x128xf32, #tpu.memory_space<hbm>>, %arg6: memref<2x10240x128xf32, #tpu.memory_space<hbm>>, %arg7: memref<8x128xi32, #tpu.memory_space<vmem>>, %arg8: memref<8x128xi32, #tpu.memory_space<vmem>>, %arg9: memref<8x128xi32, #tpu.memory_space<vmem>>, %arg10: memref<8x128xi32, #tpu.memory_space<vmem>>, %arg11: memref<128x128xf32, #tpu.memory_space<vmem>>, %arg12: memref<128x128xf32, #tpu.memory_space<vmem>>, %arg13: memref<10240x128xf32, #tpu.memory_space<vmem_shared>>, %arg14: memref<!tpu.dma_semaphore, #tpu.memory_space<semaphore_mem>>, %arg15: memref<!tpu.dma_semaphore, #tpu.memory_space<semaphore_mem>>, %arg16: memref<!tpu.dma_semaphore, #tpu.memory_space<semaphore_mem>>, %arg17: memref<!tpu.dma_semaphore, #tpu.memory_space<semaphore_mem>>) attributes {dimension_semantics = [#tpu.dimension_semantics<core_parallel>, #tpu.dimension_semantics<subcore_parallel>], iteration_bounds = array<i64: 2, 16>, scalar_prefetch = 0 : i64, scratch_operands = 11 : i64, tpu.core_type = #tpu.core_type<sc_vector_subcore>, window_params = [{transform_indices = #map}, {transform_indices = #map}, {transform_indices = #map}, {transform_indices = #map}, {transform_indices = #map1}]} {
    %mul3A = arith.constant 2 : i32
    %mul3A_0 = arith.muli %arg1, %mul3A : i32
    %add3A = arith.addi %mul3A_0, %arg0 : i32
    %mul3A_1 = arith.constant 640 : i32
    %mul3A_2 = arith.muli %arg1, %mul3A_1 : i32
    %eq3A = arith.constant 0 : i32
    %eq3A_3 = arith.cmpi eq, %arg0, %eq3A : i32
    %convert_element_type3A = arith.extui %eq3A_3 : i1 to i32
    %cond3A = arith.constant 0 : i32
    %cond3A_4 = arith.cmpi ne, %convert_element_type3A, %cond3A : i32
    scf.if %cond3A_4 {
      "tpu.region"() ({
        %run_scoped3A = tpu.sem_alloc : memref<!tpu.dma_semaphore, #tpu.memory_space<semaphore_mem>>
        %dma_start3A_61 = arith.constant 0 : i32
        %dma_start3A_62 = tpu.memref_slice %arg13[%mul3A_2, %dma_start3A_61] : memref<10240x128xf32, #tpu.memory_space<vmem_shared>> -> memref<640x128xf32, #tpu.memory_space<vmem_shared>>
        %dma_start3A_63 = arith.constant 0 : i32
        %dma_start3A_64 = tpu.memref_slice %arg2[%mul3A_2, %dma_start3A_63] : memref<10240x128xf32, #tpu.memory_space<hbm>> -> memref<640x128xf32, #tpu.memory_space<hbm>>
        tpu.enqueue_dma source(%dma_start3A_64 : memref<640x128xf32, #tpu.memory_space<hbm>>) target(%dma_start3A_62 : memref<640x128xf32, #tpu.memory_space<vmem_shared>>) target_semaphore(%run_scoped3A : memref<!tpu.dma_semaphore, #tpu.memory_space<semaphore_mem>>)
        %dma_wait3A = arith.constant 0 : i32
        %dma_wait3A_65 = tpu.memref_slice %arg13[%mul3A_2, %dma_wait3A] : memref<10240x128xf32, #tpu.memory_space<vmem_shared>> -> memref<640x128xf32, #tpu.memory_space<vmem_shared>>
        %dma_wait3A_66 = arith.constant 0 : i32
        %dma_wait3A_67 = tpu.memref_slice %arg2[%mul3A_2, %dma_wait3A_66] : memref<10240x128xf32, #tpu.memory_space<hbm>> -> memref<640x128xf32, #tpu.memory_space<hbm>>
        tpu.wait_dma2 semaphore(%run_scoped3A : memref<!tpu.dma_semaphore, #tpu.memory_space<semaphore_mem>>) src(%dma_wait3A_67 : memref<640x128xf32, #tpu.memory_space<hbm>>) dst(%dma_wait3A_65 : memref<640x128xf32, #tpu.memory_space<vmem_shared>>)
        tpu.yield
      }) : () -> ()
    } else {
    }
    %ne3A = arith.constant 0 : i32
    %ne3A_5 = arith.cmpi ne, %arg0, %ne3A : i32
    %convert_element_type3A_6 = arith.extui %ne3A_5 : i1 to i32
    %cond3A_7 = arith.constant 0 : i32
    %cond3A_8 = arith.cmpi ne, %convert_element_type3A_6, %cond3A_7 : i32
    scf.if %cond3A_8 {
      "tpu.region"() ({
        %run_scoped3A = tpu.sem_alloc : memref<!tpu.dma_semaphore, #tpu.memory_space<semaphore_mem>>
        %dma_start3A_61 = arith.constant 0 : i32
        %dma_start3A_62 = tpu.memref_slice %arg13[%mul3A_2, %dma_start3A_61] : memref<10240x128xf32, #tpu.memory_space<vmem_shared>> -> memref<640x128xf32, #tpu.memory_space<vmem_shared>>
        %dma_start3A_63 = arith.constant 0 : i32
        %dma_start3A_64 = tpu.memref_slice %arg5[%mul3A_2, %dma_start3A_63] : memref<10240x128xf32, #tpu.memory_space<hbm>> -> memref<640x128xf32, #tpu.memory_space<hbm>>
        tpu.enqueue_dma source(%dma_start3A_64 : memref<640x128xf32, #tpu.memory_space<hbm>>) target(%dma_start3A_62 : memref<640x128xf32, #tpu.memory_space<vmem_shared>>) target_semaphore(%run_scoped3A : memref<!tpu.dma_semaphore, #tpu.memory_space<semaphore_mem>>)
        %dma_wait3A = arith.constant 0 : i32
        %dma_wait3A_65 = tpu.memref_slice %arg13[%mul3A_2, %dma_wait3A] : memref<10240x128xf32, #tpu.memory_space<vmem_shared>> -> memref<640x128xf32, #tpu.memory_space<vmem_shared>>
        %dma_wait3A_66 = arith.constant 0 : i32
        %dma_wait3A_67 = tpu.memref_slice %arg5[%mul3A_2, %dma_wait3A_66] : memref<10240x128xf32, #tpu.memory_space<hbm>> -> memref<640x128xf32, #tpu.memory_space<hbm>>
        tpu.wait_dma2 semaphore(%run_scoped3A : memref<!tpu.dma_semaphore, #tpu.memory_space<semaphore_mem>>) src(%dma_wait3A_67 : memref<640x128xf32, #tpu.memory_space<hbm>>) dst(%dma_wait3A_65 : memref<640x128xf32, #tpu.memory_space<vmem_shared>>)
        tpu.yield
      }) : () -> ()
    } else {
    }
    %eq3A_9 = arith.constant 0 : i32
    %eq3A_10 = arith.cmpi eq, %arg0, %eq3A_9 : i32
    %mul3A_11 = arith.constant 80 : i32
    %mul3A_12 = arith.muli %arg1, %mul3A_11 : i32
    %mul3A_13 = arith.constant 80 : i32
    %mul3A_14 = arith.muli %arg1, %mul3A_13 : i32
    %add3A_15 = arith.constant 1280 : i32
    %add3A_16 = arith.addi %add3A_15, %mul3A_14 : i32
    %select_n3A = arith.select %eq3A_10, %mul3A_12, %add3A_16 : i32
    %eq3A_17 = arith.constant 0 : i32
    %eq3A_18 = arith.cmpi eq, %arg0, %eq3A_17 : i32
    %jit3A = arith.constant 10 : i32
    %jit3A_19 = arith.constant 10 : i32
    %select_n3A_20 = arith.select %eq3A_18, %jit3A, %jit3A_19 : i32
    %add3A_21 = arith.constant 0 : i32
    %add3A_22 = arith.addi %select_n3A, %add3A_21 : i32
    %dma_start3A = arith.constant 0 : i32
    %dma_start3A_23 = tpu.memref_slice %arg3[%add3A_22, %dma_start3A] : memref<2560x128xi32, #tpu.memory_space<hbm>> -> memref<8x128xi32, #tpu.memory_space<hbm>>
    %dma_start3A_24 = arith.constant 0 : i32
    %dma_start3A_25 = tpu.memref_slice %arg3[%add3A_22, %dma_start3A_24] : memref<2560x128xi32, #tpu.memory_space<hbm>> -> memref<8x128xi32, #tpu.memory_space<hbm>>
    tpu.enqueue_dma source(%dma_start3A_25 : memref<8x128xi32, #tpu.memory_space<hbm>>) target(%arg7 : memref<8x128xi32, #tpu.memory_space<vmem>>) target_semaphore(%arg14 : memref<!tpu.dma_semaphore, #tpu.memory_space<semaphore_mem>>)
    %add3A_26 = arith.constant 0 : i32
    %add3A_27 = arith.addi %select_n3A, %add3A_26 : i32
    %dma_start3A_28 = arith.constant 0 : i32
    %dma_start3A_29 = tpu.memref_slice %arg4[%add3A_27, %dma_start3A_28] : memref<2560x128xi32, #tpu.memory_space<hbm>> -> memref<8x128xi32, #tpu.memory_space<hbm>>
    %dma_start3A_30 = arith.constant 0 : i32
    %dma_start3A_31 = tpu.memref_slice %arg4[%add3A_27, %dma_start3A_30] : memref<2560x128xi32, #tpu.memory_space<hbm>> -> memref<8x128xi32, #tpu.memory_space<hbm>>
    tpu.enqueue_dma source(%dma_start3A_31 : memref<8x128xi32, #tpu.memory_space<hbm>>) target(%arg8 : memref<8x128xi32, #tpu.memory_space<vmem>>) target_semaphore(%arg14 : memref<!tpu.dma_semaphore, #tpu.memory_space<semaphore_mem>>)
    %barrier3A = arith.constant 0 : index
    tpu.barrier barrier_id(%barrier3A)
    %jit3A_32 = arith.constant 2 : i32
    %div3A = arith.divsi %select_n3A_20, %jit3A_32 : i32
    %sign3A = arith.constant 0 : i32
    %sign3A_33 = arith.cmpi sgt, %select_n3A_20, %sign3A : i32
    %sign3A_34 = arith.extui %sign3A_33 : i1 to i32
    %sign3A_35 = arith.constant 0 : i32
    %sign3A_36 = arith.cmpi slt, %select_n3A_20, %sign3A_35 : i32
    %sign3A_37 = arith.extui %sign3A_36 : i1 to i32
    %sign3A_38 = arith.subi %sign3A_34, %sign3A_37 : i32
    %sign3A_39 = arith.constant 0 : i32
    %sign3A_40 = arith.cmpi sgt, %jit3A_32, %sign3A_39 : i32
    %sign3A_41 = arith.extui %sign3A_40 : i1 to i32
    %sign3A_42 = arith.constant 0 : i32
    %sign3A_43 = arith.cmpi slt, %jit3A_32, %sign3A_42 : i32
    %sign3A_44 = arith.extui %sign3A_43 : i1 to i32
    %sign3A_45 = arith.subi %sign3A_41, %sign3A_44 : i32
    %ne3A_46 = arith.cmpi ne, %sign3A_38, %sign3A_45 : i32
    %rem3A = arith.remsi %select_n3A_20, %jit3A_32 : i32
    %ne3A_47 = arith.constant 0 : i32
    %ne3A_48 = arith.cmpi ne, %rem3A, %ne3A_47 : i32
    %and3A = arith.andi %ne3A_46, %ne3A_48 : i1
    %sub3A = arith.constant 1 : i32
    %sub3A_49 = arith.subi %div3A, %sub3A : i32
    %select_n3A_50 = arith.select %and3A, %sub3A_49, %div3A : i32
    %while3A = arith.constant 0 : i32
    %while3A_51 = arith.constant 0 : i32
    %while3A_52 = arith.subi %select_n3A_50, %while3A_51 : i32
    %while3A_53 = arith.addi %while3A_51, %while3A_52 : i32
    %while3A_54 = arith.constant 1 : i32
    %while3A_55 = arith.divsi %while3A_52, %while3A_54 : i32
    %while3A_56 = arith.muli %while3A_55, %while3A_54 : i32
    %while3A_57 = arith.addi %while3A_51, %while3A_56 : i32
    %while3A_58 = arith.constant 1 : i32
    scf.for %while3A_61 = %while3A_51 to %while3A_57 step %while3A_58  : i32 {
      %mul3A_62 = arith.constant 2 : i32
      %mul3A_63 = arith.muli %mul3A_62, %while3A_61 : i32
      %add3A_64 = arith.constant 1 : i32
      %add3A_65 = arith.addi %mul3A_63, %add3A_64 : i32
      %mul3A_66 = arith.constant 8 : i32
      %mul3A_67 = arith.muli %add3A_65, %mul3A_66 : i32
      %add3A_68 = arith.addi %select_n3A, %mul3A_67 : i32
      %dma_start3A_69 = arith.constant 0 : i32
      %dma_start3A_70 = tpu.memref_slice %arg3[%add3A_68, %dma_start3A_69] : memref<2560x128xi32, #tpu.memory_space<hbm>> -> memref<8x128xi32, #tpu.memory_space<hbm>>
      %dma_start3A_71 = arith.constant 0 : i32
      %dma_start3A_72 = tpu.memref_slice %arg3[%add3A_68, %dma_start3A_71] : memref<2560x128xi32, #tpu.memory_space<hbm>> -> memref<8x128xi32, #tpu.memory_space<hbm>>
      tpu.enqueue_dma source(%dma_start3A_72 : memref<8x128xi32, #tpu.memory_space<hbm>>) target(%arg9 : memref<8x128xi32, #tpu.memory_space<vmem>>) target_semaphore(%arg15 : memref<!tpu.dma_semaphore, #tpu.memory_space<semaphore_mem>>)
      %mul3A_73 = arith.constant 8 : i32
      %mul3A_74 = arith.muli %add3A_65, %mul3A_73 : i32
      %add3A_75 = arith.addi %select_n3A, %mul3A_74 : i32
      %dma_start3A_76 = arith.constant 0 : i32
      %dma_start3A_77 = tpu.memref_slice %arg4[%add3A_75, %dma_start3A_76] : memref<2560x128xi32, #tpu.memory_space<hbm>> -> memref<8x128xi32, #tpu.memory_space<hbm>>
      %dma_start3A_78 = arith.constant 0 : i32
      %dma_start3A_79 = tpu.memref_slice %arg4[%add3A_75, %dma_start3A_78] : memref<2560x128xi32, #tpu.memory_space<hbm>> -> memref<8x128xi32, #tpu.memory_space<hbm>>
      tpu.enqueue_dma source(%dma_start3A_79 : memref<8x128xi32, #tpu.memory_space<hbm>>) target(%arg10 : memref<8x128xi32, #tpu.memory_space<vmem>>) target_semaphore(%arg15 : memref<!tpu.dma_semaphore, #tpu.memory_space<semaphore_mem>>)
      %dma_wait3A = arith.constant 0 : i32
      %dma_wait3A_80 = tpu.memref_slice %arg3[%select_n3A, %dma_wait3A] : memref<2560x128xi32, #tpu.memory_space<hbm>> -> memref<8x128xi32, #tpu.memory_space<hbm>>
      %dma_wait3A_81 = arith.constant 0 : i32
      %dma_wait3A_82 = tpu.memref_slice %arg3[%select_n3A, %dma_wait3A_81] : memref<2560x128xi32, #tpu.memory_space<hbm>> -> memref<8x128xi32, #tpu.memory_space<hbm>>
      tpu.wait_dma2 semaphore(%arg14 : memref<!tpu.dma_semaphore, #tpu.memory_space<semaphore_mem>>) src(%dma_wait3A_82 : memref<8x128xi32, #tpu.memory_space<hbm>>) dst(%arg7 : memref<8x128xi32, #tpu.memory_space<vmem>>)
      %dma_wait3A_83 = arith.constant 0 : i32
      %dma_wait3A_84 = tpu.memref_slice %arg3[%select_n3A, %dma_wait3A_83] : memref<2560x128xi32, #tpu.memory_space<hbm>> -> memref<8x128xi32, #tpu.memory_space<hbm>>
      %dma_wait3A_85 = arith.constant 0 : i32
      %dma_wait3A_86 = tpu.memref_slice %arg3[%select_n3A, %dma_wait3A_85] : memref<2560x128xi32, #tpu.memory_space<hbm>> -> memref<8x128xi32, #tpu.memory_space<hbm>>
      tpu.wait_dma2 semaphore(%arg14 : memref<!tpu.dma_semaphore, #tpu.memory_space<semaphore_mem>>) src(%dma_wait3A_86 : memref<8x128xi32, #tpu.memory_space<hbm>>) dst(%arg8 : memref<8x128xi32, #tpu.memory_space<vmem>>)
      %dma_start3A_87 = arith.constant 0 : i32
      %dma_start3A_88 = arith.constant 0 : i32
      %dma_start3A_89 = tpu.memref_slice %arg7[%dma_start3A_87, %dma_start3A_88] : memref<8x128xi32, #tpu.memory_space<vmem>> -> memref<1x128xi32, #tpu.memory_space<vmem>>
      %dma_start3A_90 = tpu.memref_squeeze %dma_start3A_89 : memref<1x128xi32, #tpu.memory_space<vmem>> -> memref<128xi32, #tpu.memory_space<vmem>>
      %dma_start3A_91 = arith.constant 0 : i32
      %dma_start3A_92 = arith.constant 0 : i32
      %dma_start3A_93 = tpu.memref_slice %arg2[%dma_start3A_91, %dma_start3A_92] : memref<10240x128xf32, #tpu.memory_space<hbm>> -> memref<10240x128xf32, #tpu.memory_space<hbm>>
      tpu.enqueue_indirect_dma source(%dma_start3A_93 : memref<10240x128xf32, #tpu.memory_space<hbm>>) target(%arg11 : memref<128x128xf32, #tpu.memory_space<vmem>>) offsets(%dma_start3A_90 : memref<128xi32, #tpu.memory_space<vmem>>) semaphore(%arg16 : memref<!tpu.dma_semaphore, #tpu.memory_space<semaphore_mem>>)
      %dma_start3A_94 = arith.constant 1 : i32
      %dma_start3A_95 = arith.constant 0 : i32
      %dma_start3A_96 = tpu.memref_slice %arg7[%dma_start3A_94, %dma_start3A_95] : memref<8x128xi32, #tpu.memory_space<vmem>> -> memref<1x128xi32, #tpu.memory_space<vmem>>
      %dma_start3A_97 = tpu.memref_squeeze %dma_start3A_96 : memref<1x128xi32, #tpu.memory_space<vmem>> -> memref<128xi32, #tpu.memory_space<vmem>>
      %dma_start3A_98 = arith.constant 0 : i32
      %dma_start3A_99 = arith.constant 0 : i32
      %dma_start3A_100 = tpu.memref_slice %arg2[%dma_start3A_98, %dma_start3A_99] : memref<10240x128xf32, #tpu.memory_space<hbm>> -> memref<10240x128xf32, #tpu.memory_space<hbm>>
      tpu.enqueue_indirect_dma source(%dma_start3A_100 : memref<10240x128xf32, #tpu.memory_space<hbm>>) target(%arg12 : memref<128x128xf32, #tpu.memory_space<vmem>>) offsets(%dma_start3A_97 : memref<128xi32, #tpu.memory_space<vmem>>) semaphore(%arg17 : memref<!tpu.dma_semaphore, #tpu.memory_space<semaphore_mem>>)
      %dma_wait3A_101 = arith.constant 0 : i32
      %dma_wait3A_102 = arith.constant 0 : i32
      %dma_wait3A_103 = tpu.memref_slice %arg7[%dma_wait3A_101, %dma_wait3A_102] : memref<8x128xi32, #tpu.memory_space<vmem>> -> memref<1x128xi32, #tpu.memory_space<vmem>>
      %dma_wait3A_104 = tpu.memref_squeeze %dma_wait3A_103 : memref<1x128xi32, #tpu.memory_space<vmem>> -> memref<128xi32, #tpu.memory_space<vmem>>
      %dma_wait3A_105 = arith.constant 0 : i32
      %dma_wait3A_106 = arith.constant 0 : i32
      %dma_wait3A_107 = tpu.memref_slice %arg2[%dma_wait3A_105, %dma_wait3A_106] : memref<10240x128xf32, #tpu.memory_space<hbm>> -> memref<10240x128xf32, #tpu.memory_space<hbm>>
      tpu.wait_indirect_dma semaphore(%arg16 : memref<!tpu.dma_semaphore, #tpu.memory_space<semaphore_mem>>) src(%dma_wait3A_107 : memref<10240x128xf32, #tpu.memory_space<hbm>>) dst(%arg11 : memref<128x128xf32, #tpu.memory_space<vmem>>)
      %run_scoped3A = arith.constant 0 : i32
      "tpu.region"() ({
        %run_scoped3A_339 = tpu.sem_alloc : memref<!tpu.dma_semaphore, #tpu.memory_space<semaphore_mem>>
        %dma_start3A_340 = arith.constant 0 : i32
        %dma_start3A_341 = tpu.memref_slice %arg8[%run_scoped3A, %dma_start3A_340] : memref<8x128xi32, #tpu.memory_space<vmem>> -> memref<1x128xi32, #tpu.memory_space<vmem>>
        %dma_start3A_342 = tpu.memref_squeeze %dma_start3A_341 : memref<1x128xi32, #tpu.memory_space<vmem>> -> memref<128xi32, #tpu.memory_space<vmem>>
        %dma_start3A_343 = arith.constant 0 : i32
        %dma_start3A_344 = arith.constant 0 : i32
        %dma_start3A_345 = tpu.memref_slice %arg13[%dma_start3A_343, %dma_start3A_344] : memref<10240x128xf32, #tpu.memory_space<vmem_shared>> -> memref<10240x128xf32, #tpu.memory_space<vmem_shared>>
        tpu.enqueue_indirect_dma source(%arg11 : memref<128x128xf32, #tpu.memory_space<vmem>>) target(%dma_start3A_345 : memref<10240x128xf32, #tpu.memory_space<vmem_shared>>) offsets(%dma_start3A_342 : memref<128xi32, #tpu.memory_space<vmem>>) semaphore(%run_scoped3A_339 : memref<!tpu.dma_semaphore, #tpu.memory_space<semaphore_mem>>) {add = true}
        %dma_wait3A_346 = arith.constant 0 : i32
        %dma_wait3A_347 = tpu.memref_slice %arg8[%run_scoped3A, %dma_wait3A_346] : memref<8x128xi32, #tpu.memory_space<vmem>> -> memref<1x128xi32, #tpu.memory_space<vmem>>
        %dma_wait3A_348 = tpu.memref_squeeze %dma_wait3A_347 : memref<1x128xi32, #tpu.memory_space<vmem>> -> memref<128xi32, #tpu.memory_space<vmem>>
        %dma_wait3A_349 = arith.constant 0 : i32
        %dma_wait3A_350 = arith.constant 0 : i32
        %dma_wait3A_351 = tpu.memref_slice %arg13[%dma_wait3A_349, %dma_wait3A_350] : memref<10240x128xf32, #tpu.memory_space<vmem_shared>> -> memref<10240x128xf32, #tpu.memory_space<vmem_shared>>
        tpu.wait_indirect_dma semaphore(%run_scoped3A_339 : memref<!tpu.dma_semaphore, #tpu.memory_space<semaphore_mem>>) src(%arg11 : memref<128x128xf32, #tpu.memory_space<vmem>>) dst(%dma_wait3A_351 : memref<10240x128xf32, #tpu.memory_space<vmem_shared>>)
        tpu.yield
      }) : () -> ()
      %dma_start3A_108 = arith.constant 2 : i32
      %dma_start3A_109 = arith.constant 0 : i32
      %dma_start3A_110 = tpu.memref_slice %arg7[%dma_start3A_108, %dma_start3A_109] : memref<8x128xi32, #tpu.memory_space<vmem>> -> memref<1x128xi32, #tpu.memory_space<vmem>>
      %dma_start3A_111 = tpu.memref_squeeze %dma_start3A_110 : memref<1x128xi32, #tpu.memory_space<vmem>> -> memref<128xi32, #tpu.memory_space<vmem>>
      %dma_start3A_112 = arith.constant 0 : i32
      %dma_start3A_113 = arith.constant 0 : i32
      %dma_start3A_114 = tpu.memref_slice %arg2[%dma_start3A_112, %dma_start3A_113] : memref<10240x128xf32, #tpu.memory_space<hbm>> -> memref<10240x128xf32, #tpu.memory_space<hbm>>
      tpu.enqueue_indirect_dma source(%dma_start3A_114 : memref<10240x128xf32, #tpu.memory_space<hbm>>) target(%arg11 : memref<128x128xf32, #tpu.memory_space<vmem>>) offsets(%dma_start3A_111 : memref<128xi32, #tpu.memory_space<vmem>>) semaphore(%arg16 : memref<!tpu.dma_semaphore, #tpu.memory_space<semaphore_mem>>)
      %dma_wait3A_115 = arith.constant 0 : i32
      %dma_wait3A_116 = arith.constant 0 : i32
      %dma_wait3A_117 = tpu.memref_slice %arg7[%dma_wait3A_115, %dma_wait3A_116] : memref<8x128xi32, #tpu.memory_space<vmem>> -> memref<1x128xi32, #tpu.memory_space<vmem>>
      %dma_wait3A_118 = tpu.memref_squeeze %dma_wait3A_117 : memref<1x128xi32, #tpu.memory_space<vmem>> -> memref<128xi32, #tpu.memory_space<vmem>>
      %dma_wait3A_119 = arith.constant 0 : i32
      %dma_wait3A_120 = arith.constant 0 : i32
      %dma_wait3A_121 = tpu.memref_slice %arg2[%dma_wait3A_119, %dma_wait3A_120] : memref<10240x128xf32, #tpu.memory_space<hbm>> -> memref<10240x128xf32, #tpu.memory_space<hbm>>
      tpu.wait_indirect_dma semaphore(%arg17 : memref<!tpu.dma_semaphore, #tpu.memory_space<semaphore_mem>>) src(%dma_wait3A_121 : memref<10240x128xf32, #tpu.memory_space<hbm>>) dst(%arg12 : memref<128x128xf32, #tpu.memory_space<vmem>>)
      %run_scoped3A_122 = arith.constant 1 : i32
      "tpu.region"() ({
        %run_scoped3A_339 = tpu.sem_alloc : memref<!tpu.dma_semaphore, #tpu.memory_space<semaphore_mem>>
        %dma_start3A_340 = arith.constant 0 : i32
        %dma_start3A_341 = tpu.memref_slice %arg8[%run_scoped3A_122, %dma_start3A_340] : memref<8x128xi32, #tpu.memory_space<vmem>> -> memref<1x128xi32, #tpu.memory_space<vmem>>
        %dma_start3A_342 = tpu.memref_squeeze %dma_start3A_341 : memref<1x128xi32, #tpu.memory_space<vmem>> -> memref<128xi32, #tpu.memory_space<vmem>>
        %dma_start3A_343 = arith.constant 0 : i32
        %dma_start3A_344 = arith.constant 0 : i32
        %dma_start3A_345 = tpu.memref_slice %arg13[%dma_start3A_343, %dma_start3A_344] : memref<10240x128xf32, #tpu.memory_space<vmem_shared>> -> memref<10240x128xf32, #tpu.memory_space<vmem_shared>>
        tpu.enqueue_indirect_dma source(%arg12 : memref<128x128xf32, #tpu.memory_space<vmem>>) target(%dma_start3A_345 : memref<10240x128xf32, #tpu.memory_space<vmem_shared>>) offsets(%dma_start3A_342 : memref<128xi32, #tpu.memory_space<vmem>>) semaphore(%run_scoped3A_339 : memref<!tpu.dma_semaphore, #tpu.memory_space<semaphore_mem>>) {add = true}
        %dma_wait3A_346 = arith.constant 0 : i32
        %dma_wait3A_347 = tpu.memref_slice %arg8[%run_scoped3A_122, %dma_wait3A_346] : memref<8x128xi32, #tpu.memory_space<vmem>> -> memref<1x128xi32, #tpu.memory_space<vmem>>
        %dma_wait3A_348 = tpu.memref_squeeze %dma_wait3A_347 : memref<1x128xi32, #tpu.memory_space<vmem>> -> memref<128xi32, #tpu.memory_space<vmem>>
        %dma_wait3A_349 = arith.constant 0 : i32
        %dma_wait3A_350 = arith.constant 0 : i32
        %dma_wait3A_351 = tpu.memref_slice %arg13[%dma_wait3A_349, %dma_wait3A_350] : memref<10240x128xf32, #tpu.memory_space<vmem_shared>> -> memref<10240x128xf32, #tpu.memory_space<vmem_shared>>
        tpu.wait_indirect_dma semaphore(%run_scoped3A_339 : memref<!tpu.dma_semaphore, #tpu.memory_space<semaphore_mem>>) src(%arg12 : memref<128x128xf32, #tpu.memory_space<vmem>>) dst(%dma_wait3A_351 : memref<10240x128xf32, #tpu.memory_space<vmem_shared>>)
        tpu.yield
      }) : () -> ()
      %dma_start3A_123 = arith.constant 3 : i32
      %dma_start3A_124 = arith.constant 0 : i32
      %dma_start3A_125 = tpu.memref_slice %arg7[%dma_start3A_123, %dma_start3A_124] : memref<8x128xi32, #tpu.memory_space<vmem>> -> memref<1x128xi32, #tpu.memory_space<vmem>>
      %dma_start3A_126 = tpu.memref_squeeze %dma_start3A_125 : memref<1x128xi32, #tpu.memory_space<vmem>> -> memref<128xi32, #tpu.memory_space<vmem>>
      %dma_start3A_127 = arith.constant 0 : i32
      %dma_start3A_128 = arith.constant 0 : i32
      %dma_start3A_129 = tpu.memref_slice %arg2[%dma_start3A_127, %dma_start3A_128] : memref<10240x128xf32, #tpu.memory_space<hbm>> -> memref<10240x128xf32, #tpu.memory_space<hbm>>
      tpu.enqueue_indirect_dma source(%dma_start3A_129 : memref<10240x128xf32, #tpu.memory_space<hbm>>) target(%arg12 : memref<128x128xf32, #tpu.memory_space<vmem>>) offsets(%dma_start3A_126 : memref<128xi32, #tpu.memory_space<vmem>>) semaphore(%arg17 : memref<!tpu.dma_semaphore, #tpu.memory_space<semaphore_mem>>)
      %dma_wait3A_130 = arith.constant 0 : i32
      %dma_wait3A_131 = arith.constant 0 : i32
      %dma_wait3A_132 = tpu.memref_slice %arg7[%dma_wait3A_130, %dma_wait3A_131] : memref<8x128xi32, #tpu.memory_space<vmem>> -> memref<1x128xi32, #tpu.memory_space<vmem>>
      %dma_wait3A_133 = tpu.memref_squeeze %dma_wait3A_132 : memref<1x128xi32, #tpu.memory_space<vmem>> -> memref<128xi32, #tpu.memory_space<vmem>>
      %dma_wait3A_134 = arith.constant 0 : i32
      %dma_wait3A_135 = arith.constant 0 : i32
      %dma_wait3A_136 = tpu.memref_slice %arg2[%dma_wait3A_134, %dma_wait3A_135] : memref<10240x128xf32, #tpu.memory_space<hbm>> -> memref<10240x128xf32, #tpu.memory_space<hbm>>
      tpu.wait_indirect_dma semaphore(%arg16 : memref<!tpu.dma_semaphore, #tpu.memory_space<semaphore_mem>>) src(%dma_wait3A_136 : memref<10240x128xf32, #tpu.memory_space<hbm>>) dst(%arg11 : memref<128x128xf32, #tpu.memory_space<vmem>>)
      %run_scoped3A_137 = arith.constant 2 : i32
      "tpu.region"() ({
        %run_scoped3A_339 = tpu.sem_alloc : memref<!tpu.dma_semaphore, #tpu.memory_space<semaphore_mem>>
        %dma_start3A_340 = arith.constant 0 : i32
        %dma_start3A_341 = tpu.memref_slice %arg8[%run_scoped3A_137, %dma_start3A_340] : memref<8x128xi32, #tpu.memory_space<vmem>> -> memref<1x128xi32, #tpu.memory_space<vmem>>
        %dma_start3A_342 = tpu.memref_squeeze %dma_start3A_341 : memref<1x128xi32, #tpu.memory_space<vmem>> -> memref<128xi32, #tpu.memory_space<vmem>>
        %dma_start3A_343 = arith.constant 0 : i32
        %dma_start3A_344 = arith.constant 0 : i32
        %dma_start3A_345 = tpu.memref_slice %arg13[%dma_start3A_343, %dma_start3A_344] : memref<10240x128xf32, #tpu.memory_space<vmem_shared>> -> memref<10240x128xf32, #tpu.memory_space<vmem_shared>>
        tpu.enqueue_indirect_dma source(%arg11 : memref<128x128xf32, #tpu.memory_space<vmem>>) target(%dma_start3A_345 : memref<10240x128xf32, #tpu.memory_space<vmem_shared>>) offsets(%dma_start3A_342 : memref<128xi32, #tpu.memory_space<vmem>>) semaphore(%run_scoped3A_339 : memref<!tpu.dma_semaphore, #tpu.memory_space<semaphore_mem>>) {add = true}
        %dma_wait3A_346 = arith.constant 0 : i32
        %dma_wait3A_347 = tpu.memref_slice %arg8[%run_scoped3A_137, %dma_wait3A_346] : memref<8x128xi32, #tpu.memory_space<vmem>> -> memref<1x128xi32, #tpu.memory_space<vmem>>
        %dma_wait3A_348 = tpu.memref_squeeze %dma_wait3A_347 : memref<1x128xi32, #tpu.memory_space<vmem>> -> memref<128xi32, #tpu.memory_space<vmem>>
        %dma_wait3A_349 = arith.constant 0 : i32
        %dma_wait3A_350 = arith.constant 0 : i32
        %dma_wait3A_351 = tpu.memref_slice %arg13[%dma_wait3A_349, %dma_wait3A_350] : memref<10240x128xf32, #tpu.memory_space<vmem_shared>> -> memref<10240x128xf32, #tpu.memory_space<vmem_shared>>
        tpu.wait_indirect_dma semaphore(%run_scoped3A_339 : memref<!tpu.dma_semaphore, #tpu.memory_space<semaphore_mem>>) src(%arg11 : memref<128x128xf32, #tpu.memory_space<vmem>>) dst(%dma_wait3A_351 : memref<10240x128xf32, #tpu.memory_space<vmem_shared>>)
        tpu.yield
      }) : () -> ()
      %dma_start3A_138 = arith.constant 4 : i32
      %dma_start3A_139 = arith.constant 0 : i32
      %dma_start3A_140 = tpu.memref_slice %arg7[%dma_start3A_138, %dma_start3A_139] : memref<8x128xi32, #tpu.memory_space<vmem>> -> memref<1x128xi32, #tpu.memory_space<vmem>>
      %dma_start3A_141 = tpu.memref_squeeze %dma_start3A_140 : memref<1x128xi32, #tpu.memory_space<vmem>> -> memref<128xi32, #tpu.memory_space<vmem>>
      %dma_start3A_142 = arith.constant 0 : i32
      %dma_start3A_143 = arith.constant 0 : i32
      %dma_start3A_144 = tpu.memref_slice %arg2[%dma_start3A_142, %dma_start3A_143] : memref<10240x128xf32, #tpu.memory_space<hbm>> -> memref<10240x128xf32, #tpu.memory_space<hbm>>
      tpu.enqueue_indirect_dma source(%dma_start3A_144 : memref<10240x128xf32, #tpu.memory_space<hbm>>) target(%arg11 : memref<128x128xf32, #tpu.memory_space<vmem>>) offsets(%dma_start3A_141 : memref<128xi32, #tpu.memory_space<vmem>>) semaphore(%arg16 : memref<!tpu.dma_semaphore, #tpu.memory_space<semaphore_mem>>)
      %dma_wait3A_145 = arith.constant 0 : i32
      %dma_wait3A_146 = arith.constant 0 : i32
      %dma_wait3A_147 = tpu.memref_slice %arg7[%dma_wait3A_145, %dma_wait3A_146] : memref<8x128xi32, #tpu.memory_space<vmem>> -> memref<1x128xi32, #tpu.memory_space<vmem>>
      %dma_wait3A_148 = tpu.memref_squeeze %dma_wait3A_147 : memref<1x128xi32, #tpu.memory_space<vmem>> -> memref<128xi32, #tpu.memory_space<vmem>>
      %dma_wait3A_149 = arith.constant 0 : i32
      %dma_wait3A_150 = arith.constant 0 : i32
      %dma_wait3A_151 = tpu.memref_slice %arg2[%dma_wait3A_149, %dma_wait3A_150] : memref<10240x128xf32, #tpu.memory_space<hbm>> -> memref<10240x128xf32, #tpu.memory_space<hbm>>
      tpu.wait_indirect_dma semaphore(%arg17 : memref<!tpu.dma_semaphore, #tpu.memory_space<semaphore_mem>>) src(%dma_wait3A_151 : memref<10240x128xf32, #tpu.memory_space<hbm>>) dst(%arg12 : memref<128x128xf32, #tpu.memory_space<vmem>>)
      %run_scoped3A_152 = arith.constant 3 : i32
      "tpu.region"() ({
        %run_scoped3A_339 = tpu.sem_alloc : memref<!tpu.dma_semaphore, #tpu.memory_space<semaphore_mem>>
        %dma_start3A_340 = arith.constant 0 : i32
        %dma_start3A_341 = tpu.memref_slice %arg8[%run_scoped3A_152, %dma_start3A_340] : memref<8x128xi32, #tpu.memory_space<vmem>> -> memref<1x128xi32, #tpu.memory_space<vmem>>
        %dma_start3A_342 = tpu.memref_squeeze %dma_start3A_341 : memref<1x128xi32, #tpu.memory_space<vmem>> -> memref<128xi32, #tpu.memory_space<vmem>>
        %dma_start3A_343 = arith.constant 0 : i32
        %dma_start3A_344 = arith.constant 0 : i32
        %dma_start3A_345 = tpu.memref_slice %arg13[%dma_start3A_343, %dma_start3A_344] : memref<10240x128xf32, #tpu.memory_space<vmem_shared>> -> memref<10240x128xf32, #tpu.memory_space<vmem_shared>>
        tpu.enqueue_indirect_dma source(%arg12 : memref<128x128xf32, #tpu.memory_space<vmem>>) target(%dma_start3A_345 : memref<10240x128xf32, #tpu.memory_space<vmem_shared>>) offsets(%dma_start3A_342 : memref<128xi32, #tpu.memory_space<vmem>>) semaphore(%run_scoped3A_339 : memref<!tpu.dma_semaphore, #tpu.memory_space<semaphore_mem>>) {add = true}
        %dma_wait3A_346 = arith.constant 0 : i32
        %dma_wait3A_347 = tpu.memref_slice %arg8[%run_scoped3A_152, %dma_wait3A_346] : memref<8x128xi32, #tpu.memory_space<vmem>> -> memref<1x128xi32, #tpu.memory_space<vmem>>
        %dma_wait3A_348 = tpu.memref_squeeze %dma_wait3A_347 : memref<1x128xi32, #tpu.memory_space<vmem>> -> memref<128xi32, #tpu.memory_space<vmem>>
        %dma_wait3A_349 = arith.constant 0 : i32
        %dma_wait3A_350 = arith.constant 0 : i32
        %dma_wait3A_351 = tpu.memref_slice %arg13[%dma_wait3A_349, %dma_wait3A_350] : memref<10240x128xf32, #tpu.memory_space<vmem_shared>> -> memref<10240x128xf32, #tpu.memory_space<vmem_shared>>
        tpu.wait_indirect_dma semaphore(%run_scoped3A_339 : memref<!tpu.dma_semaphore, #tpu.memory_space<semaphore_mem>>) src(%arg12 : memref<128x128xf32, #tpu.memory_space<vmem>>) dst(%dma_wait3A_351 : memref<10240x128xf32, #tpu.memory_space<vmem_shared>>)
        tpu.yield
      }) : () -> ()
      %dma_start3A_153 = arith.constant 5 : i32
      %dma_start3A_154 = arith.constant 0 : i32
      %dma_start3A_155 = tpu.memref_slice %arg7[%dma_start3A_153, %dma_start3A_154] : memref<8x128xi32, #tpu.memory_space<vmem>> -> memref<1x128xi32, #tpu.memory_space<vmem>>
      %dma_start3A_156 = tpu.memref_squeeze %dma_start3A_155 : memref<1x128xi32, #tpu.memory_space<vmem>> -> memref<128xi32, #tpu.memory_space<vmem>>
      %dma_start3A_157 = arith.constant 0 : i32
      %dma_start3A_158 = arith.constant 0 : i32
      %dma_start3A_159 = tpu.memref_slice %arg2[%dma_start3A_157, %dma_start3A_158] : memref<10240x128xf32, #tpu.memory_space<hbm>> -> memref<10240x128xf32, #tpu.memory_space<hbm>>
      tpu.enqueue_indirect_dma source(%dma_start3A_159 : memref<10240x128xf32, #tpu.memory_space<hbm>>) target(%arg12 : memref<128x128xf32, #tpu.memory_space<vmem>>) offsets(%dma_start3A_156 : memref<128xi32, #tpu.memory_space<vmem>>) semaphore(%arg17 : memref<!tpu.dma_semaphore, #tpu.memory_space<semaphore_mem>>)
      %dma_wait3A_160 = arith.constant 0 : i32
      %dma_wait3A_161 = arith.constant 0 : i32
      %dma_wait3A_162 = tpu.memref_slice %arg7[%dma_wait3A_160, %dma_wait3A_161] : memref<8x128xi32, #tpu.memory_space<vmem>> -> memref<1x128xi32, #tpu.memory_space<vmem>>
      %dma_wait3A_163 = tpu.memref_squeeze %dma_wait3A_162 : memref<1x128xi32, #tpu.memory_space<vmem>> -> memref<128xi32, #tpu.memory_space<vmem>>
      %dma_wait3A_164 = arith.constant 0 : i32
      %dma_wait3A_165 = arith.constant 0 : i32
      %dma_wait3A_166 = tpu.memref_slice %arg2[%dma_wait3A_164, %dma_wait3A_165] : memref<10240x128xf32, #tpu.memory_space<hbm>> -> memref<10240x128xf32, #tpu.memory_space<hbm>>
      tpu.wait_indirect_dma semaphore(%arg16 : memref<!tpu.dma_semaphore, #tpu.memory_space<semaphore_mem>>) src(%dma_wait3A_166 : memref<10240x128xf32, #tpu.memory_space<hbm>>) dst(%arg11 : memref<128x128xf32, #tpu.memory_space<vmem>>)
      %run_scoped3A_167 = arith.constant 4 : i32
      "tpu.region"() ({
        %run_scoped3A_339 = tpu.sem_alloc : memref<!tpu.dma_semaphore, #tpu.memory_space<semaphore_mem>>
        %dma_start3A_340 = arith.constant 0 : i32
        %dma_start3A_341 = tpu.memref_slice %arg8[%run_scoped3A_167, %dma_start3A_340] : memref<8x128xi32, #tpu.memory_space<vmem>> -> memref<1x128xi32, #tpu.memory_space<vmem>>
        %dma_start3A_342 = tpu.memref_squeeze %dma_start3A_341 : memref<1x128xi32, #tpu.memory_space<vmem>> -> memref<128xi32, #tpu.memory_space<vmem>>
        %dma_start3A_343 = arith.constant 0 : i32
        %dma_start3A_344 = arith.constant 0 : i32
        %dma_start3A_345 = tpu.memref_slice %arg13[%dma_start3A_343, %dma_start3A_344] : memref<10240x128xf32, #tpu.memory_space<vmem_shared>> -> memref<10240x128xf32, #tpu.memory_space<vmem_shared>>
        tpu.enqueue_indirect_dma source(%arg11 : memref<128x128xf32, #tpu.memory_space<vmem>>) target(%dma_start3A_345 : memref<10240x128xf32, #tpu.memory_space<vmem_shared>>) offsets(%dma_start3A_342 : memref<128xi32, #tpu.memory_space<vmem>>) semaphore(%run_scoped3A_339 : memref<!tpu.dma_semaphore, #tpu.memory_space<semaphore_mem>>) {add = true}
        %dma_wait3A_346 = arith.constant 0 : i32
        %dma_wait3A_347 = tpu.memref_slice %arg8[%run_scoped3A_167, %dma_wait3A_346] : memref<8x128xi32, #tpu.memory_space<vmem>> -> memref<1x128xi32, #tpu.memory_space<vmem>>
        %dma_wait3A_348 = tpu.memref_squeeze %dma_wait3A_347 : memref<1x128xi32, #tpu.memory_space<vmem>> -> memref<128xi32, #tpu.memory_space<vmem>>
        %dma_wait3A_349 = arith.constant 0 : i32
        %dma_wait3A_350 = arith.constant 0 : i32
        %dma_wait3A_351 = tpu.memref_slice %arg13[%dma_wait3A_349, %dma_wait3A_350] : memref<10240x128xf32, #tpu.memory_space<vmem_shared>> -> memref<10240x128xf32, #tpu.memory_space<vmem_shared>>
        tpu.wait_indirect_dma semaphore(%run_scoped3A_339 : memref<!tpu.dma_semaphore, #tpu.memory_space<semaphore_mem>>) src(%arg11 : memref<128x128xf32, #tpu.memory_space<vmem>>) dst(%dma_wait3A_351 : memref<10240x128xf32, #tpu.memory_space<vmem_shared>>)
        tpu.yield
      }) : () -> ()
      %dma_start3A_168 = arith.constant 6 : i32
      %dma_start3A_169 = arith.constant 0 : i32
      %dma_start3A_170 = tpu.memref_slice %arg7[%dma_start3A_168, %dma_start3A_169] : memref<8x128xi32, #tpu.memory_space<vmem>> -> memref<1x128xi32, #tpu.memory_space<vmem>>
      %dma_start3A_171 = tpu.memref_squeeze %dma_start3A_170 : memref<1x128xi32, #tpu.memory_space<vmem>> -> memref<128xi32, #tpu.memory_space<vmem>>
      %dma_start3A_172 = arith.constant 0 : i32
      %dma_start3A_173 = arith.constant 0 : i32
      %dma_start3A_174 = tpu.memref_slice %arg2[%dma_start3A_172, %dma_start3A_173] : memref<10240x128xf32, #tpu.memory_space<hbm>> -> memref<10240x128xf32, #tpu.memory_space<hbm>>
      tpu.enqueue_indirect_dma source(%dma_start3A_174 : memref<10240x128xf32, #tpu.memory_space<hbm>>) target(%arg11 : memref<128x128xf32, #tpu.memory_space<vmem>>) offsets(%dma_start3A_171 : memref<128xi32, #tpu.memory_space<vmem>>) semaphore(%arg16 : memref<!tpu.dma_semaphore, #tpu.memory_space<semaphore_mem>>)
      %dma_wait3A_175 = arith.constant 0 : i32
      %dma_wait3A_176 = arith.constant 0 : i32
      %dma_wait3A_177 = tpu.memref_slice %arg7[%dma_wait3A_175, %dma_wait3A_176] : memref<8x128xi32, #tpu.memory_space<vmem>> -> memref<1x128xi32, #tpu.memory_space<vmem>>
      %dma_wait3A_178 = tpu.memref_squeeze %dma_wait3A_177 : memref<1x128xi32, #tpu.memory_space<vmem>> -> memref<128xi32, #tpu.memory_space<vmem>>
      %dma_wait3A_179 = arith.constant 0 : i32
      %dma_wait3A_180 = arith.constant 0 : i32
      %dma_wait3A_181 = tpu.memref_slice %arg2[%dma_wait3A_179, %dma_wait3A_180] : memref<10240x128xf32, #tpu.memory_space<hbm>> -> memref<10240x128xf32, #tpu.memory_space<hbm>>
      tpu.wait_indirect_dma semaphore(%arg17 : memref<!tpu.dma_semaphore, #tpu.memory_space<semaphore_mem>>) src(%dma_wait3A_181 : memref<10240x128xf32, #tpu.memory_space<hbm>>) dst(%arg12 : memref<128x128xf32, #tpu.memory_space<vmem>>)
      %run_scoped3A_182 = arith.constant 5 : i32
      "tpu.region"() ({
        %run_scoped3A_339 = tpu.sem_alloc : memref<!tpu.dma_semaphore, #tpu.memory_space<semaphore_mem>>
        %dma_start3A_340 = arith.constant 0 : i32
        %dma_start3A_341 = tpu.memref_slice %arg8[%run_scoped3A_182, %dma_start3A_340] : memref<8x128xi32, #tpu.memory_space<vmem>> -> memref<1x128xi32, #tpu.memory_space<vmem>>
        %dma_start3A_342 = tpu.memref_squeeze %dma_start3A_341 : memref<1x128xi32, #tpu.memory_space<vmem>> -> memref<128xi32, #tpu.memory_space<vmem>>
        %dma_start3A_343 = arith.constant 0 : i32
        %dma_start3A_344 = arith.constant 0 : i32
        %dma_start3A_345 = tpu.memref_slice %arg13[%dma_start3A_343, %dma_start3A_344] : memref<10240x128xf32, #tpu.memory_space<vmem_shared>> -> memref<10240x128xf32, #tpu.memory_space<vmem_shared>>
        tpu.enqueue_indirect_dma source(%arg12 : memref<128x128xf32, #tpu.memory_space<vmem>>) target(%dma_start3A_345 : memref<10240x128xf32, #tpu.memory_space<vmem_shared>>) offsets(%dma_start3A_342 : memref<128xi32, #tpu.memory_space<vmem>>) semaphore(%run_scoped3A_339 : memref<!tpu.dma_semaphore, #tpu.memory_space<semaphore_mem>>) {add = true}
        %dma_wait3A_346 = arith.constant 0 : i32
        %dma_wait3A_347 = tpu.memref_slice %arg8[%run_scoped3A_182, %dma_wait3A_346] : memref<8x128xi32, #tpu.memory_space<vmem>> -> memref<1x128xi32, #tpu.memory_space<vmem>>
        %dma_wait3A_348 = tpu.memref_squeeze %dma_wait3A_347 : memref<1x128xi32, #tpu.memory_space<vmem>> -> memref<128xi32, #tpu.memory_space<vmem>>
        %dma_wait3A_349 = arith.constant 0 : i32
        %dma_wait3A_350 = arith.constant 0 : i32
        %dma_wait3A_351 = tpu.memref_slice %arg13[%dma_wait3A_349, %dma_wait3A_350] : memref<10240x128xf32, #tpu.memory_space<vmem_shared>> -> memref<10240x128xf32, #tpu.memory_space<vmem_shared>>
        tpu.wait_indirect_dma semaphore(%run_scoped3A_339 : memref<!tpu.dma_semaphore, #tpu.memory_space<semaphore_mem>>) src(%arg12 : memref<128x128xf32, #tpu.memory_space<vmem>>) dst(%dma_wait3A_351 : memref<10240x128xf32, #tpu.memory_space<vmem_shared>>)
        tpu.yield
      }) : () -> ()
      %dma_start3A_183 = arith.constant 7 : i32
      %dma_start3A_184 = arith.constant 0 : i32
      %dma_start3A_185 = tpu.memref_slice %arg7[%dma_start3A_183, %dma_start3A_184] : memref<8x128xi32, #tpu.memory_space<vmem>> -> memref<1x128xi32, #tpu.memory_space<vmem>>
      %dma_start3A_186 = tpu.memref_squeeze %dma_start3A_185 : memref<1x128xi32, #tpu.memory_space<vmem>> -> memref<128xi32, #tpu.memory_space<vmem>>
      %dma_start3A_187 = arith.constant 0 : i32
      %dma_start3A_188 = arith.constant 0 : i32
      %dma_start3A_189 = tpu.memref_slice %arg2[%dma_start3A_187, %dma_start3A_188] : memref<10240x128xf32, #tpu.memory_space<hbm>> -> memref<10240x128xf32, #tpu.memory_space<hbm>>
      tpu.enqueue_indirect_dma source(%dma_start3A_189 : memref<10240x128xf32, #tpu.memory_space<hbm>>) target(%arg12 : memref<128x128xf32, #tpu.memory_space<vmem>>) offsets(%dma_start3A_186 : memref<128xi32, #tpu.memory_space<vmem>>) semaphore(%arg17 : memref<!tpu.dma_semaphore, #tpu.memory_space<semaphore_mem>>)
      %dma_wait3A_190 = arith.constant 0 : i32
      %dma_wait3A_191 = arith.constant 0 : i32
      %dma_wait3A_192 = tpu.memref_slice %arg7[%dma_wait3A_190, %dma_wait3A_191] : memref<8x128xi32, #tpu.memory_space<vmem>> -> memref<1x128xi32, #tpu.memory_space<vmem>>
      %dma_wait3A_193 = tpu.memref_squeeze %dma_wait3A_192 : memref<1x128xi32, #tpu.memory_space<vmem>> -> memref<128xi32, #tpu.memory_space<vmem>>
      %dma_wait3A_194 = arith.constant 0 : i32
      %dma_wait3A_195 = arith.constant 0 : i32
      %dma_wait3A_196 = tpu.memref_slice %arg2[%dma_wait3A_194, %dma_wait3A_195] : memref<10240x128xf32, #tpu.memory_space<hbm>> -> memref<10240x128xf32, #tpu.memory_space<hbm>>
      tpu.wait_indirect_dma semaphore(%arg16 : memref<!tpu.dma_semaphore, #tpu.memory_space<semaphore_mem>>) src(%dma_wait3A_196 : memref<10240x128xf32, #tpu.memory_space<hbm>>) dst(%arg11 : memref<128x128xf32, #tpu.memory_space<vmem>>)
      %run_scoped3A_197 = arith.constant 6 : i32
      "tpu.region"() ({
        %run_scoped3A_339 = tpu.sem_alloc : memref<!tpu.dma_semaphore, #tpu.memory_space<semaphore_mem>>
        %dma_start3A_340 = arith.constant 0 : i32
        %dma_start3A_341 = tpu.memref_slice %arg8[%run_scoped3A_197, %dma_start3A_340] : memref<8x128xi32, #tpu.memory_space<vmem>> -> memref<1x128xi32, #tpu.memory_space<vmem>>
        %dma_start3A_342 = tpu.memref_squeeze %dma_start3A_341 : memref<1x128xi32, #tpu.memory_space<vmem>> -> memref<128xi32, #tpu.memory_space<vmem>>
        %dma_start3A_343 = arith.constant 0 : i32
        %dma_start3A_344 = arith.constant 0 : i32
        %dma_start3A_345 = tpu.memref_slice %arg13[%dma_start3A_343, %dma_start3A_344] : memref<10240x128xf32, #tpu.memory_space<vmem_shared>> -> memref<10240x128xf32, #tpu.memory_space<vmem_shared>>
        tpu.enqueue_indirect_dma source(%arg11 : memref<128x128xf32, #tpu.memory_space<vmem>>) target(%dma_start3A_345 : memref<10240x128xf32, #tpu.memory_space<vmem_shared>>) offsets(%dma_start3A_342 : memref<128xi32, #tpu.memory_space<vmem>>) semaphore(%run_scoped3A_339 : memref<!tpu.dma_semaphore, #tpu.memory_space<semaphore_mem>>) {add = true}
        %dma_wait3A_346 = arith.constant 0 : i32
        %dma_wait3A_347 = tpu.memref_slice %arg8[%run_scoped3A_197, %dma_wait3A_346] : memref<8x128xi32, #tpu.memory_space<vmem>> -> memref<1x128xi32, #tpu.memory_space<vmem>>
        %dma_wait3A_348 = tpu.memref_squeeze %dma_wait3A_347 : memref<1x128xi32, #tpu.memory_space<vmem>> -> memref<128xi32, #tpu.memory_space<vmem>>
        %dma_wait3A_349 = arith.constant 0 : i32
        %dma_wait3A_350 = arith.constant 0 : i32
        %dma_wait3A_351 = tpu.memref_slice %arg13[%dma_wait3A_349, %dma_wait3A_350] : memref<10240x128xf32, #tpu.memory_space<vmem_shared>> -> memref<10240x128xf32, #tpu.memory_space<vmem_shared>>
        tpu.wait_indirect_dma semaphore(%run_scoped3A_339 : memref<!tpu.dma_semaphore, #tpu.memory_space<semaphore_mem>>) src(%arg11 : memref<128x128xf32, #tpu.memory_space<vmem>>) dst(%dma_wait3A_351 : memref<10240x128xf32, #tpu.memory_space<vmem_shared>>)
        tpu.yield
      }) : () -> ()
      %dma_wait3A_198 = arith.constant 0 : i32
      %dma_wait3A_199 = arith.constant 0 : i32
      %dma_wait3A_200 = tpu.memref_slice %arg7[%dma_wait3A_198, %dma_wait3A_199] : memref<8x128xi32, #tpu.memory_space<vmem>> -> memref<1x128xi32, #tpu.memory_space<vmem>>
      %dma_wait3A_201 = tpu.memref_squeeze %dma_wait3A_200 : memref<1x128xi32, #tpu.memory_space<vmem>> -> memref<128xi32, #tpu.memory_space<vmem>>
      %dma_wait3A_202 = arith.constant 0 : i32
      %dma_wait3A_203 = arith.constant 0 : i32
      %dma_wait3A_204 = tpu.memref_slice %arg2[%dma_wait3A_202, %dma_wait3A_203] : memref<10240x128xf32, #tpu.memory_space<hbm>> -> memref<10240x128xf32, #tpu.memory_space<hbm>>
      tpu.wait_indirect_dma semaphore(%arg17 : memref<!tpu.dma_semaphore, #tpu.memory_space<semaphore_mem>>) src(%dma_wait3A_204 : memref<10240x128xf32, #tpu.memory_space<hbm>>) dst(%arg12 : memref<128x128xf32, #tpu.memory_space<vmem>>)
      %run_scoped3A_205 = arith.constant 7 : i32
      "tpu.region"() ({
        %run_scoped3A_339 = tpu.sem_alloc : memref<!tpu.dma_semaphore, #tpu.memory_space<semaphore_mem>>
        %dma_start3A_340 = arith.constant 0 : i32
        %dma_start3A_341 = tpu.memref_slice %arg8[%run_scoped3A_205, %dma_start3A_340] : memref<8x128xi32, #tpu.memory_space<vmem>> -> memref<1x128xi32, #tpu.memory_space<vmem>>
        %dma_start3A_342 = tpu.memref_squeeze %dma_start3A_341 : memref<1x128xi32, #tpu.memory_space<vmem>> -> memref<128xi32, #tpu.memory_space<vmem>>
        %dma_start3A_343 = arith.constant 0 : i32
        %dma_start3A_344 = arith.constant 0 : i32
        %dma_start3A_345 = tpu.memref_slice %arg13[%dma_start3A_343, %dma_start3A_344] : memref<10240x128xf32, #tpu.memory_space<vmem_shared>> -> memref<10240x128xf32, #tpu.memory_space<vmem_shared>>
        tpu.enqueue_indirect_dma source(%arg12 : memref<128x128xf32, #tpu.memory_space<vmem>>) target(%dma_start3A_345 : memref<10240x128xf32, #tpu.memory_space<vmem_shared>>) offsets(%dma_start3A_342 : memref<128xi32, #tpu.memory_space<vmem>>) semaphore(%run_scoped3A_339 : memref<!tpu.dma_semaphore, #tpu.memory_space<semaphore_mem>>) {add = true}
        %dma_wait3A_346 = arith.constant 0 : i32
        %dma_wait3A_347 = tpu.memref_slice %arg8[%run_scoped3A_205, %dma_wait3A_346] : memref<8x128xi32, #tpu.memory_space<vmem>> -> memref<1x128xi32, #tpu.memory_space<vmem>>
        %dma_wait3A_348 = tpu.memref_squeeze %dma_wait3A_347 : memref<1x128xi32, #tpu.memory_space<vmem>> -> memref<128xi32, #tpu.memory_space<vmem>>
        %dma_wait3A_349 = arith.constant 0 : i32
        %dma_wait3A_350 = arith.constant 0 : i32
        %dma_wait3A_351 = tpu.memref_slice %arg13[%dma_wait3A_349, %dma_wait3A_350] : memref<10240x128xf32, #tpu.memory_space<vmem_shared>> -> memref<10240x128xf32, #tpu.memory_space<vmem_shared>>
        tpu.wait_indirect_dma semaphore(%run_scoped3A_339 : memref<!tpu.dma_semaphore, #tpu.memory_space<semaphore_mem>>) src(%arg12 : memref<128x128xf32, #tpu.memory_space<vmem>>) dst(%dma_wait3A_351 : memref<10240x128xf32, #tpu.memory_space<vmem_shared>>)
        tpu.yield
      }) : () -> ()
      %add3A_206 = arith.constant 2 : i32
      %add3A_207 = arith.addi %mul3A_63, %add3A_206 : i32
      %lt3A = arith.cmpi slt, %add3A_207, %select_n3A_20 : i32
      %convert_element_type3A_208 = arith.extui %lt3A : i1 to i32
      %cond3A_209 = arith.constant 0 : i32
      %cond3A_210 = arith.cmpi ne, %convert_element_type3A_208, %cond3A_209 : i32
      scf.if %cond3A_210 {
        %add3A_339 = arith.constant 2 : i32
        %add3A_340 = arith.addi %mul3A_63, %add3A_339 : i32
        %mul3A_341 = arith.constant 8 : i32
        %mul3A_342 = arith.muli %add3A_340, %mul3A_341 : i32
        %add3A_343 = arith.addi %select_n3A, %mul3A_342 : i32
        %dma_start3A_344 = arith.constant 0 : i32
        %dma_start3A_345 = tpu.memref_slice %arg3[%add3A_343, %dma_start3A_344] : memref<2560x128xi32, #tpu.memory_space<hbm>> -> memref<8x128xi32, #tpu.memory_space<hbm>>
        %dma_start3A_346 = arith.constant 0 : i32
        %dma_start3A_347 = tpu.memref_slice %arg3[%add3A_343, %dma_start3A_346] : memref<2560x128xi32, #tpu.memory_space<hbm>> -> memref<8x128xi32, #tpu.memory_space<hbm>>
        tpu.enqueue_dma source(%dma_start3A_347 : memref<8x128xi32, #tpu.memory_space<hbm>>) target(%arg7 : memref<8x128xi32, #tpu.memory_space<vmem>>) target_semaphore(%arg14 : memref<!tpu.dma_semaphore, #tpu.memory_space<semaphore_mem>>)
        %mul3A_348 = arith.constant 8 : i32
        %mul3A_349 = arith.muli %add3A_340, %mul3A_348 : i32
        %add3A_350 = arith.addi %select_n3A, %mul3A_349 : i32
        %dma_start3A_351 = arith.constant 0 : i32
        %dma_start3A_352 = tpu.memref_slice %arg4[%add3A_350, %dma_start3A_351] : memref<2560x128xi32, #tpu.memory_space<hbm>> -> memref<8x128xi32, #tpu.memory_space<hbm>>
        %dma_start3A_353 = arith.constant 0 : i32
        %dma_start3A_354 = tpu.memref_slice %arg4[%add3A_350, %dma_start3A_353] : memref<2560x128xi32, #tpu.memory_space<hbm>> -> memref<8x128xi32, #tpu.memory_space<hbm>>
        tpu.enqueue_dma source(%dma_start3A_354 : memref<8x128xi32, #tpu.memory_space<hbm>>) target(%arg8 : memref<8x128xi32, #tpu.memory_space<vmem>>) target_semaphore(%arg14 : memref<!tpu.dma_semaphore, #tpu.memory_space<semaphore_mem>>)
      } else {
      }
      %dma_wait3A_211 = arith.constant 0 : i32
      %dma_wait3A_212 = tpu.memref_slice %arg3[%select_n3A, %dma_wait3A_211] : memref<2560x128xi32, #tpu.memory_space<hbm>> -> memref<8x128xi32, #tpu.memory_space<hbm>>
      %dma_wait3A_213 = arith.constant 0 : i32
      %dma_wait3A_214 = tpu.memref_slice %arg3[%select_n3A, %dma_wait3A_213] : memref<2560x128xi32, #tpu.memory_space<hbm>> -> memref<8x128xi32, #tpu.memory_space<hbm>>
      tpu.wait_dma2 semaphore(%arg15 : memref<!tpu.dma_semaphore, #tpu.memory_space<semaphore_mem>>) src(%dma_wait3A_214 : memref<8x128xi32, #tpu.memory_space<hbm>>) dst(%arg9 : memref<8x128xi32, #tpu.memory_space<vmem>>)
      %dma_wait3A_215 = arith.constant 0 : i32
      %dma_wait3A_216 = tpu.memref_slice %arg3[%select_n3A, %dma_wait3A_215] : memref<2560x128xi32, #tpu.memory_space<hbm>> -> memref<8x128xi32, #tpu.memory_space<hbm>>
      %dma_wait3A_217 = arith.constant 0 : i32
      %dma_wait3A_218 = tpu.memref_slice %arg3[%select_n3A, %dma_wait3A_217] : memref<2560x128xi32, #tpu.memory_space<hbm>> -> memref<8x128xi32, #tpu.memory_space<hbm>>
      tpu.wait_dma2 semaphore(%arg15 : memref<!tpu.dma_semaphore, #tpu.memory_space<semaphore_mem>>) src(%dma_wait3A_218 : memref<8x128xi32, #tpu.memory_space<hbm>>) dst(%arg10 : memref<8x128xi32, #tpu.memory_space<vmem>>)
      %dma_start3A_219 = arith.constant 0 : i32
      %dma_start3A_220 = arith.constant 0 : i32
      %dma_start3A_221 = tpu.memref_slice %arg9[%dma_start3A_219, %dma_start3A_220] : memref<8x128xi32, #tpu.memory_space<vmem>> -> memref<1x128xi32, #tpu.memory_space<vmem>>
      %dma_start3A_222 = tpu.memref_squeeze %dma_start3A_221 : memref<1x128xi32, #tpu.memory_space<vmem>> -> memref<128xi32, #tpu.memory_space<vmem>>
      %dma_start3A_223 = arith.constant 0 : i32
      %dma_start3A_224 = arith.constant 0 : i32
      %dma_start3A_225 = tpu.memref_slice %arg2[%dma_start3A_223, %dma_start3A_224] : memref<10240x128xf32, #tpu.memory_space<hbm>> -> memref<10240x128xf32, #tpu.memory_space<hbm>>
      tpu.enqueue_indirect_dma source(%dma_start3A_225 : memref<10240x128xf32, #tpu.memory_space<hbm>>) target(%arg11 : memref<128x128xf32, #tpu.memory_space<vmem>>) offsets(%dma_start3A_222 : memref<128xi32, #tpu.memory_space<vmem>>) semaphore(%arg16 : memref<!tpu.dma_semaphore, #tpu.memory_space<semaphore_mem>>)
      %dma_start3A_226 = arith.constant 1 : i32
      %dma_start3A_227 = arith.constant 0 : i32
      %dma_start3A_228 = tpu.memref_slice %arg9[%dma_start3A_226, %dma_start3A_227] : memref<8x128xi32, #tpu.memory_space<vmem>> -> memref<1x128xi32, #tpu.memory_space<vmem>>
      %dma_start3A_229 = tpu.memref_squeeze %dma_start3A_228 : memref<1x128xi32, #tpu.memory_space<vmem>> -> memref<128xi32, #tpu.memory_space<vmem>>
      %dma_start3A_230 = arith.constant 0 : i32
      %dma_start3A_231 = arith.constant 0 : i32
      %dma_start3A_232 = tpu.memref_slice %arg2[%dma_start3A_230, %dma_start3A_231] : memref<10240x128xf32, #tpu.memory_space<hbm>> -> memref<10240x128xf32, #tpu.memory_space<hbm>>
      tpu.enqueue_indirect_dma source(%dma_start3A_232 : memref<10240x128xf32, #tpu.memory_space<hbm>>) target(%arg12 : memref<128x128xf32, #tpu.memory_space<vmem>>) offsets(%dma_start3A_229 : memref<128xi32, #tpu.memory_space<vmem>>) semaphore(%arg17 : memref<!tpu.dma_semaphore, #tpu.memory_space<semaphore_mem>>)
      %dma_wait3A_233 = arith.constant 0 : i32
      %dma_wait3A_234 = arith.constant 0 : i32
      %dma_wait3A_235 = tpu.memref_slice %arg9[%dma_wait3A_233, %dma_wait3A_234] : memref<8x128xi32, #tpu.memory_space<vmem>> -> memref<1x128xi32, #tpu.memory_space<vmem>>
      %dma_wait3A_236 = tpu.memref_squeeze %dma_wait3A_235 : memref<1x128xi32, #tpu.memory_space<vmem>> -> memref<128xi32, #tpu.memory_space<vmem>>
      %dma_wait3A_237 = arith.constant 0 : i32
      %dma_wait3A_238 = arith.constant 0 : i32
      %dma_wait3A_239 = tpu.memref_slice %arg2[%dma_wait3A_237, %dma_wait3A_238] : memref<10240x128xf32, #tpu.memory_space<hbm>> -> memref<10240x128xf32, #tpu.memory_space<hbm>>
      tpu.wait_indirect_dma semaphore(%arg16 : memref<!tpu.dma_semaphore, #tpu.memory_space<semaphore_mem>>) src(%dma_wait3A_239 : memref<10240x128xf32, #tpu.memory_space<hbm>>) dst(%arg11 : memref<128x128xf32, #tpu.memory_space<vmem>>)
      %run_scoped3A_240 = arith.constant 0 : i32
      "tpu.region"() ({
        %run_scoped3A_339 = tpu.sem_alloc : memref<!tpu.dma_semaphore, #tpu.memory_space<semaphore_mem>>
        %dma_start3A_340 = arith.constant 0 : i32
        %dma_start3A_341 = tpu.memref_slice %arg10[%run_scoped3A_240, %dma_start3A_340] : memref<8x128xi32, #tpu.memory_space<vmem>> -> memref<1x128xi32, #tpu.memory_space<vmem>>
        %dma_start3A_342 = tpu.memref_squeeze %dma_start3A_341 : memref<1x128xi32, #tpu.memory_space<vmem>> -> memref<128xi32, #tpu.memory_space<vmem>>
        %dma_start3A_343 = arith.constant 0 : i32
        %dma_start3A_344 = arith.constant 0 : i32
        %dma_start3A_345 = tpu.memref_slice %arg13[%dma_start3A_343, %dma_start3A_344] : memref<10240x128xf32, #tpu.memory_space<vmem_shared>> -> memref<10240x128xf32, #tpu.memory_space<vmem_shared>>
        tpu.enqueue_indirect_dma source(%arg11 : memref<128x128xf32, #tpu.memory_space<vmem>>) target(%dma_start3A_345 : memref<10240x128xf32, #tpu.memory_space<vmem_shared>>) offsets(%dma_start3A_342 : memref<128xi32, #tpu.memory_space<vmem>>) semaphore(%run_scoped3A_339 : memref<!tpu.dma_semaphore, #tpu.memory_space<semaphore_mem>>) {add = true}
        %dma_wait3A_346 = arith.constant 0 : i32
        %dma_wait3A_347 = tpu.memref_slice %arg10[%run_scoped3A_240, %dma_wait3A_346] : memref<8x128xi32, #tpu.memory_space<vmem>> -> memref<1x128xi32, #tpu.memory_space<vmem>>
        %dma_wait3A_348 = tpu.memref_squeeze %dma_wait3A_347 : memref<1x128xi32, #tpu.memory_space<vmem>> -> memref<128xi32, #tpu.memory_space<vmem>>
        %dma_wait3A_349 = arith.constant 0 : i32
        %dma_wait3A_350 = arith.constant 0 : i32
        %dma_wait3A_351 = tpu.memref_slice %arg13[%dma_wait3A_349, %dma_wait3A_350] : memref<10240x128xf32, #tpu.memory_space<vmem_shared>> -> memref<10240x128xf32, #tpu.memory_space<vmem_shared>>
        tpu.wait_indirect_dma semaphore(%run_scoped3A_339 : memref<!tpu.dma_semaphore, #tpu.memory_space<semaphore_mem>>) src(%arg11 : memref<128x128xf32, #tpu.memory_space<vmem>>) dst(%dma_wait3A_351 : memref<10240x128xf32, #tpu.memory_space<vmem_shared>>)
        tpu.yield
      }) : () -> ()
      %dma_start3A_241 = arith.constant 2 : i32
      %dma_start3A_242 = arith.constant 0 : i32
      %dma_start3A_243 = tpu.memref_slice %arg9[%dma_start3A_241, %dma_start3A_242] : memref<8x128xi32, #tpu.memory_space<vmem>> -> memref<1x128xi32, #tpu.memory_space<vmem>>
      %dma_start3A_244 = tpu.memref_squeeze %dma_start3A_243 : memref<1x128xi32, #tpu.memory_space<vmem>> -> memref<128xi32, #tpu.memory_space<vmem>>
      %dma_start3A_245 = arith.constant 0 : i32
      %dma_start3A_246 = arith.constant 0 : i32
      %dma_start3A_247 = tpu.memref_slice %arg2[%dma_start3A_245, %dma_start3A_246] : memref<10240x128xf32, #tpu.memory_space<hbm>> -> memref<10240x128xf32, #tpu.memory_space<hbm>>
      tpu.enqueue_indirect_dma source(%dma_start3A_247 : memref<10240x128xf32, #tpu.memory_space<hbm>>) target(%arg11 : memref<128x128xf32, #tpu.memory_space<vmem>>) offsets(%dma_start3A_244 : memref<128xi32, #tpu.memory_space<vmem>>) semaphore(%arg16 : memref<!tpu.dma_semaphore, #tpu.memory_space<semaphore_mem>>)
      %dma_wait3A_248 = arith.constant 0 : i32
      %dma_wait3A_249 = arith.constant 0 : i32
      %dma_wait3A_250 = tpu.memref_slice %arg9[%dma_wait3A_248, %dma_wait3A_249] : memref<8x128xi32, #tpu.memory_space<vmem>> -> memref<1x128xi32, #tpu.memory_space<vmem>>
      %dma_wait3A_251 = tpu.memref_squeeze %dma_wait3A_250 : memref<1x128xi32, #tpu.memory_space<vmem>> -> memref<128xi32, #tpu.memory_space<vmem>>
      %dma_wait3A_252 = arith.constant 0 : i32
      %dma_wait3A_253 = arith.constant 0 : i32
      %dma_wait3A_254 = tpu.memref_slice %arg2[%dma_wait3A_252, %dma_wait3A_253] : memref<10240x128xf32, #tpu.memory_space<hbm>> -> memref<10240x128xf32, #tpu.memory_space<hbm>>
      tpu.wait_indirect_dma semaphore(%arg17 : memref<!tpu.dma_semaphore, #tpu.memory_space<semaphore_mem>>) src(%dma_wait3A_254 : memref<10240x128xf32, #tpu.memory_space<hbm>>) dst(%arg12 : memref<128x128xf32, #tpu.memory_space<vmem>>)
      %run_scoped3A_255 = arith.constant 1 : i32
      "tpu.region"() ({
        %run_scoped3A_339 = tpu.sem_alloc : memref<!tpu.dma_semaphore, #tpu.memory_space<semaphore_mem>>
        %dma_start3A_340 = arith.constant 0 : i32
        %dma_start3A_341 = tpu.memref_slice %arg10[%run_scoped3A_255, %dma_start3A_340] : memref<8x128xi32, #tpu.memory_space<vmem>> -> memref<1x128xi32, #tpu.memory_space<vmem>>
        %dma_start3A_342 = tpu.memref_squeeze %dma_start3A_341 : memref<1x128xi32, #tpu.memory_space<vmem>> -> memref<128xi32, #tpu.memory_space<vmem>>
        %dma_start3A_343 = arith.constant 0 : i32
        %dma_start3A_344 = arith.constant 0 : i32
        %dma_start3A_345 = tpu.memref_slice %arg13[%dma_start3A_343, %dma_start3A_344] : memref<10240x128xf32, #tpu.memory_space<vmem_shared>> -> memref<10240x128xf32, #tpu.memory_space<vmem_shared>>
        tpu.enqueue_indirect_dma source(%arg12 : memref<128x128xf32, #tpu.memory_space<vmem>>) target(%dma_start3A_345 : memref<10240x128xf32, #tpu.memory_space<vmem_shared>>) offsets(%dma_start3A_342 : memref<128xi32, #tpu.memory_space<vmem>>) semaphore(%run_scoped3A_339 : memref<!tpu.dma_semaphore, #tpu.memory_space<semaphore_mem>>) {add = true}
        %dma_wait3A_346 = arith.constant 0 : i32
        %dma_wait3A_347 = tpu.memref_slice %arg10[%run_scoped3A_255, %dma_wait3A_346] : memref<8x128xi32, #tpu.memory_space<vmem>> -> memref<1x128xi32, #tpu.memory_space<vmem>>
        %dma_wait3A_348 = tpu.memref_squeeze %dma_wait3A_347 : memref<1x128xi32, #tpu.memory_space<vmem>> -> memref<128xi32, #tpu.memory_space<vmem>>
        %dma_wait3A_349 = arith.constant 0 : i32
        %dma_wait3A_350 = arith.constant 0 : i32
        %dma_wait3A_351 = tpu.memref_slice %arg13[%dma_wait3A_349, %dma_wait3A_350] : memref<10240x128xf32, #tpu.memory_space<vmem_shared>> -> memref<10240x128xf32, #tpu.memory_space<vmem_shared>>
        tpu.wait_indirect_dma semaphore(%run_scoped3A_339 : memref<!tpu.dma_semaphore, #tpu.memory_space<semaphore_mem>>) src(%arg12 : memref<128x128xf32, #tpu.memory_space<vmem>>) dst(%dma_wait3A_351 : memref<10240x128xf32, #tpu.memory_space<vmem_shared>>)
        tpu.yield
      }) : () -> ()
      %dma_start3A_256 = arith.constant 3 : i32
      %dma_start3A_257 = arith.constant 0 : i32
      %dma_start3A_258 = tpu.memref_slice %arg9[%dma_start3A_256, %dma_start3A_257] : memref<8x128xi32, #tpu.memory_space<vmem>> -> memref<1x128xi32, #tpu.memory_space<vmem>>
      %dma_start3A_259 = tpu.memref_squeeze %dma_start3A_258 : memref<1x128xi32, #tpu.memory_space<vmem>> -> memref<128xi32, #tpu.memory_space<vmem>>
      %dma_start3A_260 = arith.constant 0 : i32
      %dma_start3A_261 = arith.constant 0 : i32
      %dma_start3A_262 = tpu.memref_slice %arg2[%dma_start3A_260, %dma_start3A_261] : memref<10240x128xf32, #tpu.memory_space<hbm>> -> memref<10240x128xf32, #tpu.memory_space<hbm>>
      tpu.enqueue_indirect_dma source(%dma_start3A_262 : memref<10240x128xf32, #tpu.memory_space<hbm>>) target(%arg12 : memref<128x128xf32, #tpu.memory_space<vmem>>) offsets(%dma_start3A_259 : memref<128xi32, #tpu.memory_space<vmem>>) semaphore(%arg17 : memref<!tpu.dma_semaphore, #tpu.memory_space<semaphore_mem>>)
      %dma_wait3A_263 = arith.constant 0 : i32
      %dma_wait3A_264 = arith.constant 0 : i32
      %dma_wait3A_265 = tpu.memref_slice %arg9[%dma_wait3A_263, %dma_wait3A_264] : memref<8x128xi32, #tpu.memory_space<vmem>> -> memref<1x128xi32, #tpu.memory_space<vmem>>
      %dma_wait3A_266 = tpu.memref_squeeze %dma_wait3A_265 : memref<1x128xi32, #tpu.memory_space<vmem>> -> memref<128xi32, #tpu.memory_space<vmem>>
      %dma_wait3A_267 = arith.constant 0 : i32
      %dma_wait3A_268 = arith.constant 0 : i32
      %dma_wait3A_269 = tpu.memref_slice %arg2[%dma_wait3A_267, %dma_wait3A_268] : memref<10240x128xf32, #tpu.memory_space<hbm>> -> memref<10240x128xf32, #tpu.memory_space<hbm>>
      tpu.wait_indirect_dma semaphore(%arg16 : memref<!tpu.dma_semaphore, #tpu.memory_space<semaphore_mem>>) src(%dma_wait3A_269 : memref<10240x128xf32, #tpu.memory_space<hbm>>) dst(%arg11 : memref<128x128xf32, #tpu.memory_space<vmem>>)
      %run_scoped3A_270 = arith.constant 2 : i32
      "tpu.region"() ({
        %run_scoped3A_339 = tpu.sem_alloc : memref<!tpu.dma_semaphore, #tpu.memory_space<semaphore_mem>>
        %dma_start3A_340 = arith.constant 0 : i32
        %dma_start3A_341 = tpu.memref_slice %arg10[%run_scoped3A_270, %dma_start3A_340] : memref<8x128xi32, #tpu.memory_space<vmem>> -> memref<1x128xi32, #tpu.memory_space<vmem>>
        %dma_start3A_342 = tpu.memref_squeeze %dma_start3A_341 : memref<1x128xi32, #tpu.memory_space<vmem>> -> memref<128xi32, #tpu.memory_space<vmem>>
        %dma_start3A_343 = arith.constant 0 : i32
        %dma_start3A_344 = arith.constant 0 : i32
        %dma_start3A_345 = tpu.memref_slice %arg13[%dma_start3A_343, %dma_start3A_344] : memref<10240x128xf32, #tpu.memory_space<vmem_shared>> -> memref<10240x128xf32, #tpu.memory_space<vmem_shared>>
        tpu.enqueue_indirect_dma source(%arg11 : memref<128x128xf32, #tpu.memory_space<vmem>>) target(%dma_start3A_345 : memref<10240x128xf32, #tpu.memory_space<vmem_shared>>) offsets(%dma_start3A_342 : memref<128xi32, #tpu.memory_space<vmem>>) semaphore(%run_scoped3A_339 : memref<!tpu.dma_semaphore, #tpu.memory_space<semaphore_mem>>) {add = true}
        %dma_wait3A_346 = arith.constant 0 : i32
        %dma_wait3A_347 = tpu.memref_slice %arg10[%run_scoped3A_270, %dma_wait3A_346] : memref<8x128xi32, #tpu.memory_space<vmem>> -> memref<1x128xi32, #tpu.memory_space<vmem>>
        %dma_wait3A_348 = tpu.memref_squeeze %dma_wait3A_347 : memref<1x128xi32, #tpu.memory_space<vmem>> -> memref<128xi32, #tpu.memory_space<vmem>>
        %dma_wait3A_349 = arith.constant 0 : i32
        %dma_wait3A_350 = arith.constant 0 : i32
        %dma_wait3A_351 = tpu.memref_slice %arg13[%dma_wait3A_349, %dma_wait3A_350] : memref<10240x128xf32, #tpu.memory_space<vmem_shared>> -> memref<10240x128xf32, #tpu.memory_space<vmem_shared>>
        tpu.wait_indirect_dma semaphore(%run_scoped3A_339 : memref<!tpu.dma_semaphore, #tpu.memory_space<semaphore_mem>>) src(%arg11 : memref<128x128xf32, #tpu.memory_space<vmem>>) dst(%dma_wait3A_351 : memref<10240x128xf32, #tpu.memory_space<vmem_shared>>)
        tpu.yield
      }) : () -> ()
      %dma_start3A_271 = arith.constant 4 : i32
      %dma_start3A_272 = arith.constant 0 : i32
      %dma_start3A_273 = tpu.memref_slice %arg9[%dma_start3A_271, %dma_start3A_272] : memref<8x128xi32, #tpu.memory_space<vmem>> -> memref<1x128xi32, #tpu.memory_space<vmem>>
      %dma_start3A_274 = tpu.memref_squeeze %dma_start3A_273 : memref<1x128xi32, #tpu.memory_space<vmem>> -> memref<128xi32, #tpu.memory_space<vmem>>
      %dma_start3A_275 = arith.constant 0 : i32
      %dma_start3A_276 = arith.constant 0 : i32
      %dma_start3A_277 = tpu.memref_slice %arg2[%dma_start3A_275, %dma_start3A_276] : memref<10240x128xf32, #tpu.memory_space<hbm>> -> memref<10240x128xf32, #tpu.memory_space<hbm>>
      tpu.enqueue_indirect_dma source(%dma_start3A_277 : memref<10240x128xf32, #tpu.memory_space<hbm>>) target(%arg11 : memref<128x128xf32, #tpu.memory_space<vmem>>) offsets(%dma_start3A_274 : memref<128xi32, #tpu.memory_space<vmem>>) semaphore(%arg16 : memref<!tpu.dma_semaphore, #tpu.memory_space<semaphore_mem>>)
      %dma_wait3A_278 = arith.constant 0 : i32
      %dma_wait3A_279 = arith.constant 0 : i32
      %dma_wait3A_280 = tpu.memref_slice %arg9[%dma_wait3A_278, %dma_wait3A_279] : memref<8x128xi32, #tpu.memory_space<vmem>> -> memref<1x128xi32, #tpu.memory_space<vmem>>
      %dma_wait3A_281 = tpu.memref_squeeze %dma_wait3A_280 : memref<1x128xi32, #tpu.memory_space<vmem>> -> memref<128xi32, #tpu.memory_space<vmem>>
      %dma_wait3A_282 = arith.constant 0 : i32
      %dma_wait3A_283 = arith.constant 0 : i32
      %dma_wait3A_284 = tpu.memref_slice %arg2[%dma_wait3A_282, %dma_wait3A_283] : memref<10240x128xf32, #tpu.memory_space<hbm>> -> memref<10240x128xf32, #tpu.memory_space<hbm>>
      tpu.wait_indirect_dma semaphore(%arg17 : memref<!tpu.dma_semaphore, #tpu.memory_space<semaphore_mem>>) src(%dma_wait3A_284 : memref<10240x128xf32, #tpu.memory_space<hbm>>) dst(%arg12 : memref<128x128xf32, #tpu.memory_space<vmem>>)
      %run_scoped3A_285 = arith.constant 3 : i32
      "tpu.region"() ({
        %run_scoped3A_339 = tpu.sem_alloc : memref<!tpu.dma_semaphore, #tpu.memory_space<semaphore_mem>>
        %dma_start3A_340 = arith.constant 0 : i32
        %dma_start3A_341 = tpu.memref_slice %arg10[%run_scoped3A_285, %dma_start3A_340] : memref<8x128xi32, #tpu.memory_space<vmem>> -> memref<1x128xi32, #tpu.memory_space<vmem>>
        %dma_start3A_342 = tpu.memref_squeeze %dma_start3A_341 : memref<1x128xi32, #tpu.memory_space<vmem>> -> memref<128xi32, #tpu.memory_space<vmem>>
        %dma_start3A_343 = arith.constant 0 : i32
        %dma_start3A_344 = arith.constant 0 : i32
        %dma_start3A_345 = tpu.memref_slice %arg13[%dma_start3A_343, %dma_start3A_344] : memref<10240x128xf32, #tpu.memory_space<vmem_shared>> -> memref<10240x128xf32, #tpu.memory_space<vmem_shared>>
        tpu.enqueue_indirect_dma source(%arg12 : memref<128x128xf32, #tpu.memory_space<vmem>>) target(%dma_start3A_345 : memref<10240x128xf32, #tpu.memory_space<vmem_shared>>) offsets(%dma_start3A_342 : memref<128xi32, #tpu.memory_space<vmem>>) semaphore(%run_scoped3A_339 : memref<!tpu.dma_semaphore, #tpu.memory_space<semaphore_mem>>) {add = true}
        %dma_wait3A_346 = arith.constant 0 : i32
        %dma_wait3A_347 = tpu.memref_slice %arg10[%run_scoped3A_285, %dma_wait3A_346] : memref<8x128xi32, #tpu.memory_space<vmem>> -> memref<1x128xi32, #tpu.memory_space<vmem>>
        %dma_wait3A_348 = tpu.memref_squeeze %dma_wait3A_347 : memref<1x128xi32, #tpu.memory_space<vmem>> -> memref<128xi32, #tpu.memory_space<vmem>>
        %dma_wait3A_349 = arith.constant 0 : i32
        %dma_wait3A_350 = arith.constant 0 : i32
        %dma_wait3A_351 = tpu.memref_slice %arg13[%dma_wait3A_349, %dma_wait3A_350] : memref<10240x128xf32, #tpu.memory_space<vmem_shared>> -> memref<10240x128xf32, #tpu.memory_space<vmem_shared>>
        tpu.wait_indirect_dma semaphore(%run_scoped3A_339 : memref<!tpu.dma_semaphore, #tpu.memory_space<semaphore_mem>>) src(%arg12 : memref<128x128xf32, #tpu.memory_space<vmem>>) dst(%dma_wait3A_351 : memref<10240x128xf32, #tpu.memory_space<vmem_shared>>)
        tpu.yield
      }) : () -> ()
      %dma_start3A_286 = arith.constant 5 : i32
      %dma_start3A_287 = arith.constant 0 : i32
      %dma_start3A_288 = tpu.memref_slice %arg9[%dma_start3A_286, %dma_start3A_287] : memref<8x128xi32, #tpu.memory_space<vmem>> -> memref<1x128xi32, #tpu.memory_space<vmem>>
      %dma_start3A_289 = tpu.memref_squeeze %dma_start3A_288 : memref<1x128xi32, #tpu.memory_space<vmem>> -> memref<128xi32, #tpu.memory_space<vmem>>
      %dma_start3A_290 = arith.constant 0 : i32
      %dma_start3A_291 = arith.constant 0 : i32
      %dma_start3A_292 = tpu.memref_slice %arg2[%dma_start3A_290, %dma_start3A_291] : memref<10240x128xf32, #tpu.memory_space<hbm>> -> memref<10240x128xf32, #tpu.memory_space<hbm>>
      tpu.enqueue_indirect_dma source(%dma_start3A_292 : memref<10240x128xf32, #tpu.memory_space<hbm>>) target(%arg12 : memref<128x128xf32, #tpu.memory_space<vmem>>) offsets(%dma_start3A_289 : memref<128xi32, #tpu.memory_space<vmem>>) semaphore(%arg17 : memref<!tpu.dma_semaphore, #tpu.memory_space<semaphore_mem>>)
      %dma_wait3A_293 = arith.constant 0 : i32
      %dma_wait3A_294 = arith.constant 0 : i32
      %dma_wait3A_295 = tpu.memref_slice %arg9[%dma_wait3A_293, %dma_wait3A_294] : memref<8x128xi32, #tpu.memory_space<vmem>> -> memref<1x128xi32, #tpu.memory_space<vmem>>
      %dma_wait3A_296 = tpu.memref_squeeze %dma_wait3A_295 : memref<1x128xi32, #tpu.memory_space<vmem>> -> memref<128xi32, #tpu.memory_space<vmem>>
      %dma_wait3A_297 = arith.constant 0 : i32
      %dma_wait3A_298 = arith.constant 0 : i32
      %dma_wait3A_299 = tpu.memref_slice %arg2[%dma_wait3A_297, %dma_wait3A_298] : memref<10240x128xf32, #tpu.memory_space<hbm>> -> memref<10240x128xf32, #tpu.memory_space<hbm>>
      tpu.wait_indirect_dma semaphore(%arg16 : memref<!tpu.dma_semaphore, #tpu.memory_space<semaphore_mem>>) src(%dma_wait3A_299 : memref<10240x128xf32, #tpu.memory_space<hbm>>) dst(%arg11 : memref<128x128xf32, #tpu.memory_space<vmem>>)
      %run_scoped3A_300 = arith.constant 4 : i32
      "tpu.region"() ({
        %run_scoped3A_339 = tpu.sem_alloc : memref<!tpu.dma_semaphore, #tpu.memory_space<semaphore_mem>>
        %dma_start3A_340 = arith.constant 0 : i32
        %dma_start3A_341 = tpu.memref_slice %arg10[%run_scoped3A_300, %dma_start3A_340] : memref<8x128xi32, #tpu.memory_space<vmem>> -> memref<1x128xi32, #tpu.memory_space<vmem>>
        %dma_start3A_342 = tpu.memref_squeeze %dma_start3A_341 : memref<1x128xi32, #tpu.memory_space<vmem>> -> memref<128xi32, #tpu.memory_space<vmem>>
        %dma_start3A_343 = arith.constant 0 : i32
        %dma_start3A_344 = arith.constant 0 : i32
        %dma_start3A_345 = tpu.memref_slice %arg13[%dma_start3A_343, %dma_start3A_344] : memref<10240x128xf32, #tpu.memory_space<vmem_shared>> -> memref<10240x128xf32, #tpu.memory_space<vmem_shared>>
        tpu.enqueue_indirect_dma source(%arg11 : memref<128x128xf32, #tpu.memory_space<vmem>>) target(%dma_start3A_345 : memref<10240x128xf32, #tpu.memory_space<vmem_shared>>) offsets(%dma_start3A_342 : memref<128xi32, #tpu.memory_space<vmem>>) semaphore(%run_scoped3A_339 : memref<!tpu.dma_semaphore, #tpu.memory_space<semaphore_mem>>) {add = true}
        %dma_wait3A_346 = arith.constant 0 : i32
        %dma_wait3A_347 = tpu.memref_slice %arg10[%run_scoped3A_300, %dma_wait3A_346] : memref<8x128xi32, #tpu.memory_space<vmem>> -> memref<1x128xi32, #tpu.memory_space<vmem>>
        %dma_wait3A_348 = tpu.memref_squeeze %dma_wait3A_347 : memref<1x128xi32, #tpu.memory_space<vmem>> -> memref<128xi32, #tpu.memory_space<vmem>>
        %dma_wait3A_349 = arith.constant 0 : i32
        %dma_wait3A_350 = arith.constant 0 : i32
        %dma_wait3A_351 = tpu.memref_slice %arg13[%dma_wait3A_349, %dma_wait3A_350] : memref<10240x128xf32, #tpu.memory_space<vmem_shared>> -> memref<10240x128xf32, #tpu.memory_space<vmem_shared>>
        tpu.wait_indirect_dma semaphore(%run_scoped3A_339 : memref<!tpu.dma_semaphore, #tpu.memory_space<semaphore_mem>>) src(%arg11 : memref<128x128xf32, #tpu.memory_space<vmem>>) dst(%dma_wait3A_351 : memref<10240x128xf32, #tpu.memory_space<vmem_shared>>)
        tpu.yield
      }) : () -> ()
      %dma_start3A_301 = arith.constant 6 : i32
      %dma_start3A_302 = arith.constant 0 : i32
      %dma_start3A_303 = tpu.memref_slice %arg9[%dma_start3A_301, %dma_start3A_302] : memref<8x128xi32, #tpu.memory_space<vmem>> -> memref<1x128xi32, #tpu.memory_space<vmem>>
      %dma_start3A_304 = tpu.memref_squeeze %dma_start3A_303 : memref<1x128xi32, #tpu.memory_space<vmem>> -> memref<128xi32, #tpu.memory_space<vmem>>
      %dma_start3A_305 = arith.constant 0 : i32
      %dma_start3A_306 = arith.constant 0 : i32
      %dma_start3A_307 = tpu.memref_slice %arg2[%dma_start3A_305, %dma_start3A_306] : memref<10240x128xf32, #tpu.memory_space<hbm>> -> memref<10240x128xf32, #tpu.memory_space<hbm>>
      tpu.enqueue_indirect_dma source(%dma_start3A_307 : memref<10240x128xf32, #tpu.memory_space<hbm>>) target(%arg11 : memref<128x128xf32, #tpu.memory_space<vmem>>) offsets(%dma_start3A_304 : memref<128xi32, #tpu.memory_space<vmem>>) semaphore(%arg16 : memref<!tpu.dma_semaphore, #tpu.memory_space<semaphore_mem>>)
      %dma_wait3A_308 = arith.constant 0 : i32
      %dma_wait3A_309 = arith.constant 0 : i32
      %dma_wait3A_310 = tpu.memref_slice %arg9[%dma_wait3A_308, %dma_wait3A_309] : memref<8x128xi32, #tpu.memory_space<vmem>> -> memref<1x128xi32, #tpu.memory_space<vmem>>
      %dma_wait3A_311 = tpu.memref_squeeze %dma_wait3A_310 : memref<1x128xi32, #tpu.memory_space<vmem>> -> memref<128xi32, #tpu.memory_space<vmem>>
      %dma_wait3A_312 = arith.constant 0 : i32
      %dma_wait3A_313 = arith.constant 0 : i32
      %dma_wait3A_314 = tpu.memref_slice %arg2[%dma_wait3A_312, %dma_wait3A_313] : memref<10240x128xf32, #tpu.memory_space<hbm>> -> memref<10240x128xf32, #tpu.memory_space<hbm>>
      tpu.wait_indirect_dma semaphore(%arg17 : memref<!tpu.dma_semaphore, #tpu.memory_space<semaphore_mem>>) src(%dma_wait3A_314 : memref<10240x128xf32, #tpu.memory_space<hbm>>) dst(%arg12 : memref<128x128xf32, #tpu.memory_space<vmem>>)
      %run_scoped3A_315 = arith.constant 5 : i32
      "tpu.region"() ({
        %run_scoped3A_339 = tpu.sem_alloc : memref<!tpu.dma_semaphore, #tpu.memory_space<semaphore_mem>>
        %dma_start3A_340 = arith.constant 0 : i32
        %dma_start3A_341 = tpu.memref_slice %arg10[%run_scoped3A_315, %dma_start3A_340] : memref<8x128xi32, #tpu.memory_space<vmem>> -> memref<1x128xi32, #tpu.memory_space<vmem>>
        %dma_start3A_342 = tpu.memref_squeeze %dma_start3A_341 : memref<1x128xi32, #tpu.memory_space<vmem>> -> memref<128xi32, #tpu.memory_space<vmem>>
        %dma_start3A_343 = arith.constant 0 : i32
        %dma_start3A_344 = arith.constant 0 : i32
        %dma_start3A_345 = tpu.memref_slice %arg13[%dma_start3A_343, %dma_start3A_344] : memref<10240x128xf32, #tpu.memory_space<vmem_shared>> -> memref<10240x128xf32, #tpu.memory_space<vmem_shared>>
        tpu.enqueue_indirect_dma source(%arg12 : memref<128x128xf32, #tpu.memory_space<vmem>>) target(%dma_start3A_345 : memref<10240x128xf32, #tpu.memory_space<vmem_shared>>) offsets(%dma_start3A_342 : memref<128xi32, #tpu.memory_space<vmem>>) semaphore(%run_scoped3A_339 : memref<!tpu.dma_semaphore, #tpu.memory_space<semaphore_mem>>) {add = true}
        %dma_wait3A_346 = arith.constant 0 : i32
        %dma_wait3A_347 = tpu.memref_slice %arg10[%run_scoped3A_315, %dma_wait3A_346] : memref<8x128xi32, #tpu.memory_space<vmem>> -> memref<1x128xi32, #tpu.memory_space<vmem>>
        %dma_wait3A_348 = tpu.memref_squeeze %dma_wait3A_347 : memref<1x128xi32, #tpu.memory_space<vmem>> -> memref<128xi32, #tpu.memory_space<vmem>>
        %dma_wait3A_349 = arith.constant 0 : i32
        %dma_wait3A_350 = arith.constant 0 : i32
        %dma_wait3A_351 = tpu.memref_slice %arg13[%dma_wait3A_349, %dma_wait3A_350] : memref<10240x128xf32, #tpu.memory_space<vmem_shared>> -> memref<10240x128xf32, #tpu.memory_space<vmem_shared>>
        tpu.wait_indirect_dma semaphore(%run_scoped3A_339 : memref<!tpu.dma_semaphore, #tpu.memory_space<semaphore_mem>>) src(%arg12 : memref<128x128xf32, #tpu.memory_space<vmem>>) dst(%dma_wait3A_351 : memref<10240x128xf32, #tpu.memory_space<vmem_shared>>)
        tpu.yield
      }) : () -> ()
      %dma_start3A_316 = arith.constant 7 : i32
      %dma_start3A_317 = arith.constant 0 : i32
      %dma_start3A_318 = tpu.memref_slice %arg9[%dma_start3A_316, %dma_start3A_317] : memref<8x128xi32, #tpu.memory_space<vmem>> -> memref<1x128xi32, #tpu.memory_space<vmem>>
      %dma_start3A_319 = tpu.memref_squeeze %dma_start3A_318 : memref<1x128xi32, #tpu.memory_space<vmem>> -> memref<128xi32, #tpu.memory_space<vmem>>
      %dma_start3A_320 = arith.constant 0 : i32
      %dma_start3A_321 = arith.constant 0 : i32
      %dma_start3A_322 = tpu.memref_slice %arg2[%dma_start3A_320, %dma_start3A_321] : memref<10240x128xf32, #tpu.memory_space<hbm>> -> memref<10240x128xf32, #tpu.memory_space<hbm>>
      tpu.enqueue_indirect_dma source(%dma_start3A_322 : memref<10240x128xf32, #tpu.memory_space<hbm>>) target(%arg12 : memref<128x128xf32, #tpu.memory_space<vmem>>) offsets(%dma_start3A_319 : memref<128xi32, #tpu.memory_space<vmem>>) semaphore(%arg17 : memref<!tpu.dma_semaphore, #tpu.memory_space<semaphore_mem>>)
      %dma_wait3A_323 = arith.constant 0 : i32
      %dma_wait3A_324 = arith.constant 0 : i32
      %dma_wait3A_325 = tpu.memref_slice %arg9[%dma_wait3A_323, %dma_wait3A_324] : memref<8x128xi32, #tpu.memory_space<vmem>> -> memref<1x128xi32, #tpu.memory_space<vmem>>
      %dma_wait3A_326 = tpu.memref_squeeze %dma_wait3A_325 : memref<1x128xi32, #tpu.memory_space<vmem>> -> memref<128xi32, #tpu.memory_space<vmem>>
      %dma_wait3A_327 = arith.constant 0 : i32
      %dma_wait3A_328 = arith.constant 0 : i32
      %dma_wait3A_329 = tpu.memref_slice %arg2[%dma_wait3A_327, %dma_wait3A_328] : memref<10240x128xf32, #tpu.memory_space<hbm>> -> memref<10240x128xf32, #tpu.memory_space<hbm>>
      tpu.wait_indirect_dma semaphore(%arg16 : memref<!tpu.dma_semaphore, #tpu.memory_space<semaphore_mem>>) src(%dma_wait3A_329 : memref<10240x128xf32, #tpu.memory_space<hbm>>) dst(%arg11 : memref<128x128xf32, #tpu.memory_space<vmem>>)
      %run_scoped3A_330 = arith.constant 6 : i32
      "tpu.region"() ({
        %run_scoped3A_339 = tpu.sem_alloc : memref<!tpu.dma_semaphore, #tpu.memory_space<semaphore_mem>>
        %dma_start3A_340 = arith.constant 0 : i32
        %dma_start3A_341 = tpu.memref_slice %arg10[%run_scoped3A_330, %dma_start3A_340] : memref<8x128xi32, #tpu.memory_space<vmem>> -> memref<1x128xi32, #tpu.memory_space<vmem>>
        %dma_start3A_342 = tpu.memref_squeeze %dma_start3A_341 : memref<1x128xi32, #tpu.memory_space<vmem>> -> memref<128xi32, #tpu.memory_space<vmem>>
        %dma_start3A_343 = arith.constant 0 : i32
        %dma_start3A_344 = arith.constant 0 : i32
        %dma_start3A_345 = tpu.memref_slice %arg13[%dma_start3A_343, %dma_start3A_344] : memref<10240x128xf32, #tpu.memory_space<vmem_shared>> -> memref<10240x128xf32, #tpu.memory_space<vmem_shared>>
        tpu.enqueue_indirect_dma source(%arg11 : memref<128x128xf32, #tpu.memory_space<vmem>>) target(%dma_start3A_345 : memref<10240x128xf32, #tpu.memory_space<vmem_shared>>) offsets(%dma_start3A_342 : memref<128xi32, #tpu.memory_space<vmem>>) semaphore(%run_scoped3A_339 : memref<!tpu.dma_semaphore, #tpu.memory_space<semaphore_mem>>) {add = true}
        %dma_wait3A_346 = arith.constant 0 : i32
        %dma_wait3A_347 = tpu.memref_slice %arg10[%run_scoped3A_330, %dma_wait3A_346] : memref<8x128xi32, #tpu.memory_space<vmem>> -> memref<1x128xi32, #tpu.memory_space<vmem>>
        %dma_wait3A_348 = tpu.memref_squeeze %dma_wait3A_347 : memref<1x128xi32, #tpu.memory_space<vmem>> -> memref<128xi32, #tpu.memory_space<vmem>>
        %dma_wait3A_349 = arith.constant 0 : i32
        %dma_wait3A_350 = arith.constant 0 : i32
        %dma_wait3A_351 = tpu.memref_slice %arg13[%dma_wait3A_349, %dma_wait3A_350] : memref<10240x128xf32, #tpu.memory_space<vmem_shared>> -> memref<10240x128xf32, #tpu.memory_space<vmem_shared>>
        tpu.wait_indirect_dma semaphore(%run_scoped3A_339 : memref<!tpu.dma_semaphore, #tpu.memory_space<semaphore_mem>>) src(%arg11 : memref<128x128xf32, #tpu.memory_space<vmem>>) dst(%dma_wait3A_351 : memref<10240x128xf32, #tpu.memory_space<vmem_shared>>)
        tpu.yield
      }) : () -> ()
      %dma_wait3A_331 = arith.constant 0 : i32
      %dma_wait3A_332 = arith.constant 0 : i32
      %dma_wait3A_333 = tpu.memref_slice %arg9[%dma_wait3A_331, %dma_wait3A_332] : memref<8x128xi32, #tpu.memory_space<vmem>> -> memref<1x128xi32, #tpu.memory_space<vmem>>
      %dma_wait3A_334 = tpu.memref_squeeze %dma_wait3A_333 : memref<1x128xi32, #tpu.memory_space<vmem>> -> memref<128xi32, #tpu.memory_space<vmem>>
      %dma_wait3A_335 = arith.constant 0 : i32
      %dma_wait3A_336 = arith.constant 0 : i32
      %dma_wait3A_337 = tpu.memref_slice %arg2[%dma_wait3A_335, %dma_wait3A_336] : memref<10240x128xf32, #tpu.memory_space<hbm>> -> memref<10240x128xf32, #tpu.memory_space<hbm>>
      tpu.wait_indirect_dma semaphore(%arg17 : memref<!tpu.dma_semaphore, #tpu.memory_space<semaphore_mem>>) src(%dma_wait3A_337 : memref<10240x128xf32, #tpu.memory_space<hbm>>) dst(%arg12 : memref<128x128xf32, #tpu.memory_space<vmem>>)
      %run_scoped3A_338 = arith.constant 7 : i32
      "tpu.region"() ({
        %run_scoped3A_339 = tpu.sem_alloc : memref<!tpu.dma_semaphore, #tpu.memory_space<semaphore_mem>>
        %dma_start3A_340 = arith.constant 0 : i32
        %dma_start3A_341 = tpu.memref_slice %arg10[%run_scoped3A_338, %dma_start3A_340] : memref<8x128xi32, #tpu.memory_space<vmem>> -> memref<1x128xi32, #tpu.memory_space<vmem>>
        %dma_start3A_342 = tpu.memref_squeeze %dma_start3A_341 : memref<1x128xi32, #tpu.memory_space<vmem>> -> memref<128xi32, #tpu.memory_space<vmem>>
        %dma_start3A_343 = arith.constant 0 : i32
        %dma_start3A_344 = arith.constant 0 : i32
        %dma_start3A_345 = tpu.memref_slice %arg13[%dma_start3A_343, %dma_start3A_344] : memref<10240x128xf32, #tpu.memory_space<vmem_shared>> -> memref<10240x128xf32, #tpu.memory_space<vmem_shared>>
        tpu.enqueue_indirect_dma source(%arg12 : memref<128x128xf32, #tpu.memory_space<vmem>>) target(%dma_start3A_345 : memref<10240x128xf32, #tpu.memory_space<vmem_shared>>) offsets(%dma_start3A_342 : memref<128xi32, #tpu.memory_space<vmem>>) semaphore(%run_scoped3A_339 : memref<!tpu.dma_semaphore, #tpu.memory_space<semaphore_mem>>) {add = true}
        %dma_wait3A_346 = arith.constant 0 : i32
        %dma_wait3A_347 = tpu.memref_slice %arg10[%run_scoped3A_338, %dma_wait3A_346] : memref<8x128xi32, #tpu.memory_space<vmem>> -> memref<1x128xi32, #tpu.memory_space<vmem>>
        %dma_wait3A_348 = tpu.memref_squeeze %dma_wait3A_347 : memref<1x128xi32, #tpu.memory_space<vmem>> -> memref<128xi32, #tpu.memory_space<vmem>>
        %dma_wait3A_349 = arith.constant 0 : i32
        %dma_wait3A_350 = arith.constant 0 : i32
        %dma_wait3A_351 = tpu.memref_slice %arg13[%dma_wait3A_349, %dma_wait3A_350] : memref<10240x128xf32, #tpu.memory_space<vmem_shared>> -> memref<10240x128xf32, #tpu.memory_space<vmem_shared>>
        tpu.wait_indirect_dma semaphore(%run_scoped3A_339 : memref<!tpu.dma_semaphore, #tpu.memory_space<semaphore_mem>>) src(%arg12 : memref<128x128xf32, #tpu.memory_space<vmem>>) dst(%dma_wait3A_351 : memref<10240x128xf32, #tpu.memory_space<vmem_shared>>)
        tpu.yield
      }) : () -> ()
    }
    %while3A_59 = arith.constant 1 : i32
    scf.for %while3A_61 = %while3A_57 to %while3A_53 step %while3A_59  : i32 {
      %mul3A_62 = arith.constant 2 : i32
      %mul3A_63 = arith.muli %mul3A_62, %while3A_61 : i32
      %add3A_64 = arith.constant 1 : i32
      %add3A_65 = arith.addi %mul3A_63, %add3A_64 : i32
      %mul3A_66 = arith.constant 8 : i32
      %mul3A_67 = arith.muli %add3A_65, %mul3A_66 : i32
      %add3A_68 = arith.addi %select_n3A, %mul3A_67 : i32
      %dma_start3A_69 = arith.constant 0 : i32
      %dma_start3A_70 = tpu.memref_slice %arg3[%add3A_68, %dma_start3A_69] : memref<2560x128xi32, #tpu.memory_space<hbm>> -> memref<8x128xi32, #tpu.memory_space<hbm>>
      %dma_start3A_71 = arith.constant 0 : i32
      %dma_start3A_72 = tpu.memref_slice %arg3[%add3A_68, %dma_start3A_71] : memref<2560x128xi32, #tpu.memory_space<hbm>> -> memref<8x128xi32, #tpu.memory_space<hbm>>
      tpu.enqueue_dma source(%dma_start3A_72 : memref<8x128xi32, #tpu.memory_space<hbm>>) target(%arg9 : memref<8x128xi32, #tpu.memory_space<vmem>>) target_semaphore(%arg15 : memref<!tpu.dma_semaphore, #tpu.memory_space<semaphore_mem>>)
      %mul3A_73 = arith.constant 8 : i32
      %mul3A_74 = arith.muli %add3A_65, %mul3A_73 : i32
      %add3A_75 = arith.addi %select_n3A, %mul3A_74 : i32
      %dma_start3A_76 = arith.constant 0 : i32
      %dma_start3A_77 = tpu.memref_slice %arg4[%add3A_75, %dma_start3A_76] : memref<2560x128xi32, #tpu.memory_space<hbm>> -> memref<8x128xi32, #tpu.memory_space<hbm>>
      %dma_start3A_78 = arith.constant 0 : i32
      %dma_start3A_79 = tpu.memref_slice %arg4[%add3A_75, %dma_start3A_78] : memref<2560x128xi32, #tpu.memory_space<hbm>> -> memref<8x128xi32, #tpu.memory_space<hbm>>
      tpu.enqueue_dma source(%dma_start3A_79 : memref<8x128xi32, #tpu.memory_space<hbm>>) target(%arg10 : memref<8x128xi32, #tpu.memory_space<vmem>>) target_semaphore(%arg15 : memref<!tpu.dma_semaphore, #tpu.memory_space<semaphore_mem>>)
      %dma_wait3A = arith.constant 0 : i32
      %dma_wait3A_80 = tpu.memref_slice %arg3[%select_n3A, %dma_wait3A] : memref<2560x128xi32, #tpu.memory_space<hbm>> -> memref<8x128xi32, #tpu.memory_space<hbm>>
      %dma_wait3A_81 = arith.constant 0 : i32
      %dma_wait3A_82 = tpu.memref_slice %arg3[%select_n3A, %dma_wait3A_81] : memref<2560x128xi32, #tpu.memory_space<hbm>> -> memref<8x128xi32, #tpu.memory_space<hbm>>
      tpu.wait_dma2 semaphore(%arg14 : memref<!tpu.dma_semaphore, #tpu.memory_space<semaphore_mem>>) src(%dma_wait3A_82 : memref<8x128xi32, #tpu.memory_space<hbm>>) dst(%arg7 : memref<8x128xi32, #tpu.memory_space<vmem>>)
      %dma_wait3A_83 = arith.constant 0 : i32
      %dma_wait3A_84 = tpu.memref_slice %arg3[%select_n3A, %dma_wait3A_83] : memref<2560x128xi32, #tpu.memory_space<hbm>> -> memref<8x128xi32, #tpu.memory_space<hbm>>
      %dma_wait3A_85 = arith.constant 0 : i32
      %dma_wait3A_86 = tpu.memref_slice %arg3[%select_n3A, %dma_wait3A_85] : memref<2560x128xi32, #tpu.memory_space<hbm>> -> memref<8x128xi32, #tpu.memory_space<hbm>>
      tpu.wait_dma2 semaphore(%arg14 : memref<!tpu.dma_semaphore, #tpu.memory_space<semaphore_mem>>) src(%dma_wait3A_86 : memref<8x128xi32, #tpu.memory_space<hbm>>) dst(%arg8 : memref<8x128xi32, #tpu.memory_space<vmem>>)
      %dma_start3A_87 = arith.constant 0 : i32
      %dma_start3A_88 = arith.constant 0 : i32
      %dma_start3A_89 = tpu.memref_slice %arg7[%dma_start3A_87, %dma_start3A_88] : memref<8x128xi32, #tpu.memory_space<vmem>> -> memref<1x128xi32, #tpu.memory_space<vmem>>
      %dma_start3A_90 = tpu.memref_squeeze %dma_start3A_89 : memref<1x128xi32, #tpu.memory_space<vmem>> -> memref<128xi32, #tpu.memory_space<vmem>>
      %dma_start3A_91 = arith.constant 0 : i32
      %dma_start3A_92 = arith.constant 0 : i32
      %dma_start3A_93 = tpu.memref_slice %arg2[%dma_start3A_91, %dma_start3A_92] : memref<10240x128xf32, #tpu.memory_space<hbm>> -> memref<10240x128xf32, #tpu.memory_space<hbm>>
      tpu.enqueue_indirect_dma source(%dma_start3A_93 : memref<10240x128xf32, #tpu.memory_space<hbm>>) target(%arg11 : memref<128x128xf32, #tpu.memory_space<vmem>>) offsets(%dma_start3A_90 : memref<128xi32, #tpu.memory_space<vmem>>) semaphore(%arg16 : memref<!tpu.dma_semaphore, #tpu.memory_space<semaphore_mem>>)
      %dma_start3A_94 = arith.constant 1 : i32
      %dma_start3A_95 = arith.constant 0 : i32
      %dma_start3A_96 = tpu.memref_slice %arg7[%dma_start3A_94, %dma_start3A_95] : memref<8x128xi32, #tpu.memory_space<vmem>> -> memref<1x128xi32, #tpu.memory_space<vmem>>
      %dma_start3A_97 = tpu.memref_squeeze %dma_start3A_96 : memref<1x128xi32, #tpu.memory_space<vmem>> -> memref<128xi32, #tpu.memory_space<vmem>>
      %dma_start3A_98 = arith.constant 0 : i32
      %dma_start3A_99 = arith.constant 0 : i32
      %dma_start3A_100 = tpu.memref_slice %arg2[%dma_start3A_98, %dma_start3A_99] : memref<10240x128xf32, #tpu.memory_space<hbm>> -> memref<10240x128xf32, #tpu.memory_space<hbm>>
      tpu.enqueue_indirect_dma source(%dma_start3A_100 : memref<10240x128xf32, #tpu.memory_space<hbm>>) target(%arg12 : memref<128x128xf32, #tpu.memory_space<vmem>>) offsets(%dma_start3A_97 : memref<128xi32, #tpu.memory_space<vmem>>) semaphore(%arg17 : memref<!tpu.dma_semaphore, #tpu.memory_space<semaphore_mem>>)
      %dma_wait3A_101 = arith.constant 0 : i32
      %dma_wait3A_102 = arith.constant 0 : i32
      %dma_wait3A_103 = tpu.memref_slice %arg7[%dma_wait3A_101, %dma_wait3A_102] : memref<8x128xi32, #tpu.memory_space<vmem>> -> memref<1x128xi32, #tpu.memory_space<vmem>>
      %dma_wait3A_104 = tpu.memref_squeeze %dma_wait3A_103 : memref<1x128xi32, #tpu.memory_space<vmem>> -> memref<128xi32, #tpu.memory_space<vmem>>
      %dma_wait3A_105 = arith.constant 0 : i32
      %dma_wait3A_106 = arith.constant 0 : i32
      %dma_wait3A_107 = tpu.memref_slice %arg2[%dma_wait3A_105, %dma_wait3A_106] : memref<10240x128xf32, #tpu.memory_space<hbm>> -> memref<10240x128xf32, #tpu.memory_space<hbm>>
      tpu.wait_indirect_dma semaphore(%arg16 : memref<!tpu.dma_semaphore, #tpu.memory_space<semaphore_mem>>) src(%dma_wait3A_107 : memref<10240x128xf32, #tpu.memory_space<hbm>>) dst(%arg11 : memref<128x128xf32, #tpu.memory_space<vmem>>)
      %run_scoped3A = arith.constant 0 : i32
      "tpu.region"() ({
        %run_scoped3A_339 = tpu.sem_alloc : memref<!tpu.dma_semaphore, #tpu.memory_space<semaphore_mem>>
        %dma_start3A_340 = arith.constant 0 : i32
        %dma_start3A_341 = tpu.memref_slice %arg8[%run_scoped3A, %dma_start3A_340] : memref<8x128xi32, #tpu.memory_space<vmem>> -> memref<1x128xi32, #tpu.memory_space<vmem>>
        %dma_start3A_342 = tpu.memref_squeeze %dma_start3A_341 : memref<1x128xi32, #tpu.memory_space<vmem>> -> memref<128xi32, #tpu.memory_space<vmem>>
        %dma_start3A_343 = arith.constant 0 : i32
        %dma_start3A_344 = arith.constant 0 : i32
        %dma_start3A_345 = tpu.memref_slice %arg13[%dma_start3A_343, %dma_start3A_344] : memref<10240x128xf32, #tpu.memory_space<vmem_shared>> -> memref<10240x128xf32, #tpu.memory_space<vmem_shared>>
        tpu.enqueue_indirect_dma source(%arg11 : memref<128x128xf32, #tpu.memory_space<vmem>>) target(%dma_start3A_345 : memref<10240x128xf32, #tpu.memory_space<vmem_shared>>) offsets(%dma_start3A_342 : memref<128xi32, #tpu.memory_space<vmem>>) semaphore(%run_scoped3A_339 : memref<!tpu.dma_semaphore, #tpu.memory_space<semaphore_mem>>) {add = true}
        %dma_wait3A_346 = arith.constant 0 : i32
        %dma_wait3A_347 = tpu.memref_slice %arg8[%run_scoped3A, %dma_wait3A_346] : memref<8x128xi32, #tpu.memory_space<vmem>> -> memref<1x128xi32, #tpu.memory_space<vmem>>
        %dma_wait3A_348 = tpu.memref_squeeze %dma_wait3A_347 : memref<1x128xi32, #tpu.memory_space<vmem>> -> memref<128xi32, #tpu.memory_space<vmem>>
        %dma_wait3A_349 = arith.constant 0 : i32
        %dma_wait3A_350 = arith.constant 0 : i32
        %dma_wait3A_351 = tpu.memref_slice %arg13[%dma_wait3A_349, %dma_wait3A_350] : memref<10240x128xf32, #tpu.memory_space<vmem_shared>> -> memref<10240x128xf32, #tpu.memory_space<vmem_shared>>
        tpu.wait_indirect_dma semaphore(%run_scoped3A_339 : memref<!tpu.dma_semaphore, #tpu.memory_space<semaphore_mem>>) src(%arg11 : memref<128x128xf32, #tpu.memory_space<vmem>>) dst(%dma_wait3A_351 : memref<10240x128xf32, #tpu.memory_space<vmem_shared>>)
        tpu.yield
      }) : () -> ()
      %dma_start3A_108 = arith.constant 2 : i32
      %dma_start3A_109 = arith.constant 0 : i32
      %dma_start3A_110 = tpu.memref_slice %arg7[%dma_start3A_108, %dma_start3A_109] : memref<8x128xi32, #tpu.memory_space<vmem>> -> memref<1x128xi32, #tpu.memory_space<vmem>>
      %dma_start3A_111 = tpu.memref_squeeze %dma_start3A_110 : memref<1x128xi32, #tpu.memory_space<vmem>> -> memref<128xi32, #tpu.memory_space<vmem>>
      %dma_start3A_112 = arith.constant 0 : i32
      %dma_start3A_113 = arith.constant 0 : i32
      %dma_start3A_114 = tpu.memref_slice %arg2[%dma_start3A_112, %dma_start3A_113] : memref<10240x128xf32, #tpu.memory_space<hbm>> -> memref<10240x128xf32, #tpu.memory_space<hbm>>
      tpu.enqueue_indirect_dma source(%dma_start3A_114 : memref<10240x128xf32, #tpu.memory_space<hbm>>) target(%arg11 : memref<128x128xf32, #tpu.memory_space<vmem>>) offsets(%dma_start3A_111 : memref<128xi32, #tpu.memory_space<vmem>>) semaphore(%arg16 : memref<!tpu.dma_semaphore, #tpu.memory_space<semaphore_mem>>)
      %dma_wait3A_115 = arith.constant 0 : i32
      %dma_wait3A_116 = arith.constant 0 : i32
      %dma_wait3A_117 = tpu.memref_slice %arg7[%dma_wait3A_115, %dma_wait3A_116] : memref<8x128xi32, #tpu.memory_space<vmem>> -> memref<1x128xi32, #tpu.memory_space<vmem>>
      %dma_wait3A_118 = tpu.memref_squeeze %dma_wait3A_117 : memref<1x128xi32, #tpu.memory_space<vmem>> -> memref<128xi32, #tpu.memory_space<vmem>>
      %dma_wait3A_119 = arith.constant 0 : i32
      %dma_wait3A_120 = arith.constant 0 : i32
      %dma_wait3A_121 = tpu.memref_slice %arg2[%dma_wait3A_119, %dma_wait3A_120] : memref<10240x128xf32, #tpu.memory_space<hbm>> -> memref<10240x128xf32, #tpu.memory_space<hbm>>
      tpu.wait_indirect_dma semaphore(%arg17 : memref<!tpu.dma_semaphore, #tpu.memory_space<semaphore_mem>>) src(%dma_wait3A_121 : memref<10240x128xf32, #tpu.memory_space<hbm>>) dst(%arg12 : memref<128x128xf32, #tpu.memory_space<vmem>>)
      %run_scoped3A_122 = arith.constant 1 : i32
      "tpu.region"() ({
        %run_scoped3A_339 = tpu.sem_alloc : memref<!tpu.dma_semaphore, #tpu.memory_space<semaphore_mem>>
        %dma_start3A_340 = arith.constant 0 : i32
        %dma_start3A_341 = tpu.memref_slice %arg8[%run_scoped3A_122, %dma_start3A_340] : memref<8x128xi32, #tpu.memory_space<vmem>> -> memref<1x128xi32, #tpu.memory_space<vmem>>
        %dma_start3A_342 = tpu.memref_squeeze %dma_start3A_341 : memref<1x128xi32, #tpu.memory_space<vmem>> -> memref<128xi32, #tpu.memory_space<vmem>>
        %dma_start3A_343 = arith.constant 0 : i32
        %dma_start3A_344 = arith.constant 0 : i32
        %dma_start3A_345 = tpu.memref_slice %arg13[%dma_start3A_343, %dma_start3A_344] : memref<10240x128xf32, #tpu.memory_space<vmem_shared>> -> memref<10240x128xf32, #tpu.memory_space<vmem_shared>>
        tpu.enqueue_indirect_dma source(%arg12 : memref<128x128xf32, #tpu.memory_space<vmem>>) target(%dma_start3A_345 : memref<10240x128xf32, #tpu.memory_space<vmem_shared>>) offsets(%dma_start3A_342 : memref<128xi32, #tpu.memory_space<vmem>>) semaphore(%run_scoped3A_339 : memref<!tpu.dma_semaphore, #tpu.memory_space<semaphore_mem>>) {add = true}
        %dma_wait3A_346 = arith.constant 0 : i32
        %dma_wait3A_347 = tpu.memref_slice %arg8[%run_scoped3A_122, %dma_wait3A_346] : memref<8x128xi32, #tpu.memory_space<vmem>> -> memref<1x128xi32, #tpu.memory_space<vmem>>
        %dma_wait3A_348 = tpu.memref_squeeze %dma_wait3A_347 : memref<1x128xi32, #tpu.memory_space<vmem>> -> memref<128xi32, #tpu.memory_space<vmem>>
        %dma_wait3A_349 = arith.constant 0 : i32
        %dma_wait3A_350 = arith.constant 0 : i32
        %dma_wait3A_351 = tpu.memref_slice %arg13[%dma_wait3A_349, %dma_wait3A_350] : memref<10240x128xf32, #tpu.memory_space<vmem_shared>> -> memref<10240x128xf32, #tpu.memory_space<vmem_shared>>
        tpu.wait_indirect_dma semaphore(%run_scoped3A_339 : memref<!tpu.dma_semaphore, #tpu.memory_space<semaphore_mem>>) src(%arg12 : memref<128x128xf32, #tpu.memory_space<vmem>>) dst(%dma_wait3A_351 : memref<10240x128xf32, #tpu.memory_space<vmem_shared>>)
        tpu.yield
      }) : () -> ()
      %dma_start3A_123 = arith.constant 3 : i32
      %dma_start3A_124 = arith.constant 0 : i32
      %dma_start3A_125 = tpu.memref_slice %arg7[%dma_start3A_123, %dma_start3A_124] : memref<8x128xi32, #tpu.memory_space<vmem>> -> memref<1x128xi32, #tpu.memory_space<vmem>>
      %dma_start3A_126 = tpu.memref_squeeze %dma_start3A_125 : memref<1x128xi32, #tpu.memory_space<vmem>> -> memref<128xi32, #tpu.memory_space<vmem>>
      %dma_start3A_127 = arith.constant 0 : i32
      %dma_start3A_128 = arith.constant 0 : i32
      %dma_start3A_129 = tpu.memref_slice %arg2[%dma_start3A_127, %dma_start3A_128] : memref<10240x128xf32, #tpu.memory_space<hbm>> -> memref<10240x128xf32, #tpu.memory_space<hbm>>
      tpu.enqueue_indirect_dma source(%dma_start3A_129 : memref<10240x128xf32, #tpu.memory_space<hbm>>) target(%arg12 : memref<128x128xf32, #tpu.memory_space<vmem>>) offsets(%dma_start3A_126 : memref<128xi32, #tpu.memory_space<vmem>>) semaphore(%arg17 : memref<!tpu.dma_semaphore, #tpu.memory_space<semaphore_mem>>)
      %dma_wait3A_130 = arith.constant 0 : i32
      %dma_wait3A_131 = arith.constant 0 : i32
      %dma_wait3A_132 = tpu.memref_slice %arg7[%dma_wait3A_130, %dma_wait3A_131] : memref<8x128xi32, #tpu.memory_space<vmem>> -> memref<1x128xi32, #tpu.memory_space<vmem>>
      %dma_wait3A_133 = tpu.memref_squeeze %dma_wait3A_132 : memref<1x128xi32, #tpu.memory_space<vmem>> -> memref<128xi32, #tpu.memory_space<vmem>>
      %dma_wait3A_134 = arith.constant 0 : i32
      %dma_wait3A_135 = arith.constant 0 : i32
      %dma_wait3A_136 = tpu.memref_slice %arg2[%dma_wait3A_134, %dma_wait3A_135] : memref<10240x128xf32, #tpu.memory_space<hbm>> -> memref<10240x128xf32, #tpu.memory_space<hbm>>
      tpu.wait_indirect_dma semaphore(%arg16 : memref<!tpu.dma_semaphore, #tpu.memory_space<semaphore_mem>>) src(%dma_wait3A_136 : memref<10240x128xf32, #tpu.memory_space<hbm>>) dst(%arg11 : memref<128x128xf32, #tpu.memory_space<vmem>>)
      %run_scoped3A_137 = arith.constant 2 : i32
      "tpu.region"() ({
        %run_scoped3A_339 = tpu.sem_alloc : memref<!tpu.dma_semaphore, #tpu.memory_space<semaphore_mem>>
        %dma_start3A_340 = arith.constant 0 : i32
        %dma_start3A_341 = tpu.memref_slice %arg8[%run_scoped3A_137, %dma_start3A_340] : memref<8x128xi32, #tpu.memory_space<vmem>> -> memref<1x128xi32, #tpu.memory_space<vmem>>
        %dma_start3A_342 = tpu.memref_squeeze %dma_start3A_341 : memref<1x128xi32, #tpu.memory_space<vmem>> -> memref<128xi32, #tpu.memory_space<vmem>>
        %dma_start3A_343 = arith.constant 0 : i32
        %dma_start3A_344 = arith.constant 0 : i32
        %dma_start3A_345 = tpu.memref_slice %arg13[%dma_start3A_343, %dma_start3A_344] : memref<10240x128xf32, #tpu.memory_space<vmem_shared>> -> memref<10240x128xf32, #tpu.memory_space<vmem_shared>>
        tpu.enqueue_indirect_dma source(%arg11 : memref<128x128xf32, #tpu.memory_space<vmem>>) target(%dma_start3A_345 : memref<10240x128xf32, #tpu.memory_space<vmem_shared>>) offsets(%dma_start3A_342 : memref<128xi32, #tpu.memory_space<vmem>>) semaphore(%run_scoped3A_339 : memref<!tpu.dma_semaphore, #tpu.memory_space<semaphore_mem>>) {add = true}
        %dma_wait3A_346 = arith.constant 0 : i32
        %dma_wait3A_347 = tpu.memref_slice %arg8[%run_scoped3A_137, %dma_wait3A_346] : memref<8x128xi32, #tpu.memory_space<vmem>> -> memref<1x128xi32, #tpu.memory_space<vmem>>
        %dma_wait3A_348 = tpu.memref_squeeze %dma_wait3A_347 : memref<1x128xi32, #tpu.memory_space<vmem>> -> memref<128xi32, #tpu.memory_space<vmem>>
        %dma_wait3A_349 = arith.constant 0 : i32
        %dma_wait3A_350 = arith.constant 0 : i32
        %dma_wait3A_351 = tpu.memref_slice %arg13[%dma_wait3A_349, %dma_wait3A_350] : memref<10240x128xf32, #tpu.memory_space<vmem_shared>> -> memref<10240x128xf32, #tpu.memory_space<vmem_shared>>
        tpu.wait_indirect_dma semaphore(%run_scoped3A_339 : memref<!tpu.dma_semaphore, #tpu.memory_space<semaphore_mem>>) src(%arg11 : memref<128x128xf32, #tpu.memory_space<vmem>>) dst(%dma_wait3A_351 : memref<10240x128xf32, #tpu.memory_space<vmem_shared>>)
        tpu.yield
      }) : () -> ()
      %dma_start3A_138 = arith.constant 4 : i32
      %dma_start3A_139 = arith.constant 0 : i32
      %dma_start3A_140 = tpu.memref_slice %arg7[%dma_start3A_138, %dma_start3A_139] : memref<8x128xi32, #tpu.memory_space<vmem>> -> memref<1x128xi32, #tpu.memory_space<vmem>>
      %dma_start3A_141 = tpu.memref_squeeze %dma_start3A_140 : memref<1x128xi32, #tpu.memory_space<vmem>> -> memref<128xi32, #tpu.memory_space<vmem>>
      %dma_start3A_142 = arith.constant 0 : i32
      %dma_start3A_143 = arith.constant 0 : i32
      %dma_start3A_144 = tpu.memref_slice %arg2[%dma_start3A_142, %dma_start3A_143] : memref<10240x128xf32, #tpu.memory_space<hbm>> -> memref<10240x128xf32, #tpu.memory_space<hbm>>
      tpu.enqueue_indirect_dma source(%dma_start3A_144 : memref<10240x128xf32, #tpu.memory_space<hbm>>) target(%arg11 : memref<128x128xf32, #tpu.memory_space<vmem>>) offsets(%dma_start3A_141 : memref<128xi32, #tpu.memory_space<vmem>>) semaphore(%arg16 : memref<!tpu.dma_semaphore, #tpu.memory_space<semaphore_mem>>)
      %dma_wait3A_145 = arith.constant 0 : i32
      %dma_wait3A_146 = arith.constant 0 : i32
      %dma_wait3A_147 = tpu.memref_slice %arg7[%dma_wait3A_145, %dma_wait3A_146] : memref<8x128xi32, #tpu.memory_space<vmem>> -> memref<1x128xi32, #tpu.memory_space<vmem>>
      %dma_wait3A_148 = tpu.memref_squeeze %dma_wait3A_147 : memref<1x128xi32, #tpu.memory_space<vmem>> -> memref<128xi32, #tpu.memory_space<vmem>>
      %dma_wait3A_149 = arith.constant 0 : i32
      %dma_wait3A_150 = arith.constant 0 : i32
      %dma_wait3A_151 = tpu.memref_slice %arg2[%dma_wait3A_149, %dma_wait3A_150] : memref<10240x128xf32, #tpu.memory_space<hbm>> -> memref<10240x128xf32, #tpu.memory_space<hbm>>
      tpu.wait_indirect_dma semaphore(%arg17 : memref<!tpu.dma_semaphore, #tpu.memory_space<semaphore_mem>>) src(%dma_wait3A_151 : memref<10240x128xf32, #tpu.memory_space<hbm>>) dst(%arg12 : memref<128x128xf32, #tpu.memory_space<vmem>>)
      %run_scoped3A_152 = arith.constant 3 : i32
      "tpu.region"() ({
        %run_scoped3A_339 = tpu.sem_alloc : memref<!tpu.dma_semaphore, #tpu.memory_space<semaphore_mem>>
        %dma_start3A_340 = arith.constant 0 : i32
        %dma_start3A_341 = tpu.memref_slice %arg8[%run_scoped3A_152, %dma_start3A_340] : memref<8x128xi32, #tpu.memory_space<vmem>> -> memref<1x128xi32, #tpu.memory_space<vmem>>
        %dma_start3A_342 = tpu.memref_squeeze %dma_start3A_341 : memref<1x128xi32, #tpu.memory_space<vmem>> -> memref<128xi32, #tpu.memory_space<vmem>>
        %dma_start3A_343 = arith.constant 0 : i32
        %dma_start3A_344 = arith.constant 0 : i32
        %dma_start3A_345 = tpu.memref_slice %arg13[%dma_start3A_343, %dma_start3A_344] : memref<10240x128xf32, #tpu.memory_space<vmem_shared>> -> memref<10240x128xf32, #tpu.memory_space<vmem_shared>>
        tpu.enqueue_indirect_dma source(%arg12 : memref<128x128xf32, #tpu.memory_space<vmem>>) target(%dma_start3A_345 : memref<10240x128xf32, #tpu.memory_space<vmem_shared>>) offsets(%dma_start3A_342 : memref<128xi32, #tpu.memory_space<vmem>>) semaphore(%run_scoped3A_339 : memref<!tpu.dma_semaphore, #tpu.memory_space<semaphore_mem>>) {add = true}
        %dma_wait3A_346 = arith.constant 0 : i32
        %dma_wait3A_347 = tpu.memref_slice %arg8[%run_scoped3A_152, %dma_wait3A_346] : memref<8x128xi32, #tpu.memory_space<vmem>> -> memref<1x128xi32, #tpu.memory_space<vmem>>
        %dma_wait3A_348 = tpu.memref_squeeze %dma_wait3A_347 : memref<1x128xi32, #tpu.memory_space<vmem>> -> memref<128xi32, #tpu.memory_space<vmem>>
        %dma_wait3A_349 = arith.constant 0 : i32
        %dma_wait3A_350 = arith.constant 0 : i32
        %dma_wait3A_351 = tpu.memref_slice %arg13[%dma_wait3A_349, %dma_wait3A_350] : memref<10240x128xf32, #tpu.memory_space<vmem_shared>> -> memref<10240x128xf32, #tpu.memory_space<vmem_shared>>
        tpu.wait_indirect_dma semaphore(%run_scoped3A_339 : memref<!tpu.dma_semaphore, #tpu.memory_space<semaphore_mem>>) src(%arg12 : memref<128x128xf32, #tpu.memory_space<vmem>>) dst(%dma_wait3A_351 : memref<10240x128xf32, #tpu.memory_space<vmem_shared>>)
        tpu.yield
      }) : () -> ()
      %dma_start3A_153 = arith.constant 5 : i32
      %dma_start3A_154 = arith.constant 0 : i32
      %dma_start3A_155 = tpu.memref_slice %arg7[%dma_start3A_153, %dma_start3A_154] : memref<8x128xi32, #tpu.memory_space<vmem>> -> memref<1x128xi32, #tpu.memory_space<vmem>>
      %dma_start3A_156 = tpu.memref_squeeze %dma_start3A_155 : memref<1x128xi32, #tpu.memory_space<vmem>> -> memref<128xi32, #tpu.memory_space<vmem>>
      %dma_start3A_157 = arith.constant 0 : i32
      %dma_start3A_158 = arith.constant 0 : i32
      %dma_start3A_159 = tpu.memref_slice %arg2[%dma_start3A_157, %dma_start3A_158] : memref<10240x128xf32, #tpu.memory_space<hbm>> -> memref<10240x128xf32, #tpu.memory_space<hbm>>
      tpu.enqueue_indirect_dma source(%dma_start3A_159 : memref<10240x128xf32, #tpu.memory_space<hbm>>) target(%arg12 : memref<128x128xf32, #tpu.memory_space<vmem>>) offsets(%dma_start3A_156 : memref<128xi32, #tpu.memory_space<vmem>>) semaphore(%arg17 : memref<!tpu.dma_semaphore, #tpu.memory_space<semaphore_mem>>)
      %dma_wait3A_160 = arith.constant 0 : i32
      %dma_wait3A_161 = arith.constant 0 : i32
      %dma_wait3A_162 = tpu.memref_slice %arg7[%dma_wait3A_160, %dma_wait3A_161] : memref<8x128xi32, #tpu.memory_space<vmem>> -> memref<1x128xi32, #tpu.memory_space<vmem>>
      %dma_wait3A_163 = tpu.memref_squeeze %dma_wait3A_162 : memref<1x128xi32, #tpu.memory_space<vmem>> -> memref<128xi32, #tpu.memory_space<vmem>>
      %dma_wait3A_164 = arith.constant 0 : i32
      %dma_wait3A_165 = arith.constant 0 : i32
      %dma_wait3A_166 = tpu.memref_slice %arg2[%dma_wait3A_164, %dma_wait3A_165] : memref<10240x128xf32, #tpu.memory_space<hbm>> -> memref<10240x128xf32, #tpu.memory_space<hbm>>
      tpu.wait_indirect_dma semaphore(%arg16 : memref<!tpu.dma_semaphore, #tpu.memory_space<semaphore_mem>>) src(%dma_wait3A_166 : memref<10240x128xf32, #tpu.memory_space<hbm>>) dst(%arg11 : memref<128x128xf32, #tpu.memory_space<vmem>>)
      %run_scoped3A_167 = arith.constant 4 : i32
      "tpu.region"() ({
        %run_scoped3A_339 = tpu.sem_alloc : memref<!tpu.dma_semaphore, #tpu.memory_space<semaphore_mem>>
        %dma_start3A_340 = arith.constant 0 : i32
        %dma_start3A_341 = tpu.memref_slice %arg8[%run_scoped3A_167, %dma_start3A_340] : memref<8x128xi32, #tpu.memory_space<vmem>> -> memref<1x128xi32, #tpu.memory_space<vmem>>
        %dma_start3A_342 = tpu.memref_squeeze %dma_start3A_341 : memref<1x128xi32, #tpu.memory_space<vmem>> -> memref<128xi32, #tpu.memory_space<vmem>>
        %dma_start3A_343 = arith.constant 0 : i32
        %dma_start3A_344 = arith.constant 0 : i32
        %dma_start3A_345 = tpu.memref_slice %arg13[%dma_start3A_343, %dma_start3A_344] : memref<10240x128xf32, #tpu.memory_space<vmem_shared>> -> memref<10240x128xf32, #tpu.memory_space<vmem_shared>>
        tpu.enqueue_indirect_dma source(%arg11 : memref<128x128xf32, #tpu.memory_space<vmem>>) target(%dma_start3A_345 : memref<10240x128xf32, #tpu.memory_space<vmem_shared>>) offsets(%dma_start3A_342 : memref<128xi32, #tpu.memory_space<vmem>>) semaphore(%run_scoped3A_339 : memref<!tpu.dma_semaphore, #tpu.memory_space<semaphore_mem>>) {add = true}
        %dma_wait3A_346 = arith.constant 0 : i32
        %dma_wait3A_347 = tpu.memref_slice %arg8[%run_scoped3A_167, %dma_wait3A_346] : memref<8x128xi32, #tpu.memory_space<vmem>> -> memref<1x128xi32, #tpu.memory_space<vmem>>
        %dma_wait3A_348 = tpu.memref_squeeze %dma_wait3A_347 : memref<1x128xi32, #tpu.memory_space<vmem>> -> memref<128xi32, #tpu.memory_space<vmem>>
        %dma_wait3A_349 = arith.constant 0 : i32
        %dma_wait3A_350 = arith.constant 0 : i32
        %dma_wait3A_351 = tpu.memref_slice %arg13[%dma_wait3A_349, %dma_wait3A_350] : memref<10240x128xf32, #tpu.memory_space<vmem_shared>> -> memref<10240x128xf32, #tpu.memory_space<vmem_shared>>
        tpu.wait_indirect_dma semaphore(%run_scoped3A_339 : memref<!tpu.dma_semaphore, #tpu.memory_space<semaphore_mem>>) src(%arg11 : memref<128x128xf32, #tpu.memory_space<vmem>>) dst(%dma_wait3A_351 : memref<10240x128xf32, #tpu.memory_space<vmem_shared>>)
        tpu.yield
      }) : () -> ()
      %dma_start3A_168 = arith.constant 6 : i32
      %dma_start3A_169 = arith.constant 0 : i32
      %dma_start3A_170 = tpu.memref_slice %arg7[%dma_start3A_168, %dma_start3A_169] : memref<8x128xi32, #tpu.memory_space<vmem>> -> memref<1x128xi32, #tpu.memory_space<vmem>>
      %dma_start3A_171 = tpu.memref_squeeze %dma_start3A_170 : memref<1x128xi32, #tpu.memory_space<vmem>> -> memref<128xi32, #tpu.memory_space<vmem>>
      %dma_start3A_172 = arith.constant 0 : i32
      %dma_start3A_173 = arith.constant 0 : i32
      %dma_start3A_174 = tpu.memref_slice %arg2[%dma_start3A_172, %dma_start3A_173] : memref<10240x128xf32, #tpu.memory_space<hbm>> -> memref<10240x128xf32, #tpu.memory_space<hbm>>
      tpu.enqueue_indirect_dma source(%dma_start3A_174 : memref<10240x128xf32, #tpu.memory_space<hbm>>) target(%arg11 : memref<128x128xf32, #tpu.memory_space<vmem>>) offsets(%dma_start3A_171 : memref<128xi32, #tpu.memory_space<vmem>>) semaphore(%arg16 : memref<!tpu.dma_semaphore, #tpu.memory_space<semaphore_mem>>)
      %dma_wait3A_175 = arith.constant 0 : i32
      %dma_wait3A_176 = arith.constant 0 : i32
      %dma_wait3A_177 = tpu.memref_slice %arg7[%dma_wait3A_175, %dma_wait3A_176] : memref<8x128xi32, #tpu.memory_space<vmem>> -> memref<1x128xi32, #tpu.memory_space<vmem>>
      %dma_wait3A_178 = tpu.memref_squeeze %dma_wait3A_177 : memref<1x128xi32, #tpu.memory_space<vmem>> -> memref<128xi32, #tpu.memory_space<vmem>>
      %dma_wait3A_179 = arith.constant 0 : i32
      %dma_wait3A_180 = arith.constant 0 : i32
      %dma_wait3A_181 = tpu.memref_slice %arg2[%dma_wait3A_179, %dma_wait3A_180] : memref<10240x128xf32, #tpu.memory_space<hbm>> -> memref<10240x128xf32, #tpu.memory_space<hbm>>
      tpu.wait_indirect_dma semaphore(%arg17 : memref<!tpu.dma_semaphore, #tpu.memory_space<semaphore_mem>>) src(%dma_wait3A_181 : memref<10240x128xf32, #tpu.memory_space<hbm>>) dst(%arg12 : memref<128x128xf32, #tpu.memory_space<vmem>>)
      %run_scoped3A_182 = arith.constant 5 : i32
      "tpu.region"() ({
        %run_scoped3A_339 = tpu.sem_alloc : memref<!tpu.dma_semaphore, #tpu.memory_space<semaphore_mem>>
        %dma_start3A_340 = arith.constant 0 : i32
        %dma_start3A_341 = tpu.memref_slice %arg8[%run_scoped3A_182, %dma_start3A_340] : memref<8x128xi32, #tpu.memory_space<vmem>> -> memref<1x128xi32, #tpu.memory_space<vmem>>
        %dma_start3A_342 = tpu.memref_squeeze %dma_start3A_341 : memref<1x128xi32, #tpu.memory_space<vmem>> -> memref<128xi32, #tpu.memory_space<vmem>>
        %dma_start3A_343 = arith.constant 0 : i32
        %dma_start3A_344 = arith.constant 0 : i32
        %dma_start3A_345 = tpu.memref_slice %arg13[%dma_start3A_343, %dma_start3A_344] : memref<10240x128xf32, #tpu.memory_space<vmem_shared>> -> memref<10240x128xf32, #tpu.memory_space<vmem_shared>>
        tpu.enqueue_indirect_dma source(%arg12 : memref<128x128xf32, #tpu.memory_space<vmem>>) target(%dma_start3A_345 : memref<10240x128xf32, #tpu.memory_space<vmem_shared>>) offsets(%dma_start3A_342 : memref<128xi32, #tpu.memory_space<vmem>>) semaphore(%run_scoped3A_339 : memref<!tpu.dma_semaphore, #tpu.memory_space<semaphore_mem>>) {add = true}
        %dma_wait3A_346 = arith.constant 0 : i32
        %dma_wait3A_347 = tpu.memref_slice %arg8[%run_scoped3A_182, %dma_wait3A_346] : memref<8x128xi32, #tpu.memory_space<vmem>> -> memref<1x128xi32, #tpu.memory_space<vmem>>
        %dma_wait3A_348 = tpu.memref_squeeze %dma_wait3A_347 : memref<1x128xi32, #tpu.memory_space<vmem>> -> memref<128xi32, #tpu.memory_space<vmem>>
        %dma_wait3A_349 = arith.constant 0 : i32
        %dma_wait3A_350 = arith.constant 0 : i32
        %dma_wait3A_351 = tpu.memref_slice %arg13[%dma_wait3A_349, %dma_wait3A_350] : memref<10240x128xf32, #tpu.memory_space<vmem_shared>> -> memref<10240x128xf32, #tpu.memory_space<vmem_shared>>
        tpu.wait_indirect_dma semaphore(%run_scoped3A_339 : memref<!tpu.dma_semaphore, #tpu.memory_space<semaphore_mem>>) src(%arg12 : memref<128x128xf32, #tpu.memory_space<vmem>>) dst(%dma_wait3A_351 : memref<10240x128xf32, #tpu.memory_space<vmem_shared>>)
        tpu.yield
      }) : () -> ()
      %dma_start3A_183 = arith.constant 7 : i32
      %dma_start3A_184 = arith.constant 0 : i32
      %dma_start3A_185 = tpu.memref_slice %arg7[%dma_start3A_183, %dma_start3A_184] : memref<8x128xi32, #tpu.memory_space<vmem>> -> memref<1x128xi32, #tpu.memory_space<vmem>>
      %dma_start3A_186 = tpu.memref_squeeze %dma_start3A_185 : memref<1x128xi32, #tpu.memory_space<vmem>> -> memref<128xi32, #tpu.memory_space<vmem>>
      %dma_start3A_187 = arith.constant 0 : i32
      %dma_start3A_188 = arith.constant 0 : i32
      %dma_start3A_189 = tpu.memref_slice %arg2[%dma_start3A_187, %dma_start3A_188] : memref<10240x128xf32, #tpu.memory_space<hbm>> -> memref<10240x128xf32, #tpu.memory_space<hbm>>
      tpu.enqueue_indirect_dma source(%dma_start3A_189 : memref<10240x128xf32, #tpu.memory_space<hbm>>) target(%arg12 : memref<128x128xf32, #tpu.memory_space<vmem>>) offsets(%dma_start3A_186 : memref<128xi32, #tpu.memory_space<vmem>>) semaphore(%arg17 : memref<!tpu.dma_semaphore, #tpu.memory_space<semaphore_mem>>)
      %dma_wait3A_190 = arith.constant 0 : i32
      %dma_wait3A_191 = arith.constant 0 : i32
      %dma_wait3A_192 = tpu.memref_slice %arg7[%dma_wait3A_190, %dma_wait3A_191] : memref<8x128xi32, #tpu.memory_space<vmem>> -> memref<1x128xi32, #tpu.memory_space<vmem>>
      %dma_wait3A_193 = tpu.memref_squeeze %dma_wait3A_192 : memref<1x128xi32, #tpu.memory_space<vmem>> -> memref<128xi32, #tpu.memory_space<vmem>>
      %dma_wait3A_194 = arith.constant 0 : i32
      %dma_wait3A_195 = arith.constant 0 : i32
      %dma_wait3A_196 = tpu.memref_slice %arg2[%dma_wait3A_194, %dma_wait3A_195] : memref<10240x128xf32, #tpu.memory_space<hbm>> -> memref<10240x128xf32, #tpu.memory_space<hbm>>
      tpu.wait_indirect_dma semaphore(%arg16 : memref<!tpu.dma_semaphore, #tpu.memory_space<semaphore_mem>>) src(%dma_wait3A_196 : memref<10240x128xf32, #tpu.memory_space<hbm>>) dst(%arg11 : memref<128x128xf32, #tpu.memory_space<vmem>>)
      %run_scoped3A_197 = arith.constant 6 : i32
      "tpu.region"() ({
        %run_scoped3A_339 = tpu.sem_alloc : memref<!tpu.dma_semaphore, #tpu.memory_space<semaphore_mem>>
        %dma_start3A_340 = arith.constant 0 : i32
        %dma_start3A_341 = tpu.memref_slice %arg8[%run_scoped3A_197, %dma_start3A_340] : memref<8x128xi32, #tpu.memory_space<vmem>> -> memref<1x128xi32, #tpu.memory_space<vmem>>
        %dma_start3A_342 = tpu.memref_squeeze %dma_start3A_341 : memref<1x128xi32, #tpu.memory_space<vmem>> -> memref<128xi32, #tpu.memory_space<vmem>>
        %dma_start3A_343 = arith.constant 0 : i32
        %dma_start3A_344 = arith.constant 0 : i32
        %dma_start3A_345 = tpu.memref_slice %arg13[%dma_start3A_343, %dma_start3A_344] : memref<10240x128xf32, #tpu.memory_space<vmem_shared>> -> memref<10240x128xf32, #tpu.memory_space<vmem_shared>>
        tpu.enqueue_indirect_dma source(%arg11 : memref<128x128xf32, #tpu.memory_space<vmem>>) target(%dma_start3A_345 : memref<10240x128xf32, #tpu.memory_space<vmem_shared>>) offsets(%dma_start3A_342 : memref<128xi32, #tpu.memory_space<vmem>>) semaphore(%run_scoped3A_339 : memref<!tpu.dma_semaphore, #tpu.memory_space<semaphore_mem>>) {add = true}
        %dma_wait3A_346 = arith.constant 0 : i32
        %dma_wait3A_347 = tpu.memref_slice %arg8[%run_scoped3A_197, %dma_wait3A_346] : memref<8x128xi32, #tpu.memory_space<vmem>> -> memref<1x128xi32, #tpu.memory_space<vmem>>
        %dma_wait3A_348 = tpu.memref_squeeze %dma_wait3A_347 : memref<1x128xi32, #tpu.memory_space<vmem>> -> memref<128xi32, #tpu.memory_space<vmem>>
        %dma_wait3A_349 = arith.constant 0 : i32
        %dma_wait3A_350 = arith.constant 0 : i32
        %dma_wait3A_351 = tpu.memref_slice %arg13[%dma_wait3A_349, %dma_wait3A_350] : memref<10240x128xf32, #tpu.memory_space<vmem_shared>> -> memref<10240x128xf32, #tpu.memory_space<vmem_shared>>
        tpu.wait_indirect_dma semaphore(%run_scoped3A_339 : memref<!tpu.dma_semaphore, #tpu.memory_space<semaphore_mem>>) src(%arg11 : memref<128x128xf32, #tpu.memory_space<vmem>>) dst(%dma_wait3A_351 : memref<10240x128xf32, #tpu.memory_space<vmem_shared>>)
        tpu.yield
      }) : () -> ()
      %dma_wait3A_198 = arith.constant 0 : i32
      %dma_wait3A_199 = arith.constant 0 : i32
      %dma_wait3A_200 = tpu.memref_slice %arg7[%dma_wait3A_198, %dma_wait3A_199] : memref<8x128xi32, #tpu.memory_space<vmem>> -> memref<1x128xi32, #tpu.memory_space<vmem>>
      %dma_wait3A_201 = tpu.memref_squeeze %dma_wait3A_200 : memref<1x128xi32, #tpu.memory_space<vmem>> -> memref<128xi32, #tpu.memory_space<vmem>>
      %dma_wait3A_202 = arith.constant 0 : i32
      %dma_wait3A_203 = arith.constant 0 : i32
      %dma_wait3A_204 = tpu.memref_slice %arg2[%dma_wait3A_202, %dma_wait3A_203] : memref<10240x128xf32, #tpu.memory_space<hbm>> -> memref<10240x128xf32, #tpu.memory_space<hbm>>
      tpu.wait_indirect_dma semaphore(%arg17 : memref<!tpu.dma_semaphore, #tpu.memory_space<semaphore_mem>>) src(%dma_wait3A_204 : memref<10240x128xf32, #tpu.memory_space<hbm>>) dst(%arg12 : memref<128x128xf32, #tpu.memory_space<vmem>>)
      %run_scoped3A_205 = arith.constant 7 : i32
      "tpu.region"() ({
        %run_scoped3A_339 = tpu.sem_alloc : memref<!tpu.dma_semaphore, #tpu.memory_space<semaphore_mem>>
        %dma_start3A_340 = arith.constant 0 : i32
        %dma_start3A_341 = tpu.memref_slice %arg8[%run_scoped3A_205, %dma_start3A_340] : memref<8x128xi32, #tpu.memory_space<vmem>> -> memref<1x128xi32, #tpu.memory_space<vmem>>
        %dma_start3A_342 = tpu.memref_squeeze %dma_start3A_341 : memref<1x128xi32, #tpu.memory_space<vmem>> -> memref<128xi32, #tpu.memory_space<vmem>>
        %dma_start3A_343 = arith.constant 0 : i32
        %dma_start3A_344 = arith.constant 0 : i32
        %dma_start3A_345 = tpu.memref_slice %arg13[%dma_start3A_343, %dma_start3A_344] : memref<10240x128xf32, #tpu.memory_space<vmem_shared>> -> memref<10240x128xf32, #tpu.memory_space<vmem_shared>>
        tpu.enqueue_indirect_dma source(%arg12 : memref<128x128xf32, #tpu.memory_space<vmem>>) target(%dma_start3A_345 : memref<10240x128xf32, #tpu.memory_space<vmem_shared>>) offsets(%dma_start3A_342 : memref<128xi32, #tpu.memory_space<vmem>>) semaphore(%run_scoped3A_339 : memref<!tpu.dma_semaphore, #tpu.memory_space<semaphore_mem>>) {add = true}
        %dma_wait3A_346 = arith.constant 0 : i32
        %dma_wait3A_347 = tpu.memref_slice %arg8[%run_scoped3A_205, %dma_wait3A_346] : memref<8x128xi32, #tpu.memory_space<vmem>> -> memref<1x128xi32, #tpu.memory_space<vmem>>
        %dma_wait3A_348 = tpu.memref_squeeze %dma_wait3A_347 : memref<1x128xi32, #tpu.memory_space<vmem>> -> memref<128xi32, #tpu.memory_space<vmem>>
        %dma_wait3A_349 = arith.constant 0 : i32
        %dma_wait3A_350 = arith.constant 0 : i32
        %dma_wait3A_351 = tpu.memref_slice %arg13[%dma_wait3A_349, %dma_wait3A_350] : memref<10240x128xf32, #tpu.memory_space<vmem_shared>> -> memref<10240x128xf32, #tpu.memory_space<vmem_shared>>
        tpu.wait_indirect_dma semaphore(%run_scoped3A_339 : memref<!tpu.dma_semaphore, #tpu.memory_space<semaphore_mem>>) src(%arg12 : memref<128x128xf32, #tpu.memory_space<vmem>>) dst(%dma_wait3A_351 : memref<10240x128xf32, #tpu.memory_space<vmem_shared>>)
        tpu.yield
      }) : () -> ()
      %add3A_206 = arith.constant 2 : i32
      %add3A_207 = arith.addi %mul3A_63, %add3A_206 : i32
      %lt3A = arith.cmpi slt, %add3A_207, %select_n3A_20 : i32
      %convert_element_type3A_208 = arith.extui %lt3A : i1 to i32
      %cond3A_209 = arith.constant 0 : i32
      %cond3A_210 = arith.cmpi ne, %convert_element_type3A_208, %cond3A_209 : i32
      scf.if %cond3A_210 {
        %add3A_339 = arith.constant 2 : i32
        %add3A_340 = arith.addi %mul3A_63, %add3A_339 : i32
        %mul3A_341 = arith.constant 8 : i32
        %mul3A_342 = arith.muli %add3A_340, %mul3A_341 : i32
        %add3A_343 = arith.addi %select_n3A, %mul3A_342 : i32
        %dma_start3A_344 = arith.constant 0 : i32
        %dma_start3A_345 = tpu.memref_slice %arg3[%add3A_343, %dma_start3A_344] : memref<2560x128xi32, #tpu.memory_space<hbm>> -> memref<8x128xi32, #tpu.memory_space<hbm>>
        %dma_start3A_346 = arith.constant 0 : i32
        %dma_start3A_347 = tpu.memref_slice %arg3[%add3A_343, %dma_start3A_346] : memref<2560x128xi32, #tpu.memory_space<hbm>> -> memref<8x128xi32, #tpu.memory_space<hbm>>
        tpu.enqueue_dma source(%dma_start3A_347 : memref<8x128xi32, #tpu.memory_space<hbm>>) target(%arg7 : memref<8x128xi32, #tpu.memory_space<vmem>>) target_semaphore(%arg14 : memref<!tpu.dma_semaphore, #tpu.memory_space<semaphore_mem>>)
        %mul3A_348 = arith.constant 8 : i32
        %mul3A_349 = arith.muli %add3A_340, %mul3A_348 : i32
        %add3A_350 = arith.addi %select_n3A, %mul3A_349 : i32
        %dma_start3A_351 = arith.constant 0 : i32
        %dma_start3A_352 = tpu.memref_slice %arg4[%add3A_350, %dma_start3A_351] : memref<2560x128xi32, #tpu.memory_space<hbm>> -> memref<8x128xi32, #tpu.memory_space<hbm>>
        %dma_start3A_353 = arith.constant 0 : i32
        %dma_start3A_354 = tpu.memref_slice %arg4[%add3A_350, %dma_start3A_353] : memref<2560x128xi32, #tpu.memory_space<hbm>> -> memref<8x128xi32, #tpu.memory_space<hbm>>
        tpu.enqueue_dma source(%dma_start3A_354 : memref<8x128xi32, #tpu.memory_space<hbm>>) target(%arg8 : memref<8x128xi32, #tpu.memory_space<vmem>>) target_semaphore(%arg14 : memref<!tpu.dma_semaphore, #tpu.memory_space<semaphore_mem>>)
      } else {
      }
      %dma_wait3A_211 = arith.constant 0 : i32
      %dma_wait3A_212 = tpu.memref_slice %arg3[%select_n3A, %dma_wait3A_211] : memref<2560x128xi32, #tpu.memory_space<hbm>> -> memref<8x128xi32, #tpu.memory_space<hbm>>
      %dma_wait3A_213 = arith.constant 0 : i32
      %dma_wait3A_214 = tpu.memref_slice %arg3[%select_n3A, %dma_wait3A_213] : memref<2560x128xi32, #tpu.memory_space<hbm>> -> memref<8x128xi32, #tpu.memory_space<hbm>>
      tpu.wait_dma2 semaphore(%arg15 : memref<!tpu.dma_semaphore, #tpu.memory_space<semaphore_mem>>) src(%dma_wait3A_214 : memref<8x128xi32, #tpu.memory_space<hbm>>) dst(%arg9 : memref<8x128xi32, #tpu.memory_space<vmem>>)
      %dma_wait3A_215 = arith.constant 0 : i32
      %dma_wait3A_216 = tpu.memref_slice %arg3[%select_n3A, %dma_wait3A_215] : memref<2560x128xi32, #tpu.memory_space<hbm>> -> memref<8x128xi32, #tpu.memory_space<hbm>>
      %dma_wait3A_217 = arith.constant 0 : i32
      %dma_wait3A_218 = tpu.memref_slice %arg3[%select_n3A, %dma_wait3A_217] : memref<2560x128xi32, #tpu.memory_space<hbm>> -> memref<8x128xi32, #tpu.memory_space<hbm>>
      tpu.wait_dma2 semaphore(%arg15 : memref<!tpu.dma_semaphore, #tpu.memory_space<semaphore_mem>>) src(%dma_wait3A_218 : memref<8x128xi32, #tpu.memory_space<hbm>>) dst(%arg10 : memref<8x128xi32, #tpu.memory_space<vmem>>)
      %dma_start3A_219 = arith.constant 0 : i32
      %dma_start3A_220 = arith.constant 0 : i32
      %dma_start3A_221 = tpu.memref_slice %arg9[%dma_start3A_219, %dma_start3A_220] : memref<8x128xi32, #tpu.memory_space<vmem>> -> memref<1x128xi32, #tpu.memory_space<vmem>>
      %dma_start3A_222 = tpu.memref_squeeze %dma_start3A_221 : memref<1x128xi32, #tpu.memory_space<vmem>> -> memref<128xi32, #tpu.memory_space<vmem>>
      %dma_start3A_223 = arith.constant 0 : i32
      %dma_start3A_224 = arith.constant 0 : i32
      %dma_start3A_225 = tpu.memref_slice %arg2[%dma_start3A_223, %dma_start3A_224] : memref<10240x128xf32, #tpu.memory_space<hbm>> -> memref<10240x128xf32, #tpu.memory_space<hbm>>
      tpu.enqueue_indirect_dma source(%dma_start3A_225 : memref<10240x128xf32, #tpu.memory_space<hbm>>) target(%arg11 : memref<128x128xf32, #tpu.memory_space<vmem>>) offsets(%dma_start3A_222 : memref<128xi32, #tpu.memory_space<vmem>>) semaphore(%arg16 : memref<!tpu.dma_semaphore, #tpu.memory_space<semaphore_mem>>)
      %dma_start3A_226 = arith.constant 1 : i32
      %dma_start3A_227 = arith.constant 0 : i32
      %dma_start3A_228 = tpu.memref_slice %arg9[%dma_start3A_226, %dma_start3A_227] : memref<8x128xi32, #tpu.memory_space<vmem>> -> memref<1x128xi32, #tpu.memory_space<vmem>>
      %dma_start3A_229 = tpu.memref_squeeze %dma_start3A_228 : memref<1x128xi32, #tpu.memory_space<vmem>> -> memref<128xi32, #tpu.memory_space<vmem>>
      %dma_start3A_230 = arith.constant 0 : i32
      %dma_start3A_231 = arith.constant 0 : i32
      %dma_start3A_232 = tpu.memref_slice %arg2[%dma_start3A_230, %dma_start3A_231] : memref<10240x128xf32, #tpu.memory_space<hbm>> -> memref<10240x128xf32, #tpu.memory_space<hbm>>
      tpu.enqueue_indirect_dma source(%dma_start3A_232 : memref<10240x128xf32, #tpu.memory_space<hbm>>) target(%arg12 : memref<128x128xf32, #tpu.memory_space<vmem>>) offsets(%dma_start3A_229 : memref<128xi32, #tpu.memory_space<vmem>>) semaphore(%arg17 : memref<!tpu.dma_semaphore, #tpu.memory_space<semaphore_mem>>)
      %dma_wait3A_233 = arith.constant 0 : i32
      %dma_wait3A_234 = arith.constant 0 : i32
      %dma_wait3A_235 = tpu.memref_slice %arg9[%dma_wait3A_233, %dma_wait3A_234] : memref<8x128xi32, #tpu.memory_space<vmem>> -> memref<1x128xi32, #tpu.memory_space<vmem>>
      %dma_wait3A_236 = tpu.memref_squeeze %dma_wait3A_235 : memref<1x128xi32, #tpu.memory_space<vmem>> -> memref<128xi32, #tpu.memory_space<vmem>>
      %dma_wait3A_237 = arith.constant 0 : i32
      %dma_wait3A_238 = arith.constant 0 : i32
      %dma_wait3A_239 = tpu.memref_slice %arg2[%dma_wait3A_237, %dma_wait3A_238] : memref<10240x128xf32, #tpu.memory_space<hbm>> -> memref<10240x128xf32, #tpu.memory_space<hbm>>
      tpu.wait_indirect_dma semaphore(%arg16 : memref<!tpu.dma_semaphore, #tpu.memory_space<semaphore_mem>>) src(%dma_wait3A_239 : memref<10240x128xf32, #tpu.memory_space<hbm>>) dst(%arg11 : memref<128x128xf32, #tpu.memory_space<vmem>>)
      %run_scoped3A_240 = arith.constant 0 : i32
      "tpu.region"() ({
        %run_scoped3A_339 = tpu.sem_alloc : memref<!tpu.dma_semaphore, #tpu.memory_space<semaphore_mem>>
        %dma_start3A_340 = arith.constant 0 : i32
        %dma_start3A_341 = tpu.memref_slice %arg10[%run_scoped3A_240, %dma_start3A_340] : memref<8x128xi32, #tpu.memory_space<vmem>> -> memref<1x128xi32, #tpu.memory_space<vmem>>
        %dma_start3A_342 = tpu.memref_squeeze %dma_start3A_341 : memref<1x128xi32, #tpu.memory_space<vmem>> -> memref<128xi32, #tpu.memory_space<vmem>>
        %dma_start3A_343 = arith.constant 0 : i32
        %dma_start3A_344 = arith.constant 0 : i32
        %dma_start3A_345 = tpu.memref_slice %arg13[%dma_start3A_343, %dma_start3A_344] : memref<10240x128xf32, #tpu.memory_space<vmem_shared>> -> memref<10240x128xf32, #tpu.memory_space<vmem_shared>>
        tpu.enqueue_indirect_dma source(%arg11 : memref<128x128xf32, #tpu.memory_space<vmem>>) target(%dma_start3A_345 : memref<10240x128xf32, #tpu.memory_space<vmem_shared>>) offsets(%dma_start3A_342 : memref<128xi32, #tpu.memory_space<vmem>>) semaphore(%run_scoped3A_339 : memref<!tpu.dma_semaphore, #tpu.memory_space<semaphore_mem>>) {add = true}
        %dma_wait3A_346 = arith.constant 0 : i32
        %dma_wait3A_347 = tpu.memref_slice %arg10[%run_scoped3A_240, %dma_wait3A_346] : memref<8x128xi32, #tpu.memory_space<vmem>> -> memref<1x128xi32, #tpu.memory_space<vmem>>
        %dma_wait3A_348 = tpu.memref_squeeze %dma_wait3A_347 : memref<1x128xi32, #tpu.memory_space<vmem>> -> memref<128xi32, #tpu.memory_space<vmem>>
        %dma_wait3A_349 = arith.constant 0 : i32
        %dma_wait3A_350 = arith.constant 0 : i32
        %dma_wait3A_351 = tpu.memref_slice %arg13[%dma_wait3A_349, %dma_wait3A_350] : memref<10240x128xf32, #tpu.memory_space<vmem_shared>> -> memref<10240x128xf32, #tpu.memory_space<vmem_shared>>
        tpu.wait_indirect_dma semaphore(%run_scoped3A_339 : memref<!tpu.dma_semaphore, #tpu.memory_space<semaphore_mem>>) src(%arg11 : memref<128x128xf32, #tpu.memory_space<vmem>>) dst(%dma_wait3A_351 : memref<10240x128xf32, #tpu.memory_space<vmem_shared>>)
        tpu.yield
      }) : () -> ()
      %dma_start3A_241 = arith.constant 2 : i32
      %dma_start3A_242 = arith.constant 0 : i32
      %dma_start3A_243 = tpu.memref_slice %arg9[%dma_start3A_241, %dma_start3A_242] : memref<8x128xi32, #tpu.memory_space<vmem>> -> memref<1x128xi32, #tpu.memory_space<vmem>>
      %dma_start3A_244 = tpu.memref_squeeze %dma_start3A_243 : memref<1x128xi32, #tpu.memory_space<vmem>> -> memref<128xi32, #tpu.memory_space<vmem>>
      %dma_start3A_245 = arith.constant 0 : i32
      %dma_start3A_246 = arith.constant 0 : i32
      %dma_start3A_247 = tpu.memref_slice %arg2[%dma_start3A_245, %dma_start3A_246] : memref<10240x128xf32, #tpu.memory_space<hbm>> -> memref<10240x128xf32, #tpu.memory_space<hbm>>
      tpu.enqueue_indirect_dma source(%dma_start3A_247 : memref<10240x128xf32, #tpu.memory_space<hbm>>) target(%arg11 : memref<128x128xf32, #tpu.memory_space<vmem>>) offsets(%dma_start3A_244 : memref<128xi32, #tpu.memory_space<vmem>>) semaphore(%arg16 : memref<!tpu.dma_semaphore, #tpu.memory_space<semaphore_mem>>)
      %dma_wait3A_248 = arith.constant 0 : i32
      %dma_wait3A_249 = arith.constant 0 : i32
      %dma_wait3A_250 = tpu.memref_slice %arg9[%dma_wait3A_248, %dma_wait3A_249] : memref<8x128xi32, #tpu.memory_space<vmem>> -> memref<1x128xi32, #tpu.memory_space<vmem>>
      %dma_wait3A_251 = tpu.memref_squeeze %dma_wait3A_250 : memref<1x128xi32, #tpu.memory_space<vmem>> -> memref<128xi32, #tpu.memory_space<vmem>>
      %dma_wait3A_252 = arith.constant 0 : i32
      %dma_wait3A_253 = arith.constant 0 : i32
      %dma_wait3A_254 = tpu.memref_slice %arg2[%dma_wait3A_252, %dma_wait3A_253] : memref<10240x128xf32, #tpu.memory_space<hbm>> -> memref<10240x128xf32, #tpu.memory_space<hbm>>
      tpu.wait_indirect_dma semaphore(%arg17 : memref<!tpu.dma_semaphore, #tpu.memory_space<semaphore_mem>>) src(%dma_wait3A_254 : memref<10240x128xf32, #tpu.memory_space<hbm>>) dst(%arg12 : memref<128x128xf32, #tpu.memory_space<vmem>>)
      %run_scoped3A_255 = arith.constant 1 : i32
      "tpu.region"() ({
        %run_scoped3A_339 = tpu.sem_alloc : memref<!tpu.dma_semaphore, #tpu.memory_space<semaphore_mem>>
        %dma_start3A_340 = arith.constant 0 : i32
        %dma_start3A_341 = tpu.memref_slice %arg10[%run_scoped3A_255, %dma_start3A_340] : memref<8x128xi32, #tpu.memory_space<vmem>> -> memref<1x128xi32, #tpu.memory_space<vmem>>
        %dma_start3A_342 = tpu.memref_squeeze %dma_start3A_341 : memref<1x128xi32, #tpu.memory_space<vmem>> -> memref<128xi32, #tpu.memory_space<vmem>>
        %dma_start3A_343 = arith.constant 0 : i32
        %dma_start3A_344 = arith.constant 0 : i32
        %dma_start3A_345 = tpu.memref_slice %arg13[%dma_start3A_343, %dma_start3A_344] : memref<10240x128xf32, #tpu.memory_space<vmem_shared>> -> memref<10240x128xf32, #tpu.memory_space<vmem_shared>>
        tpu.enqueue_indirect_dma source(%arg12 : memref<128x128xf32, #tpu.memory_space<vmem>>) target(%dma_start3A_345 : memref<10240x128xf32, #tpu.memory_space<vmem_shared>>) offsets(%dma_start3A_342 : memref<128xi32, #tpu.memory_space<vmem>>) semaphore(%run_scoped3A_339 : memref<!tpu.dma_semaphore, #tpu.memory_space<semaphore_mem>>) {add = true}
        %dma_wait3A_346 = arith.constant 0 : i32
        %dma_wait3A_347 = tpu.memref_slice %arg10[%run_scoped3A_255, %dma_wait3A_346] : memref<8x128xi32, #tpu.memory_space<vmem>> -> memref<1x128xi32, #tpu.memory_space<vmem>>
        %dma_wait3A_348 = tpu.memref_squeeze %dma_wait3A_347 : memref<1x128xi32, #tpu.memory_space<vmem>> -> memref<128xi32, #tpu.memory_space<vmem>>
        %dma_wait3A_349 = arith.constant 0 : i32
        %dma_wait3A_350 = arith.constant 0 : i32
        %dma_wait3A_351 = tpu.memref_slice %arg13[%dma_wait3A_349, %dma_wait3A_350] : memref<10240x128xf32, #tpu.memory_space<vmem_shared>> -> memref<10240x128xf32, #tpu.memory_space<vmem_shared>>
        tpu.wait_indirect_dma semaphore(%run_scoped3A_339 : memref<!tpu.dma_semaphore, #tpu.memory_space<semaphore_mem>>) src(%arg12 : memref<128x128xf32, #tpu.memory_space<vmem>>) dst(%dma_wait3A_351 : memref<10240x128xf32, #tpu.memory_space<vmem_shared>>)
        tpu.yield
      }) : () -> ()
      %dma_start3A_256 = arith.constant 3 : i32
      %dma_start3A_257 = arith.constant 0 : i32
      %dma_start3A_258 = tpu.memref_slice %arg9[%dma_start3A_256, %dma_start3A_257] : memref<8x128xi32, #tpu.memory_space<vmem>> -> memref<1x128xi32, #tpu.memory_space<vmem>>
      %dma_start3A_259 = tpu.memref_squeeze %dma_start3A_258 : memref<1x128xi32, #tpu.memory_space<vmem>> -> memref<128xi32, #tpu.memory_space<vmem>>
      %dma_start3A_260 = arith.constant 0 : i32
      %dma_start3A_261 = arith.constant 0 : i32
      %dma_start3A_262 = tpu.memref_slice %arg2[%dma_start3A_260, %dma_start3A_261] : memref<10240x128xf32, #tpu.memory_space<hbm>> -> memref<10240x128xf32, #tpu.memory_space<hbm>>
      tpu.enqueue_indirect_dma source(%dma_start3A_262 : memref<10240x128xf32, #tpu.memory_space<hbm>>) target(%arg12 : memref<128x128xf32, #tpu.memory_space<vmem>>) offsets(%dma_start3A_259 : memref<128xi32, #tpu.memory_space<vmem>>) semaphore(%arg17 : memref<!tpu.dma_semaphore, #tpu.memory_space<semaphore_mem>>)
      %dma_wait3A_263 = arith.constant 0 : i32
      %dma_wait3A_264 = arith.constant 0 : i32
      %dma_wait3A_265 = tpu.memref_slice %arg9[%dma_wait3A_263, %dma_wait3A_264] : memref<8x128xi32, #tpu.memory_space<vmem>> -> memref<1x128xi32, #tpu.memory_space<vmem>>
      %dma_wait3A_266 = tpu.memref_squeeze %dma_wait3A_265 : memref<1x128xi32, #tpu.memory_space<vmem>> -> memref<128xi32, #tpu.memory_space<vmem>>
      %dma_wait3A_267 = arith.constant 0 : i32
      %dma_wait3A_268 = arith.constant 0 : i32
      %dma_wait3A_269 = tpu.memref_slice %arg2[%dma_wait3A_267, %dma_wait3A_268] : memref<10240x128xf32, #tpu.memory_space<hbm>> -> memref<10240x128xf32, #tpu.memory_space<hbm>>
      tpu.wait_indirect_dma semaphore(%arg16 : memref<!tpu.dma_semaphore, #tpu.memory_space<semaphore_mem>>) src(%dma_wait3A_269 : memref<10240x128xf32, #tpu.memory_space<hbm>>) dst(%arg11 : memref<128x128xf32, #tpu.memory_space<vmem>>)
      %run_scoped3A_270 = arith.constant 2 : i32
      "tpu.region"() ({
        %run_scoped3A_339 = tpu.sem_alloc : memref<!tpu.dma_semaphore, #tpu.memory_space<semaphore_mem>>
        %dma_start3A_340 = arith.constant 0 : i32
        %dma_start3A_341 = tpu.memref_slice %arg10[%run_scoped3A_270, %dma_start3A_340] : memref<8x128xi32, #tpu.memory_space<vmem>> -> memref<1x128xi32, #tpu.memory_space<vmem>>
        %dma_start3A_342 = tpu.memref_squeeze %dma_start3A_341 : memref<1x128xi32, #tpu.memory_space<vmem>> -> memref<128xi32, #tpu.memory_space<vmem>>
        %dma_start3A_343 = arith.constant 0 : i32
        %dma_start3A_344 = arith.constant 0 : i32
        %dma_start3A_345 = tpu.memref_slice %arg13[%dma_start3A_343, %dma_start3A_344] : memref<10240x128xf32, #tpu.memory_space<vmem_shared>> -> memref<10240x128xf32, #tpu.memory_space<vmem_shared>>
        tpu.enqueue_indirect_dma source(%arg11 : memref<128x128xf32, #tpu.memory_space<vmem>>) target(%dma_start3A_345 : memref<10240x128xf32, #tpu.memory_space<vmem_shared>>) offsets(%dma_start3A_342 : memref<128xi32, #tpu.memory_space<vmem>>) semaphore(%run_scoped3A_339 : memref<!tpu.dma_semaphore, #tpu.memory_space<semaphore_mem>>) {add = true}
        %dma_wait3A_346 = arith.constant 0 : i32
        %dma_wait3A_347 = tpu.memref_slice %arg10[%run_scoped3A_270, %dma_wait3A_346] : memref<8x128xi32, #tpu.memory_space<vmem>> -> memref<1x128xi32, #tpu.memory_space<vmem>>
        %dma_wait3A_348 = tpu.memref_squeeze %dma_wait3A_347 : memref<1x128xi32, #tpu.memory_space<vmem>> -> memref<128xi32, #tpu.memory_space<vmem>>
        %dma_wait3A_349 = arith.constant 0 : i32
        %dma_wait3A_350 = arith.constant 0 : i32
        %dma_wait3A_351 = tpu.memref_slice %arg13[%dma_wait3A_349, %dma_wait3A_350] : memref<10240x128xf32, #tpu.memory_space<vmem_shared>> -> memref<10240x128xf32, #tpu.memory_space<vmem_shared>>
        tpu.wait_indirect_dma semaphore(%run_scoped3A_339 : memref<!tpu.dma_semaphore, #tpu.memory_space<semaphore_mem>>) src(%arg11 : memref<128x128xf32, #tpu.memory_space<vmem>>) dst(%dma_wait3A_351 : memref<10240x128xf32, #tpu.memory_space<vmem_shared>>)
        tpu.yield
      }) : () -> ()
      %dma_start3A_271 = arith.constant 4 : i32
      %dma_start3A_272 = arith.constant 0 : i32
      %dma_start3A_273 = tpu.memref_slice %arg9[%dma_start3A_271, %dma_start3A_272] : memref<8x128xi32, #tpu.memory_space<vmem>> -> memref<1x128xi32, #tpu.memory_space<vmem>>
      %dma_start3A_274 = tpu.memref_squeeze %dma_start3A_273 : memref<1x128xi32, #tpu.memory_space<vmem>> -> memref<128xi32, #tpu.memory_space<vmem>>
      %dma_start3A_275 = arith.constant 0 : i32
      %dma_start3A_276 = arith.constant 0 : i32
      %dma_start3A_277 = tpu.memref_slice %arg2[%dma_start3A_275, %dma_start3A_276] : memref<10240x128xf32, #tpu.memory_space<hbm>> -> memref<10240x128xf32, #tpu.memory_space<hbm>>
      tpu.enqueue_indirect_dma source(%dma_start3A_277 : memref<10240x128xf32, #tpu.memory_space<hbm>>) target(%arg11 : memref<128x128xf32, #tpu.memory_space<vmem>>) offsets(%dma_start3A_274 : memref<128xi32, #tpu.memory_space<vmem>>) semaphore(%arg16 : memref<!tpu.dma_semaphore, #tpu.memory_space<semaphore_mem>>)
      %dma_wait3A_278 = arith.constant 0 : i32
      %dma_wait3A_279 = arith.constant 0 : i32
      %dma_wait3A_280 = tpu.memref_slice %arg9[%dma_wait3A_278, %dma_wait3A_279] : memref<8x128xi32, #tpu.memory_space<vmem>> -> memref<1x128xi32, #tpu.memory_space<vmem>>
      %dma_wait3A_281 = tpu.memref_squeeze %dma_wait3A_280 : memref<1x128xi32, #tpu.memory_space<vmem>> -> memref<128xi32, #tpu.memory_space<vmem>>
      %dma_wait3A_282 = arith.constant 0 : i32
      %dma_wait3A_283 = arith.constant 0 : i32
      %dma_wait3A_284 = tpu.memref_slice %arg2[%dma_wait3A_282, %dma_wait3A_283] : memref<10240x128xf32, #tpu.memory_space<hbm>> -> memref<10240x128xf32, #tpu.memory_space<hbm>>
      tpu.wait_indirect_dma semaphore(%arg17 : memref<!tpu.dma_semaphore, #tpu.memory_space<semaphore_mem>>) src(%dma_wait3A_284 : memref<10240x128xf32, #tpu.memory_space<hbm>>) dst(%arg12 : memref<128x128xf32, #tpu.memory_space<vmem>>)
      %run_scoped3A_285 = arith.constant 3 : i32
      "tpu.region"() ({
        %run_scoped3A_339 = tpu.sem_alloc : memref<!tpu.dma_semaphore, #tpu.memory_space<semaphore_mem>>
        %dma_start3A_340 = arith.constant 0 : i32
        %dma_start3A_341 = tpu.memref_slice %arg10[%run_scoped3A_285, %dma_start3A_340] : memref<8x128xi32, #tpu.memory_space<vmem>> -> memref<1x128xi32, #tpu.memory_space<vmem>>
        %dma_start3A_342 = tpu.memref_squeeze %dma_start3A_341 : memref<1x128xi32, #tpu.memory_space<vmem>> -> memref<128xi32, #tpu.memory_space<vmem>>
        %dma_start3A_343 = arith.constant 0 : i32
        %dma_start3A_344 = arith.constant 0 : i32
        %dma_start3A_345 = tpu.memref_slice %arg13[%dma_start3A_343, %dma_start3A_344] : memref<10240x128xf32, #tpu.memory_space<vmem_shared>> -> memref<10240x128xf32, #tpu.memory_space<vmem_shared>>
        tpu.enqueue_indirect_dma source(%arg12 : memref<128x128xf32, #tpu.memory_space<vmem>>) target(%dma_start3A_345 : memref<10240x128xf32, #tpu.memory_space<vmem_shared>>) offsets(%dma_start3A_342 : memref<128xi32, #tpu.memory_space<vmem>>) semaphore(%run_scoped3A_339 : memref<!tpu.dma_semaphore, #tpu.memory_space<semaphore_mem>>) {add = true}
        %dma_wait3A_346 = arith.constant 0 : i32
        %dma_wait3A_347 = tpu.memref_slice %arg10[%run_scoped3A_285, %dma_wait3A_346] : memref<8x128xi32, #tpu.memory_space<vmem>> -> memref<1x128xi32, #tpu.memory_space<vmem>>
        %dma_wait3A_348 = tpu.memref_squeeze %dma_wait3A_347 : memref<1x128xi32, #tpu.memory_space<vmem>> -> memref<128xi32, #tpu.memory_space<vmem>>
        %dma_wait3A_349 = arith.constant 0 : i32
        %dma_wait3A_350 = arith.constant 0 : i32
        %dma_wait3A_351 = tpu.memref_slice %arg13[%dma_wait3A_349, %dma_wait3A_350] : memref<10240x128xf32, #tpu.memory_space<vmem_shared>> -> memref<10240x128xf32, #tpu.memory_space<vmem_shared>>
        tpu.wait_indirect_dma semaphore(%run_scoped3A_339 : memref<!tpu.dma_semaphore, #tpu.memory_space<semaphore_mem>>) src(%arg12 : memref<128x128xf32, #tpu.memory_space<vmem>>) dst(%dma_wait3A_351 : memref<10240x128xf32, #tpu.memory_space<vmem_shared>>)
        tpu.yield
      }) : () -> ()
      %dma_start3A_286 = arith.constant 5 : i32
      %dma_start3A_287 = arith.constant 0 : i32
      %dma_start3A_288 = tpu.memref_slice %arg9[%dma_start3A_286, %dma_start3A_287] : memref<8x128xi32, #tpu.memory_space<vmem>> -> memref<1x128xi32, #tpu.memory_space<vmem>>
      %dma_start3A_289 = tpu.memref_squeeze %dma_start3A_288 : memref<1x128xi32, #tpu.memory_space<vmem>> -> memref<128xi32, #tpu.memory_space<vmem>>
      %dma_start3A_290 = arith.constant 0 : i32
      %dma_start3A_291 = arith.constant 0 : i32
      %dma_start3A_292 = tpu.memref_slice %arg2[%dma_start3A_290, %dma_start3A_291] : memref<10240x128xf32, #tpu.memory_space<hbm>> -> memref<10240x128xf32, #tpu.memory_space<hbm>>
      tpu.enqueue_indirect_dma source(%dma_start3A_292 : memref<10240x128xf32, #tpu.memory_space<hbm>>) target(%arg12 : memref<128x128xf32, #tpu.memory_space<vmem>>) offsets(%dma_start3A_289 : memref<128xi32, #tpu.memory_space<vmem>>) semaphore(%arg17 : memref<!tpu.dma_semaphore, #tpu.memory_space<semaphore_mem>>)
      %dma_wait3A_293 = arith.constant 0 : i32
      %dma_wait3A_294 = arith.constant 0 : i32
      %dma_wait3A_295 = tpu.memref_slice %arg9[%dma_wait3A_293, %dma_wait3A_294] : memref<8x128xi32, #tpu.memory_space<vmem>> -> memref<1x128xi32, #tpu.memory_space<vmem>>
      %dma_wait3A_296 = tpu.memref_squeeze %dma_wait3A_295 : memref<1x128xi32, #tpu.memory_space<vmem>> -> memref<128xi32, #tpu.memory_space<vmem>>
      %dma_wait3A_297 = arith.constant 0 : i32
      %dma_wait3A_298 = arith.constant 0 : i32
      %dma_wait3A_299 = tpu.memref_slice %arg2[%dma_wait3A_297, %dma_wait3A_298] : memref<10240x128xf32, #tpu.memory_space<hbm>> -> memref<10240x128xf32, #tpu.memory_space<hbm>>
      tpu.wait_indirect_dma semaphore(%arg16 : memref<!tpu.dma_semaphore, #tpu.memory_space<semaphore_mem>>) src(%dma_wait3A_299 : memref<10240x128xf32, #tpu.memory_space<hbm>>) dst(%arg11 : memref<128x128xf32, #tpu.memory_space<vmem>>)
      %run_scoped3A_300 = arith.constant 4 : i32
      "tpu.region"() ({
        %run_scoped3A_339 = tpu.sem_alloc : memref<!tpu.dma_semaphore, #tpu.memory_space<semaphore_mem>>
        %dma_start3A_340 = arith.constant 0 : i32
        %dma_start3A_341 = tpu.memref_slice %arg10[%run_scoped3A_300, %dma_start3A_340] : memref<8x128xi32, #tpu.memory_space<vmem>> -> memref<1x128xi32, #tpu.memory_space<vmem>>
        %dma_start3A_342 = tpu.memref_squeeze %dma_start3A_341 : memref<1x128xi32, #tpu.memory_space<vmem>> -> memref<128xi32, #tpu.memory_space<vmem>>
        %dma_start3A_343 = arith.constant 0 : i32
        %dma_start3A_344 = arith.constant 0 : i32
        %dma_start3A_345 = tpu.memref_slice %arg13[%dma_start3A_343, %dma_start3A_344] : memref<10240x128xf32, #tpu.memory_space<vmem_shared>> -> memref<10240x128xf32, #tpu.memory_space<vmem_shared>>
        tpu.enqueue_indirect_dma source(%arg11 : memref<128x128xf32, #tpu.memory_space<vmem>>) target(%dma_start3A_345 : memref<10240x128xf32, #tpu.memory_space<vmem_shared>>) offsets(%dma_start3A_342 : memref<128xi32, #tpu.memory_space<vmem>>) semaphore(%run_scoped3A_339 : memref<!tpu.dma_semaphore, #tpu.memory_space<semaphore_mem>>) {add = true}
        %dma_wait3A_346 = arith.constant 0 : i32
        %dma_wait3A_347 = tpu.memref_slice %arg10[%run_scoped3A_300, %dma_wait3A_346] : memref<8x128xi32, #tpu.memory_space<vmem>> -> memref<1x128xi32, #tpu.memory_space<vmem>>
        %dma_wait3A_348 = tpu.memref_squeeze %dma_wait3A_347 : memref<1x128xi32, #tpu.memory_space<vmem>> -> memref<128xi32, #tpu.memory_space<vmem>>
        %dma_wait3A_349 = arith.constant 0 : i32
        %dma_wait3A_350 = arith.constant 0 : i32
        %dma_wait3A_351 = tpu.memref_slice %arg13[%dma_wait3A_349, %dma_wait3A_350] : memref<10240x128xf32, #tpu.memory_space<vmem_shared>> -> memref<10240x128xf32, #tpu.memory_space<vmem_shared>>
        tpu.wait_indirect_dma semaphore(%run_scoped3A_339 : memref<!tpu.dma_semaphore, #tpu.memory_space<semaphore_mem>>) src(%arg11 : memref<128x128xf32, #tpu.memory_space<vmem>>) dst(%dma_wait3A_351 : memref<10240x128xf32, #tpu.memory_space<vmem_shared>>)
        tpu.yield
      }) : () -> ()
      %dma_start3A_301 = arith.constant 6 : i32
      %dma_start3A_302 = arith.constant 0 : i32
      %dma_start3A_303 = tpu.memref_slice %arg9[%dma_start3A_301, %dma_start3A_302] : memref<8x128xi32, #tpu.memory_space<vmem>> -> memref<1x128xi32, #tpu.memory_space<vmem>>
      %dma_start3A_304 = tpu.memref_squeeze %dma_start3A_303 : memref<1x128xi32, #tpu.memory_space<vmem>> -> memref<128xi32, #tpu.memory_space<vmem>>
      %dma_start3A_305 = arith.constant 0 : i32
      %dma_start3A_306 = arith.constant 0 : i32
      %dma_start3A_307 = tpu.memref_slice %arg2[%dma_start3A_305, %dma_start3A_306] : memref<10240x128xf32, #tpu.memory_space<hbm>> -> memref<10240x128xf32, #tpu.memory_space<hbm>>
      tpu.enqueue_indirect_dma source(%dma_start3A_307 : memref<10240x128xf32, #tpu.memory_space<hbm>>) target(%arg11 : memref<128x128xf32, #tpu.memory_space<vmem>>) offsets(%dma_start3A_304 : memref<128xi32, #tpu.memory_space<vmem>>) semaphore(%arg16 : memref<!tpu.dma_semaphore, #tpu.memory_space<semaphore_mem>>)
      %dma_wait3A_308 = arith.constant 0 : i32
      %dma_wait3A_309 = arith.constant 0 : i32
      %dma_wait3A_310 = tpu.memref_slice %arg9[%dma_wait3A_308, %dma_wait3A_309] : memref<8x128xi32, #tpu.memory_space<vmem>> -> memref<1x128xi32, #tpu.memory_space<vmem>>
      %dma_wait3A_311 = tpu.memref_squeeze %dma_wait3A_310 : memref<1x128xi32, #tpu.memory_space<vmem>> -> memref<128xi32, #tpu.memory_space<vmem>>
      %dma_wait3A_312 = arith.constant 0 : i32
      %dma_wait3A_313 = arith.constant 0 : i32
      %dma_wait3A_314 = tpu.memref_slice %arg2[%dma_wait3A_312, %dma_wait3A_313] : memref<10240x128xf32, #tpu.memory_space<hbm>> -> memref<10240x128xf32, #tpu.memory_space<hbm>>
      tpu.wait_indirect_dma semaphore(%arg17 : memref<!tpu.dma_semaphore, #tpu.memory_space<semaphore_mem>>) src(%dma_wait3A_314 : memref<10240x128xf32, #tpu.memory_space<hbm>>) dst(%arg12 : memref<128x128xf32, #tpu.memory_space<vmem>>)
      %run_scoped3A_315 = arith.constant 5 : i32
      "tpu.region"() ({
        %run_scoped3A_339 = tpu.sem_alloc : memref<!tpu.dma_semaphore, #tpu.memory_space<semaphore_mem>>
        %dma_start3A_340 = arith.constant 0 : i32
        %dma_start3A_341 = tpu.memref_slice %arg10[%run_scoped3A_315, %dma_start3A_340] : memref<8x128xi32, #tpu.memory_space<vmem>> -> memref<1x128xi32, #tpu.memory_space<vmem>>
        %dma_start3A_342 = tpu.memref_squeeze %dma_start3A_341 : memref<1x128xi32, #tpu.memory_space<vmem>> -> memref<128xi32, #tpu.memory_space<vmem>>
        %dma_start3A_343 = arith.constant 0 : i32
        %dma_start3A_344 = arith.constant 0 : i32
        %dma_start3A_345 = tpu.memref_slice %arg13[%dma_start3A_343, %dma_start3A_344] : memref<10240x128xf32, #tpu.memory_space<vmem_shared>> -> memref<10240x128xf32, #tpu.memory_space<vmem_shared>>
        tpu.enqueue_indirect_dma source(%arg12 : memref<128x128xf32, #tpu.memory_space<vmem>>) target(%dma_start3A_345 : memref<10240x128xf32, #tpu.memory_space<vmem_shared>>) offsets(%dma_start3A_342 : memref<128xi32, #tpu.memory_space<vmem>>) semaphore(%run_scoped3A_339 : memref<!tpu.dma_semaphore, #tpu.memory_space<semaphore_mem>>) {add = true}
        %dma_wait3A_346 = arith.constant 0 : i32
        %dma_wait3A_347 = tpu.memref_slice %arg10[%run_scoped3A_315, %dma_wait3A_346] : memref<8x128xi32, #tpu.memory_space<vmem>> -> memref<1x128xi32, #tpu.memory_space<vmem>>
        %dma_wait3A_348 = tpu.memref_squeeze %dma_wait3A_347 : memref<1x128xi32, #tpu.memory_space<vmem>> -> memref<128xi32, #tpu.memory_space<vmem>>
        %dma_wait3A_349 = arith.constant 0 : i32
        %dma_wait3A_350 = arith.constant 0 : i32
        %dma_wait3A_351 = tpu.memref_slice %arg13[%dma_wait3A_349, %dma_wait3A_350] : memref<10240x128xf32, #tpu.memory_space<vmem_shared>> -> memref<10240x128xf32, #tpu.memory_space<vmem_shared>>
        tpu.wait_indirect_dma semaphore(%run_scoped3A_339 : memref<!tpu.dma_semaphore, #tpu.memory_space<semaphore_mem>>) src(%arg12 : memref<128x128xf32, #tpu.memory_space<vmem>>) dst(%dma_wait3A_351 : memref<10240x128xf32, #tpu.memory_space<vmem_shared>>)
        tpu.yield
      }) : () -> ()
      %dma_start3A_316 = arith.constant 7 : i32
      %dma_start3A_317 = arith.constant 0 : i32
      %dma_start3A_318 = tpu.memref_slice %arg9[%dma_start3A_316, %dma_start3A_317] : memref<8x128xi32, #tpu.memory_space<vmem>> -> memref<1x128xi32, #tpu.memory_space<vmem>>
      %dma_start3A_319 = tpu.memref_squeeze %dma_start3A_318 : memref<1x128xi32, #tpu.memory_space<vmem>> -> memref<128xi32, #tpu.memory_space<vmem>>
      %dma_start3A_320 = arith.constant 0 : i32
      %dma_start3A_321 = arith.constant 0 : i32
      %dma_start3A_322 = tpu.memref_slice %arg2[%dma_start3A_320, %dma_start3A_321] : memref<10240x128xf32, #tpu.memory_space<hbm>> -> memref<10240x128xf32, #tpu.memory_space<hbm>>
      tpu.enqueue_indirect_dma source(%dma_start3A_322 : memref<10240x128xf32, #tpu.memory_space<hbm>>) target(%arg12 : memref<128x128xf32, #tpu.memory_space<vmem>>) offsets(%dma_start3A_319 : memref<128xi32, #tpu.memory_space<vmem>>) semaphore(%arg17 : memref<!tpu.dma_semaphore, #tpu.memory_space<semaphore_mem>>)
      %dma_wait3A_323 = arith.constant 0 : i32
      %dma_wait3A_324 = arith.constant 0 : i32
      %dma_wait3A_325 = tpu.memref_slice %arg9[%dma_wait3A_323, %dma_wait3A_324] : memref<8x128xi32, #tpu.memory_space<vmem>> -> memref<1x128xi32, #tpu.memory_space<vmem>>
      %dma_wait3A_326 = tpu.memref_squeeze %dma_wait3A_325 : memref<1x128xi32, #tpu.memory_space<vmem>> -> memref<128xi32, #tpu.memory_space<vmem>>
      %dma_wait3A_327 = arith.constant 0 : i32
      %dma_wait3A_328 = arith.constant 0 : i32
      %dma_wait3A_329 = tpu.memref_slice %arg2[%dma_wait3A_327, %dma_wait3A_328] : memref<10240x128xf32, #tpu.memory_space<hbm>> -> memref<10240x128xf32, #tpu.memory_space<hbm>>
      tpu.wait_indirect_dma semaphore(%arg16 : memref<!tpu.dma_semaphore, #tpu.memory_space<semaphore_mem>>) src(%dma_wait3A_329 : memref<10240x128xf32, #tpu.memory_space<hbm>>) dst(%arg11 : memref<128x128xf32, #tpu.memory_space<vmem>>)
      %run_scoped3A_330 = arith.constant 6 : i32
      "tpu.region"() ({
        %run_scoped3A_339 = tpu.sem_alloc : memref<!tpu.dma_semaphore, #tpu.memory_space<semaphore_mem>>
        %dma_start3A_340 = arith.constant 0 : i32
        %dma_start3A_341 = tpu.memref_slice %arg10[%run_scoped3A_330, %dma_start3A_340] : memref<8x128xi32, #tpu.memory_space<vmem>> -> memref<1x128xi32, #tpu.memory_space<vmem>>
        %dma_start3A_342 = tpu.memref_squeeze %dma_start3A_341 : memref<1x128xi32, #tpu.memory_space<vmem>> -> memref<128xi32, #tpu.memory_space<vmem>>
        %dma_start3A_343 = arith.constant 0 : i32
        %dma_start3A_344 = arith.constant 0 : i32
        %dma_start3A_345 = tpu.memref_slice %arg13[%dma_start3A_343, %dma_start3A_344] : memref<10240x128xf32, #tpu.memory_space<vmem_shared>> -> memref<10240x128xf32, #tpu.memory_space<vmem_shared>>
        tpu.enqueue_indirect_dma source(%arg11 : memref<128x128xf32, #tpu.memory_space<vmem>>) target(%dma_start3A_345 : memref<10240x128xf32, #tpu.memory_space<vmem_shared>>) offsets(%dma_start3A_342 : memref<128xi32, #tpu.memory_space<vmem>>) semaphore(%run_scoped3A_339 : memref<!tpu.dma_semaphore, #tpu.memory_space<semaphore_mem>>) {add = true}
        %dma_wait3A_346 = arith.constant 0 : i32
        %dma_wait3A_347 = tpu.memref_slice %arg10[%run_scoped3A_330, %dma_wait3A_346] : memref<8x128xi32, #tpu.memory_space<vmem>> -> memref<1x128xi32, #tpu.memory_space<vmem>>
        %dma_wait3A_348 = tpu.memref_squeeze %dma_wait3A_347 : memref<1x128xi32, #tpu.memory_space<vmem>> -> memref<128xi32, #tpu.memory_space<vmem>>
        %dma_wait3A_349 = arith.constant 0 : i32
        %dma_wait3A_350 = arith.constant 0 : i32
        %dma_wait3A_351 = tpu.memref_slice %arg13[%dma_wait3A_349, %dma_wait3A_350] : memref<10240x128xf32, #tpu.memory_space<vmem_shared>> -> memref<10240x128xf32, #tpu.memory_space<vmem_shared>>
        tpu.wait_indirect_dma semaphore(%run_scoped3A_339 : memref<!tpu.dma_semaphore, #tpu.memory_space<semaphore_mem>>) src(%arg11 : memref<128x128xf32, #tpu.memory_space<vmem>>) dst(%dma_wait3A_351 : memref<10240x128xf32, #tpu.memory_space<vmem_shared>>)
        tpu.yield
      }) : () -> ()
      %dma_wait3A_331 = arith.constant 0 : i32
      %dma_wait3A_332 = arith.constant 0 : i32
      %dma_wait3A_333 = tpu.memref_slice %arg9[%dma_wait3A_331, %dma_wait3A_332] : memref<8x128xi32, #tpu.memory_space<vmem>> -> memref<1x128xi32, #tpu.memory_space<vmem>>
      %dma_wait3A_334 = tpu.memref_squeeze %dma_wait3A_333 : memref<1x128xi32, #tpu.memory_space<vmem>> -> memref<128xi32, #tpu.memory_space<vmem>>
      %dma_wait3A_335 = arith.constant 0 : i32
      %dma_wait3A_336 = arith.constant 0 : i32
      %dma_wait3A_337 = tpu.memref_slice %arg2[%dma_wait3A_335, %dma_wait3A_336] : memref<10240x128xf32, #tpu.memory_space<hbm>> -> memref<10240x128xf32, #tpu.memory_space<hbm>>
      tpu.wait_indirect_dma semaphore(%arg17 : memref<!tpu.dma_semaphore, #tpu.memory_space<semaphore_mem>>) src(%dma_wait3A_337 : memref<10240x128xf32, #tpu.memory_space<hbm>>) dst(%arg12 : memref<128x128xf32, #tpu.memory_space<vmem>>)
      %run_scoped3A_338 = arith.constant 7 : i32
      "tpu.region"() ({
        %run_scoped3A_339 = tpu.sem_alloc : memref<!tpu.dma_semaphore, #tpu.memory_space<semaphore_mem>>
        %dma_start3A_340 = arith.constant 0 : i32
        %dma_start3A_341 = tpu.memref_slice %arg10[%run_scoped3A_338, %dma_start3A_340] : memref<8x128xi32, #tpu.memory_space<vmem>> -> memref<1x128xi32, #tpu.memory_space<vmem>>
        %dma_start3A_342 = tpu.memref_squeeze %dma_start3A_341 : memref<1x128xi32, #tpu.memory_space<vmem>> -> memref<128xi32, #tpu.memory_space<vmem>>
        %dma_start3A_343 = arith.constant 0 : i32
        %dma_start3A_344 = arith.constant 0 : i32
        %dma_start3A_345 = tpu.memref_slice %arg13[%dma_start3A_343, %dma_start3A_344] : memref<10240x128xf32, #tpu.memory_space<vmem_shared>> -> memref<10240x128xf32, #tpu.memory_space<vmem_shared>>
        tpu.enqueue_indirect_dma source(%arg12 : memref<128x128xf32, #tpu.memory_space<vmem>>) target(%dma_start3A_345 : memref<10240x128xf32, #tpu.memory_space<vmem_shared>>) offsets(%dma_start3A_342 : memref<128xi32, #tpu.memory_space<vmem>>) semaphore(%run_scoped3A_339 : memref<!tpu.dma_semaphore, #tpu.memory_space<semaphore_mem>>) {add = true}
        %dma_wait3A_346 = arith.constant 0 : i32
        %dma_wait3A_347 = tpu.memref_slice %arg10[%run_scoped3A_338, %dma_wait3A_346] : memref<8x128xi32, #tpu.memory_space<vmem>> -> memref<1x128xi32, #tpu.memory_space<vmem>>
        %dma_wait3A_348 = tpu.memref_squeeze %dma_wait3A_347 : memref<1x128xi32, #tpu.memory_space<vmem>> -> memref<128xi32, #tpu.memory_space<vmem>>
        %dma_wait3A_349 = arith.constant 0 : i32
        %dma_wait3A_350 = arith.constant 0 : i32
        %dma_wait3A_351 = tpu.memref_slice %arg13[%dma_wait3A_349, %dma_wait3A_350] : memref<10240x128xf32, #tpu.memory_space<vmem_shared>> -> memref<10240x128xf32, #tpu.memory_space<vmem_shared>>
        tpu.wait_indirect_dma semaphore(%run_scoped3A_339 : memref<!tpu.dma_semaphore, #tpu.memory_space<semaphore_mem>>) src(%arg12 : memref<128x128xf32, #tpu.memory_space<vmem>>) dst(%dma_wait3A_351 : memref<10240x128xf32, #tpu.memory_space<vmem_shared>>)
        tpu.yield
      }) : () -> ()
    }
    %barrier3A_60 = arith.constant 0 : index
    tpu.barrier barrier_id(%barrier3A_60)
    "tpu.region"() ({
      %run_scoped3A = tpu.sem_alloc : memref<!tpu.dma_semaphore, #tpu.memory_space<semaphore_mem>>
      %dma_start3A_61 = arith.constant 0 : i32
      %dma_start3A_62 = tpu.memref_slice %arg6[%arg0, %mul3A_2, %dma_start3A_61] : memref<2x10240x128xf32, #tpu.memory_space<hbm>> -> memref<1x640x128xf32, #tpu.memory_space<hbm>>
      %dma_start3A_63 = tpu.memref_squeeze %dma_start3A_62 : memref<1x640x128xf32, #tpu.memory_space<hbm>> -> memref<640x128xf32, #tpu.memory_space<hbm>>
      %dma_start3A_64 = arith.constant 0 : i32
      %dma_start3A_65 = tpu.memref_slice %arg13[%mul3A_2, %dma_start3A_64] : memref<10240x128xf32, #tpu.memory_space<vmem_shared>> -> memref<640x128xf32, #tpu.memory_space<vmem_shared>>
      tpu.enqueue_dma source(%dma_start3A_65 : memref<640x128xf32, #tpu.memory_space<vmem_shared>>) target(%dma_start3A_63 : memref<640x128xf32, #tpu.memory_space<hbm>>) target_semaphore(%run_scoped3A : memref<!tpu.dma_semaphore, #tpu.memory_space<semaphore_mem>>)
      %dma_wait3A = arith.constant 0 : i32
      %dma_wait3A_66 = tpu.memref_slice %arg6[%arg0, %mul3A_2, %dma_wait3A] : memref<2x10240x128xf32, #tpu.memory_space<hbm>> -> memref<1x640x128xf32, #tpu.memory_space<hbm>>
      %dma_wait3A_67 = tpu.memref_squeeze %dma_wait3A_66 : memref<1x640x128xf32, #tpu.memory_space<hbm>> -> memref<640x128xf32, #tpu.memory_space<hbm>>
      %dma_wait3A_68 = arith.constant 0 : i32
      %dma_wait3A_69 = tpu.memref_slice %arg13[%mul3A_2, %dma_wait3A_68] : memref<10240x128xf32, #tpu.memory_space<vmem_shared>> -> memref<640x128xf32, #tpu.memory_space<vmem_shared>>
      tpu.wait_dma2 semaphore(%run_scoped3A : memref<!tpu.dma_semaphore, #tpu.memory_space<semaphore_mem>>) src(%dma_wait3A_69 : memref<640x128xf32, #tpu.memory_space<vmem_shared>>) dst(%dma_wait3A_67 : memref<640x128xf32, #tpu.memory_space<hbm>>)
      tpu.yield
    }) : () -> ()
    return
  }
}

#map = affine_map<(d0, d1) -> (0, 0)>
#map1 = affine_map<(d0, d1) -> (0, 0, 0)>
module attributes {stable_mosaic.version = 14 : i64} {
  func.func @_hist_body(%arg0: i32, %arg1: i32, %arg2: memref<2560x128xi32, #tpu.memory_space<hbm>>, %arg3: memref<128x128xf32, #tpu.memory_space<hbm>>, %arg4: memref<10240x128xf32, #tpu.memory_space<hbm>>, %arg5: memref<2x10240x128xf32, #tpu.memory_space<hbm>>, %arg6: memref<80x128xi32, #tpu.memory_space<vmem>>, %arg7: memref<128x128xf32, #tpu.memory_space<vmem>>, %arg8: memref<10240x128xf32, #tpu.memory_space<vmem_shared>>) attributes {dimension_semantics = [#tpu.dimension_semantics<core_parallel>, #tpu.dimension_semantics<subcore_parallel>], iteration_bounds = array<i64: 2, 16>, scalar_prefetch = 0 : i64, scratch_operands = 3 : i64, tpu.core_type = #tpu.core_type<sc_vector_subcore>, window_params = [{transform_indices = #map}, {transform_indices = #map}, {transform_indices = #map}, {transform_indices = #map1}]} {
    %mul3A = arith.constant 2 : i32
    %mul3A_0 = arith.muli %arg1, %mul3A : i32
    %add3A = arith.addi %mul3A_0, %arg0 : i32
    %mul3A_1 = arith.constant 640 : i32
    %mul3A_2 = arith.muli %arg1, %mul3A_1 : i32
    "tpu.region"() ({
      %run_scoped3A = tpu.sem_alloc : memref<!tpu.dma_semaphore, #tpu.memory_space<semaphore_mem>>
      %dma_start3A = arith.constant 0 : i32
      %dma_start3A_11 = tpu.memref_slice %arg8[%mul3A_2, %dma_start3A] : memref<10240x128xf32, #tpu.memory_space<vmem_shared>> -> memref<640x128xf32, #tpu.memory_space<vmem_shared>>
      %dma_start3A_12 = arith.constant 0 : i32
      %dma_start3A_13 = tpu.memref_slice %arg4[%mul3A_2, %dma_start3A_12] : memref<10240x128xf32, #tpu.memory_space<hbm>> -> memref<640x128xf32, #tpu.memory_space<hbm>>
      tpu.enqueue_dma source(%dma_start3A_13 : memref<640x128xf32, #tpu.memory_space<hbm>>) target(%dma_start3A_11 : memref<640x128xf32, #tpu.memory_space<vmem_shared>>) target_semaphore(%run_scoped3A : memref<!tpu.dma_semaphore, #tpu.memory_space<semaphore_mem>>)
      %dma_wait3A = arith.constant 0 : i32
      %dma_wait3A_14 = tpu.memref_slice %arg8[%mul3A_2, %dma_wait3A] : memref<10240x128xf32, #tpu.memory_space<vmem_shared>> -> memref<640x128xf32, #tpu.memory_space<vmem_shared>>
      %dma_wait3A_15 = arith.constant 0 : i32
      %dma_wait3A_16 = tpu.memref_slice %arg4[%mul3A_2, %dma_wait3A_15] : memref<10240x128xf32, #tpu.memory_space<hbm>> -> memref<640x128xf32, #tpu.memory_space<hbm>>
      tpu.wait_dma2 semaphore(%run_scoped3A : memref<!tpu.dma_semaphore, #tpu.memory_space<semaphore_mem>>) src(%dma_wait3A_16 : memref<640x128xf32, #tpu.memory_space<hbm>>) dst(%dma_wait3A_14 : memref<640x128xf32, #tpu.memory_space<vmem_shared>>)
      tpu.yield
    }) : () -> ()
    %mul3A_3 = arith.constant 80 : i32
    %mul3A_4 = arith.muli %add3A, %mul3A_3 : i32
    "tpu.region"() ({
      %run_scoped3A = tpu.sem_alloc : memref<!tpu.dma_semaphore, #tpu.memory_space<semaphore_mem>>
      %dma_start3A = arith.constant 0 : i32
      %dma_start3A_11 = tpu.memref_slice %arg2[%mul3A_4, %dma_start3A] : memref<2560x128xi32, #tpu.memory_space<hbm>> -> memref<80x128xi32, #tpu.memory_space<hbm>>
      %dma_start3A_12 = arith.constant 0 : i32
      %dma_start3A_13 = tpu.memref_slice %arg2[%mul3A_4, %dma_start3A_12] : memref<2560x128xi32, #tpu.memory_space<hbm>> -> memref<80x128xi32, #tpu.memory_space<hbm>>
      tpu.enqueue_dma source(%dma_start3A_13 : memref<80x128xi32, #tpu.memory_space<hbm>>) target(%arg6 : memref<80x128xi32, #tpu.memory_space<vmem>>) target_semaphore(%run_scoped3A : memref<!tpu.dma_semaphore, #tpu.memory_space<semaphore_mem>>)
      %dma_wait3A = arith.constant 0 : i32
      %dma_wait3A_14 = tpu.memref_slice %arg2[%mul3A_4, %dma_wait3A] : memref<2560x128xi32, #tpu.memory_space<hbm>> -> memref<80x128xi32, #tpu.memory_space<hbm>>
      %dma_wait3A_15 = arith.constant 0 : i32
      %dma_wait3A_16 = tpu.memref_slice %arg2[%mul3A_4, %dma_wait3A_15] : memref<2560x128xi32, #tpu.memory_space<hbm>> -> memref<80x128xi32, #tpu.memory_space<hbm>>
      tpu.wait_dma2 semaphore(%run_scoped3A : memref<!tpu.dma_semaphore, #tpu.memory_space<semaphore_mem>>) src(%dma_wait3A_16 : memref<80x128xi32, #tpu.memory_space<hbm>>) dst(%arg6 : memref<80x128xi32, #tpu.memory_space<vmem>>)
      tpu.yield
    }) : () -> ()
    "tpu.region"() ({
      %run_scoped3A = tpu.sem_alloc : memref<!tpu.dma_semaphore, #tpu.memory_space<semaphore_mem>>
      tpu.enqueue_dma source(%arg3 : memref<128x128xf32, #tpu.memory_space<hbm>>) target(%arg7 : memref<128x128xf32, #tpu.memory_space<vmem>>) target_semaphore(%run_scoped3A : memref<!tpu.dma_semaphore, #tpu.memory_space<semaphore_mem>>)
      tpu.wait_dma2 semaphore(%run_scoped3A : memref<!tpu.dma_semaphore, #tpu.memory_space<semaphore_mem>>) src(%arg3 : memref<128x128xf32, #tpu.memory_space<hbm>>) dst(%arg7 : memref<128x128xf32, #tpu.memory_space<vmem>>)
      tpu.yield
    }) : () -> ()
    %barrier3A = arith.constant 0 : index
    tpu.barrier barrier_id(%barrier3A)
    %scan3A = arith.constant 0 : i32
    %scan3A_5 = arith.constant 0 : i32
    %scan3A_6 = arith.constant 80 : i32
    %scan3A_7 = arith.addi %scan3A_5, %scan3A_6 : i32
    %scan3A_8 = arith.constant 1 : i32
    scf.for %scan3A_11 = %scan3A_5 to %scan3A_7 step %scan3A_8  : i32 {
      "tpu.region"() ({
        %run_scoped3A = tpu.sem_alloc : memref<!tpu.dma_semaphore, #tpu.memory_space<semaphore_mem>>
        %dma_start3A = arith.constant 0 : i32
        %dma_start3A_12 = tpu.memref_slice %arg6[%scan3A_11, %dma_start3A] : memref<80x128xi32, #tpu.memory_space<vmem>> -> memref<1x128xi32, #tpu.memory_space<vmem>>
        %dma_start3A_13 = tpu.memref_squeeze %dma_start3A_12 : memref<1x128xi32, #tpu.memory_space<vmem>> -> memref<128xi32, #tpu.memory_space<vmem>>
        %dma_start3A_14 = arith.constant 0 : i32
        %dma_start3A_15 = arith.constant 0 : i32
        %dma_start3A_16 = tpu.memref_slice %arg8[%dma_start3A_14, %dma_start3A_15] : memref<10240x128xf32, #tpu.memory_space<vmem_shared>> -> memref<10240x128xf32, #tpu.memory_space<vmem_shared>>
        tpu.enqueue_indirect_dma source(%arg7 : memref<128x128xf32, #tpu.memory_space<vmem>>) target(%dma_start3A_16 : memref<10240x128xf32, #tpu.memory_space<vmem_shared>>) offsets(%dma_start3A_13 : memref<128xi32, #tpu.memory_space<vmem>>) semaphore(%run_scoped3A : memref<!tpu.dma_semaphore, #tpu.memory_space<semaphore_mem>>) {add = true}
        %dma_wait3A = arith.constant 0 : i32
        %dma_wait3A_17 = tpu.memref_slice %arg6[%scan3A_11, %dma_wait3A] : memref<80x128xi32, #tpu.memory_space<vmem>> -> memref<1x128xi32, #tpu.memory_space<vmem>>
        %dma_wait3A_18 = tpu.memref_squeeze %dma_wait3A_17 : memref<1x128xi32, #tpu.memory_space<vmem>> -> memref<128xi32, #tpu.memory_space<vmem>>
        %dma_wait3A_19 = arith.constant 0 : i32
        %dma_wait3A_20 = arith.constant 0 : i32
        %dma_wait3A_21 = tpu.memref_slice %arg8[%dma_wait3A_19, %dma_wait3A_20] : memref<10240x128xf32, #tpu.memory_space<vmem_shared>> -> memref<10240x128xf32, #tpu.memory_space<vmem_shared>>
        tpu.wait_indirect_dma semaphore(%run_scoped3A : memref<!tpu.dma_semaphore, #tpu.memory_space<semaphore_mem>>) src(%arg7 : memref<128x128xf32, #tpu.memory_space<vmem>>) dst(%dma_wait3A_21 : memref<10240x128xf32, #tpu.memory_space<vmem_shared>>)
        tpu.yield
      }) : () -> ()
    }
    %scan3A_9 = arith.constant 80 : i32
    %barrier3A_10 = arith.constant 0 : index
    tpu.barrier barrier_id(%barrier3A_10)
    "tpu.region"() ({
      %run_scoped3A = tpu.sem_alloc : memref<!tpu.dma_semaphore, #tpu.memory_space<semaphore_mem>>
      %dma_start3A = arith.constant 0 : i32
      %dma_start3A_11 = tpu.memref_slice %arg5[%arg0, %mul3A_2, %dma_start3A] : memref<2x10240x128xf32, #tpu.memory_space<hbm>> -> memref<1x640x128xf32, #tpu.memory_space<hbm>>
      %dma_start3A_12 = tpu.memref_squeeze %dma_start3A_11 : memref<1x640x128xf32, #tpu.memory_space<hbm>> -> memref<640x128xf32, #tpu.memory_space<hbm>>
      %dma_start3A_13 = arith.constant 0 : i32
      %dma_start3A_14 = tpu.memref_slice %arg8[%mul3A_2, %dma_start3A_13] : memref<10240x128xf32, #tpu.memory_space<vmem_shared>> -> memref<640x128xf32, #tpu.memory_space<vmem_shared>>
      tpu.enqueue_dma source(%dma_start3A_14 : memref<640x128xf32, #tpu.memory_space<vmem_shared>>) target(%dma_start3A_12 : memref<640x128xf32, #tpu.memory_space<hbm>>) target_semaphore(%run_scoped3A : memref<!tpu.dma_semaphore, #tpu.memory_space<semaphore_mem>>)
      %dma_wait3A = arith.constant 0 : i32
      %dma_wait3A_15 = tpu.memref_slice %arg5[%arg0, %mul3A_2, %dma_wait3A] : memref<2x10240x128xf32, #tpu.memory_space<hbm>> -> memref<1x640x128xf32, #tpu.memory_space<hbm>>
      %dma_wait3A_16 = tpu.memref_squeeze %dma_wait3A_15 : memref<1x640x128xf32, #tpu.memory_space<hbm>> -> memref<640x128xf32, #tpu.memory_space<hbm>>
      %dma_wait3A_17 = arith.constant 0 : i32
      %dma_wait3A_18 = tpu.memref_slice %arg8[%mul3A_2, %dma_wait3A_17] : memref<10240x128xf32, #tpu.memory_space<vmem_shared>> -> memref<640x128xf32, #tpu.memory_space<vmem_shared>>
      tpu.wait_dma2 semaphore(%run_scoped3A : memref<!tpu.dma_semaphore, #tpu.memory_space<semaphore_mem>>) src(%dma_wait3A_18 : memref<640x128xf32, #tpu.memory_space<vmem_shared>>) dst(%dma_wait3A_16 : memref<640x128xf32, #tpu.memory_space<hbm>>)
      tpu.yield
    }) : () -> ()
    return
  }
}

#map = affine_map<(d0, d1) -> (0, 0)>
#map1 = affine_map<(d0, d1) -> (0, 0, 0)>
module attributes {stable_mosaic.version = 14 : i64} {
  func.func @_agg_body(%arg0: i32, %arg1: i32, %arg2: memref<10240x128xf32, #tpu.memory_space<hbm>>, %arg3: memref<2560x128xi32, #tpu.memory_space<hbm>>, %arg4: memref<2560x128xi32, #tpu.memory_space<hbm>>, %arg5: memref<10240x128xf32, #tpu.memory_space<hbm>>, %arg6: memref<2x10240x128xf32, #tpu.memory_space<hbm>>, %arg7: memref<8x128xi32, #tpu.memory_space<vmem>>, %arg8: memref<8x128xi32, #tpu.memory_space<vmem>>, %arg9: memref<8x128xi32, #tpu.memory_space<vmem>>, %arg10: memref<8x128xi32, #tpu.memory_space<vmem>>, %arg11: memref<128x128xf32, #tpu.memory_space<vmem>>, %arg12: memref<128x128xf32, #tpu.memory_space<vmem>>, %arg13: memref<10240x128xf32, #tpu.memory_space<vmem_shared>>, %arg14: memref<!tpu.dma_semaphore, #tpu.memory_space<semaphore_mem>>, %arg15: memref<!tpu.dma_semaphore, #tpu.memory_space<semaphore_mem>>, %arg16: memref<!tpu.dma_semaphore, #tpu.memory_space<semaphore_mem>>, %arg17: memref<!tpu.dma_semaphore, #tpu.memory_space<semaphore_mem>>) attributes {dimension_semantics = [#tpu.dimension_semantics<core_parallel>, #tpu.dimension_semantics<subcore_parallel>], iteration_bounds = array<i64: 2, 16>, scalar_prefetch = 0 : i64, scratch_operands = 11 : i64, tpu.core_type = #tpu.core_type<sc_vector_subcore>, window_params = [{transform_indices = #map}, {transform_indices = #map}, {transform_indices = #map}, {transform_indices = #map}, {transform_indices = #map1}]} {
    %mul3A = arith.constant 2 : i32
    %mul3A_0 = arith.muli %arg1, %mul3A : i32
    %add3A = arith.addi %mul3A_0, %arg0 : i32
    %mul3A_1 = arith.constant 640 : i32
    %mul3A_2 = arith.muli %arg1, %mul3A_1 : i32
    %eq3A = arith.constant 0 : i32
    %eq3A_3 = arith.cmpi eq, %arg0, %eq3A : i32
    %convert_element_type3A = arith.extui %eq3A_3 : i1 to i32
    %cond3A = arith.constant 0 : i32
    %cond3A_4 = arith.cmpi ne, %convert_element_type3A, %cond3A : i32
    scf.if %cond3A_4 {
      "tpu.region"() ({
        %run_scoped3A = tpu.sem_alloc : memref<!tpu.dma_semaphore, #tpu.memory_space<semaphore_mem>>
        %dma_start3A_61 = arith.constant 0 : i32
        %dma_start3A_62 = tpu.memref_slice %arg13[%mul3A_2, %dma_start3A_61] : memref<10240x128xf32, #tpu.memory_space<vmem_shared>> -> memref<640x128xf32, #tpu.memory_space<vmem_shared>>
        %dma_start3A_63 = arith.constant 0 : i32
        %dma_start3A_64 = tpu.memref_slice %arg2[%mul3A_2, %dma_start3A_63] : memref<10240x128xf32, #tpu.memory_space<hbm>> -> memref<640x128xf32, #tpu.memory_space<hbm>>
        tpu.enqueue_dma source(%dma_start3A_64 : memref<640x128xf32, #tpu.memory_space<hbm>>) target(%dma_start3A_62 : memref<640x128xf32, #tpu.memory_space<vmem_shared>>) target_semaphore(%run_scoped3A : memref<!tpu.dma_semaphore, #tpu.memory_space<semaphore_mem>>)
        %dma_wait3A = arith.constant 0 : i32
        %dma_wait3A_65 = tpu.memref_slice %arg13[%mul3A_2, %dma_wait3A] : memref<10240x128xf32, #tpu.memory_space<vmem_shared>> -> memref<640x128xf32, #tpu.memory_space<vmem_shared>>
        %dma_wait3A_66 = arith.constant 0 : i32
        %dma_wait3A_67 = tpu.memref_slice %arg2[%mul3A_2, %dma_wait3A_66] : memref<10240x128xf32, #tpu.memory_space<hbm>> -> memref<640x128xf32, #tpu.memory_space<hbm>>
        tpu.wait_dma2 semaphore(%run_scoped3A : memref<!tpu.dma_semaphore, #tpu.memory_space<semaphore_mem>>) src(%dma_wait3A_67 : memref<640x128xf32, #tpu.memory_space<hbm>>) dst(%dma_wait3A_65 : memref<640x128xf32, #tpu.memory_space<vmem_shared>>)
        tpu.yield
      }) : () -> ()
    } else {
    }
    %ne3A = arith.constant 0 : i32
    %ne3A_5 = arith.cmpi ne, %arg0, %ne3A : i32
    %convert_element_type3A_6 = arith.extui %ne3A_5 : i1 to i32
    %cond3A_7 = arith.constant 0 : i32
    %cond3A_8 = arith.cmpi ne, %convert_element_type3A_6, %cond3A_7 : i32
    scf.if %cond3A_8 {
      "tpu.region"() ({
        %run_scoped3A = tpu.sem_alloc : memref<!tpu.dma_semaphore, #tpu.memory_space<semaphore_mem>>
        %dma_start3A_61 = arith.constant 0 : i32
        %dma_start3A_62 = tpu.memref_slice %arg13[%mul3A_2, %dma_start3A_61] : memref<10240x128xf32, #tpu.memory_space<vmem_shared>> -> memref<640x128xf32, #tpu.memory_space<vmem_shared>>
        %dma_start3A_63 = arith.constant 0 : i32
        %dma_start3A_64 = tpu.memref_slice %arg5[%mul3A_2, %dma_start3A_63] : memref<10240x128xf32, #tpu.memory_space<hbm>> -> memref<640x128xf32, #tpu.memory_space<hbm>>
        tpu.enqueue_dma source(%dma_start3A_64 : memref<640x128xf32, #tpu.memory_space<hbm>>) target(%dma_start3A_62 : memref<640x128xf32, #tpu.memory_space<vmem_shared>>) target_semaphore(%run_scoped3A : memref<!tpu.dma_semaphore, #tpu.memory_space<semaphore_mem>>)
        %dma_wait3A = arith.constant 0 : i32
        %dma_wait3A_65 = tpu.memref_slice %arg13[%mul3A_2, %dma_wait3A] : memref<10240x128xf32, #tpu.memory_space<vmem_shared>> -> memref<640x128xf32, #tpu.memory_space<vmem_shared>>
        %dma_wait3A_66 = arith.constant 0 : i32
        %dma_wait3A_67 = tpu.memref_slice %arg5[%mul3A_2, %dma_wait3A_66] : memref<10240x128xf32, #tpu.memory_space<hbm>> -> memref<640x128xf32, #tpu.memory_space<hbm>>
        tpu.wait_dma2 semaphore(%run_scoped3A : memref<!tpu.dma_semaphore, #tpu.memory_space<semaphore_mem>>) src(%dma_wait3A_67 : memref<640x128xf32, #tpu.memory_space<hbm>>) dst(%dma_wait3A_65 : memref<640x128xf32, #tpu.memory_space<vmem_shared>>)
        tpu.yield
      }) : () -> ()
    } else {
    }
    %eq3A_9 = arith.constant 0 : i32
    %eq3A_10 = arith.cmpi eq, %arg0, %eq3A_9 : i32
    %mul3A_11 = arith.constant 80 : i32
    %mul3A_12 = arith.muli %arg1, %mul3A_11 : i32
    %mul3A_13 = arith.constant 80 : i32
    %mul3A_14 = arith.muli %arg1, %mul3A_13 : i32
    %add3A_15 = arith.constant 1280 : i32
    %add3A_16 = arith.addi %add3A_15, %mul3A_14 : i32
    %select_n3A = arith.select %eq3A_10, %mul3A_12, %add3A_16 : i32
    %eq3A_17 = arith.constant 0 : i32
    %eq3A_18 = arith.cmpi eq, %arg0, %eq3A_17 : i32
    %jit3A = arith.constant 10 : i32
    %jit3A_19 = arith.constant 10 : i32
    %select_n3A_20 = arith.select %eq3A_18, %jit3A, %jit3A_19 : i32
    %add3A_21 = arith.constant 0 : i32
    %add3A_22 = arith.addi %select_n3A, %add3A_21 : i32
    %dma_start3A = arith.constant 0 : i32
    %dma_start3A_23 = tpu.memref_slice %arg3[%add3A_22, %dma_start3A] : memref<2560x128xi32, #tpu.memory_space<hbm>> -> memref<8x128xi32, #tpu.memory_space<hbm>>
    %dma_start3A_24 = arith.constant 0 : i32
    %dma_start3A_25 = tpu.memref_slice %arg3[%add3A_22, %dma_start3A_24] : memref<2560x128xi32, #tpu.memory_space<hbm>> -> memref<8x128xi32, #tpu.memory_space<hbm>>
    tpu.enqueue_dma source(%dma_start3A_25 : memref<8x128xi32, #tpu.memory_space<hbm>>) target(%arg7 : memref<8x128xi32, #tpu.memory_space<vmem>>) target_semaphore(%arg14 : memref<!tpu.dma_semaphore, #tpu.memory_space<semaphore_mem>>)
    %add3A_26 = arith.constant 0 : i32
    %add3A_27 = arith.addi %select_n3A, %add3A_26 : i32
    %dma_start3A_28 = arith.constant 0 : i32
    %dma_start3A_29 = tpu.memref_slice %arg4[%add3A_27, %dma_start3A_28] : memref<2560x128xi32, #tpu.memory_space<hbm>> -> memref<8x128xi32, #tpu.memory_space<hbm>>
    %dma_start3A_30 = arith.constant 0 : i32
    %dma_start3A_31 = tpu.memref_slice %arg4[%add3A_27, %dma_start3A_30] : memref<2560x128xi32, #tpu.memory_space<hbm>> -> memref<8x128xi32, #tpu.memory_space<hbm>>
    tpu.enqueue_dma source(%dma_start3A_31 : memref<8x128xi32, #tpu.memory_space<hbm>>) target(%arg8 : memref<8x128xi32, #tpu.memory_space<vmem>>) target_semaphore(%arg14 : memref<!tpu.dma_semaphore, #tpu.memory_space<semaphore_mem>>)
    %barrier3A = arith.constant 0 : index
    tpu.barrier barrier_id(%barrier3A)
    %jit3A_32 = arith.constant 2 : i32
    %div3A = arith.divsi %select_n3A_20, %jit3A_32 : i32
    %sign3A = arith.constant 0 : i32
    %sign3A_33 = arith.cmpi sgt, %select_n3A_20, %sign3A : i32
    %sign3A_34 = arith.extui %sign3A_33 : i1 to i32
    %sign3A_35 = arith.constant 0 : i32
    %sign3A_36 = arith.cmpi slt, %select_n3A_20, %sign3A_35 : i32
    %sign3A_37 = arith.extui %sign3A_36 : i1 to i32
    %sign3A_38 = arith.subi %sign3A_34, %sign3A_37 : i32
    %sign3A_39 = arith.constant 0 : i32
    %sign3A_40 = arith.cmpi sgt, %jit3A_32, %sign3A_39 : i32
    %sign3A_41 = arith.extui %sign3A_40 : i1 to i32
    %sign3A_42 = arith.constant 0 : i32
    %sign3A_43 = arith.cmpi slt, %jit3A_32, %sign3A_42 : i32
    %sign3A_44 = arith.extui %sign3A_43 : i1 to i32
    %sign3A_45 = arith.subi %sign3A_41, %sign3A_44 : i32
    %ne3A_46 = arith.cmpi ne, %sign3A_38, %sign3A_45 : i32
    %rem3A = arith.remsi %select_n3A_20, %jit3A_32 : i32
    %ne3A_47 = arith.constant 0 : i32
    %ne3A_48 = arith.cmpi ne, %rem3A, %ne3A_47 : i32
    %and3A = arith.andi %ne3A_46, %ne3A_48 : i1
    %sub3A = arith.constant 1 : i32
    %sub3A_49 = arith.subi %div3A, %sub3A : i32
    %select_n3A_50 = arith.select %and3A, %sub3A_49, %div3A : i32
    %while3A = arith.constant 0 : i32
    %while3A_51 = arith.constant 0 : i32
    %while3A_52 = arith.subi %select_n3A_50, %while3A_51 : i32
    %while3A_53 = arith.addi %while3A_51, %while3A_52 : i32
    %while3A_54 = arith.constant 1 : i32
    %while3A_55 = arith.divsi %while3A_52, %while3A_54 : i32
    %while3A_56 = arith.muli %while3A_55, %while3A_54 : i32
    %while3A_57 = arith.addi %while3A_51, %while3A_56 : i32
    %while3A_58 = arith.constant 1 : i32
    scf.for %while3A_61 = %while3A_51 to %while3A_57 step %while3A_58  : i32 {
      %mul3A_62 = arith.constant 2 : i32
      %mul3A_63 = arith.muli %mul3A_62, %while3A_61 : i32
      %add3A_64 = arith.constant 1 : i32
      %add3A_65 = arith.addi %mul3A_63, %add3A_64 : i32
      %mul3A_66 = arith.constant 8 : i32
      %mul3A_67 = arith.muli %add3A_65, %mul3A_66 : i32
      %add3A_68 = arith.addi %select_n3A, %mul3A_67 : i32
      %dma_start3A_69 = arith.constant 0 : i32
      %dma_start3A_70 = tpu.memref_slice %arg3[%add3A_68, %dma_start3A_69] : memref<2560x128xi32, #tpu.memory_space<hbm>> -> memref<8x128xi32, #tpu.memory_space<hbm>>
      %dma_start3A_71 = arith.constant 0 : i32
      %dma_start3A_72 = tpu.memref_slice %arg3[%add3A_68, %dma_start3A_71] : memref<2560x128xi32, #tpu.memory_space<hbm>> -> memref<8x128xi32, #tpu.memory_space<hbm>>
      tpu.enqueue_dma source(%dma_start3A_72 : memref<8x128xi32, #tpu.memory_space<hbm>>) target(%arg9 : memref<8x128xi32, #tpu.memory_space<vmem>>) target_semaphore(%arg15 : memref<!tpu.dma_semaphore, #tpu.memory_space<semaphore_mem>>)
      %mul3A_73 = arith.constant 8 : i32
      %mul3A_74 = arith.muli %add3A_65, %mul3A_73 : i32
      %add3A_75 = arith.addi %select_n3A, %mul3A_74 : i32
      %dma_start3A_76 = arith.constant 0 : i32
      %dma_start3A_77 = tpu.memref_slice %arg4[%add3A_75, %dma_start3A_76] : memref<2560x128xi32, #tpu.memory_space<hbm>> -> memref<8x128xi32, #tpu.memory_space<hbm>>
      %dma_start3A_78 = arith.constant 0 : i32
      %dma_start3A_79 = tpu.memref_slice %arg4[%add3A_75, %dma_start3A_78] : memref<2560x128xi32, #tpu.memory_space<hbm>> -> memref<8x128xi32, #tpu.memory_space<hbm>>
      tpu.enqueue_dma source(%dma_start3A_79 : memref<8x128xi32, #tpu.memory_space<hbm>>) target(%arg10 : memref<8x128xi32, #tpu.memory_space<vmem>>) target_semaphore(%arg15 : memref<!tpu.dma_semaphore, #tpu.memory_space<semaphore_mem>>)
      %dma_wait3A = arith.constant 0 : i32
      %dma_wait3A_80 = tpu.memref_slice %arg3[%select_n3A, %dma_wait3A] : memref<2560x128xi32, #tpu.memory_space<hbm>> -> memref<8x128xi32, #tpu.memory_space<hbm>>
      %dma_wait3A_81 = arith.constant 0 : i32
      %dma_wait3A_82 = tpu.memref_slice %arg3[%select_n3A, %dma_wait3A_81] : memref<2560x128xi32, #tpu.memory_space<hbm>> -> memref<8x128xi32, #tpu.memory_space<hbm>>
      tpu.wait_dma2 semaphore(%arg14 : memref<!tpu.dma_semaphore, #tpu.memory_space<semaphore_mem>>) src(%dma_wait3A_82 : memref<8x128xi32, #tpu.memory_space<hbm>>) dst(%arg7 : memref<8x128xi32, #tpu.memory_space<vmem>>)
      %dma_wait3A_83 = arith.constant 0 : i32
      %dma_wait3A_84 = tpu.memref_slice %arg3[%select_n3A, %dma_wait3A_83] : memref<2560x128xi32, #tpu.memory_space<hbm>> -> memref<8x128xi32, #tpu.memory_space<hbm>>
      %dma_wait3A_85 = arith.constant 0 : i32
      %dma_wait3A_86 = tpu.memref_slice %arg3[%select_n3A, %dma_wait3A_85] : memref<2560x128xi32, #tpu.memory_space<hbm>> -> memref<8x128xi32, #tpu.memory_space<hbm>>
      tpu.wait_dma2 semaphore(%arg14 : memref<!tpu.dma_semaphore, #tpu.memory_space<semaphore_mem>>) src(%dma_wait3A_86 : memref<8x128xi32, #tpu.memory_space<hbm>>) dst(%arg8 : memref<8x128xi32, #tpu.memory_space<vmem>>)
      %dma_start3A_87 = arith.constant 0 : i32
      %dma_start3A_88 = arith.constant 0 : i32
      %dma_start3A_89 = tpu.memref_slice %arg7[%dma_start3A_87, %dma_start3A_88] : memref<8x128xi32, #tpu.memory_space<vmem>> -> memref<1x128xi32, #tpu.memory_space<vmem>>
      %dma_start3A_90 = tpu.memref_squeeze %dma_start3A_89 : memref<1x128xi32, #tpu.memory_space<vmem>> -> memref<128xi32, #tpu.memory_space<vmem>>
      %dma_start3A_91 = arith.constant 0 : i32
      %dma_start3A_92 = arith.constant 0 : i32
      %dma_start3A_93 = tpu.memref_slice %arg2[%dma_start3A_91, %dma_start3A_92] : memref<10240x128xf32, #tpu.memory_space<hbm>> -> memref<10240x128xf32, #tpu.memory_space<hbm>>
      tpu.enqueue_indirect_dma source(%dma_start3A_93 : memref<10240x128xf32, #tpu.memory_space<hbm>>) target(%arg11 : memref<128x128xf32, #tpu.memory_space<vmem>>) offsets(%dma_start3A_90 : memref<128xi32, #tpu.memory_space<vmem>>) semaphore(%arg16 : memref<!tpu.dma_semaphore, #tpu.memory_space<semaphore_mem>>)
      %dma_start3A_94 = arith.constant 1 : i32
      %dma_start3A_95 = arith.constant 0 : i32
      %dma_start3A_96 = tpu.memref_slice %arg7[%dma_start3A_94, %dma_start3A_95] : memref<8x128xi32, #tpu.memory_space<vmem>> -> memref<1x128xi32, #tpu.memory_space<vmem>>
      %dma_start3A_97 = tpu.memref_squeeze %dma_start3A_96 : memref<1x128xi32, #tpu.memory_space<vmem>> -> memref<128xi32, #tpu.memory_space<vmem>>
      %dma_start3A_98 = arith.constant 0 : i32
      %dma_start3A_99 = arith.constant 0 : i32
      %dma_start3A_100 = tpu.memref_slice %arg2[%dma_start3A_98, %dma_start3A_99] : memref<10240x128xf32, #tpu.memory_space<hbm>> -> memref<10240x128xf32, #tpu.memory_space<hbm>>
      tpu.enqueue_indirect_dma source(%dma_start3A_100 : memref<10240x128xf32, #tpu.memory_space<hbm>>) target(%arg12 : memref<128x128xf32, #tpu.memory_space<vmem>>) offsets(%dma_start3A_97 : memref<128xi32, #tpu.memory_space<vmem>>) semaphore(%arg17 : memref<!tpu.dma_semaphore, #tpu.memory_space<semaphore_mem>>)
      %dma_wait3A_101 = arith.constant 0 : i32
      %dma_wait3A_102 = arith.constant 0 : i32
      %dma_wait3A_103 = tpu.memref_slice %arg7[%dma_wait3A_101, %dma_wait3A_102] : memref<8x128xi32, #tpu.memory_space<vmem>> -> memref<1x128xi32, #tpu.memory_space<vmem>>
      %dma_wait3A_104 = tpu.memref_squeeze %dma_wait3A_103 : memref<1x128xi32, #tpu.memory_space<vmem>> -> memref<128xi32, #tpu.memory_space<vmem>>
      %dma_wait3A_105 = arith.constant 0 : i32
      %dma_wait3A_106 = arith.constant 0 : i32
      %dma_wait3A_107 = tpu.memref_slice %arg2[%dma_wait3A_105, %dma_wait3A_106] : memref<10240x128xf32, #tpu.memory_space<hbm>> -> memref<10240x128xf32, #tpu.memory_space<hbm>>
      tpu.wait_indirect_dma semaphore(%arg16 : memref<!tpu.dma_semaphore, #tpu.memory_space<semaphore_mem>>) src(%dma_wait3A_107 : memref<10240x128xf32, #tpu.memory_space<hbm>>) dst(%arg11 : memref<128x128xf32, #tpu.memory_space<vmem>>)
      %run_scoped3A = arith.constant 0 : i32
      "tpu.region"() ({
        %run_scoped3A_339 = tpu.sem_alloc : memref<!tpu.dma_semaphore, #tpu.memory_space<semaphore_mem>>
        %dma_start3A_340 = arith.constant 0 : i32
        %dma_start3A_341 = tpu.memref_slice %arg8[%run_scoped3A, %dma_start3A_340] : memref<8x128xi32, #tpu.memory_space<vmem>> -> memref<1x128xi32, #tpu.memory_space<vmem>>
        %dma_start3A_342 = tpu.memref_squeeze %dma_start3A_341 : memref<1x128xi32, #tpu.memory_space<vmem>> -> memref<128xi32, #tpu.memory_space<vmem>>
        %dma_start3A_343 = arith.constant 0 : i32
        %dma_start3A_344 = arith.constant 0 : i32
        %dma_start3A_345 = tpu.memref_slice %arg13[%dma_start3A_343, %dma_start3A_344] : memref<10240x128xf32, #tpu.memory_space<vmem_shared>> -> memref<10240x128xf32, #tpu.memory_space<vmem_shared>>
        tpu.enqueue_indirect_dma source(%arg11 : memref<128x128xf32, #tpu.memory_space<vmem>>) target(%dma_start3A_345 : memref<10240x128xf32, #tpu.memory_space<vmem_shared>>) offsets(%dma_start3A_342 : memref<128xi32, #tpu.memory_space<vmem>>) semaphore(%run_scoped3A_339 : memref<!tpu.dma_semaphore, #tpu.memory_space<semaphore_mem>>) {add = true}
        %dma_wait3A_346 = arith.constant 0 : i32
        %dma_wait3A_347 = tpu.memref_slice %arg8[%run_scoped3A, %dma_wait3A_346] : memref<8x128xi32, #tpu.memory_space<vmem>> -> memref<1x128xi32, #tpu.memory_space<vmem>>
        %dma_wait3A_348 = tpu.memref_squeeze %dma_wait3A_347 : memref<1x128xi32, #tpu.memory_space<vmem>> -> memref<128xi32, #tpu.memory_space<vmem>>
        %dma_wait3A_349 = arith.constant 0 : i32
        %dma_wait3A_350 = arith.constant 0 : i32
        %dma_wait3A_351 = tpu.memref_slice %arg13[%dma_wait3A_349, %dma_wait3A_350] : memref<10240x128xf32, #tpu.memory_space<vmem_shared>> -> memref<10240x128xf32, #tpu.memory_space<vmem_shared>>
        tpu.wait_indirect_dma semaphore(%run_scoped3A_339 : memref<!tpu.dma_semaphore, #tpu.memory_space<semaphore_mem>>) src(%arg11 : memref<128x128xf32, #tpu.memory_space<vmem>>) dst(%dma_wait3A_351 : memref<10240x128xf32, #tpu.memory_space<vmem_shared>>)
        tpu.yield
      }) : () -> ()
      %dma_start3A_108 = arith.constant 2 : i32
      %dma_start3A_109 = arith.constant 0 : i32
      %dma_start3A_110 = tpu.memref_slice %arg7[%dma_start3A_108, %dma_start3A_109] : memref<8x128xi32, #tpu.memory_space<vmem>> -> memref<1x128xi32, #tpu.memory_space<vmem>>
      %dma_start3A_111 = tpu.memref_squeeze %dma_start3A_110 : memref<1x128xi32, #tpu.memory_space<vmem>> -> memref<128xi32, #tpu.memory_space<vmem>>
      %dma_start3A_112 = arith.constant 0 : i32
      %dma_start3A_113 = arith.constant 0 : i32
      %dma_start3A_114 = tpu.memref_slice %arg2[%dma_start3A_112, %dma_start3A_113] : memref<10240x128xf32, #tpu.memory_space<hbm>> -> memref<10240x128xf32, #tpu.memory_space<hbm>>
      tpu.enqueue_indirect_dma source(%dma_start3A_114 : memref<10240x128xf32, #tpu.memory_space<hbm>>) target(%arg11 : memref<128x128xf32, #tpu.memory_space<vmem>>) offsets(%dma_start3A_111 : memref<128xi32, #tpu.memory_space<vmem>>) semaphore(%arg16 : memref<!tpu.dma_semaphore, #tpu.memory_space<semaphore_mem>>)
      %dma_wait3A_115 = arith.constant 0 : i32
      %dma_wait3A_116 = arith.constant 0 : i32
      %dma_wait3A_117 = tpu.memref_slice %arg7[%dma_wait3A_115, %dma_wait3A_116] : memref<8x128xi32, #tpu.memory_space<vmem>> -> memref<1x128xi32, #tpu.memory_space<vmem>>
      %dma_wait3A_118 = tpu.memref_squeeze %dma_wait3A_117 : memref<1x128xi32, #tpu.memory_space<vmem>> -> memref<128xi32, #tpu.memory_space<vmem>>
      %dma_wait3A_119 = arith.constant 0 : i32
      %dma_wait3A_120 = arith.constant 0 : i32
      %dma_wait3A_121 = tpu.memref_slice %arg2[%dma_wait3A_119, %dma_wait3A_120] : memref<10240x128xf32, #tpu.memory_space<hbm>> -> memref<10240x128xf32, #tpu.memory_space<hbm>>
      tpu.wait_indirect_dma semaphore(%arg17 : memref<!tpu.dma_semaphore, #tpu.memory_space<semaphore_mem>>) src(%dma_wait3A_121 : memref<10240x128xf32, #tpu.memory_space<hbm>>) dst(%arg12 : memref<128x128xf32, #tpu.memory_space<vmem>>)
      %run_scoped3A_122 = arith.constant 1 : i32
      "tpu.region"() ({
        %run_scoped3A_339 = tpu.sem_alloc : memref<!tpu.dma_semaphore, #tpu.memory_space<semaphore_mem>>
        %dma_start3A_340 = arith.constant 0 : i32
        %dma_start3A_341 = tpu.memref_slice %arg8[%run_scoped3A_122, %dma_start3A_340] : memref<8x128xi32, #tpu.memory_space<vmem>> -> memref<1x128xi32, #tpu.memory_space<vmem>>
        %dma_start3A_342 = tpu.memref_squeeze %dma_start3A_341 : memref<1x128xi32, #tpu.memory_space<vmem>> -> memref<128xi32, #tpu.memory_space<vmem>>
        %dma_start3A_343 = arith.constant 0 : i32
        %dma_start3A_344 = arith.constant 0 : i32
        %dma_start3A_345 = tpu.memref_slice %arg13[%dma_start3A_343, %dma_start3A_344] : memref<10240x128xf32, #tpu.memory_space<vmem_shared>> -> memref<10240x128xf32, #tpu.memory_space<vmem_shared>>
        tpu.enqueue_indirect_dma source(%arg12 : memref<128x128xf32, #tpu.memory_space<vmem>>) target(%dma_start3A_345 : memref<10240x128xf32, #tpu.memory_space<vmem_shared>>) offsets(%dma_start3A_342 : memref<128xi32, #tpu.memory_space<vmem>>) semaphore(%run_scoped3A_339 : memref<!tpu.dma_semaphore, #tpu.memory_space<semaphore_mem>>) {add = true}
        %dma_wait3A_346 = arith.constant 0 : i32
        %dma_wait3A_347 = tpu.memref_slice %arg8[%run_scoped3A_122, %dma_wait3A_346] : memref<8x128xi32, #tpu.memory_space<vmem>> -> memref<1x128xi32, #tpu.memory_space<vmem>>
        %dma_wait3A_348 = tpu.memref_squeeze %dma_wait3A_347 : memref<1x128xi32, #tpu.memory_space<vmem>> -> memref<128xi32, #tpu.memory_space<vmem>>
        %dma_wait3A_349 = arith.constant 0 : i32
        %dma_wait3A_350 = arith.constant 0 : i32
        %dma_wait3A_351 = tpu.memref_slice %arg13[%dma_wait3A_349, %dma_wait3A_350] : memref<10240x128xf32, #tpu.memory_space<vmem_shared>> -> memref<10240x128xf32, #tpu.memory_space<vmem_shared>>
        tpu.wait_indirect_dma semaphore(%run_scoped3A_339 : memref<!tpu.dma_semaphore, #tpu.memory_space<semaphore_mem>>) src(%arg12 : memref<128x128xf32, #tpu.memory_space<vmem>>) dst(%dma_wait3A_351 : memref<10240x128xf32, #tpu.memory_space<vmem_shared>>)
        tpu.yield
      }) : () -> ()
      %dma_start3A_123 = arith.constant 3 : i32
      %dma_start3A_124 = arith.constant 0 : i32
      %dma_start3A_125 = tpu.memref_slice %arg7[%dma_start3A_123, %dma_start3A_124] : memref<8x128xi32, #tpu.memory_space<vmem>> -> memref<1x128xi32, #tpu.memory_space<vmem>>
      %dma_start3A_126 = tpu.memref_squeeze %dma_start3A_125 : memref<1x128xi32, #tpu.memory_space<vmem>> -> memref<128xi32, #tpu.memory_space<vmem>>
      %dma_start3A_127 = arith.constant 0 : i32
      %dma_start3A_128 = arith.constant 0 : i32
      %dma_start3A_129 = tpu.memref_slice %arg2[%dma_start3A_127, %dma_start3A_128] : memref<10240x128xf32, #tpu.memory_space<hbm>> -> memref<10240x128xf32, #tpu.memory_space<hbm>>
      tpu.enqueue_indirect_dma source(%dma_start3A_129 : memref<10240x128xf32, #tpu.memory_space<hbm>>) target(%arg12 : memref<128x128xf32, #tpu.memory_space<vmem>>) offsets(%dma_start3A_126 : memref<128xi32, #tpu.memory_space<vmem>>) semaphore(%arg17 : memref<!tpu.dma_semaphore, #tpu.memory_space<semaphore_mem>>)
      %dma_wait3A_130 = arith.constant 0 : i32
      %dma_wait3A_131 = arith.constant 0 : i32
      %dma_wait3A_132 = tpu.memref_slice %arg7[%dma_wait3A_130, %dma_wait3A_131] : memref<8x128xi32, #tpu.memory_space<vmem>> -> memref<1x128xi32, #tpu.memory_space<vmem>>
      %dma_wait3A_133 = tpu.memref_squeeze %dma_wait3A_132 : memref<1x128xi32, #tpu.memory_space<vmem>> -> memref<128xi32, #tpu.memory_space<vmem>>
      %dma_wait3A_134 = arith.constant 0 : i32
      %dma_wait3A_135 = arith.constant 0 : i32
      %dma_wait3A_136 = tpu.memref_slice %arg2[%dma_wait3A_134, %dma_wait3A_135] : memref<10240x128xf32, #tpu.memory_space<hbm>> -> memref<10240x128xf32, #tpu.memory_space<hbm>>
      tpu.wait_indirect_dma semaphore(%arg16 : memref<!tpu.dma_semaphore, #tpu.memory_space<semaphore_mem>>) src(%dma_wait3A_136 : memref<10240x128xf32, #tpu.memory_space<hbm>>) dst(%arg11 : memref<128x128xf32, #tpu.memory_space<vmem>>)
      %run_scoped3A_137 = arith.constant 2 : i32
      "tpu.region"() ({
        %run_scoped3A_339 = tpu.sem_alloc : memref<!tpu.dma_semaphore, #tpu.memory_space<semaphore_mem>>
        %dma_start3A_340 = arith.constant 0 : i32
        %dma_start3A_341 = tpu.memref_slice %arg8[%run_scoped3A_137, %dma_start3A_340] : memref<8x128xi32, #tpu.memory_space<vmem>> -> memref<1x128xi32, #tpu.memory_space<vmem>>
        %dma_start3A_342 = tpu.memref_squeeze %dma_start3A_341 : memref<1x128xi32, #tpu.memory_space<vmem>> -> memref<128xi32, #tpu.memory_space<vmem>>
        %dma_start3A_343 = arith.constant 0 : i32
        %dma_start3A_344 = arith.constant 0 : i32
        %dma_start3A_345 = tpu.memref_slice %arg13[%dma_start3A_343, %dma_start3A_344] : memref<10240x128xf32, #tpu.memory_space<vmem_shared>> -> memref<10240x128xf32, #tpu.memory_space<vmem_shared>>
        tpu.enqueue_indirect_dma source(%arg11 : memref<128x128xf32, #tpu.memory_space<vmem>>) target(%dma_start3A_345 : memref<10240x128xf32, #tpu.memory_space<vmem_shared>>) offsets(%dma_start3A_342 : memref<128xi32, #tpu.memory_space<vmem>>) semaphore(%run_scoped3A_339 : memref<!tpu.dma_semaphore, #tpu.memory_space<semaphore_mem>>) {add = true}
        %dma_wait3A_346 = arith.constant 0 : i32
        %dma_wait3A_347 = tpu.memref_slice %arg8[%run_scoped3A_137, %dma_wait3A_346] : memref<8x128xi32, #tpu.memory_space<vmem>> -> memref<1x128xi32, #tpu.memory_space<vmem>>
        %dma_wait3A_348 = tpu.memref_squeeze %dma_wait3A_347 : memref<1x128xi32, #tpu.memory_space<vmem>> -> memref<128xi32, #tpu.memory_space<vmem>>
        %dma_wait3A_349 = arith.constant 0 : i32
        %dma_wait3A_350 = arith.constant 0 : i32
        %dma_wait3A_351 = tpu.memref_slice %arg13[%dma_wait3A_349, %dma_wait3A_350] : memref<10240x128xf32, #tpu.memory_space<vmem_shared>> -> memref<10240x128xf32, #tpu.memory_space<vmem_shared>>
        tpu.wait_indirect_dma semaphore(%run_scoped3A_339 : memref<!tpu.dma_semaphore, #tpu.memory_space<semaphore_mem>>) src(%arg11 : memref<128x128xf32, #tpu.memory_space<vmem>>) dst(%dma_wait3A_351 : memref<10240x128xf32, #tpu.memory_space<vmem_shared>>)
        tpu.yield
      }) : () -> ()
      %dma_start3A_138 = arith.constant 4 : i32
      %dma_start3A_139 = arith.constant 0 : i32
      %dma_start3A_140 = tpu.memref_slice %arg7[%dma_start3A_138, %dma_start3A_139] : memref<8x128xi32, #tpu.memory_space<vmem>> -> memref<1x128xi32, #tpu.memory_space<vmem>>
      %dma_start3A_141 = tpu.memref_squeeze %dma_start3A_140 : memref<1x128xi32, #tpu.memory_space<vmem>> -> memref<128xi32, #tpu.memory_space<vmem>>
      %dma_start3A_142 = arith.constant 0 : i32
      %dma_start3A_143 = arith.constant 0 : i32
      %dma_start3A_144 = tpu.memref_slice %arg2[%dma_start3A_142, %dma_start3A_143] : memref<10240x128xf32, #tpu.memory_space<hbm>> -> memref<10240x128xf32, #tpu.memory_space<hbm>>
      tpu.enqueue_indirect_dma source(%dma_start3A_144 : memref<10240x128xf32, #tpu.memory_space<hbm>>) target(%arg11 : memref<128x128xf32, #tpu.memory_space<vmem>>) offsets(%dma_start3A_141 : memref<128xi32, #tpu.memory_space<vmem>>) semaphore(%arg16 : memref<!tpu.dma_semaphore, #tpu.memory_space<semaphore_mem>>)
      %dma_wait3A_145 = arith.constant 0 : i32
      %dma_wait3A_146 = arith.constant 0 : i32
      %dma_wait3A_147 = tpu.memref_slice %arg7[%dma_wait3A_145, %dma_wait3A_146] : memref<8x128xi32, #tpu.memory_space<vmem>> -> memref<1x128xi32, #tpu.memory_space<vmem>>
      %dma_wait3A_148 = tpu.memref_squeeze %dma_wait3A_147 : memref<1x128xi32, #tpu.memory_space<vmem>> -> memref<128xi32, #tpu.memory_space<vmem>>
      %dma_wait3A_149 = arith.constant 0 : i32
      %dma_wait3A_150 = arith.constant 0 : i32
      %dma_wait3A_151 = tpu.memref_slice %arg2[%dma_wait3A_149, %dma_wait3A_150] : memref<10240x128xf32, #tpu.memory_space<hbm>> -> memref<10240x128xf32, #tpu.memory_space<hbm>>
      tpu.wait_indirect_dma semaphore(%arg17 : memref<!tpu.dma_semaphore, #tpu.memory_space<semaphore_mem>>) src(%dma_wait3A_151 : memref<10240x128xf32, #tpu.memory_space<hbm>>) dst(%arg12 : memref<128x128xf32, #tpu.memory_space<vmem>>)
      %run_scoped3A_152 = arith.constant 3 : i32
      "tpu.region"() ({
        %run_scoped3A_339 = tpu.sem_alloc : memref<!tpu.dma_semaphore, #tpu.memory_space<semaphore_mem>>
        %dma_start3A_340 = arith.constant 0 : i32
        %dma_start3A_341 = tpu.memref_slice %arg8[%run_scoped3A_152, %dma_start3A_340] : memref<8x128xi32, #tpu.memory_space<vmem>> -> memref<1x128xi32, #tpu.memory_space<vmem>>
        %dma_start3A_342 = tpu.memref_squeeze %dma_start3A_341 : memref<1x128xi32, #tpu.memory_space<vmem>> -> memref<128xi32, #tpu.memory_space<vmem>>
        %dma_start3A_343 = arith.constant 0 : i32
        %dma_start3A_344 = arith.constant 0 : i32
        %dma_start3A_345 = tpu.memref_slice %arg13[%dma_start3A_343, %dma_start3A_344] : memref<10240x128xf32, #tpu.memory_space<vmem_shared>> -> memref<10240x128xf32, #tpu.memory_space<vmem_shared>>
        tpu.enqueue_indirect_dma source(%arg12 : memref<128x128xf32, #tpu.memory_space<vmem>>) target(%dma_start3A_345 : memref<10240x128xf32, #tpu.memory_space<vmem_shared>>) offsets(%dma_start3A_342 : memref<128xi32, #tpu.memory_space<vmem>>) semaphore(%run_scoped3A_339 : memref<!tpu.dma_semaphore, #tpu.memory_space<semaphore_mem>>) {add = true}
        %dma_wait3A_346 = arith.constant 0 : i32
        %dma_wait3A_347 = tpu.memref_slice %arg8[%run_scoped3A_152, %dma_wait3A_346] : memref<8x128xi32, #tpu.memory_space<vmem>> -> memref<1x128xi32, #tpu.memory_space<vmem>>
        %dma_wait3A_348 = tpu.memref_squeeze %dma_wait3A_347 : memref<1x128xi32, #tpu.memory_space<vmem>> -> memref<128xi32, #tpu.memory_space<vmem>>
        %dma_wait3A_349 = arith.constant 0 : i32
        %dma_wait3A_350 = arith.constant 0 : i32
        %dma_wait3A_351 = tpu.memref_slice %arg13[%dma_wait3A_349, %dma_wait3A_350] : memref<10240x128xf32, #tpu.memory_space<vmem_shared>> -> memref<10240x128xf32, #tpu.memory_space<vmem_shared>>
        tpu.wait_indirect_dma semaphore(%run_scoped3A_339 : memref<!tpu.dma_semaphore, #tpu.memory_space<semaphore_mem>>) src(%arg12 : memref<128x128xf32, #tpu.memory_space<vmem>>) dst(%dma_wait3A_351 : memref<10240x128xf32, #tpu.memory_space<vmem_shared>>)
        tpu.yield
      }) : () -> ()
      %dma_start3A_153 = arith.constant 5 : i32
      %dma_start3A_154 = arith.constant 0 : i32
      %dma_start3A_155 = tpu.memref_slice %arg7[%dma_start3A_153, %dma_start3A_154] : memref<8x128xi32, #tpu.memory_space<vmem>> -> memref<1x128xi32, #tpu.memory_space<vmem>>
      %dma_start3A_156 = tpu.memref_squeeze %dma_start3A_155 : memref<1x128xi32, #tpu.memory_space<vmem>> -> memref<128xi32, #tpu.memory_space<vmem>>
      %dma_start3A_157 = arith.constant 0 : i32
      %dma_start3A_158 = arith.constant 0 : i32
      %dma_start3A_159 = tpu.memref_slice %arg2[%dma_start3A_157, %dma_start3A_158] : memref<10240x128xf32, #tpu.memory_space<hbm>> -> memref<10240x128xf32, #tpu.memory_space<hbm>>
      tpu.enqueue_indirect_dma source(%dma_start3A_159 : memref<10240x128xf32, #tpu.memory_space<hbm>>) target(%arg12 : memref<128x128xf32, #tpu.memory_space<vmem>>) offsets(%dma_start3A_156 : memref<128xi32, #tpu.memory_space<vmem>>) semaphore(%arg17 : memref<!tpu.dma_semaphore, #tpu.memory_space<semaphore_mem>>)
      %dma_wait3A_160 = arith.constant 0 : i32
      %dma_wait3A_161 = arith.constant 0 : i32
      %dma_wait3A_162 = tpu.memref_slice %arg7[%dma_wait3A_160, %dma_wait3A_161] : memref<8x128xi32, #tpu.memory_space<vmem>> -> memref<1x128xi32, #tpu.memory_space<vmem>>
      %dma_wait3A_163 = tpu.memref_squeeze %dma_wait3A_162 : memref<1x128xi32, #tpu.memory_space<vmem>> -> memref<128xi32, #tpu.memory_space<vmem>>
      %dma_wait3A_164 = arith.constant 0 : i32
      %dma_wait3A_165 = arith.constant 0 : i32
      %dma_wait3A_166 = tpu.memref_slice %arg2[%dma_wait3A_164, %dma_wait3A_165] : memref<10240x128xf32, #tpu.memory_space<hbm>> -> memref<10240x128xf32, #tpu.memory_space<hbm>>
      tpu.wait_indirect_dma semaphore(%arg16 : memref<!tpu.dma_semaphore, #tpu.memory_space<semaphore_mem>>) src(%dma_wait3A_166 : memref<10240x128xf32, #tpu.memory_space<hbm>>) dst(%arg11 : memref<128x128xf32, #tpu.memory_space<vmem>>)
      %run_scoped3A_167 = arith.constant 4 : i32
      "tpu.region"() ({
        %run_scoped3A_339 = tpu.sem_alloc : memref<!tpu.dma_semaphore, #tpu.memory_space<semaphore_mem>>
        %dma_start3A_340 = arith.constant 0 : i32
        %dma_start3A_341 = tpu.memref_slice %arg8[%run_scoped3A_167, %dma_start3A_340] : memref<8x128xi32, #tpu.memory_space<vmem>> -> memref<1x128xi32, #tpu.memory_space<vmem>>
        %dma_start3A_342 = tpu.memref_squeeze %dma_start3A_341 : memref<1x128xi32, #tpu.memory_space<vmem>> -> memref<128xi32, #tpu.memory_space<vmem>>
        %dma_start3A_343 = arith.constant 0 : i32
        %dma_start3A_344 = arith.constant 0 : i32
        %dma_start3A_345 = tpu.memref_slice %arg13[%dma_start3A_343, %dma_start3A_344] : memref<10240x128xf32, #tpu.memory_space<vmem_shared>> -> memref<10240x128xf32, #tpu.memory_space<vmem_shared>>
        tpu.enqueue_indirect_dma source(%arg11 : memref<128x128xf32, #tpu.memory_space<vmem>>) target(%dma_start3A_345 : memref<10240x128xf32, #tpu.memory_space<vmem_shared>>) offsets(%dma_start3A_342 : memref<128xi32, #tpu.memory_space<vmem>>) semaphore(%run_scoped3A_339 : memref<!tpu.dma_semaphore, #tpu.memory_space<semaphore_mem>>) {add = true}
        %dma_wait3A_346 = arith.constant 0 : i32
        %dma_wait3A_347 = tpu.memref_slice %arg8[%run_scoped3A_167, %dma_wait3A_346] : memref<8x128xi32, #tpu.memory_space<vmem>> -> memref<1x128xi32, #tpu.memory_space<vmem>>
        %dma_wait3A_348 = tpu.memref_squeeze %dma_wait3A_347 : memref<1x128xi32, #tpu.memory_space<vmem>> -> memref<128xi32, #tpu.memory_space<vmem>>
        %dma_wait3A_349 = arith.constant 0 : i32
        %dma_wait3A_350 = arith.constant 0 : i32
        %dma_wait3A_351 = tpu.memref_slice %arg13[%dma_wait3A_349, %dma_wait3A_350] : memref<10240x128xf32, #tpu.memory_space<vmem_shared>> -> memref<10240x128xf32, #tpu.memory_space<vmem_shared>>
        tpu.wait_indirect_dma semaphore(%run_scoped3A_339 : memref<!tpu.dma_semaphore, #tpu.memory_space<semaphore_mem>>) src(%arg11 : memref<128x128xf32, #tpu.memory_space<vmem>>) dst(%dma_wait3A_351 : memref<10240x128xf32, #tpu.memory_space<vmem_shared>>)
        tpu.yield
      }) : () -> ()
      %dma_start3A_168 = arith.constant 6 : i32
      %dma_start3A_169 = arith.constant 0 : i32
      %dma_start3A_170 = tpu.memref_slice %arg7[%dma_start3A_168, %dma_start3A_169] : memref<8x128xi32, #tpu.memory_space<vmem>> -> memref<1x128xi32, #tpu.memory_space<vmem>>
      %dma_start3A_171 = tpu.memref_squeeze %dma_start3A_170 : memref<1x128xi32, #tpu.memory_space<vmem>> -> memref<128xi32, #tpu.memory_space<vmem>>
      %dma_start3A_172 = arith.constant 0 : i32
      %dma_start3A_173 = arith.constant 0 : i32
      %dma_start3A_174 = tpu.memref_slice %arg2[%dma_start3A_172, %dma_start3A_173] : memref<10240x128xf32, #tpu.memory_space<hbm>> -> memref<10240x128xf32, #tpu.memory_space<hbm>>
      tpu.enqueue_indirect_dma source(%dma_start3A_174 : memref<10240x128xf32, #tpu.memory_space<hbm>>) target(%arg11 : memref<128x128xf32, #tpu.memory_space<vmem>>) offsets(%dma_start3A_171 : memref<128xi32, #tpu.memory_space<vmem>>) semaphore(%arg16 : memref<!tpu.dma_semaphore, #tpu.memory_space<semaphore_mem>>)
      %dma_wait3A_175 = arith.constant 0 : i32
      %dma_wait3A_176 = arith.constant 0 : i32
      %dma_wait3A_177 = tpu.memref_slice %arg7[%dma_wait3A_175, %dma_wait3A_176] : memref<8x128xi32, #tpu.memory_space<vmem>> -> memref<1x128xi32, #tpu.memory_space<vmem>>
      %dma_wait3A_178 = tpu.memref_squeeze %dma_wait3A_177 : memref<1x128xi32, #tpu.memory_space<vmem>> -> memref<128xi32, #tpu.memory_space<vmem>>
      %dma_wait3A_179 = arith.constant 0 : i32
      %dma_wait3A_180 = arith.constant 0 : i32
      %dma_wait3A_181 = tpu.memref_slice %arg2[%dma_wait3A_179, %dma_wait3A_180] : memref<10240x128xf32, #tpu.memory_space<hbm>> -> memref<10240x128xf32, #tpu.memory_space<hbm>>
      tpu.wait_indirect_dma semaphore(%arg17 : memref<!tpu.dma_semaphore, #tpu.memory_space<semaphore_mem>>) src(%dma_wait3A_181 : memref<10240x128xf32, #tpu.memory_space<hbm>>) dst(%arg12 : memref<128x128xf32, #tpu.memory_space<vmem>>)
      %run_scoped3A_182 = arith.constant 5 : i32
      "tpu.region"() ({
        %run_scoped3A_339 = tpu.sem_alloc : memref<!tpu.dma_semaphore, #tpu.memory_space<semaphore_mem>>
        %dma_start3A_340 = arith.constant 0 : i32
        %dma_start3A_341 = tpu.memref_slice %arg8[%run_scoped3A_182, %dma_start3A_340] : memref<8x128xi32, #tpu.memory_space<vmem>> -> memref<1x128xi32, #tpu.memory_space<vmem>>
        %dma_start3A_342 = tpu.memref_squeeze %dma_start3A_341 : memref<1x128xi32, #tpu.memory_space<vmem>> -> memref<128xi32, #tpu.memory_space<vmem>>
        %dma_start3A_343 = arith.constant 0 : i32
        %dma_start3A_344 = arith.constant 0 : i32
        %dma_start3A_345 = tpu.memref_slice %arg13[%dma_start3A_343, %dma_start3A_344] : memref<10240x128xf32, #tpu.memory_space<vmem_shared>> -> memref<10240x128xf32, #tpu.memory_space<vmem_shared>>
        tpu.enqueue_indirect_dma source(%arg12 : memref<128x128xf32, #tpu.memory_space<vmem>>) target(%dma_start3A_345 : memref<10240x128xf32, #tpu.memory_space<vmem_shared>>) offsets(%dma_start3A_342 : memref<128xi32, #tpu.memory_space<vmem>>) semaphore(%run_scoped3A_339 : memref<!tpu.dma_semaphore, #tpu.memory_space<semaphore_mem>>) {add = true}
        %dma_wait3A_346 = arith.constant 0 : i32
        %dma_wait3A_347 = tpu.memref_slice %arg8[%run_scoped3A_182, %dma_wait3A_346] : memref<8x128xi32, #tpu.memory_space<vmem>> -> memref<1x128xi32, #tpu.memory_space<vmem>>
        %dma_wait3A_348 = tpu.memref_squeeze %dma_wait3A_347 : memref<1x128xi32, #tpu.memory_space<vmem>> -> memref<128xi32, #tpu.memory_space<vmem>>
        %dma_wait3A_349 = arith.constant 0 : i32
        %dma_wait3A_350 = arith.constant 0 : i32
        %dma_wait3A_351 = tpu.memref_slice %arg13[%dma_wait3A_349, %dma_wait3A_350] : memref<10240x128xf32, #tpu.memory_space<vmem_shared>> -> memref<10240x128xf32, #tpu.memory_space<vmem_shared>>
        tpu.wait_indirect_dma semaphore(%run_scoped3A_339 : memref<!tpu.dma_semaphore, #tpu.memory_space<semaphore_mem>>) src(%arg12 : memref<128x128xf32, #tpu.memory_space<vmem>>) dst(%dma_wait3A_351 : memref<10240x128xf32, #tpu.memory_space<vmem_shared>>)
        tpu.yield
      }) : () -> ()
      %dma_start3A_183 = arith.constant 7 : i32
      %dma_start3A_184 = arith.constant 0 : i32
      %dma_start3A_185 = tpu.memref_slice %arg7[%dma_start3A_183, %dma_start3A_184] : memref<8x128xi32, #tpu.memory_space<vmem>> -> memref<1x128xi32, #tpu.memory_space<vmem>>
      %dma_start3A_186 = tpu.memref_squeeze %dma_start3A_185 : memref<1x128xi32, #tpu.memory_space<vmem>> -> memref<128xi32, #tpu.memory_space<vmem>>
      %dma_start3A_187 = arith.constant 0 : i32
      %dma_start3A_188 = arith.constant 0 : i32
      %dma_start3A_189 = tpu.memref_slice %arg2[%dma_start3A_187, %dma_start3A_188] : memref<10240x128xf32, #tpu.memory_space<hbm>> -> memref<10240x128xf32, #tpu.memory_space<hbm>>
      tpu.enqueue_indirect_dma source(%dma_start3A_189 : memref<10240x128xf32, #tpu.memory_space<hbm>>) target(%arg12 : memref<128x128xf32, #tpu.memory_space<vmem>>) offsets(%dma_start3A_186 : memref<128xi32, #tpu.memory_space<vmem>>) semaphore(%arg17 : memref<!tpu.dma_semaphore, #tpu.memory_space<semaphore_mem>>)
      %dma_wait3A_190 = arith.constant 0 : i32
      %dma_wait3A_191 = arith.constant 0 : i32
      %dma_wait3A_192 = tpu.memref_slice %arg7[%dma_wait3A_190, %dma_wait3A_191] : memref<8x128xi32, #tpu.memory_space<vmem>> -> memref<1x128xi32, #tpu.memory_space<vmem>>
      %dma_wait3A_193 = tpu.memref_squeeze %dma_wait3A_192 : memref<1x128xi32, #tpu.memory_space<vmem>> -> memref<128xi32, #tpu.memory_space<vmem>>
      %dma_wait3A_194 = arith.constant 0 : i32
      %dma_wait3A_195 = arith.constant 0 : i32
      %dma_wait3A_196 = tpu.memref_slice %arg2[%dma_wait3A_194, %dma_wait3A_195] : memref<10240x128xf32, #tpu.memory_space<hbm>> -> memref<10240x128xf32, #tpu.memory_space<hbm>>
      tpu.wait_indirect_dma semaphore(%arg16 : memref<!tpu.dma_semaphore, #tpu.memory_space<semaphore_mem>>) src(%dma_wait3A_196 : memref<10240x128xf32, #tpu.memory_space<hbm>>) dst(%arg11 : memref<128x128xf32, #tpu.memory_space<vmem>>)
      %run_scoped3A_197 = arith.constant 6 : i32
      "tpu.region"() ({
        %run_scoped3A_339 = tpu.sem_alloc : memref<!tpu.dma_semaphore, #tpu.memory_space<semaphore_mem>>
        %dma_start3A_340 = arith.constant 0 : i32
        %dma_start3A_341 = tpu.memref_slice %arg8[%run_scoped3A_197, %dma_start3A_340] : memref<8x128xi32, #tpu.memory_space<vmem>> -> memref<1x128xi32, #tpu.memory_space<vmem>>
        %dma_start3A_342 = tpu.memref_squeeze %dma_start3A_341 : memref<1x128xi32, #tpu.memory_space<vmem>> -> memref<128xi32, #tpu.memory_space<vmem>>
        %dma_start3A_343 = arith.constant 0 : i32
        %dma_start3A_344 = arith.constant 0 : i32
        %dma_start3A_345 = tpu.memref_slice %arg13[%dma_start3A_343, %dma_start3A_344] : memref<10240x128xf32, #tpu.memory_space<vmem_shared>> -> memref<10240x128xf32, #tpu.memory_space<vmem_shared>>
        tpu.enqueue_indirect_dma source(%arg11 : memref<128x128xf32, #tpu.memory_space<vmem>>) target(%dma_start3A_345 : memref<10240x128xf32, #tpu.memory_space<vmem_shared>>) offsets(%dma_start3A_342 : memref<128xi32, #tpu.memory_space<vmem>>) semaphore(%run_scoped3A_339 : memref<!tpu.dma_semaphore, #tpu.memory_space<semaphore_mem>>) {add = true}
        %dma_wait3A_346 = arith.constant 0 : i32
        %dma_wait3A_347 = tpu.memref_slice %arg8[%run_scoped3A_197, %dma_wait3A_346] : memref<8x128xi32, #tpu.memory_space<vmem>> -> memref<1x128xi32, #tpu.memory_space<vmem>>
        %dma_wait3A_348 = tpu.memref_squeeze %dma_wait3A_347 : memref<1x128xi32, #tpu.memory_space<vmem>> -> memref<128xi32, #tpu.memory_space<vmem>>
        %dma_wait3A_349 = arith.constant 0 : i32
        %dma_wait3A_350 = arith.constant 0 : i32
        %dma_wait3A_351 = tpu.memref_slice %arg13[%dma_wait3A_349, %dma_wait3A_350] : memref<10240x128xf32, #tpu.memory_space<vmem_shared>> -> memref<10240x128xf32, #tpu.memory_space<vmem_shared>>
        tpu.wait_indirect_dma semaphore(%run_scoped3A_339 : memref<!tpu.dma_semaphore, #tpu.memory_space<semaphore_mem>>) src(%arg11 : memref<128x128xf32, #tpu.memory_space<vmem>>) dst(%dma_wait3A_351 : memref<10240x128xf32, #tpu.memory_space<vmem_shared>>)
        tpu.yield
      }) : () -> ()
      %dma_wait3A_198 = arith.constant 0 : i32
      %dma_wait3A_199 = arith.constant 0 : i32
      %dma_wait3A_200 = tpu.memref_slice %arg7[%dma_wait3A_198, %dma_wait3A_199] : memref<8x128xi32, #tpu.memory_space<vmem>> -> memref<1x128xi32, #tpu.memory_space<vmem>>
      %dma_wait3A_201 = tpu.memref_squeeze %dma_wait3A_200 : memref<1x128xi32, #tpu.memory_space<vmem>> -> memref<128xi32, #tpu.memory_space<vmem>>
      %dma_wait3A_202 = arith.constant 0 : i32
      %dma_wait3A_203 = arith.constant 0 : i32
      %dma_wait3A_204 = tpu.memref_slice %arg2[%dma_wait3A_202, %dma_wait3A_203] : memref<10240x128xf32, #tpu.memory_space<hbm>> -> memref<10240x128xf32, #tpu.memory_space<hbm>>
      tpu.wait_indirect_dma semaphore(%arg17 : memref<!tpu.dma_semaphore, #tpu.memory_space<semaphore_mem>>) src(%dma_wait3A_204 : memref<10240x128xf32, #tpu.memory_space<hbm>>) dst(%arg12 : memref<128x128xf32, #tpu.memory_space<vmem>>)
      %run_scoped3A_205 = arith.constant 7 : i32
      "tpu.region"() ({
        %run_scoped3A_339 = tpu.sem_alloc : memref<!tpu.dma_semaphore, #tpu.memory_space<semaphore_mem>>
        %dma_start3A_340 = arith.constant 0 : i32
        %dma_start3A_341 = tpu.memref_slice %arg8[%run_scoped3A_205, %dma_start3A_340] : memref<8x128xi32, #tpu.memory_space<vmem>> -> memref<1x128xi32, #tpu.memory_space<vmem>>
        %dma_start3A_342 = tpu.memref_squeeze %dma_start3A_341 : memref<1x128xi32, #tpu.memory_space<vmem>> -> memref<128xi32, #tpu.memory_space<vmem>>
        %dma_start3A_343 = arith.constant 0 : i32
        %dma_start3A_344 = arith.constant 0 : i32
        %dma_start3A_345 = tpu.memref_slice %arg13[%dma_start3A_343, %dma_start3A_344] : memref<10240x128xf32, #tpu.memory_space<vmem_shared>> -> memref<10240x128xf32, #tpu.memory_space<vmem_shared>>
        tpu.enqueue_indirect_dma source(%arg12 : memref<128x128xf32, #tpu.memory_space<vmem>>) target(%dma_start3A_345 : memref<10240x128xf32, #tpu.memory_space<vmem_shared>>) offsets(%dma_start3A_342 : memref<128xi32, #tpu.memory_space<vmem>>) semaphore(%run_scoped3A_339 : memref<!tpu.dma_semaphore, #tpu.memory_space<semaphore_mem>>) {add = true}
        %dma_wait3A_346 = arith.constant 0 : i32
        %dma_wait3A_347 = tpu.memref_slice %arg8[%run_scoped3A_205, %dma_wait3A_346] : memref<8x128xi32, #tpu.memory_space<vmem>> -> memref<1x128xi32, #tpu.memory_space<vmem>>
        %dma_wait3A_348 = tpu.memref_squeeze %dma_wait3A_347 : memref<1x128xi32, #tpu.memory_space<vmem>> -> memref<128xi32, #tpu.memory_space<vmem>>
        %dma_wait3A_349 = arith.constant 0 : i32
        %dma_wait3A_350 = arith.constant 0 : i32
        %dma_wait3A_351 = tpu.memref_slice %arg13[%dma_wait3A_349, %dma_wait3A_350] : memref<10240x128xf32, #tpu.memory_space<vmem_shared>> -> memref<10240x128xf32, #tpu.memory_space<vmem_shared>>
        tpu.wait_indirect_dma semaphore(%run_scoped3A_339 : memref<!tpu.dma_semaphore, #tpu.memory_space<semaphore_mem>>) src(%arg12 : memref<128x128xf32, #tpu.memory_space<vmem>>) dst(%dma_wait3A_351 : memref<10240x128xf32, #tpu.memory_space<vmem_shared>>)
        tpu.yield
      }) : () -> ()
      %add3A_206 = arith.constant 2 : i32
      %add3A_207 = arith.addi %mul3A_63, %add3A_206 : i32
      %lt3A = arith.cmpi slt, %add3A_207, %select_n3A_20 : i32
      %convert_element_type3A_208 = arith.extui %lt3A : i1 to i32
      %cond3A_209 = arith.constant 0 : i32
      %cond3A_210 = arith.cmpi ne, %convert_element_type3A_208, %cond3A_209 : i32
      scf.if %cond3A_210 {
        %add3A_339 = arith.constant 2 : i32
        %add3A_340 = arith.addi %mul3A_63, %add3A_339 : i32
        %mul3A_341 = arith.constant 8 : i32
        %mul3A_342 = arith.muli %add3A_340, %mul3A_341 : i32
        %add3A_343 = arith.addi %select_n3A, %mul3A_342 : i32
        %dma_start3A_344 = arith.constant 0 : i32
        %dma_start3A_345 = tpu.memref_slice %arg3[%add3A_343, %dma_start3A_344] : memref<2560x128xi32, #tpu.memory_space<hbm>> -> memref<8x128xi32, #tpu.memory_space<hbm>>
        %dma_start3A_346 = arith.constant 0 : i32
        %dma_start3A_347 = tpu.memref_slice %arg3[%add3A_343, %dma_start3A_346] : memref<2560x128xi32, #tpu.memory_space<hbm>> -> memref<8x128xi32, #tpu.memory_space<hbm>>
        tpu.enqueue_dma source(%dma_start3A_347 : memref<8x128xi32, #tpu.memory_space<hbm>>) target(%arg7 : memref<8x128xi32, #tpu.memory_space<vmem>>) target_semaphore(%arg14 : memref<!tpu.dma_semaphore, #tpu.memory_space<semaphore_mem>>)
        %mul3A_348 = arith.constant 8 : i32
        %mul3A_349 = arith.muli %add3A_340, %mul3A_348 : i32
        %add3A_350 = arith.addi %select_n3A, %mul3A_349 : i32
        %dma_start3A_351 = arith.constant 0 : i32
        %dma_start3A_352 = tpu.memref_slice %arg4[%add3A_350, %dma_start3A_351] : memref<2560x128xi32, #tpu.memory_space<hbm>> -> memref<8x128xi32, #tpu.memory_space<hbm>>
        %dma_start3A_353 = arith.constant 0 : i32
        %dma_start3A_354 = tpu.memref_slice %arg4[%add3A_350, %dma_start3A_353] : memref<2560x128xi32, #tpu.memory_space<hbm>> -> memref<8x128xi32, #tpu.memory_space<hbm>>
        tpu.enqueue_dma source(%dma_start3A_354 : memref<8x128xi32, #tpu.memory_space<hbm>>) target(%arg8 : memref<8x128xi32, #tpu.memory_space<vmem>>) target_semaphore(%arg14 : memref<!tpu.dma_semaphore, #tpu.memory_space<semaphore_mem>>)
      } else {
      }
      %dma_wait3A_211 = arith.constant 0 : i32
      %dma_wait3A_212 = tpu.memref_slice %arg3[%select_n3A, %dma_wait3A_211] : memref<2560x128xi32, #tpu.memory_space<hbm>> -> memref<8x128xi32, #tpu.memory_space<hbm>>
      %dma_wait3A_213 = arith.constant 0 : i32
      %dma_wait3A_214 = tpu.memref_slice %arg3[%select_n3A, %dma_wait3A_213] : memref<2560x128xi32, #tpu.memory_space<hbm>> -> memref<8x128xi32, #tpu.memory_space<hbm>>
      tpu.wait_dma2 semaphore(%arg15 : memref<!tpu.dma_semaphore, #tpu.memory_space<semaphore_mem>>) src(%dma_wait3A_214 : memref<8x128xi32, #tpu.memory_space<hbm>>) dst(%arg9 : memref<8x128xi32, #tpu.memory_space<vmem>>)
      %dma_wait3A_215 = arith.constant 0 : i32
      %dma_wait3A_216 = tpu.memref_slice %arg3[%select_n3A, %dma_wait3A_215] : memref<2560x128xi32, #tpu.memory_space<hbm>> -> memref<8x128xi32, #tpu.memory_space<hbm>>
      %dma_wait3A_217 = arith.constant 0 : i32
      %dma_wait3A_218 = tpu.memref_slice %arg3[%select_n3A, %dma_wait3A_217] : memref<2560x128xi32, #tpu.memory_space<hbm>> -> memref<8x128xi32, #tpu.memory_space<hbm>>
      tpu.wait_dma2 semaphore(%arg15 : memref<!tpu.dma_semaphore, #tpu.memory_space<semaphore_mem>>) src(%dma_wait3A_218 : memref<8x128xi32, #tpu.memory_space<hbm>>) dst(%arg10 : memref<8x128xi32, #tpu.memory_space<vmem>>)
      %dma_start3A_219 = arith.constant 0 : i32
      %dma_start3A_220 = arith.constant 0 : i32
      %dma_start3A_221 = tpu.memref_slice %arg9[%dma_start3A_219, %dma_start3A_220] : memref<8x128xi32, #tpu.memory_space<vmem>> -> memref<1x128xi32, #tpu.memory_space<vmem>>
      %dma_start3A_222 = tpu.memref_squeeze %dma_start3A_221 : memref<1x128xi32, #tpu.memory_space<vmem>> -> memref<128xi32, #tpu.memory_space<vmem>>
      %dma_start3A_223 = arith.constant 0 : i32
      %dma_start3A_224 = arith.constant 0 : i32
      %dma_start3A_225 = tpu.memref_slice %arg2[%dma_start3A_223, %dma_start3A_224] : memref<10240x128xf32, #tpu.memory_space<hbm>> -> memref<10240x128xf32, #tpu.memory_space<hbm>>
      tpu.enqueue_indirect_dma source(%dma_start3A_225 : memref<10240x128xf32, #tpu.memory_space<hbm>>) target(%arg11 : memref<128x128xf32, #tpu.memory_space<vmem>>) offsets(%dma_start3A_222 : memref<128xi32, #tpu.memory_space<vmem>>) semaphore(%arg16 : memref<!tpu.dma_semaphore, #tpu.memory_space<semaphore_mem>>)
      %dma_start3A_226 = arith.constant 1 : i32
      %dma_start3A_227 = arith.constant 0 : i32
      %dma_start3A_228 = tpu.memref_slice %arg9[%dma_start3A_226, %dma_start3A_227] : memref<8x128xi32, #tpu.memory_space<vmem>> -> memref<1x128xi32, #tpu.memory_space<vmem>>
      %dma_start3A_229 = tpu.memref_squeeze %dma_start3A_228 : memref<1x128xi32, #tpu.memory_space<vmem>> -> memref<128xi32, #tpu.memory_space<vmem>>
      %dma_start3A_230 = arith.constant 0 : i32
      %dma_start3A_231 = arith.constant 0 : i32
      %dma_start3A_232 = tpu.memref_slice %arg2[%dma_start3A_230, %dma_start3A_231] : memref<10240x128xf32, #tpu.memory_space<hbm>> -> memref<10240x128xf32, #tpu.memory_space<hbm>>
      tpu.enqueue_indirect_dma source(%dma_start3A_232 : memref<10240x128xf32, #tpu.memory_space<hbm>>) target(%arg12 : memref<128x128xf32, #tpu.memory_space<vmem>>) offsets(%dma_start3A_229 : memref<128xi32, #tpu.memory_space<vmem>>) semaphore(%arg17 : memref<!tpu.dma_semaphore, #tpu.memory_space<semaphore_mem>>)
      %dma_wait3A_233 = arith.constant 0 : i32
      %dma_wait3A_234 = arith.constant 0 : i32
      %dma_wait3A_235 = tpu.memref_slice %arg9[%dma_wait3A_233, %dma_wait3A_234] : memref<8x128xi32, #tpu.memory_space<vmem>> -> memref<1x128xi32, #tpu.memory_space<vmem>>
      %dma_wait3A_236 = tpu.memref_squeeze %dma_wait3A_235 : memref<1x128xi32, #tpu.memory_space<vmem>> -> memref<128xi32, #tpu.memory_space<vmem>>
      %dma_wait3A_237 = arith.constant 0 : i32
      %dma_wait3A_238 = arith.constant 0 : i32
      %dma_wait3A_239 = tpu.memref_slice %arg2[%dma_wait3A_237, %dma_wait3A_238] : memref<10240x128xf32, #tpu.memory_space<hbm>> -> memref<10240x128xf32, #tpu.memory_space<hbm>>
      tpu.wait_indirect_dma semaphore(%arg16 : memref<!tpu.dma_semaphore, #tpu.memory_space<semaphore_mem>>) src(%dma_wait3A_239 : memref<10240x128xf32, #tpu.memory_space<hbm>>) dst(%arg11 : memref<128x128xf32, #tpu.memory_space<vmem>>)
      %run_scoped3A_240 = arith.constant 0 : i32
      "tpu.region"() ({
        %run_scoped3A_339 = tpu.sem_alloc : memref<!tpu.dma_semaphore, #tpu.memory_space<semaphore_mem>>
        %dma_start3A_340 = arith.constant 0 : i32
        %dma_start3A_341 = tpu.memref_slice %arg10[%run_scoped3A_240, %dma_start3A_340] : memref<8x128xi32, #tpu.memory_space<vmem>> -> memref<1x128xi32, #tpu.memory_space<vmem>>
        %dma_start3A_342 = tpu.memref_squeeze %dma_start3A_341 : memref<1x128xi32, #tpu.memory_space<vmem>> -> memref<128xi32, #tpu.memory_space<vmem>>
        %dma_start3A_343 = arith.constant 0 : i32
        %dma_start3A_344 = arith.constant 0 : i32
        %dma_start3A_345 = tpu.memref_slice %arg13[%dma_start3A_343, %dma_start3A_344] : memref<10240x128xf32, #tpu.memory_space<vmem_shared>> -> memref<10240x128xf32, #tpu.memory_space<vmem_shared>>
        tpu.enqueue_indirect_dma source(%arg11 : memref<128x128xf32, #tpu.memory_space<vmem>>) target(%dma_start3A_345 : memref<10240x128xf32, #tpu.memory_space<vmem_shared>>) offsets(%dma_start3A_342 : memref<128xi32, #tpu.memory_space<vmem>>) semaphore(%run_scoped3A_339 : memref<!tpu.dma_semaphore, #tpu.memory_space<semaphore_mem>>) {add = true}
        %dma_wait3A_346 = arith.constant 0 : i32
        %dma_wait3A_347 = tpu.memref_slice %arg10[%run_scoped3A_240, %dma_wait3A_346] : memref<8x128xi32, #tpu.memory_space<vmem>> -> memref<1x128xi32, #tpu.memory_space<vmem>>
        %dma_wait3A_348 = tpu.memref_squeeze %dma_wait3A_347 : memref<1x128xi32, #tpu.memory_space<vmem>> -> memref<128xi32, #tpu.memory_space<vmem>>
        %dma_wait3A_349 = arith.constant 0 : i32
        %dma_wait3A_350 = arith.constant 0 : i32
        %dma_wait3A_351 = tpu.memref_slice %arg13[%dma_wait3A_349, %dma_wait3A_350] : memref<10240x128xf32, #tpu.memory_space<vmem_shared>> -> memref<10240x128xf32, #tpu.memory_space<vmem_shared>>
        tpu.wait_indirect_dma semaphore(%run_scoped3A_339 : memref<!tpu.dma_semaphore, #tpu.memory_space<semaphore_mem>>) src(%arg11 : memref<128x128xf32, #tpu.memory_space<vmem>>) dst(%dma_wait3A_351 : memref<10240x128xf32, #tpu.memory_space<vmem_shared>>)
        tpu.yield
      }) : () -> ()
      %dma_start3A_241 = arith.constant 2 : i32
      %dma_start3A_242 = arith.constant 0 : i32
      %dma_start3A_243 = tpu.memref_slice %arg9[%dma_start3A_241, %dma_start3A_242] : memref<8x128xi32, #tpu.memory_space<vmem>> -> memref<1x128xi32, #tpu.memory_space<vmem>>
      %dma_start3A_244 = tpu.memref_squeeze %dma_start3A_243 : memref<1x128xi32, #tpu.memory_space<vmem>> -> memref<128xi32, #tpu.memory_space<vmem>>
      %dma_start3A_245 = arith.constant 0 : i32
      %dma_start3A_246 = arith.constant 0 : i32
      %dma_start3A_247 = tpu.memref_slice %arg2[%dma_start3A_245, %dma_start3A_246] : memref<10240x128xf32, #tpu.memory_space<hbm>> -> memref<10240x128xf32, #tpu.memory_space<hbm>>
      tpu.enqueue_indirect_dma source(%dma_start3A_247 : memref<10240x128xf32, #tpu.memory_space<hbm>>) target(%arg11 : memref<128x128xf32, #tpu.memory_space<vmem>>) offsets(%dma_start3A_244 : memref<128xi32, #tpu.memory_space<vmem>>) semaphore(%arg16 : memref<!tpu.dma_semaphore, #tpu.memory_space<semaphore_mem>>)
      %dma_wait3A_248 = arith.constant 0 : i32
      %dma_wait3A_249 = arith.constant 0 : i32
      %dma_wait3A_250 = tpu.memref_slice %arg9[%dma_wait3A_248, %dma_wait3A_249] : memref<8x128xi32, #tpu.memory_space<vmem>> -> memref<1x128xi32, #tpu.memory_space<vmem>>
      %dma_wait3A_251 = tpu.memref_squeeze %dma_wait3A_250 : memref<1x128xi32, #tpu.memory_space<vmem>> -> memref<128xi32, #tpu.memory_space<vmem>>
      %dma_wait3A_252 = arith.constant 0 : i32
      %dma_wait3A_253 = arith.constant 0 : i32
      %dma_wait3A_254 = tpu.memref_slice %arg2[%dma_wait3A_252, %dma_wait3A_253] : memref<10240x128xf32, #tpu.memory_space<hbm>> -> memref<10240x128xf32, #tpu.memory_space<hbm>>
      tpu.wait_indirect_dma semaphore(%arg17 : memref<!tpu.dma_semaphore, #tpu.memory_space<semaphore_mem>>) src(%dma_wait3A_254 : memref<10240x128xf32, #tpu.memory_space<hbm>>) dst(%arg12 : memref<128x128xf32, #tpu.memory_space<vmem>>)
      %run_scoped3A_255 = arith.constant 1 : i32
      "tpu.region"() ({
        %run_scoped3A_339 = tpu.sem_alloc : memref<!tpu.dma_semaphore, #tpu.memory_space<semaphore_mem>>
        %dma_start3A_340 = arith.constant 0 : i32
        %dma_start3A_341 = tpu.memref_slice %arg10[%run_scoped3A_255, %dma_start3A_340] : memref<8x128xi32, #tpu.memory_space<vmem>> -> memref<1x128xi32, #tpu.memory_space<vmem>>
        %dma_start3A_342 = tpu.memref_squeeze %dma_start3A_341 : memref<1x128xi32, #tpu.memory_space<vmem>> -> memref<128xi32, #tpu.memory_space<vmem>>
        %dma_start3A_343 = arith.constant 0 : i32
        %dma_start3A_344 = arith.constant 0 : i32
        %dma_start3A_345 = tpu.memref_slice %arg13[%dma_start3A_343, %dma_start3A_344] : memref<10240x128xf32, #tpu.memory_space<vmem_shared>> -> memref<10240x128xf32, #tpu.memory_space<vmem_shared>>
        tpu.enqueue_indirect_dma source(%arg12 : memref<128x128xf32, #tpu.memory_space<vmem>>) target(%dma_start3A_345 : memref<10240x128xf32, #tpu.memory_space<vmem_shared>>) offsets(%dma_start3A_342 : memref<128xi32, #tpu.memory_space<vmem>>) semaphore(%run_scoped3A_339 : memref<!tpu.dma_semaphore, #tpu.memory_space<semaphore_mem>>) {add = true}
        %dma_wait3A_346 = arith.constant 0 : i32
        %dma_wait3A_347 = tpu.memref_slice %arg10[%run_scoped3A_255, %dma_wait3A_346] : memref<8x128xi32, #tpu.memory_space<vmem>> -> memref<1x128xi32, #tpu.memory_space<vmem>>
        %dma_wait3A_348 = tpu.memref_squeeze %dma_wait3A_347 : memref<1x128xi32, #tpu.memory_space<vmem>> -> memref<128xi32, #tpu.memory_space<vmem>>
        %dma_wait3A_349 = arith.constant 0 : i32
        %dma_wait3A_350 = arith.constant 0 : i32
        %dma_wait3A_351 = tpu.memref_slice %arg13[%dma_wait3A_349, %dma_wait3A_350] : memref<10240x128xf32, #tpu.memory_space<vmem_shared>> -> memref<10240x128xf32, #tpu.memory_space<vmem_shared>>
        tpu.wait_indirect_dma semaphore(%run_scoped3A_339 : memref<!tpu.dma_semaphore, #tpu.memory_space<semaphore_mem>>) src(%arg12 : memref<128x128xf32, #tpu.memory_space<vmem>>) dst(%dma_wait3A_351 : memref<10240x128xf32, #tpu.memory_space<vmem_shared>>)
        tpu.yield
      }) : () -> ()
      %dma_start3A_256 = arith.constant 3 : i32
      %dma_start3A_257 = arith.constant 0 : i32
      %dma_start3A_258 = tpu.memref_slice %arg9[%dma_start3A_256, %dma_start3A_257] : memref<8x128xi32, #tpu.memory_space<vmem>> -> memref<1x128xi32, #tpu.memory_space<vmem>>
      %dma_start3A_259 = tpu.memref_squeeze %dma_start3A_258 : memref<1x128xi32, #tpu.memory_space<vmem>> -> memref<128xi32, #tpu.memory_space<vmem>>
      %dma_start3A_260 = arith.constant 0 : i32
      %dma_start3A_261 = arith.constant 0 : i32
      %dma_start3A_262 = tpu.memref_slice %arg2[%dma_start3A_260, %dma_start3A_261] : memref<10240x128xf32, #tpu.memory_space<hbm>> -> memref<10240x128xf32, #tpu.memory_space<hbm>>
      tpu.enqueue_indirect_dma source(%dma_start3A_262 : memref<10240x128xf32, #tpu.memory_space<hbm>>) target(%arg12 : memref<128x128xf32, #tpu.memory_space<vmem>>) offsets(%dma_start3A_259 : memref<128xi32, #tpu.memory_space<vmem>>) semaphore(%arg17 : memref<!tpu.dma_semaphore, #tpu.memory_space<semaphore_mem>>)
      %dma_wait3A_263 = arith.constant 0 : i32
      %dma_wait3A_264 = arith.constant 0 : i32
      %dma_wait3A_265 = tpu.memref_slice %arg9[%dma_wait3A_263, %dma_wait3A_264] : memref<8x128xi32, #tpu.memory_space<vmem>> -> memref<1x128xi32, #tpu.memory_space<vmem>>
      %dma_wait3A_266 = tpu.memref_squeeze %dma_wait3A_265 : memref<1x128xi32, #tpu.memory_space<vmem>> -> memref<128xi32, #tpu.memory_space<vmem>>
      %dma_wait3A_267 = arith.constant 0 : i32
      %dma_wait3A_268 = arith.constant 0 : i32
      %dma_wait3A_269 = tpu.memref_slice %arg2[%dma_wait3A_267, %dma_wait3A_268] : memref<10240x128xf32, #tpu.memory_space<hbm>> -> memref<10240x128xf32, #tpu.memory_space<hbm>>
      tpu.wait_indirect_dma semaphore(%arg16 : memref<!tpu.dma_semaphore, #tpu.memory_space<semaphore_mem>>) src(%dma_wait3A_269 : memref<10240x128xf32, #tpu.memory_space<hbm>>) dst(%arg11 : memref<128x128xf32, #tpu.memory_space<vmem>>)
      %run_scoped3A_270 = arith.constant 2 : i32
      "tpu.region"() ({
        %run_scoped3A_339 = tpu.sem_alloc : memref<!tpu.dma_semaphore, #tpu.memory_space<semaphore_mem>>
        %dma_start3A_340 = arith.constant 0 : i32
        %dma_start3A_341 = tpu.memref_slice %arg10[%run_scoped3A_270, %dma_start3A_340] : memref<8x128xi32, #tpu.memory_space<vmem>> -> memref<1x128xi32, #tpu.memory_space<vmem>>
        %dma_start3A_342 = tpu.memref_squeeze %dma_start3A_341 : memref<1x128xi32, #tpu.memory_space<vmem>> -> memref<128xi32, #tpu.memory_space<vmem>>
        %dma_start3A_343 = arith.constant 0 : i32
        %dma_start3A_344 = arith.constant 0 : i32
        %dma_start3A_345 = tpu.memref_slice %arg13[%dma_start3A_343, %dma_start3A_344] : memref<10240x128xf32, #tpu.memory_space<vmem_shared>> -> memref<10240x128xf32, #tpu.memory_space<vmem_shared>>
        tpu.enqueue_indirect_dma source(%arg11 : memref<128x128xf32, #tpu.memory_space<vmem>>) target(%dma_start3A_345 : memref<10240x128xf32, #tpu.memory_space<vmem_shared>>) offsets(%dma_start3A_342 : memref<128xi32, #tpu.memory_space<vmem>>) semaphore(%run_scoped3A_339 : memref<!tpu.dma_semaphore, #tpu.memory_space<semaphore_mem>>) {add = true}
        %dma_wait3A_346 = arith.constant 0 : i32
        %dma_wait3A_347 = tpu.memref_slice %arg10[%run_scoped3A_270, %dma_wait3A_346] : memref<8x128xi32, #tpu.memory_space<vmem>> -> memref<1x128xi32, #tpu.memory_space<vmem>>
        %dma_wait3A_348 = tpu.memref_squeeze %dma_wait3A_347 : memref<1x128xi32, #tpu.memory_space<vmem>> -> memref<128xi32, #tpu.memory_space<vmem>>
        %dma_wait3A_349 = arith.constant 0 : i32
        %dma_wait3A_350 = arith.constant 0 : i32
        %dma_wait3A_351 = tpu.memref_slice %arg13[%dma_wait3A_349, %dma_wait3A_350] : memref<10240x128xf32, #tpu.memory_space<vmem_shared>> -> memref<10240x128xf32, #tpu.memory_space<vmem_shared>>
        tpu.wait_indirect_dma semaphore(%run_scoped3A_339 : memref<!tpu.dma_semaphore, #tpu.memory_space<semaphore_mem>>) src(%arg11 : memref<128x128xf32, #tpu.memory_space<vmem>>) dst(%dma_wait3A_351 : memref<10240x128xf32, #tpu.memory_space<vmem_shared>>)
        tpu.yield
      }) : () -> ()
      %dma_start3A_271 = arith.constant 4 : i32
      %dma_start3A_272 = arith.constant 0 : i32
      %dma_start3A_273 = tpu.memref_slice %arg9[%dma_start3A_271, %dma_start3A_272] : memref<8x128xi32, #tpu.memory_space<vmem>> -> memref<1x128xi32, #tpu.memory_space<vmem>>
      %dma_start3A_274 = tpu.memref_squeeze %dma_start3A_273 : memref<1x128xi32, #tpu.memory_space<vmem>> -> memref<128xi32, #tpu.memory_space<vmem>>
      %dma_start3A_275 = arith.constant 0 : i32
      %dma_start3A_276 = arith.constant 0 : i32
      %dma_start3A_277 = tpu.memref_slice %arg2[%dma_start3A_275, %dma_start3A_276] : memref<10240x128xf32, #tpu.memory_space<hbm>> -> memref<10240x128xf32, #tpu.memory_space<hbm>>
      tpu.enqueue_indirect_dma source(%dma_start3A_277 : memref<10240x128xf32, #tpu.memory_space<hbm>>) target(%arg11 : memref<128x128xf32, #tpu.memory_space<vmem>>) offsets(%dma_start3A_274 : memref<128xi32, #tpu.memory_space<vmem>>) semaphore(%arg16 : memref<!tpu.dma_semaphore, #tpu.memory_space<semaphore_mem>>)
      %dma_wait3A_278 = arith.constant 0 : i32
      %dma_wait3A_279 = arith.constant 0 : i32
      %dma_wait3A_280 = tpu.memref_slice %arg9[%dma_wait3A_278, %dma_wait3A_279] : memref<8x128xi32, #tpu.memory_space<vmem>> -> memref<1x128xi32, #tpu.memory_space<vmem>>
      %dma_wait3A_281 = tpu.memref_squeeze %dma_wait3A_280 : memref<1x128xi32, #tpu.memory_space<vmem>> -> memref<128xi32, #tpu.memory_space<vmem>>
      %dma_wait3A_282 = arith.constant 0 : i32
      %dma_wait3A_283 = arith.constant 0 : i32
      %dma_wait3A_284 = tpu.memref_slice %arg2[%dma_wait3A_282, %dma_wait3A_283] : memref<10240x128xf32, #tpu.memory_space<hbm>> -> memref<10240x128xf32, #tpu.memory_space<hbm>>
      tpu.wait_indirect_dma semaphore(%arg17 : memref<!tpu.dma_semaphore, #tpu.memory_space<semaphore_mem>>) src(%dma_wait3A_284 : memref<10240x128xf32, #tpu.memory_space<hbm>>) dst(%arg12 : memref<128x128xf32, #tpu.memory_space<vmem>>)
      %run_scoped3A_285 = arith.constant 3 : i32
      "tpu.region"() ({
        %run_scoped3A_339 = tpu.sem_alloc : memref<!tpu.dma_semaphore, #tpu.memory_space<semaphore_mem>>
        %dma_start3A_340 = arith.constant 0 : i32
        %dma_start3A_341 = tpu.memref_slice %arg10[%run_scoped3A_285, %dma_start3A_340] : memref<8x128xi32, #tpu.memory_space<vmem>> -> memref<1x128xi32, #tpu.memory_space<vmem>>
        %dma_start3A_342 = tpu.memref_squeeze %dma_start3A_341 : memref<1x128xi32, #tpu.memory_space<vmem>> -> memref<128xi32, #tpu.memory_space<vmem>>
        %dma_start3A_343 = arith.constant 0 : i32
        %dma_start3A_344 = arith.constant 0 : i32
        %dma_start3A_345 = tpu.memref_slice %arg13[%dma_start3A_343, %dma_start3A_344] : memref<10240x128xf32, #tpu.memory_space<vmem_shared>> -> memref<10240x128xf32, #tpu.memory_space<vmem_shared>>
        tpu.enqueue_indirect_dma source(%arg12 : memref<128x128xf32, #tpu.memory_space<vmem>>) target(%dma_start3A_345 : memref<10240x128xf32, #tpu.memory_space<vmem_shared>>) offsets(%dma_start3A_342 : memref<128xi32, #tpu.memory_space<vmem>>) semaphore(%run_scoped3A_339 : memref<!tpu.dma_semaphore, #tpu.memory_space<semaphore_mem>>) {add = true}
        %dma_wait3A_346 = arith.constant 0 : i32
        %dma_wait3A_347 = tpu.memref_slice %arg10[%run_scoped3A_285, %dma_wait3A_346] : memref<8x128xi32, #tpu.memory_space<vmem>> -> memref<1x128xi32, #tpu.memory_space<vmem>>
        %dma_wait3A_348 = tpu.memref_squeeze %dma_wait3A_347 : memref<1x128xi32, #tpu.memory_space<vmem>> -> memref<128xi32, #tpu.memory_space<vmem>>
        %dma_wait3A_349 = arith.constant 0 : i32
        %dma_wait3A_350 = arith.constant 0 : i32
        %dma_wait3A_351 = tpu.memref_slice %arg13[%dma_wait3A_349, %dma_wait3A_350] : memref<10240x128xf32, #tpu.memory_space<vmem_shared>> -> memref<10240x128xf32, #tpu.memory_space<vmem_shared>>
        tpu.wait_indirect_dma semaphore(%run_scoped3A_339 : memref<!tpu.dma_semaphore, #tpu.memory_space<semaphore_mem>>) src(%arg12 : memref<128x128xf32, #tpu.memory_space<vmem>>) dst(%dma_wait3A_351 : memref<10240x128xf32, #tpu.memory_space<vmem_shared>>)
        tpu.yield
      }) : () -> ()
      %dma_start3A_286 = arith.constant 5 : i32
      %dma_start3A_287 = arith.constant 0 : i32
      %dma_start3A_288 = tpu.memref_slice %arg9[%dma_start3A_286, %dma_start3A_287] : memref<8x128xi32, #tpu.memory_space<vmem>> -> memref<1x128xi32, #tpu.memory_space<vmem>>
      %dma_start3A_289 = tpu.memref_squeeze %dma_start3A_288 : memref<1x128xi32, #tpu.memory_space<vmem>> -> memref<128xi32, #tpu.memory_space<vmem>>
      %dma_start3A_290 = arith.constant 0 : i32
      %dma_start3A_291 = arith.constant 0 : i32
      %dma_start3A_292 = tpu.memref_slice %arg2[%dma_start3A_290, %dma_start3A_291] : memref<10240x128xf32, #tpu.memory_space<hbm>> -> memref<10240x128xf32, #tpu.memory_space<hbm>>
      tpu.enqueue_indirect_dma source(%dma_start3A_292 : memref<10240x128xf32, #tpu.memory_space<hbm>>) target(%arg12 : memref<128x128xf32, #tpu.memory_space<vmem>>) offsets(%dma_start3A_289 : memref<128xi32, #tpu.memory_space<vmem>>) semaphore(%arg17 : memref<!tpu.dma_semaphore, #tpu.memory_space<semaphore_mem>>)
      %dma_wait3A_293 = arith.constant 0 : i32
      %dma_wait3A_294 = arith.constant 0 : i32
      %dma_wait3A_295 = tpu.memref_slice %arg9[%dma_wait3A_293, %dma_wait3A_294] : memref<8x128xi32, #tpu.memory_space<vmem>> -> memref<1x128xi32, #tpu.memory_space<vmem>>
      %dma_wait3A_296 = tpu.memref_squeeze %dma_wait3A_295 : memref<1x128xi32, #tpu.memory_space<vmem>> -> memref<128xi32, #tpu.memory_space<vmem>>
      %dma_wait3A_297 = arith.constant 0 : i32
      %dma_wait3A_298 = arith.constant 0 : i32
      %dma_wait3A_299 = tpu.memref_slice %arg2[%dma_wait3A_297, %dma_wait3A_298] : memref<10240x128xf32, #tpu.memory_space<hbm>> -> memref<10240x128xf32, #tpu.memory_space<hbm>>
      tpu.wait_indirect_dma semaphore(%arg16 : memref<!tpu.dma_semaphore, #tpu.memory_space<semaphore_mem>>) src(%dma_wait3A_299 : memref<10240x128xf32, #tpu.memory_space<hbm>>) dst(%arg11 : memref<128x128xf32, #tpu.memory_space<vmem>>)
      %run_scoped3A_300 = arith.constant 4 : i32
      "tpu.region"() ({
        %run_scoped3A_339 = tpu.sem_alloc : memref<!tpu.dma_semaphore, #tpu.memory_space<semaphore_mem>>
        %dma_start3A_340 = arith.constant 0 : i32
        %dma_start3A_341 = tpu.memref_slice %arg10[%run_scoped3A_300, %dma_start3A_340] : memref<8x128xi32, #tpu.memory_space<vmem>> -> memref<1x128xi32, #tpu.memory_space<vmem>>
        %dma_start3A_342 = tpu.memref_squeeze %dma_start3A_341 : memref<1x128xi32, #tpu.memory_space<vmem>> -> memref<128xi32, #tpu.memory_space<vmem>>
        %dma_start3A_343 = arith.constant 0 : i32
        %dma_start3A_344 = arith.constant 0 : i32
        %dma_start3A_345 = tpu.memref_slice %arg13[%dma_start3A_343, %dma_start3A_344] : memref<10240x128xf32, #tpu.memory_space<vmem_shared>> -> memref<10240x128xf32, #tpu.memory_space<vmem_shared>>
        tpu.enqueue_indirect_dma source(%arg11 : memref<128x128xf32, #tpu.memory_space<vmem>>) target(%dma_start3A_345 : memref<10240x128xf32, #tpu.memory_space<vmem_shared>>) offsets(%dma_start3A_342 : memref<128xi32, #tpu.memory_space<vmem>>) semaphore(%run_scoped3A_339 : memref<!tpu.dma_semaphore, #tpu.memory_space<semaphore_mem>>) {add = true}
        %dma_wait3A_346 = arith.constant 0 : i32
        %dma_wait3A_347 = tpu.memref_slice %arg10[%run_scoped3A_300, %dma_wait3A_346] : memref<8x128xi32, #tpu.memory_space<vmem>> -> memref<1x128xi32, #tpu.memory_space<vmem>>
        %dma_wait3A_348 = tpu.memref_squeeze %dma_wait3A_347 : memref<1x128xi32, #tpu.memory_space<vmem>> -> memref<128xi32, #tpu.memory_space<vmem>>
        %dma_wait3A_349 = arith.constant 0 : i32
        %dma_wait3A_350 = arith.constant 0 : i32
        %dma_wait3A_351 = tpu.memref_slice %arg13[%dma_wait3A_349, %dma_wait3A_350] : memref<10240x128xf32, #tpu.memory_space<vmem_shared>> -> memref<10240x128xf32, #tpu.memory_space<vmem_shared>>
        tpu.wait_indirect_dma semaphore(%run_scoped3A_339 : memref<!tpu.dma_semaphore, #tpu.memory_space<semaphore_mem>>) src(%arg11 : memref<128x128xf32, #tpu.memory_space<vmem>>) dst(%dma_wait3A_351 : memref<10240x128xf32, #tpu.memory_space<vmem_shared>>)
        tpu.yield
      }) : () -> ()
      %dma_start3A_301 = arith.constant 6 : i32
      %dma_start3A_302 = arith.constant 0 : i32
      %dma_start3A_303 = tpu.memref_slice %arg9[%dma_start3A_301, %dma_start3A_302] : memref<8x128xi32, #tpu.memory_space<vmem>> -> memref<1x128xi32, #tpu.memory_space<vmem>>
      %dma_start3A_304 = tpu.memref_squeeze %dma_start3A_303 : memref<1x128xi32, #tpu.memory_space<vmem>> -> memref<128xi32, #tpu.memory_space<vmem>>
      %dma_start3A_305 = arith.constant 0 : i32
      %dma_start3A_306 = arith.constant 0 : i32
      %dma_start3A_307 = tpu.memref_slice %arg2[%dma_start3A_305, %dma_start3A_306] : memref<10240x128xf32, #tpu.memory_space<hbm>> -> memref<10240x128xf32, #tpu.memory_space<hbm>>
      tpu.enqueue_indirect_dma source(%dma_start3A_307 : memref<10240x128xf32, #tpu.memory_space<hbm>>) target(%arg11 : memref<128x128xf32, #tpu.memory_space<vmem>>) offsets(%dma_start3A_304 : memref<128xi32, #tpu.memory_space<vmem>>) semaphore(%arg16 : memref<!tpu.dma_semaphore, #tpu.memory_space<semaphore_mem>>)
      %dma_wait3A_308 = arith.constant 0 : i32
      %dma_wait3A_309 = arith.constant 0 : i32
      %dma_wait3A_310 = tpu.memref_slice %arg9[%dma_wait3A_308, %dma_wait3A_309] : memref<8x128xi32, #tpu.memory_space<vmem>> -> memref<1x128xi32, #tpu.memory_space<vmem>>
      %dma_wait3A_311 = tpu.memref_squeeze %dma_wait3A_310 : memref<1x128xi32, #tpu.memory_space<vmem>> -> memref<128xi32, #tpu.memory_space<vmem>>
      %dma_wait3A_312 = arith.constant 0 : i32
      %dma_wait3A_313 = arith.constant 0 : i32
      %dma_wait3A_314 = tpu.memref_slice %arg2[%dma_wait3A_312, %dma_wait3A_313] : memref<10240x128xf32, #tpu.memory_space<hbm>> -> memref<10240x128xf32, #tpu.memory_space<hbm>>
      tpu.wait_indirect_dma semaphore(%arg17 : memref<!tpu.dma_semaphore, #tpu.memory_space<semaphore_mem>>) src(%dma_wait3A_314 : memref<10240x128xf32, #tpu.memory_space<hbm>>) dst(%arg12 : memref<128x128xf32, #tpu.memory_space<vmem>>)
      %run_scoped3A_315 = arith.constant 5 : i32
      "tpu.region"() ({
        %run_scoped3A_339 = tpu.sem_alloc : memref<!tpu.dma_semaphore, #tpu.memory_space<semaphore_mem>>
        %dma_start3A_340 = arith.constant 0 : i32
        %dma_start3A_341 = tpu.memref_slice %arg10[%run_scoped3A_315, %dma_start3A_340] : memref<8x128xi32, #tpu.memory_space<vmem>> -> memref<1x128xi32, #tpu.memory_space<vmem>>
        %dma_start3A_342 = tpu.memref_squeeze %dma_start3A_341 : memref<1x128xi32, #tpu.memory_space<vmem>> -> memref<128xi32, #tpu.memory_space<vmem>>
        %dma_start3A_343 = arith.constant 0 : i32
        %dma_start3A_344 = arith.constant 0 : i32
        %dma_start3A_345 = tpu.memref_slice %arg13[%dma_start3A_343, %dma_start3A_344] : memref<10240x128xf32, #tpu.memory_space<vmem_shared>> -> memref<10240x128xf32, #tpu.memory_space<vmem_shared>>
        tpu.enqueue_indirect_dma source(%arg12 : memref<128x128xf32, #tpu.memory_space<vmem>>) target(%dma_start3A_345 : memref<10240x128xf32, #tpu.memory_space<vmem_shared>>) offsets(%dma_start3A_342 : memref<128xi32, #tpu.memory_space<vmem>>) semaphore(%run_scoped3A_339 : memref<!tpu.dma_semaphore, #tpu.memory_space<semaphore_mem>>) {add = true}
        %dma_wait3A_346 = arith.constant 0 : i32
        %dma_wait3A_347 = tpu.memref_slice %arg10[%run_scoped3A_315, %dma_wait3A_346] : memref<8x128xi32, #tpu.memory_space<vmem>> -> memref<1x128xi32, #tpu.memory_space<vmem>>
        %dma_wait3A_348 = tpu.memref_squeeze %dma_wait3A_347 : memref<1x128xi32, #tpu.memory_space<vmem>> -> memref<128xi32, #tpu.memory_space<vmem>>
        %dma_wait3A_349 = arith.constant 0 : i32
        %dma_wait3A_350 = arith.constant 0 : i32
        %dma_wait3A_351 = tpu.memref_slice %arg13[%dma_wait3A_349, %dma_wait3A_350] : memref<10240x128xf32, #tpu.memory_space<vmem_shared>> -> memref<10240x128xf32, #tpu.memory_space<vmem_shared>>
        tpu.wait_indirect_dma semaphore(%run_scoped3A_339 : memref<!tpu.dma_semaphore, #tpu.memory_space<semaphore_mem>>) src(%arg12 : memref<128x128xf32, #tpu.memory_space<vmem>>) dst(%dma_wait3A_351 : memref<10240x128xf32, #tpu.memory_space<vmem_shared>>)
        tpu.yield
      }) : () -> ()
      %dma_start3A_316 = arith.constant 7 : i32
      %dma_start3A_317 = arith.constant 0 : i32
      %dma_start3A_318 = tpu.memref_slice %arg9[%dma_start3A_316, %dma_start3A_317] : memref<8x128xi32, #tpu.memory_space<vmem>> -> memref<1x128xi32, #tpu.memory_space<vmem>>
      %dma_start3A_319 = tpu.memref_squeeze %dma_start3A_318 : memref<1x128xi32, #tpu.memory_space<vmem>> -> memref<128xi32, #tpu.memory_space<vmem>>
      %dma_start3A_320 = arith.constant 0 : i32
      %dma_start3A_321 = arith.constant 0 : i32
      %dma_start3A_322 = tpu.memref_slice %arg2[%dma_start3A_320, %dma_start3A_321] : memref<10240x128xf32, #tpu.memory_space<hbm>> -> memref<10240x128xf32, #tpu.memory_space<hbm>>
      tpu.enqueue_indirect_dma source(%dma_start3A_322 : memref<10240x128xf32, #tpu.memory_space<hbm>>) target(%arg12 : memref<128x128xf32, #tpu.memory_space<vmem>>) offsets(%dma_start3A_319 : memref<128xi32, #tpu.memory_space<vmem>>) semaphore(%arg17 : memref<!tpu.dma_semaphore, #tpu.memory_space<semaphore_mem>>)
      %dma_wait3A_323 = arith.constant 0 : i32
      %dma_wait3A_324 = arith.constant 0 : i32
      %dma_wait3A_325 = tpu.memref_slice %arg9[%dma_wait3A_323, %dma_wait3A_324] : memref<8x128xi32, #tpu.memory_space<vmem>> -> memref<1x128xi32, #tpu.memory_space<vmem>>
      %dma_wait3A_326 = tpu.memref_squeeze %dma_wait3A_325 : memref<1x128xi32, #tpu.memory_space<vmem>> -> memref<128xi32, #tpu.memory_space<vmem>>
      %dma_wait3A_327 = arith.constant 0 : i32
      %dma_wait3A_328 = arith.constant 0 : i32
      %dma_wait3A_329 = tpu.memref_slice %arg2[%dma_wait3A_327, %dma_wait3A_328] : memref<10240x128xf32, #tpu.memory_space<hbm>> -> memref<10240x128xf32, #tpu.memory_space<hbm>>
      tpu.wait_indirect_dma semaphore(%arg16 : memref<!tpu.dma_semaphore, #tpu.memory_space<semaphore_mem>>) src(%dma_wait3A_329 : memref<10240x128xf32, #tpu.memory_space<hbm>>) dst(%arg11 : memref<128x128xf32, #tpu.memory_space<vmem>>)
      %run_scoped3A_330 = arith.constant 6 : i32
      "tpu.region"() ({
        %run_scoped3A_339 = tpu.sem_alloc : memref<!tpu.dma_semaphore, #tpu.memory_space<semaphore_mem>>
        %dma_start3A_340 = arith.constant 0 : i32
        %dma_start3A_341 = tpu.memref_slice %arg10[%run_scoped3A_330, %dma_start3A_340] : memref<8x128xi32, #tpu.memory_space<vmem>> -> memref<1x128xi32, #tpu.memory_space<vmem>>
        %dma_start3A_342 = tpu.memref_squeeze %dma_start3A_341 : memref<1x128xi32, #tpu.memory_space<vmem>> -> memref<128xi32, #tpu.memory_space<vmem>>
        %dma_start3A_343 = arith.constant 0 : i32
        %dma_start3A_344 = arith.constant 0 : i32
        %dma_start3A_345 = tpu.memref_slice %arg13[%dma_start3A_343, %dma_start3A_344] : memref<10240x128xf32, #tpu.memory_space<vmem_shared>> -> memref<10240x128xf32, #tpu.memory_space<vmem_shared>>
        tpu.enqueue_indirect_dma source(%arg11 : memref<128x128xf32, #tpu.memory_space<vmem>>) target(%dma_start3A_345 : memref<10240x128xf32, #tpu.memory_space<vmem_shared>>) offsets(%dma_start3A_342 : memref<128xi32, #tpu.memory_space<vmem>>) semaphore(%run_scoped3A_339 : memref<!tpu.dma_semaphore, #tpu.memory_space<semaphore_mem>>) {add = true}
        %dma_wait3A_346 = arith.constant 0 : i32
        %dma_wait3A_347 = tpu.memref_slice %arg10[%run_scoped3A_330, %dma_wait3A_346] : memref<8x128xi32, #tpu.memory_space<vmem>> -> memref<1x128xi32, #tpu.memory_space<vmem>>
        %dma_wait3A_348 = tpu.memref_squeeze %dma_wait3A_347 : memref<1x128xi32, #tpu.memory_space<vmem>> -> memref<128xi32, #tpu.memory_space<vmem>>
        %dma_wait3A_349 = arith.constant 0 : i32
        %dma_wait3A_350 = arith.constant 0 : i32
        %dma_wait3A_351 = tpu.memref_slice %arg13[%dma_wait3A_349, %dma_wait3A_350] : memref<10240x128xf32, #tpu.memory_space<vmem_shared>> -> memref<10240x128xf32, #tpu.memory_space<vmem_shared>>
        tpu.wait_indirect_dma semaphore(%run_scoped3A_339 : memref<!tpu.dma_semaphore, #tpu.memory_space<semaphore_mem>>) src(%arg11 : memref<128x128xf32, #tpu.memory_space<vmem>>) dst(%dma_wait3A_351 : memref<10240x128xf32, #tpu.memory_space<vmem_shared>>)
        tpu.yield
      }) : () -> ()
      %dma_wait3A_331 = arith.constant 0 : i32
      %dma_wait3A_332 = arith.constant 0 : i32
      %dma_wait3A_333 = tpu.memref_slice %arg9[%dma_wait3A_331, %dma_wait3A_332] : memref<8x128xi32, #tpu.memory_space<vmem>> -> memref<1x128xi32, #tpu.memory_space<vmem>>
      %dma_wait3A_334 = tpu.memref_squeeze %dma_wait3A_333 : memref<1x128xi32, #tpu.memory_space<vmem>> -> memref<128xi32, #tpu.memory_space<vmem>>
      %dma_wait3A_335 = arith.constant 0 : i32
      %dma_wait3A_336 = arith.constant 0 : i32
      %dma_wait3A_337 = tpu.memref_slice %arg2[%dma_wait3A_335, %dma_wait3A_336] : memref<10240x128xf32, #tpu.memory_space<hbm>> -> memref<10240x128xf32, #tpu.memory_space<hbm>>
      tpu.wait_indirect_dma semaphore(%arg17 : memref<!tpu.dma_semaphore, #tpu.memory_space<semaphore_mem>>) src(%dma_wait3A_337 : memref<10240x128xf32, #tpu.memory_space<hbm>>) dst(%arg12 : memref<128x128xf32, #tpu.memory_space<vmem>>)
      %run_scoped3A_338 = arith.constant 7 : i32
      "tpu.region"() ({
        %run_scoped3A_339 = tpu.sem_alloc : memref<!tpu.dma_semaphore, #tpu.memory_space<semaphore_mem>>
        %dma_start3A_340 = arith.constant 0 : i32
        %dma_start3A_341 = tpu.memref_slice %arg10[%run_scoped3A_338, %dma_start3A_340] : memref<8x128xi32, #tpu.memory_space<vmem>> -> memref<1x128xi32, #tpu.memory_space<vmem>>
        %dma_start3A_342 = tpu.memref_squeeze %dma_start3A_341 : memref<1x128xi32, #tpu.memory_space<vmem>> -> memref<128xi32, #tpu.memory_space<vmem>>
        %dma_start3A_343 = arith.constant 0 : i32
        %dma_start3A_344 = arith.constant 0 : i32
        %dma_start3A_345 = tpu.memref_slice %arg13[%dma_start3A_343, %dma_start3A_344] : memref<10240x128xf32, #tpu.memory_space<vmem_shared>> -> memref<10240x128xf32, #tpu.memory_space<vmem_shared>>
        tpu.enqueue_indirect_dma source(%arg12 : memref<128x128xf32, #tpu.memory_space<vmem>>) target(%dma_start3A_345 : memref<10240x128xf32, #tpu.memory_space<vmem_shared>>) offsets(%dma_start3A_342 : memref<128xi32, #tpu.memory_space<vmem>>) semaphore(%run_scoped3A_339 : memref<!tpu.dma_semaphore, #tpu.memory_space<semaphore_mem>>) {add = true}
        %dma_wait3A_346 = arith.constant 0 : i32
        %dma_wait3A_347 = tpu.memref_slice %arg10[%run_scoped3A_338, %dma_wait3A_346] : memref<8x128xi32, #tpu.memory_space<vmem>> -> memref<1x128xi32, #tpu.memory_space<vmem>>
        %dma_wait3A_348 = tpu.memref_squeeze %dma_wait3A_347 : memref<1x128xi32, #tpu.memory_space<vmem>> -> memref<128xi32, #tpu.memory_space<vmem>>
        %dma_wait3A_349 = arith.constant 0 : i32
        %dma_wait3A_350 = arith.constant 0 : i32
        %dma_wait3A_351 = tpu.memref_slice %arg13[%dma_wait3A_349, %dma_wait3A_350] : memref<10240x128xf32, #tpu.memory_space<vmem_shared>> -> memref<10240x128xf32, #tpu.memory_space<vmem_shared>>
        tpu.wait_indirect_dma semaphore(%run_scoped3A_339 : memref<!tpu.dma_semaphore, #tpu.memory_space<semaphore_mem>>) src(%arg12 : memref<128x128xf32, #tpu.memory_space<vmem>>) dst(%dma_wait3A_351 : memref<10240x128xf32, #tpu.memory_space<vmem_shared>>)
        tpu.yield
      }) : () -> ()
    }
    %while3A_59 = arith.constant 1 : i32
    scf.for %while3A_61 = %while3A_57 to %while3A_53 step %while3A_59  : i32 {
      %mul3A_62 = arith.constant 2 : i32
      %mul3A_63 = arith.muli %mul3A_62, %while3A_61 : i32
      %add3A_64 = arith.constant 1 : i32
      %add3A_65 = arith.addi %mul3A_63, %add3A_64 : i32
      %mul3A_66 = arith.constant 8 : i32
      %mul3A_67 = arith.muli %add3A_65, %mul3A_66 : i32
      %add3A_68 = arith.addi %select_n3A, %mul3A_67 : i32
      %dma_start3A_69 = arith.constant 0 : i32
      %dma_start3A_70 = tpu.memref_slice %arg3[%add3A_68, %dma_start3A_69] : memref<2560x128xi32, #tpu.memory_space<hbm>> -> memref<8x128xi32, #tpu.memory_space<hbm>>
      %dma_start3A_71 = arith.constant 0 : i32
      %dma_start3A_72 = tpu.memref_slice %arg3[%add3A_68, %dma_start3A_71] : memref<2560x128xi32, #tpu.memory_space<hbm>> -> memref<8x128xi32, #tpu.memory_space<hbm>>
      tpu.enqueue_dma source(%dma_start3A_72 : memref<8x128xi32, #tpu.memory_space<hbm>>) target(%arg9 : memref<8x128xi32, #tpu.memory_space<vmem>>) target_semaphore(%arg15 : memref<!tpu.dma_semaphore, #tpu.memory_space<semaphore_mem>>)
      %mul3A_73 = arith.constant 8 : i32
      %mul3A_74 = arith.muli %add3A_65, %mul3A_73 : i32
      %add3A_75 = arith.addi %select_n3A, %mul3A_74 : i32
      %dma_start3A_76 = arith.constant 0 : i32
      %dma_start3A_77 = tpu.memref_slice %arg4[%add3A_75, %dma_start3A_76] : memref<2560x128xi32, #tpu.memory_space<hbm>> -> memref<8x128xi32, #tpu.memory_space<hbm>>
      %dma_start3A_78 = arith.constant 0 : i32
      %dma_start3A_79 = tpu.memref_slice %arg4[%add3A_75, %dma_start3A_78] : memref<2560x128xi32, #tpu.memory_space<hbm>> -> memref<8x128xi32, #tpu.memory_space<hbm>>
      tpu.enqueue_dma source(%dma_start3A_79 : memref<8x128xi32, #tpu.memory_space<hbm>>) target(%arg10 : memref<8x128xi32, #tpu.memory_space<vmem>>) target_semaphore(%arg15 : memref<!tpu.dma_semaphore, #tpu.memory_space<semaphore_mem>>)
      %dma_wait3A = arith.constant 0 : i32
      %dma_wait3A_80 = tpu.memref_slice %arg3[%select_n3A, %dma_wait3A] : memref<2560x128xi32, #tpu.memory_space<hbm>> -> memref<8x128xi32, #tpu.memory_space<hbm>>
      %dma_wait3A_81 = arith.constant 0 : i32
      %dma_wait3A_82 = tpu.memref_slice %arg3[%select_n3A, %dma_wait3A_81] : memref<2560x128xi32, #tpu.memory_space<hbm>> -> memref<8x128xi32, #tpu.memory_space<hbm>>
      tpu.wait_dma2 semaphore(%arg14 : memref<!tpu.dma_semaphore, #tpu.memory_space<semaphore_mem>>) src(%dma_wait3A_82 : memref<8x128xi32, #tpu.memory_space<hbm>>) dst(%arg7 : memref<8x128xi32, #tpu.memory_space<vmem>>)
      %dma_wait3A_83 = arith.constant 0 : i32
      %dma_wait3A_84 = tpu.memref_slice %arg3[%select_n3A, %dma_wait3A_83] : memref<2560x128xi32, #tpu.memory_space<hbm>> -> memref<8x128xi32, #tpu.memory_space<hbm>>
      %dma_wait3A_85 = arith.constant 0 : i32
      %dma_wait3A_86 = tpu.memref_slice %arg3[%select_n3A, %dma_wait3A_85] : memref<2560x128xi32, #tpu.memory_space<hbm>> -> memref<8x128xi32, #tpu.memory_space<hbm>>
      tpu.wait_dma2 semaphore(%arg14 : memref<!tpu.dma_semaphore, #tpu.memory_space<semaphore_mem>>) src(%dma_wait3A_86 : memref<8x128xi32, #tpu.memory_space<hbm>>) dst(%arg8 : memref<8x128xi32, #tpu.memory_space<vmem>>)
      %dma_start3A_87 = arith.constant 0 : i32
      %dma_start3A_88 = arith.constant 0 : i32
      %dma_start3A_89 = tpu.memref_slice %arg7[%dma_start3A_87, %dma_start3A_88] : memref<8x128xi32, #tpu.memory_space<vmem>> -> memref<1x128xi32, #tpu.memory_space<vmem>>
      %dma_start3A_90 = tpu.memref_squeeze %dma_start3A_89 : memref<1x128xi32, #tpu.memory_space<vmem>> -> memref<128xi32, #tpu.memory_space<vmem>>
      %dma_start3A_91 = arith.constant 0 : i32
      %dma_start3A_92 = arith.constant 0 : i32
      %dma_start3A_93 = tpu.memref_slice %arg2[%dma_start3A_91, %dma_start3A_92] : memref<10240x128xf32, #tpu.memory_space<hbm>> -> memref<10240x128xf32, #tpu.memory_space<hbm>>
      tpu.enqueue_indirect_dma source(%dma_start3A_93 : memref<10240x128xf32, #tpu.memory_space<hbm>>) target(%arg11 : memref<128x128xf32, #tpu.memory_space<vmem>>) offsets(%dma_start3A_90 : memref<128xi32, #tpu.memory_space<vmem>>) semaphore(%arg16 : memref<!tpu.dma_semaphore, #tpu.memory_space<semaphore_mem>>)
      %dma_start3A_94 = arith.constant 1 : i32
      %dma_start3A_95 = arith.constant 0 : i32
      %dma_start3A_96 = tpu.memref_slice %arg7[%dma_start3A_94, %dma_start3A_95] : memref<8x128xi32, #tpu.memory_space<vmem>> -> memref<1x128xi32, #tpu.memory_space<vmem>>
      %dma_start3A_97 = tpu.memref_squeeze %dma_start3A_96 : memref<1x128xi32, #tpu.memory_space<vmem>> -> memref<128xi32, #tpu.memory_space<vmem>>
      %dma_start3A_98 = arith.constant 0 : i32
      %dma_start3A_99 = arith.constant 0 : i32
      %dma_start3A_100 = tpu.memref_slice %arg2[%dma_start3A_98, %dma_start3A_99] : memref<10240x128xf32, #tpu.memory_space<hbm>> -> memref<10240x128xf32, #tpu.memory_space<hbm>>
      tpu.enqueue_indirect_dma source(%dma_start3A_100 : memref<10240x128xf32, #tpu.memory_space<hbm>>) target(%arg12 : memref<128x128xf32, #tpu.memory_space<vmem>>) offsets(%dma_start3A_97 : memref<128xi32, #tpu.memory_space<vmem>>) semaphore(%arg17 : memref<!tpu.dma_semaphore, #tpu.memory_space<semaphore_mem>>)
      %dma_wait3A_101 = arith.constant 0 : i32
      %dma_wait3A_102 = arith.constant 0 : i32
      %dma_wait3A_103 = tpu.memref_slice %arg7[%dma_wait3A_101, %dma_wait3A_102] : memref<8x128xi32, #tpu.memory_space<vmem>> -> memref<1x128xi32, #tpu.memory_space<vmem>>
      %dma_wait3A_104 = tpu.memref_squeeze %dma_wait3A_103 : memref<1x128xi32, #tpu.memory_space<vmem>> -> memref<128xi32, #tpu.memory_space<vmem>>
      %dma_wait3A_105 = arith.constant 0 : i32
      %dma_wait3A_106 = arith.constant 0 : i32
      %dma_wait3A_107 = tpu.memref_slice %arg2[%dma_wait3A_105, %dma_wait3A_106] : memref<10240x128xf32, #tpu.memory_space<hbm>> -> memref<10240x128xf32, #tpu.memory_space<hbm>>
      tpu.wait_indirect_dma semaphore(%arg16 : memref<!tpu.dma_semaphore, #tpu.memory_space<semaphore_mem>>) src(%dma_wait3A_107 : memref<10240x128xf32, #tpu.memory_space<hbm>>) dst(%arg11 : memref<128x128xf32, #tpu.memory_space<vmem>>)
      %run_scoped3A = arith.constant 0 : i32
      "tpu.region"() ({
        %run_scoped3A_339 = tpu.sem_alloc : memref<!tpu.dma_semaphore, #tpu.memory_space<semaphore_mem>>
        %dma_start3A_340 = arith.constant 0 : i32
        %dma_start3A_341 = tpu.memref_slice %arg8[%run_scoped3A, %dma_start3A_340] : memref<8x128xi32, #tpu.memory_space<vmem>> -> memref<1x128xi32, #tpu.memory_space<vmem>>
        %dma_start3A_342 = tpu.memref_squeeze %dma_start3A_341 : memref<1x128xi32, #tpu.memory_space<vmem>> -> memref<128xi32, #tpu.memory_space<vmem>>
        %dma_start3A_343 = arith.constant 0 : i32
        %dma_start3A_344 = arith.constant 0 : i32
        %dma_start3A_345 = tpu.memref_slice %arg13[%dma_start3A_343, %dma_start3A_344] : memref<10240x128xf32, #tpu.memory_space<vmem_shared>> -> memref<10240x128xf32, #tpu.memory_space<vmem_shared>>
        tpu.enqueue_indirect_dma source(%arg11 : memref<128x128xf32, #tpu.memory_space<vmem>>) target(%dma_start3A_345 : memref<10240x128xf32, #tpu.memory_space<vmem_shared>>) offsets(%dma_start3A_342 : memref<128xi32, #tpu.memory_space<vmem>>) semaphore(%run_scoped3A_339 : memref<!tpu.dma_semaphore, #tpu.memory_space<semaphore_mem>>) {add = true}
        %dma_wait3A_346 = arith.constant 0 : i32
        %dma_wait3A_347 = tpu.memref_slice %arg8[%run_scoped3A, %dma_wait3A_346] : memref<8x128xi32, #tpu.memory_space<vmem>> -> memref<1x128xi32, #tpu.memory_space<vmem>>
        %dma_wait3A_348 = tpu.memref_squeeze %dma_wait3A_347 : memref<1x128xi32, #tpu.memory_space<vmem>> -> memref<128xi32, #tpu.memory_space<vmem>>
        %dma_wait3A_349 = arith.constant 0 : i32
        %dma_wait3A_350 = arith.constant 0 : i32
        %dma_wait3A_351 = tpu.memref_slice %arg13[%dma_wait3A_349, %dma_wait3A_350] : memref<10240x128xf32, #tpu.memory_space<vmem_shared>> -> memref<10240x128xf32, #tpu.memory_space<vmem_shared>>
        tpu.wait_indirect_dma semaphore(%run_scoped3A_339 : memref<!tpu.dma_semaphore, #tpu.memory_space<semaphore_mem>>) src(%arg11 : memref<128x128xf32, #tpu.memory_space<vmem>>) dst(%dma_wait3A_351 : memref<10240x128xf32, #tpu.memory_space<vmem_shared>>)
        tpu.yield
      }) : () -> ()
      %dma_start3A_108 = arith.constant 2 : i32
      %dma_start3A_109 = arith.constant 0 : i32
      %dma_start3A_110 = tpu.memref_slice %arg7[%dma_start3A_108, %dma_start3A_109] : memref<8x128xi32, #tpu.memory_space<vmem>> -> memref<1x128xi32, #tpu.memory_space<vmem>>
      %dma_start3A_111 = tpu.memref_squeeze %dma_start3A_110 : memref<1x128xi32, #tpu.memory_space<vmem>> -> memref<128xi32, #tpu.memory_space<vmem>>
      %dma_start3A_112 = arith.constant 0 : i32
      %dma_start3A_113 = arith.constant 0 : i32
      %dma_start3A_114 = tpu.memref_slice %arg2[%dma_start3A_112, %dma_start3A_113] : memref<10240x128xf32, #tpu.memory_space<hbm>> -> memref<10240x128xf32, #tpu.memory_space<hbm>>
      tpu.enqueue_indirect_dma source(%dma_start3A_114 : memref<10240x128xf32, #tpu.memory_space<hbm>>) target(%arg11 : memref<128x128xf32, #tpu.memory_space<vmem>>) offsets(%dma_start3A_111 : memref<128xi32, #tpu.memory_space<vmem>>) semaphore(%arg16 : memref<!tpu.dma_semaphore, #tpu.memory_space<semaphore_mem>>)
      %dma_wait3A_115 = arith.constant 0 : i32
      %dma_wait3A_116 = arith.constant 0 : i32
      %dma_wait3A_117 = tpu.memref_slice %arg7[%dma_wait3A_115, %dma_wait3A_116] : memref<8x128xi32, #tpu.memory_space<vmem>> -> memref<1x128xi32, #tpu.memory_space<vmem>>
      %dma_wait3A_118 = tpu.memref_squeeze %dma_wait3A_117 : memref<1x128xi32, #tpu.memory_space<vmem>> -> memref<128xi32, #tpu.memory_space<vmem>>
      %dma_wait3A_119 = arith.constant 0 : i32
      %dma_wait3A_120 = arith.constant 0 : i32
      %dma_wait3A_121 = tpu.memref_slice %arg2[%dma_wait3A_119, %dma_wait3A_120] : memref<10240x128xf32, #tpu.memory_space<hbm>> -> memref<10240x128xf32, #tpu.memory_space<hbm>>
      tpu.wait_indirect_dma semaphore(%arg17 : memref<!tpu.dma_semaphore, #tpu.memory_space<semaphore_mem>>) src(%dma_wait3A_121 : memref<10240x128xf32, #tpu.memory_space<hbm>>) dst(%arg12 : memref<128x128xf32, #tpu.memory_space<vmem>>)
      %run_scoped3A_122 = arith.constant 1 : i32
      "tpu.region"() ({
        %run_scoped3A_339 = tpu.sem_alloc : memref<!tpu.dma_semaphore, #tpu.memory_space<semaphore_mem>>
        %dma_start3A_340 = arith.constant 0 : i32
        %dma_start3A_341 = tpu.memref_slice %arg8[%run_scoped3A_122, %dma_start3A_340] : memref<8x128xi32, #tpu.memory_space<vmem>> -> memref<1x128xi32, #tpu.memory_space<vmem>>
        %dma_start3A_342 = tpu.memref_squeeze %dma_start3A_341 : memref<1x128xi32, #tpu.memory_space<vmem>> -> memref<128xi32, #tpu.memory_space<vmem>>
        %dma_start3A_343 = arith.constant 0 : i32
        %dma_start3A_344 = arith.constant 0 : i32
        %dma_start3A_345 = tpu.memref_slice %arg13[%dma_start3A_343, %dma_start3A_344] : memref<10240x128xf32, #tpu.memory_space<vmem_shared>> -> memref<10240x128xf32, #tpu.memory_space<vmem_shared>>
        tpu.enqueue_indirect_dma source(%arg12 : memref<128x128xf32, #tpu.memory_space<vmem>>) target(%dma_start3A_345 : memref<10240x128xf32, #tpu.memory_space<vmem_shared>>) offsets(%dma_start3A_342 : memref<128xi32, #tpu.memory_space<vmem>>) semaphore(%run_scoped3A_339 : memref<!tpu.dma_semaphore, #tpu.memory_space<semaphore_mem>>) {add = true}
        %dma_wait3A_346 = arith.constant 0 : i32
        %dma_wait3A_347 = tpu.memref_slice %arg8[%run_scoped3A_122, %dma_wait3A_346] : memref<8x128xi32, #tpu.memory_space<vmem>> -> memref<1x128xi32, #tpu.memory_space<vmem>>
        %dma_wait3A_348 = tpu.memref_squeeze %dma_wait3A_347 : memref<1x128xi32, #tpu.memory_space<vmem>> -> memref<128xi32, #tpu.memory_space<vmem>>
        %dma_wait3A_349 = arith.constant 0 : i32
        %dma_wait3A_350 = arith.constant 0 : i32
        %dma_wait3A_351 = tpu.memref_slice %arg13[%dma_wait3A_349, %dma_wait3A_350] : memref<10240x128xf32, #tpu.memory_space<vmem_shared>> -> memref<10240x128xf32, #tpu.memory_space<vmem_shared>>
        tpu.wait_indirect_dma semaphore(%run_scoped3A_339 : memref<!tpu.dma_semaphore, #tpu.memory_space<semaphore_mem>>) src(%arg12 : memref<128x128xf32, #tpu.memory_space<vmem>>) dst(%dma_wait3A_351 : memref<10240x128xf32, #tpu.memory_space<vmem_shared>>)
        tpu.yield
      }) : () -> ()
      %dma_start3A_123 = arith.constant 3 : i32
      %dma_start3A_124 = arith.constant 0 : i32
      %dma_start3A_125 = tpu.memref_slice %arg7[%dma_start3A_123, %dma_start3A_124] : memref<8x128xi32, #tpu.memory_space<vmem>> -> memref<1x128xi32, #tpu.memory_space<vmem>>
      %dma_start3A_126 = tpu.memref_squeeze %dma_start3A_125 : memref<1x128xi32, #tpu.memory_space<vmem>> -> memref<128xi32, #tpu.memory_space<vmem>>
      %dma_start3A_127 = arith.constant 0 : i32
      %dma_start3A_128 = arith.constant 0 : i32
      %dma_start3A_129 = tpu.memref_slice %arg2[%dma_start3A_127, %dma_start3A_128] : memref<10240x128xf32, #tpu.memory_space<hbm>> -> memref<10240x128xf32, #tpu.memory_space<hbm>>
      tpu.enqueue_indirect_dma source(%dma_start3A_129 : memref<10240x128xf32, #tpu.memory_space<hbm>>) target(%arg12 : memref<128x128xf32, #tpu.memory_space<vmem>>) offsets(%dma_start3A_126 : memref<128xi32, #tpu.memory_space<vmem>>) semaphore(%arg17 : memref<!tpu.dma_semaphore, #tpu.memory_space<semaphore_mem>>)
      %dma_wait3A_130 = arith.constant 0 : i32
      %dma_wait3A_131 = arith.constant 0 : i32
      %dma_wait3A_132 = tpu.memref_slice %arg7[%dma_wait3A_130, %dma_wait3A_131] : memref<8x128xi32, #tpu.memory_space<vmem>> -> memref<1x128xi32, #tpu.memory_space<vmem>>
      %dma_wait3A_133 = tpu.memref_squeeze %dma_wait3A_132 : memref<1x128xi32, #tpu.memory_space<vmem>> -> memref<128xi32, #tpu.memory_space<vmem>>
      %dma_wait3A_134 = arith.constant 0 : i32
      %dma_wait3A_135 = arith.constant 0 : i32
      %dma_wait3A_136 = tpu.memref_slice %arg2[%dma_wait3A_134, %dma_wait3A_135] : memref<10240x128xf32, #tpu.memory_space<hbm>> -> memref<10240x128xf32, #tpu.memory_space<hbm>>
      tpu.wait_indirect_dma semaphore(%arg16 : memref<!tpu.dma_semaphore, #tpu.memory_space<semaphore_mem>>) src(%dma_wait3A_136 : memref<10240x128xf32, #tpu.memory_space<hbm>>) dst(%arg11 : memref<128x128xf32, #tpu.memory_space<vmem>>)
      %run_scoped3A_137 = arith.constant 2 : i32
      "tpu.region"() ({
        %run_scoped3A_339 = tpu.sem_alloc : memref<!tpu.dma_semaphore, #tpu.memory_space<semaphore_mem>>
        %dma_start3A_340 = arith.constant 0 : i32
        %dma_start3A_341 = tpu.memref_slice %arg8[%run_scoped3A_137, %dma_start3A_340] : memref<8x128xi32, #tpu.memory_space<vmem>> -> memref<1x128xi32, #tpu.memory_space<vmem>>
        %dma_start3A_342 = tpu.memref_squeeze %dma_start3A_341 : memref<1x128xi32, #tpu.memory_space<vmem>> -> memref<128xi32, #tpu.memory_space<vmem>>
        %dma_start3A_343 = arith.constant 0 : i32
        %dma_start3A_344 = arith.constant 0 : i32
        %dma_start3A_345 = tpu.memref_slice %arg13[%dma_start3A_343, %dma_start3A_344] : memref<10240x128xf32, #tpu.memory_space<vmem_shared>> -> memref<10240x128xf32, #tpu.memory_space<vmem_shared>>
        tpu.enqueue_indirect_dma source(%arg11 : memref<128x128xf32, #tpu.memory_space<vmem>>) target(%dma_start3A_345 : memref<10240x128xf32, #tpu.memory_space<vmem_shared>>) offsets(%dma_start3A_342 : memref<128xi32, #tpu.memory_space<vmem>>) semaphore(%run_scoped3A_339 : memref<!tpu.dma_semaphore, #tpu.memory_space<semaphore_mem>>) {add = true}
        %dma_wait3A_346 = arith.constant 0 : i32
        %dma_wait3A_347 = tpu.memref_slice %arg8[%run_scoped3A_137, %dma_wait3A_346] : memref<8x128xi32, #tpu.memory_space<vmem>> -> memref<1x128xi32, #tpu.memory_space<vmem>>
        %dma_wait3A_348 = tpu.memref_squeeze %dma_wait3A_347 : memref<1x128xi32, #tpu.memory_space<vmem>> -> memref<128xi32, #tpu.memory_space<vmem>>
        %dma_wait3A_349 = arith.constant 0 : i32
        %dma_wait3A_350 = arith.constant 0 : i32
        %dma_wait3A_351 = tpu.memref_slice %arg13[%dma_wait3A_349, %dma_wait3A_350] : memref<10240x128xf32, #tpu.memory_space<vmem_shared>> -> memref<10240x128xf32, #tpu.memory_space<vmem_shared>>
        tpu.wait_indirect_dma semaphore(%run_scoped3A_339 : memref<!tpu.dma_semaphore, #tpu.memory_space<semaphore_mem>>) src(%arg11 : memref<128x128xf32, #tpu.memory_space<vmem>>) dst(%dma_wait3A_351 : memref<10240x128xf32, #tpu.memory_space<vmem_shared>>)
        tpu.yield
      }) : () -> ()
      %dma_start3A_138 = arith.constant 4 : i32
      %dma_start3A_139 = arith.constant 0 : i32
      %dma_start3A_140 = tpu.memref_slice %arg7[%dma_start3A_138, %dma_start3A_139] : memref<8x128xi32, #tpu.memory_space<vmem>> -> memref<1x128xi32, #tpu.memory_space<vmem>>
      %dma_start3A_141 = tpu.memref_squeeze %dma_start3A_140 : memref<1x128xi32, #tpu.memory_space<vmem>> -> memref<128xi32, #tpu.memory_space<vmem>>
      %dma_start3A_142 = arith.constant 0 : i32
      %dma_start3A_143 = arith.constant 0 : i32
      %dma_start3A_144 = tpu.memref_slice %arg2[%dma_start3A_142, %dma_start3A_143] : memref<10240x128xf32, #tpu.memory_space<hbm>> -> memref<10240x128xf32, #tpu.memory_space<hbm>>
      tpu.enqueue_indirect_dma source(%dma_start3A_144 : memref<10240x128xf32, #tpu.memory_space<hbm>>) target(%arg11 : memref<128x128xf32, #tpu.memory_space<vmem>>) offsets(%dma_start3A_141 : memref<128xi32, #tpu.memory_space<vmem>>) semaphore(%arg16 : memref<!tpu.dma_semaphore, #tpu.memory_space<semaphore_mem>>)
      %dma_wait3A_145 = arith.constant 0 : i32
      %dma_wait3A_146 = arith.constant 0 : i32
      %dma_wait3A_147 = tpu.memref_slice %arg7[%dma_wait3A_145, %dma_wait3A_146] : memref<8x128xi32, #tpu.memory_space<vmem>> -> memref<1x128xi32, #tpu.memory_space<vmem>>
      %dma_wait3A_148 = tpu.memref_squeeze %dma_wait3A_147 : memref<1x128xi32, #tpu.memory_space<vmem>> -> memref<128xi32, #tpu.memory_space<vmem>>
      %dma_wait3A_149 = arith.constant 0 : i32
      %dma_wait3A_150 = arith.constant 0 : i32
      %dma_wait3A_151 = tpu.memref_slice %arg2[%dma_wait3A_149, %dma_wait3A_150] : memref<10240x128xf32, #tpu.memory_space<hbm>> -> memref<10240x128xf32, #tpu.memory_space<hbm>>
      tpu.wait_indirect_dma semaphore(%arg17 : memref<!tpu.dma_semaphore, #tpu.memory_space<semaphore_mem>>) src(%dma_wait3A_151 : memref<10240x128xf32, #tpu.memory_space<hbm>>) dst(%arg12 : memref<128x128xf32, #tpu.memory_space<vmem>>)
      %run_scoped3A_152 = arith.constant 3 : i32
      "tpu.region"() ({
        %run_scoped3A_339 = tpu.sem_alloc : memref<!tpu.dma_semaphore, #tpu.memory_space<semaphore_mem>>
        %dma_start3A_340 = arith.constant 0 : i32
        %dma_start3A_341 = tpu.memref_slice %arg8[%run_scoped3A_152, %dma_start3A_340] : memref<8x128xi32, #tpu.memory_space<vmem>> -> memref<1x128xi32, #tpu.memory_space<vmem>>
        %dma_start3A_342 = tpu.memref_squeeze %dma_start3A_341 : memref<1x128xi32, #tpu.memory_space<vmem>> -> memref<128xi32, #tpu.memory_space<vmem>>
        %dma_start3A_343 = arith.constant 0 : i32
        %dma_start3A_344 = arith.constant 0 : i32
        %dma_start3A_345 = tpu.memref_slice %arg13[%dma_start3A_343, %dma_start3A_344] : memref<10240x128xf32, #tpu.memory_space<vmem_shared>> -> memref<10240x128xf32, #tpu.memory_space<vmem_shared>>
        tpu.enqueue_indirect_dma source(%arg12 : memref<128x128xf32, #tpu.memory_space<vmem>>) target(%dma_start3A_345 : memref<10240x128xf32, #tpu.memory_space<vmem_shared>>) offsets(%dma_start3A_342 : memref<128xi32, #tpu.memory_space<vmem>>) semaphore(%run_scoped3A_339 : memref<!tpu.dma_semaphore, #tpu.memory_space<semaphore_mem>>) {add = true}
        %dma_wait3A_346 = arith.constant 0 : i32
        %dma_wait3A_347 = tpu.memref_slice %arg8[%run_scoped3A_152, %dma_wait3A_346] : memref<8x128xi32, #tpu.memory_space<vmem>> -> memref<1x128xi32, #tpu.memory_space<vmem>>
        %dma_wait3A_348 = tpu.memref_squeeze %dma_wait3A_347 : memref<1x128xi32, #tpu.memory_space<vmem>> -> memref<128xi32, #tpu.memory_space<vmem>>
        %dma_wait3A_349 = arith.constant 0 : i32
        %dma_wait3A_350 = arith.constant 0 : i32
        %dma_wait3A_351 = tpu.memref_slice %arg13[%dma_wait3A_349, %dma_wait3A_350] : memref<10240x128xf32, #tpu.memory_space<vmem_shared>> -> memref<10240x128xf32, #tpu.memory_space<vmem_shared>>
        tpu.wait_indirect_dma semaphore(%run_scoped3A_339 : memref<!tpu.dma_semaphore, #tpu.memory_space<semaphore_mem>>) src(%arg12 : memref<128x128xf32, #tpu.memory_space<vmem>>) dst(%dma_wait3A_351 : memref<10240x128xf32, #tpu.memory_space<vmem_shared>>)
        tpu.yield
      }) : () -> ()
      %dma_start3A_153 = arith.constant 5 : i32
      %dma_start3A_154 = arith.constant 0 : i32
      %dma_start3A_155 = tpu.memref_slice %arg7[%dma_start3A_153, %dma_start3A_154] : memref<8x128xi32, #tpu.memory_space<vmem>> -> memref<1x128xi32, #tpu.memory_space<vmem>>
      %dma_start3A_156 = tpu.memref_squeeze %dma_start3A_155 : memref<1x128xi32, #tpu.memory_space<vmem>> -> memref<128xi32, #tpu.memory_space<vmem>>
      %dma_start3A_157 = arith.constant 0 : i32
      %dma_start3A_158 = arith.constant 0 : i32
      %dma_start3A_159 = tpu.memref_slice %arg2[%dma_start3A_157, %dma_start3A_158] : memref<10240x128xf32, #tpu.memory_space<hbm>> -> memref<10240x128xf32, #tpu.memory_space<hbm>>
      tpu.enqueue_indirect_dma source(%dma_start3A_159 : memref<10240x128xf32, #tpu.memory_space<hbm>>) target(%arg12 : memref<128x128xf32, #tpu.memory_space<vmem>>) offsets(%dma_start3A_156 : memref<128xi32, #tpu.memory_space<vmem>>) semaphore(%arg17 : memref<!tpu.dma_semaphore, #tpu.memory_space<semaphore_mem>>)
      %dma_wait3A_160 = arith.constant 0 : i32
      %dma_wait3A_161 = arith.constant 0 : i32
      %dma_wait3A_162 = tpu.memref_slice %arg7[%dma_wait3A_160, %dma_wait3A_161] : memref<8x128xi32, #tpu.memory_space<vmem>> -> memref<1x128xi32, #tpu.memory_space<vmem>>
      %dma_wait3A_163 = tpu.memref_squeeze %dma_wait3A_162 : memref<1x128xi32, #tpu.memory_space<vmem>> -> memref<128xi32, #tpu.memory_space<vmem>>
      %dma_wait3A_164 = arith.constant 0 : i32
      %dma_wait3A_165 = arith.constant 0 : i32
      %dma_wait3A_166 = tpu.memref_slice %arg2[%dma_wait3A_164, %dma_wait3A_165] : memref<10240x128xf32, #tpu.memory_space<hbm>> -> memref<10240x128xf32, #tpu.memory_space<hbm>>
      tpu.wait_indirect_dma semaphore(%arg16 : memref<!tpu.dma_semaphore, #tpu.memory_space<semaphore_mem>>) src(%dma_wait3A_166 : memref<10240x128xf32, #tpu.memory_space<hbm>>) dst(%arg11 : memref<128x128xf32, #tpu.memory_space<vmem>>)
      %run_scoped3A_167 = arith.constant 4 : i32
      "tpu.region"() ({
        %run_scoped3A_339 = tpu.sem_alloc : memref<!tpu.dma_semaphore, #tpu.memory_space<semaphore_mem>>
        %dma_start3A_340 = arith.constant 0 : i32
        %dma_start3A_341 = tpu.memref_slice %arg8[%run_scoped3A_167, %dma_start3A_340] : memref<8x128xi32, #tpu.memory_space<vmem>> -> memref<1x128xi32, #tpu.memory_space<vmem>>
        %dma_start3A_342 = tpu.memref_squeeze %dma_start3A_341 : memref<1x128xi32, #tpu.memory_space<vmem>> -> memref<128xi32, #tpu.memory_space<vmem>>
        %dma_start3A_343 = arith.constant 0 : i32
        %dma_start3A_344 = arith.constant 0 : i32
        %dma_start3A_345 = tpu.memref_slice %arg13[%dma_start3A_343, %dma_start3A_344] : memref<10240x128xf32, #tpu.memory_space<vmem_shared>> -> memref<10240x128xf32, #tpu.memory_space<vmem_shared>>
        tpu.enqueue_indirect_dma source(%arg11 : memref<128x128xf32, #tpu.memory_space<vmem>>) target(%dma_start3A_345 : memref<10240x128xf32, #tpu.memory_space<vmem_shared>>) offsets(%dma_start3A_342 : memref<128xi32, #tpu.memory_space<vmem>>) semaphore(%run_scoped3A_339 : memref<!tpu.dma_semaphore, #tpu.memory_space<semaphore_mem>>) {add = true}
        %dma_wait3A_346 = arith.constant 0 : i32
        %dma_wait3A_347 = tpu.memref_slice %arg8[%run_scoped3A_167, %dma_wait3A_346] : memref<8x128xi32, #tpu.memory_space<vmem>> -> memref<1x128xi32, #tpu.memory_space<vmem>>
        %dma_wait3A_348 = tpu.memref_squeeze %dma_wait3A_347 : memref<1x128xi32, #tpu.memory_space<vmem>> -> memref<128xi32, #tpu.memory_space<vmem>>
        %dma_wait3A_349 = arith.constant 0 : i32
        %dma_wait3A_350 = arith.constant 0 : i32
        %dma_wait3A_351 = tpu.memref_slice %arg13[%dma_wait3A_349, %dma_wait3A_350] : memref<10240x128xf32, #tpu.memory_space<vmem_shared>> -> memref<10240x128xf32, #tpu.memory_space<vmem_shared>>
        tpu.wait_indirect_dma semaphore(%run_scoped3A_339 : memref<!tpu.dma_semaphore, #tpu.memory_space<semaphore_mem>>) src(%arg11 : memref<128x128xf32, #tpu.memory_space<vmem>>) dst(%dma_wait3A_351 : memref<10240x128xf32, #tpu.memory_space<vmem_shared>>)
        tpu.yield
      }) : () -> ()
      %dma_start3A_168 = arith.constant 6 : i32
      %dma_start3A_169 = arith.constant 0 : i32
      %dma_start3A_170 = tpu.memref_slice %arg7[%dma_start3A_168, %dma_start3A_169] : memref<8x128xi32, #tpu.memory_space<vmem>> -> memref<1x128xi32, #tpu.memory_space<vmem>>
      %dma_start3A_171 = tpu.memref_squeeze %dma_start3A_170 : memref<1x128xi32, #tpu.memory_space<vmem>> -> memref<128xi32, #tpu.memory_space<vmem>>
      %dma_start3A_172 = arith.constant 0 : i32
      %dma_start3A_173 = arith.constant 0 : i32
      %dma_start3A_174 = tpu.memref_slice %arg2[%dma_start3A_172, %dma_start3A_173] : memref<10240x128xf32, #tpu.memory_space<hbm>> -> memref<10240x128xf32, #tpu.memory_space<hbm>>
      tpu.enqueue_indirect_dma source(%dma_start3A_174 : memref<10240x128xf32, #tpu.memory_space<hbm>>) target(%arg11 : memref<128x128xf32, #tpu.memory_space<vmem>>) offsets(%dma_start3A_171 : memref<128xi32, #tpu.memory_space<vmem>>) semaphore(%arg16 : memref<!tpu.dma_semaphore, #tpu.memory_space<semaphore_mem>>)
      %dma_wait3A_175 = arith.constant 0 : i32
      %dma_wait3A_176 = arith.constant 0 : i32
      %dma_wait3A_177 = tpu.memref_slice %arg7[%dma_wait3A_175, %dma_wait3A_176] : memref<8x128xi32, #tpu.memory_space<vmem>> -> memref<1x128xi32, #tpu.memory_space<vmem>>
      %dma_wait3A_178 = tpu.memref_squeeze %dma_wait3A_177 : memref<1x128xi32, #tpu.memory_space<vmem>> -> memref<128xi32, #tpu.memory_space<vmem>>
      %dma_wait3A_179 = arith.constant 0 : i32
      %dma_wait3A_180 = arith.constant 0 : i32
      %dma_wait3A_181 = tpu.memref_slice %arg2[%dma_wait3A_179, %dma_wait3A_180] : memref<10240x128xf32, #tpu.memory_space<hbm>> -> memref<10240x128xf32, #tpu.memory_space<hbm>>
      tpu.wait_indirect_dma semaphore(%arg17 : memref<!tpu.dma_semaphore, #tpu.memory_space<semaphore_mem>>) src(%dma_wait3A_181 : memref<10240x128xf32, #tpu.memory_space<hbm>>) dst(%arg12 : memref<128x128xf32, #tpu.memory_space<vmem>>)
      %run_scoped3A_182 = arith.constant 5 : i32
      "tpu.region"() ({
        %run_scoped3A_339 = tpu.sem_alloc : memref<!tpu.dma_semaphore, #tpu.memory_space<semaphore_mem>>
        %dma_start3A_340 = arith.constant 0 : i32
        %dma_start3A_341 = tpu.memref_slice %arg8[%run_scoped3A_182, %dma_start3A_340] : memref<8x128xi32, #tpu.memory_space<vmem>> -> memref<1x128xi32, #tpu.memory_space<vmem>>
        %dma_start3A_342 = tpu.memref_squeeze %dma_start3A_341 : memref<1x128xi32, #tpu.memory_space<vmem>> -> memref<128xi32, #tpu.memory_space<vmem>>
        %dma_start3A_343 = arith.constant 0 : i32
        %dma_start3A_344 = arith.constant 0 : i32
        %dma_start3A_345 = tpu.memref_slice %arg13[%dma_start3A_343, %dma_start3A_344] : memref<10240x128xf32, #tpu.memory_space<vmem_shared>> -> memref<10240x128xf32, #tpu.memory_space<vmem_shared>>
        tpu.enqueue_indirect_dma source(%arg12 : memref<128x128xf32, #tpu.memory_space<vmem>>) target(%dma_start3A_345 : memref<10240x128xf32, #tpu.memory_space<vmem_shared>>) offsets(%dma_start3A_342 : memref<128xi32, #tpu.memory_space<vmem>>) semaphore(%run_scoped3A_339 : memref<!tpu.dma_semaphore, #tpu.memory_space<semaphore_mem>>) {add = true}
        %dma_wait3A_346 = arith.constant 0 : i32
        %dma_wait3A_347 = tpu.memref_slice %arg8[%run_scoped3A_182, %dma_wait3A_346] : memref<8x128xi32, #tpu.memory_space<vmem>> -> memref<1x128xi32, #tpu.memory_space<vmem>>
        %dma_wait3A_348 = tpu.memref_squeeze %dma_wait3A_347 : memref<1x128xi32, #tpu.memory_space<vmem>> -> memref<128xi32, #tpu.memory_space<vmem>>
        %dma_wait3A_349 = arith.constant 0 : i32
        %dma_wait3A_350 = arith.constant 0 : i32
        %dma_wait3A_351 = tpu.memref_slice %arg13[%dma_wait3A_349, %dma_wait3A_350] : memref<10240x128xf32, #tpu.memory_space<vmem_shared>> -> memref<10240x128xf32, #tpu.memory_space<vmem_shared>>
        tpu.wait_indirect_dma semaphore(%run_scoped3A_339 : memref<!tpu.dma_semaphore, #tpu.memory_space<semaphore_mem>>) src(%arg12 : memref<128x128xf32, #tpu.memory_space<vmem>>) dst(%dma_wait3A_351 : memref<10240x128xf32, #tpu.memory_space<vmem_shared>>)
        tpu.yield
      }) : () -> ()
      %dma_start3A_183 = arith.constant 7 : i32
      %dma_start3A_184 = arith.constant 0 : i32
      %dma_start3A_185 = tpu.memref_slice %arg7[%dma_start3A_183, %dma_start3A_184] : memref<8x128xi32, #tpu.memory_space<vmem>> -> memref<1x128xi32, #tpu.memory_space<vmem>>
      %dma_start3A_186 = tpu.memref_squeeze %dma_start3A_185 : memref<1x128xi32, #tpu.memory_space<vmem>> -> memref<128xi32, #tpu.memory_space<vmem>>
      %dma_start3A_187 = arith.constant 0 : i32
      %dma_start3A_188 = arith.constant 0 : i32
      %dma_start3A_189 = tpu.memref_slice %arg2[%dma_start3A_187, %dma_start3A_188] : memref<10240x128xf32, #tpu.memory_space<hbm>> -> memref<10240x128xf32, #tpu.memory_space<hbm>>
      tpu.enqueue_indirect_dma source(%dma_start3A_189 : memref<10240x128xf32, #tpu.memory_space<hbm>>) target(%arg12 : memref<128x128xf32, #tpu.memory_space<vmem>>) offsets(%dma_start3A_186 : memref<128xi32, #tpu.memory_space<vmem>>) semaphore(%arg17 : memref<!tpu.dma_semaphore, #tpu.memory_space<semaphore_mem>>)
      %dma_wait3A_190 = arith.constant 0 : i32
      %dma_wait3A_191 = arith.constant 0 : i32
      %dma_wait3A_192 = tpu.memref_slice %arg7[%dma_wait3A_190, %dma_wait3A_191] : memref<8x128xi32, #tpu.memory_space<vmem>> -> memref<1x128xi32, #tpu.memory_space<vmem>>
      %dma_wait3A_193 = tpu.memref_squeeze %dma_wait3A_192 : memref<1x128xi32, #tpu.memory_space<vmem>> -> memref<128xi32, #tpu.memory_space<vmem>>
      %dma_wait3A_194 = arith.constant 0 : i32
      %dma_wait3A_195 = arith.constant 0 : i32
      %dma_wait3A_196 = tpu.memref_slice %arg2[%dma_wait3A_194, %dma_wait3A_195] : memref<10240x128xf32, #tpu.memory_space<hbm>> -> memref<10240x128xf32, #tpu.memory_space<hbm>>
      tpu.wait_indirect_dma semaphore(%arg16 : memref<!tpu.dma_semaphore, #tpu.memory_space<semaphore_mem>>) src(%dma_wait3A_196 : memref<10240x128xf32, #tpu.memory_space<hbm>>) dst(%arg11 : memref<128x128xf32, #tpu.memory_space<vmem>>)
      %run_scoped3A_197 = arith.constant 6 : i32
      "tpu.region"() ({
        %run_scoped3A_339 = tpu.sem_alloc : memref<!tpu.dma_semaphore, #tpu.memory_space<semaphore_mem>>
        %dma_start3A_340 = arith.constant 0 : i32
        %dma_start3A_341 = tpu.memref_slice %arg8[%run_scoped3A_197, %dma_start3A_340] : memref<8x128xi32, #tpu.memory_space<vmem>> -> memref<1x128xi32, #tpu.memory_space<vmem>>
        %dma_start3A_342 = tpu.memref_squeeze %dma_start3A_341 : memref<1x128xi32, #tpu.memory_space<vmem>> -> memref<128xi32, #tpu.memory_space<vmem>>
        %dma_start3A_343 = arith.constant 0 : i32
        %dma_start3A_344 = arith.constant 0 : i32
        %dma_start3A_345 = tpu.memref_slice %arg13[%dma_start3A_343, %dma_start3A_344] : memref<10240x128xf32, #tpu.memory_space<vmem_shared>> -> memref<10240x128xf32, #tpu.memory_space<vmem_shared>>
        tpu.enqueue_indirect_dma source(%arg11 : memref<128x128xf32, #tpu.memory_space<vmem>>) target(%dma_start3A_345 : memref<10240x128xf32, #tpu.memory_space<vmem_shared>>) offsets(%dma_start3A_342 : memref<128xi32, #tpu.memory_space<vmem>>) semaphore(%run_scoped3A_339 : memref<!tpu.dma_semaphore, #tpu.memory_space<semaphore_mem>>) {add = true}
        %dma_wait3A_346 = arith.constant 0 : i32
        %dma_wait3A_347 = tpu.memref_slice %arg8[%run_scoped3A_197, %dma_wait3A_346] : memref<8x128xi32, #tpu.memory_space<vmem>> -> memref<1x128xi32, #tpu.memory_space<vmem>>
        %dma_wait3A_348 = tpu.memref_squeeze %dma_wait3A_347 : memref<1x128xi32, #tpu.memory_space<vmem>> -> memref<128xi32, #tpu.memory_space<vmem>>
        %dma_wait3A_349 = arith.constant 0 : i32
        %dma_wait3A_350 = arith.constant 0 : i32
        %dma_wait3A_351 = tpu.memref_slice %arg13[%dma_wait3A_349, %dma_wait3A_350] : memref<10240x128xf32, #tpu.memory_space<vmem_shared>> -> memref<10240x128xf32, #tpu.memory_space<vmem_shared>>
        tpu.wait_indirect_dma semaphore(%run_scoped3A_339 : memref<!tpu.dma_semaphore, #tpu.memory_space<semaphore_mem>>) src(%arg11 : memref<128x128xf32, #tpu.memory_space<vmem>>) dst(%dma_wait3A_351 : memref<10240x128xf32, #tpu.memory_space<vmem_shared>>)
        tpu.yield
      }) : () -> ()
      %dma_wait3A_198 = arith.constant 0 : i32
      %dma_wait3A_199 = arith.constant 0 : i32
      %dma_wait3A_200 = tpu.memref_slice %arg7[%dma_wait3A_198, %dma_wait3A_199] : memref<8x128xi32, #tpu.memory_space<vmem>> -> memref<1x128xi32, #tpu.memory_space<vmem>>
      %dma_wait3A_201 = tpu.memref_squeeze %dma_wait3A_200 : memref<1x128xi32, #tpu.memory_space<vmem>> -> memref<128xi32, #tpu.memory_space<vmem>>
      %dma_wait3A_202 = arith.constant 0 : i32
      %dma_wait3A_203 = arith.constant 0 : i32
      %dma_wait3A_204 = tpu.memref_slice %arg2[%dma_wait3A_202, %dma_wait3A_203] : memref<10240x128xf32, #tpu.memory_space<hbm>> -> memref<10240x128xf32, #tpu.memory_space<hbm>>
      tpu.wait_indirect_dma semaphore(%arg17 : memref<!tpu.dma_semaphore, #tpu.memory_space<semaphore_mem>>) src(%dma_wait3A_204 : memref<10240x128xf32, #tpu.memory_space<hbm>>) dst(%arg12 : memref<128x128xf32, #tpu.memory_space<vmem>>)
      %run_scoped3A_205 = arith.constant 7 : i32
      "tpu.region"() ({
        %run_scoped3A_339 = tpu.sem_alloc : memref<!tpu.dma_semaphore, #tpu.memory_space<semaphore_mem>>
        %dma_start3A_340 = arith.constant 0 : i32
        %dma_start3A_341 = tpu.memref_slice %arg8[%run_scoped3A_205, %dma_start3A_340] : memref<8x128xi32, #tpu.memory_space<vmem>> -> memref<1x128xi32, #tpu.memory_space<vmem>>
        %dma_start3A_342 = tpu.memref_squeeze %dma_start3A_341 : memref<1x128xi32, #tpu.memory_space<vmem>> -> memref<128xi32, #tpu.memory_space<vmem>>
        %dma_start3A_343 = arith.constant 0 : i32
        %dma_start3A_344 = arith.constant 0 : i32
        %dma_start3A_345 = tpu.memref_slice %arg13[%dma_start3A_343, %dma_start3A_344] : memref<10240x128xf32, #tpu.memory_space<vmem_shared>> -> memref<10240x128xf32, #tpu.memory_space<vmem_shared>>
        tpu.enqueue_indirect_dma source(%arg12 : memref<128x128xf32, #tpu.memory_space<vmem>>) target(%dma_start3A_345 : memref<10240x128xf32, #tpu.memory_space<vmem_shared>>) offsets(%dma_start3A_342 : memref<128xi32, #tpu.memory_space<vmem>>) semaphore(%run_scoped3A_339 : memref<!tpu.dma_semaphore, #tpu.memory_space<semaphore_mem>>) {add = true}
        %dma_wait3A_346 = arith.constant 0 : i32
        %dma_wait3A_347 = tpu.memref_slice %arg8[%run_scoped3A_205, %dma_wait3A_346] : memref<8x128xi32, #tpu.memory_space<vmem>> -> memref<1x128xi32, #tpu.memory_space<vmem>>
        %dma_wait3A_348 = tpu.memref_squeeze %dma_wait3A_347 : memref<1x128xi32, #tpu.memory_space<vmem>> -> memref<128xi32, #tpu.memory_space<vmem>>
        %dma_wait3A_349 = arith.constant 0 : i32
        %dma_wait3A_350 = arith.constant 0 : i32
        %dma_wait3A_351 = tpu.memref_slice %arg13[%dma_wait3A_349, %dma_wait3A_350] : memref<10240x128xf32, #tpu.memory_space<vmem_shared>> -> memref<10240x128xf32, #tpu.memory_space<vmem_shared>>
        tpu.wait_indirect_dma semaphore(%run_scoped3A_339 : memref<!tpu.dma_semaphore, #tpu.memory_space<semaphore_mem>>) src(%arg12 : memref<128x128xf32, #tpu.memory_space<vmem>>) dst(%dma_wait3A_351 : memref<10240x128xf32, #tpu.memory_space<vmem_shared>>)
        tpu.yield
      }) : () -> ()
      %add3A_206 = arith.constant 2 : i32
      %add3A_207 = arith.addi %mul3A_63, %add3A_206 : i32
      %lt3A = arith.cmpi slt, %add3A_207, %select_n3A_20 : i32
      %convert_element_type3A_208 = arith.extui %lt3A : i1 to i32
      %cond3A_209 = arith.constant 0 : i32
      %cond3A_210 = arith.cmpi ne, %convert_element_type3A_208, %cond3A_209 : i32
      scf.if %cond3A_210 {
        %add3A_339 = arith.constant 2 : i32
        %add3A_340 = arith.addi %mul3A_63, %add3A_339 : i32
        %mul3A_341 = arith.constant 8 : i32
        %mul3A_342 = arith.muli %add3A_340, %mul3A_341 : i32
        %add3A_343 = arith.addi %select_n3A, %mul3A_342 : i32
        %dma_start3A_344 = arith.constant 0 : i32
        %dma_start3A_345 = tpu.memref_slice %arg3[%add3A_343, %dma_start3A_344] : memref<2560x128xi32, #tpu.memory_space<hbm>> -> memref<8x128xi32, #tpu.memory_space<hbm>>
        %dma_start3A_346 = arith.constant 0 : i32
        %dma_start3A_347 = tpu.memref_slice %arg3[%add3A_343, %dma_start3A_346] : memref<2560x128xi32, #tpu.memory_space<hbm>> -> memref<8x128xi32, #tpu.memory_space<hbm>>
        tpu.enqueue_dma source(%dma_start3A_347 : memref<8x128xi32, #tpu.memory_space<hbm>>) target(%arg7 : memref<8x128xi32, #tpu.memory_space<vmem>>) target_semaphore(%arg14 : memref<!tpu.dma_semaphore, #tpu.memory_space<semaphore_mem>>)
        %mul3A_348 = arith.constant 8 : i32
        %mul3A_349 = arith.muli %add3A_340, %mul3A_348 : i32
        %add3A_350 = arith.addi %select_n3A, %mul3A_349 : i32
        %dma_start3A_351 = arith.constant 0 : i32
        %dma_start3A_352 = tpu.memref_slice %arg4[%add3A_350, %dma_start3A_351] : memref<2560x128xi32, #tpu.memory_space<hbm>> -> memref<8x128xi32, #tpu.memory_space<hbm>>
        %dma_start3A_353 = arith.constant 0 : i32
        %dma_start3A_354 = tpu.memref_slice %arg4[%add3A_350, %dma_start3A_353] : memref<2560x128xi32, #tpu.memory_space<hbm>> -> memref<8x128xi32, #tpu.memory_space<hbm>>
        tpu.enqueue_dma source(%dma_start3A_354 : memref<8x128xi32, #tpu.memory_space<hbm>>) target(%arg8 : memref<8x128xi32, #tpu.memory_space<vmem>>) target_semaphore(%arg14 : memref<!tpu.dma_semaphore, #tpu.memory_space<semaphore_mem>>)
      } else {
      }
      %dma_wait3A_211 = arith.constant 0 : i32
      %dma_wait3A_212 = tpu.memref_slice %arg3[%select_n3A, %dma_wait3A_211] : memref<2560x128xi32, #tpu.memory_space<hbm>> -> memref<8x128xi32, #tpu.memory_space<hbm>>
      %dma_wait3A_213 = arith.constant 0 : i32
      %dma_wait3A_214 = tpu.memref_slice %arg3[%select_n3A, %dma_wait3A_213] : memref<2560x128xi32, #tpu.memory_space<hbm>> -> memref<8x128xi32, #tpu.memory_space<hbm>>
      tpu.wait_dma2 semaphore(%arg15 : memref<!tpu.dma_semaphore, #tpu.memory_space<semaphore_mem>>) src(%dma_wait3A_214 : memref<8x128xi32, #tpu.memory_space<hbm>>) dst(%arg9 : memref<8x128xi32, #tpu.memory_space<vmem>>)
      %dma_wait3A_215 = arith.constant 0 : i32
      %dma_wait3A_216 = tpu.memref_slice %arg3[%select_n3A, %dma_wait3A_215] : memref<2560x128xi32, #tpu.memory_space<hbm>> -> memref<8x128xi32, #tpu.memory_space<hbm>>
      %dma_wait3A_217 = arith.constant 0 : i32
      %dma_wait3A_218 = tpu.memref_slice %arg3[%select_n3A, %dma_wait3A_217] : memref<2560x128xi32, #tpu.memory_space<hbm>> -> memref<8x128xi32, #tpu.memory_space<hbm>>
      tpu.wait_dma2 semaphore(%arg15 : memref<!tpu.dma_semaphore, #tpu.memory_space<semaphore_mem>>) src(%dma_wait3A_218 : memref<8x128xi32, #tpu.memory_space<hbm>>) dst(%arg10 : memref<8x128xi32, #tpu.memory_space<vmem>>)
      %dma_start3A_219 = arith.constant 0 : i32
      %dma_start3A_220 = arith.constant 0 : i32
      %dma_start3A_221 = tpu.memref_slice %arg9[%dma_start3A_219, %dma_start3A_220] : memref<8x128xi32, #tpu.memory_space<vmem>> -> memref<1x128xi32, #tpu.memory_space<vmem>>
      %dma_start3A_222 = tpu.memref_squeeze %dma_start3A_221 : memref<1x128xi32, #tpu.memory_space<vmem>> -> memref<128xi32, #tpu.memory_space<vmem>>
      %dma_start3A_223 = arith.constant 0 : i32
      %dma_start3A_224 = arith.constant 0 : i32
      %dma_start3A_225 = tpu.memref_slice %arg2[%dma_start3A_223, %dma_start3A_224] : memref<10240x128xf32, #tpu.memory_space<hbm>> -> memref<10240x128xf32, #tpu.memory_space<hbm>>
      tpu.enqueue_indirect_dma source(%dma_start3A_225 : memref<10240x128xf32, #tpu.memory_space<hbm>>) target(%arg11 : memref<128x128xf32, #tpu.memory_space<vmem>>) offsets(%dma_start3A_222 : memref<128xi32, #tpu.memory_space<vmem>>) semaphore(%arg16 : memref<!tpu.dma_semaphore, #tpu.memory_space<semaphore_mem>>)
      %dma_start3A_226 = arith.constant 1 : i32
      %dma_start3A_227 = arith.constant 0 : i32
      %dma_start3A_228 = tpu.memref_slice %arg9[%dma_start3A_226, %dma_start3A_227] : memref<8x128xi32, #tpu.memory_space<vmem>> -> memref<1x128xi32, #tpu.memory_space<vmem>>
      %dma_start3A_229 = tpu.memref_squeeze %dma_start3A_228 : memref<1x128xi32, #tpu.memory_space<vmem>> -> memref<128xi32, #tpu.memory_space<vmem>>
      %dma_start3A_230 = arith.constant 0 : i32
      %dma_start3A_231 = arith.constant 0 : i32
      %dma_start3A_232 = tpu.memref_slice %arg2[%dma_start3A_230, %dma_start3A_231] : memref<10240x128xf32, #tpu.memory_space<hbm>> -> memref<10240x128xf32, #tpu.memory_space<hbm>>
      tpu.enqueue_indirect_dma source(%dma_start3A_232 : memref<10240x128xf32, #tpu.memory_space<hbm>>) target(%arg12 : memref<128x128xf32, #tpu.memory_space<vmem>>) offsets(%dma_start3A_229 : memref<128xi32, #tpu.memory_space<vmem>>) semaphore(%arg17 : memref<!tpu.dma_semaphore, #tpu.memory_space<semaphore_mem>>)
      %dma_wait3A_233 = arith.constant 0 : i32
      %dma_wait3A_234 = arith.constant 0 : i32
      %dma_wait3A_235 = tpu.memref_slice %arg9[%dma_wait3A_233, %dma_wait3A_234] : memref<8x128xi32, #tpu.memory_space<vmem>> -> memref<1x128xi32, #tpu.memory_space<vmem>>
      %dma_wait3A_236 = tpu.memref_squeeze %dma_wait3A_235 : memref<1x128xi32, #tpu.memory_space<vmem>> -> memref<128xi32, #tpu.memory_space<vmem>>
      %dma_wait3A_237 = arith.constant 0 : i32
      %dma_wait3A_238 = arith.constant 0 : i32
      %dma_wait3A_239 = tpu.memref_slice %arg2[%dma_wait3A_237, %dma_wait3A_238] : memref<10240x128xf32, #tpu.memory_space<hbm>> -> memref<10240x128xf32, #tpu.memory_space<hbm>>
      tpu.wait_indirect_dma semaphore(%arg16 : memref<!tpu.dma_semaphore, #tpu.memory_space<semaphore_mem>>) src(%dma_wait3A_239 : memref<10240x128xf32, #tpu.memory_space<hbm>>) dst(%arg11 : memref<128x128xf32, #tpu.memory_space<vmem>>)
      %run_scoped3A_240 = arith.constant 0 : i32
      "tpu.region"() ({
        %run_scoped3A_339 = tpu.sem_alloc : memref<!tpu.dma_semaphore, #tpu.memory_space<semaphore_mem>>
        %dma_start3A_340 = arith.constant 0 : i32
        %dma_start3A_341 = tpu.memref_slice %arg10[%run_scoped3A_240, %dma_start3A_340] : memref<8x128xi32, #tpu.memory_space<vmem>> -> memref<1x128xi32, #tpu.memory_space<vmem>>
        %dma_start3A_342 = tpu.memref_squeeze %dma_start3A_341 : memref<1x128xi32, #tpu.memory_space<vmem>> -> memref<128xi32, #tpu.memory_space<vmem>>
        %dma_start3A_343 = arith.constant 0 : i32
        %dma_start3A_344 = arith.constant 0 : i32
        %dma_start3A_345 = tpu.memref_slice %arg13[%dma_start3A_343, %dma_start3A_344] : memref<10240x128xf32, #tpu.memory_space<vmem_shared>> -> memref<10240x128xf32, #tpu.memory_space<vmem_shared>>
        tpu.enqueue_indirect_dma source(%arg11 : memref<128x128xf32, #tpu.memory_space<vmem>>) target(%dma_start3A_345 : memref<10240x128xf32, #tpu.memory_space<vmem_shared>>) offsets(%dma_start3A_342 : memref<128xi32, #tpu.memory_space<vmem>>) semaphore(%run_scoped3A_339 : memref<!tpu.dma_semaphore, #tpu.memory_space<semaphore_mem>>) {add = true}
        %dma_wait3A_346 = arith.constant 0 : i32
        %dma_wait3A_347 = tpu.memref_slice %arg10[%run_scoped3A_240, %dma_wait3A_346] : memref<8x128xi32, #tpu.memory_space<vmem>> -> memref<1x128xi32, #tpu.memory_space<vmem>>
        %dma_wait3A_348 = tpu.memref_squeeze %dma_wait3A_347 : memref<1x128xi32, #tpu.memory_space<vmem>> -> memref<128xi32, #tpu.memory_space<vmem>>
        %dma_wait3A_349 = arith.constant 0 : i32
        %dma_wait3A_350 = arith.constant 0 : i32
        %dma_wait3A_351 = tpu.memref_slice %arg13[%dma_wait3A_349, %dma_wait3A_350] : memref<10240x128xf32, #tpu.memory_space<vmem_shared>> -> memref<10240x128xf32, #tpu.memory_space<vmem_shared>>
        tpu.wait_indirect_dma semaphore(%run_scoped3A_339 : memref<!tpu.dma_semaphore, #tpu.memory_space<semaphore_mem>>) src(%arg11 : memref<128x128xf32, #tpu.memory_space<vmem>>) dst(%dma_wait3A_351 : memref<10240x128xf32, #tpu.memory_space<vmem_shared>>)
        tpu.yield
      }) : () -> ()
      %dma_start3A_241 = arith.constant 2 : i32
      %dma_start3A_242 = arith.constant 0 : i32
      %dma_start3A_243 = tpu.memref_slice %arg9[%dma_start3A_241, %dma_start3A_242] : memref<8x128xi32, #tpu.memory_space<vmem>> -> memref<1x128xi32, #tpu.memory_space<vmem>>
      %dma_start3A_244 = tpu.memref_squeeze %dma_start3A_243 : memref<1x128xi32, #tpu.memory_space<vmem>> -> memref<128xi32, #tpu.memory_space<vmem>>
      %dma_start3A_245 = arith.constant 0 : i32
      %dma_start3A_246 = arith.constant 0 : i32
      %dma_start3A_247 = tpu.memref_slice %arg2[%dma_start3A_245, %dma_start3A_246] : memref<10240x128xf32, #tpu.memory_space<hbm>> -> memref<10240x128xf32, #tpu.memory_space<hbm>>
      tpu.enqueue_indirect_dma source(%dma_start3A_247 : memref<10240x128xf32, #tpu.memory_space<hbm>>) target(%arg11 : memref<128x128xf32, #tpu.memory_space<vmem>>) offsets(%dma_start3A_244 : memref<128xi32, #tpu.memory_space<vmem>>) semaphore(%arg16 : memref<!tpu.dma_semaphore, #tpu.memory_space<semaphore_mem>>)
      %dma_wait3A_248 = arith.constant 0 : i32
      %dma_wait3A_249 = arith.constant 0 : i32
      %dma_wait3A_250 = tpu.memref_slice %arg9[%dma_wait3A_248, %dma_wait3A_249] : memref<8x128xi32, #tpu.memory_space<vmem>> -> memref<1x128xi32, #tpu.memory_space<vmem>>
      %dma_wait3A_251 = tpu.memref_squeeze %dma_wait3A_250 : memref<1x128xi32, #tpu.memory_space<vmem>> -> memref<128xi32, #tpu.memory_space<vmem>>
      %dma_wait3A_252 = arith.constant 0 : i32
      %dma_wait3A_253 = arith.constant 0 : i32
      %dma_wait3A_254 = tpu.memref_slice %arg2[%dma_wait3A_252, %dma_wait3A_253] : memref<10240x128xf32, #tpu.memory_space<hbm>> -> memref<10240x128xf32, #tpu.memory_space<hbm>>
      tpu.wait_indirect_dma semaphore(%arg17 : memref<!tpu.dma_semaphore, #tpu.memory_space<semaphore_mem>>) src(%dma_wait3A_254 : memref<10240x128xf32, #tpu.memory_space<hbm>>) dst(%arg12 : memref<128x128xf32, #tpu.memory_space<vmem>>)
      %run_scoped3A_255 = arith.constant 1 : i32
      "tpu.region"() ({
        %run_scoped3A_339 = tpu.sem_alloc : memref<!tpu.dma_semaphore, #tpu.memory_space<semaphore_mem>>
        %dma_start3A_340 = arith.constant 0 : i32
        %dma_start3A_341 = tpu.memref_slice %arg10[%run_scoped3A_255, %dma_start3A_340] : memref<8x128xi32, #tpu.memory_space<vmem>> -> memref<1x128xi32, #tpu.memory_space<vmem>>
        %dma_start3A_342 = tpu.memref_squeeze %dma_start3A_341 : memref<1x128xi32, #tpu.memory_space<vmem>> -> memref<128xi32, #tpu.memory_space<vmem>>
        %dma_start3A_343 = arith.constant 0 : i32
        %dma_start3A_344 = arith.constant 0 : i32
        %dma_start3A_345 = tpu.memref_slice %arg13[%dma_start3A_343, %dma_start3A_344] : memref<10240x128xf32, #tpu.memory_space<vmem_shared>> -> memref<10240x128xf32, #tpu.memory_space<vmem_shared>>
        tpu.enqueue_indirect_dma source(%arg12 : memref<128x128xf32, #tpu.memory_space<vmem>>) target(%dma_start3A_345 : memref<10240x128xf32, #tpu.memory_space<vmem_shared>>) offsets(%dma_start3A_342 : memref<128xi32, #tpu.memory_space<vmem>>) semaphore(%run_scoped3A_339 : memref<!tpu.dma_semaphore, #tpu.memory_space<semaphore_mem>>) {add = true}
        %dma_wait3A_346 = arith.constant 0 : i32
        %dma_wait3A_347 = tpu.memref_slice %arg10[%run_scoped3A_255, %dma_wait3A_346] : memref<8x128xi32, #tpu.memory_space<vmem>> -> memref<1x128xi32, #tpu.memory_space<vmem>>
        %dma_wait3A_348 = tpu.memref_squeeze %dma_wait3A_347 : memref<1x128xi32, #tpu.memory_space<vmem>> -> memref<128xi32, #tpu.memory_space<vmem>>
        %dma_wait3A_349 = arith.constant 0 : i32
        %dma_wait3A_350 = arith.constant 0 : i32
        %dma_wait3A_351 = tpu.memref_slice %arg13[%dma_wait3A_349, %dma_wait3A_350] : memref<10240x128xf32, #tpu.memory_space<vmem_shared>> -> memref<10240x128xf32, #tpu.memory_space<vmem_shared>>
        tpu.wait_indirect_dma semaphore(%run_scoped3A_339 : memref<!tpu.dma_semaphore, #tpu.memory_space<semaphore_mem>>) src(%arg12 : memref<128x128xf32, #tpu.memory_space<vmem>>) dst(%dma_wait3A_351 : memref<10240x128xf32, #tpu.memory_space<vmem_shared>>)
        tpu.yield
      }) : () -> ()
      %dma_start3A_256 = arith.constant 3 : i32
      %dma_start3A_257 = arith.constant 0 : i32
      %dma_start3A_258 = tpu.memref_slice %arg9[%dma_start3A_256, %dma_start3A_257] : memref<8x128xi32, #tpu.memory_space<vmem>> -> memref<1x128xi32, #tpu.memory_space<vmem>>
      %dma_start3A_259 = tpu.memref_squeeze %dma_start3A_258 : memref<1x128xi32, #tpu.memory_space<vmem>> -> memref<128xi32, #tpu.memory_space<vmem>>
      %dma_start3A_260 = arith.constant 0 : i32
      %dma_start3A_261 = arith.constant 0 : i32
      %dma_start3A_262 = tpu.memref_slice %arg2[%dma_start3A_260, %dma_start3A_261] : memref<10240x128xf32, #tpu.memory_space<hbm>> -> memref<10240x128xf32, #tpu.memory_space<hbm>>
      tpu.enqueue_indirect_dma source(%dma_start3A_262 : memref<10240x128xf32, #tpu.memory_space<hbm>>) target(%arg12 : memref<128x128xf32, #tpu.memory_space<vmem>>) offsets(%dma_start3A_259 : memref<128xi32, #tpu.memory_space<vmem>>) semaphore(%arg17 : memref<!tpu.dma_semaphore, #tpu.memory_space<semaphore_mem>>)
      %dma_wait3A_263 = arith.constant 0 : i32
      %dma_wait3A_264 = arith.constant 0 : i32
      %dma_wait3A_265 = tpu.memref_slice %arg9[%dma_wait3A_263, %dma_wait3A_264] : memref<8x128xi32, #tpu.memory_space<vmem>> -> memref<1x128xi32, #tpu.memory_space<vmem>>
      %dma_wait3A_266 = tpu.memref_squeeze %dma_wait3A_265 : memref<1x128xi32, #tpu.memory_space<vmem>> -> memref<128xi32, #tpu.memory_space<vmem>>
      %dma_wait3A_267 = arith.constant 0 : i32
      %dma_wait3A_268 = arith.constant 0 : i32
      %dma_wait3A_269 = tpu.memref_slice %arg2[%dma_wait3A_267, %dma_wait3A_268] : memref<10240x128xf32, #tpu.memory_space<hbm>> -> memref<10240x128xf32, #tpu.memory_space<hbm>>
      tpu.wait_indirect_dma semaphore(%arg16 : memref<!tpu.dma_semaphore, #tpu.memory_space<semaphore_mem>>) src(%dma_wait3A_269 : memref<10240x128xf32, #tpu.memory_space<hbm>>) dst(%arg11 : memref<128x128xf32, #tpu.memory_space<vmem>>)
      %run_scoped3A_270 = arith.constant 2 : i32
      "tpu.region"() ({
        %run_scoped3A_339 = tpu.sem_alloc : memref<!tpu.dma_semaphore, #tpu.memory_space<semaphore_mem>>
        %dma_start3A_340 = arith.constant 0 : i32
        %dma_start3A_341 = tpu.memref_slice %arg10[%run_scoped3A_270, %dma_start3A_340] : memref<8x128xi32, #tpu.memory_space<vmem>> -> memref<1x128xi32, #tpu.memory_space<vmem>>
        %dma_start3A_342 = tpu.memref_squeeze %dma_start3A_341 : memref<1x128xi32, #tpu.memory_space<vmem>> -> memref<128xi32, #tpu.memory_space<vmem>>
        %dma_start3A_343 = arith.constant 0 : i32
        %dma_start3A_344 = arith.constant 0 : i32
        %dma_start3A_345 = tpu.memref_slice %arg13[%dma_start3A_343, %dma_start3A_344] : memref<10240x128xf32, #tpu.memory_space<vmem_shared>> -> memref<10240x128xf32, #tpu.memory_space<vmem_shared>>
        tpu.enqueue_indirect_dma source(%arg11 : memref<128x128xf32, #tpu.memory_space<vmem>>) target(%dma_start3A_345 : memref<10240x128xf32, #tpu.memory_space<vmem_shared>>) offsets(%dma_start3A_342 : memref<128xi32, #tpu.memory_space<vmem>>) semaphore(%run_scoped3A_339 : memref<!tpu.dma_semaphore, #tpu.memory_space<semaphore_mem>>) {add = true}
        %dma_wait3A_346 = arith.constant 0 : i32
        %dma_wait3A_347 = tpu.memref_slice %arg10[%run_scoped3A_270, %dma_wait3A_346] : memref<8x128xi32, #tpu.memory_space<vmem>> -> memref<1x128xi32, #tpu.memory_space<vmem>>
        %dma_wait3A_348 = tpu.memref_squeeze %dma_wait3A_347 : memref<1x128xi32, #tpu.memory_space<vmem>> -> memref<128xi32, #tpu.memory_space<vmem>>
        %dma_wait3A_349 = arith.constant 0 : i32
        %dma_wait3A_350 = arith.constant 0 : i32
        %dma_wait3A_351 = tpu.memref_slice %arg13[%dma_wait3A_349, %dma_wait3A_350] : memref<10240x128xf32, #tpu.memory_space<vmem_shared>> -> memref<10240x128xf32, #tpu.memory_space<vmem_shared>>
        tpu.wait_indirect_dma semaphore(%run_scoped3A_339 : memref<!tpu.dma_semaphore, #tpu.memory_space<semaphore_mem>>) src(%arg11 : memref<128x128xf32, #tpu.memory_space<vmem>>) dst(%dma_wait3A_351 : memref<10240x128xf32, #tpu.memory_space<vmem_shared>>)
        tpu.yield
      }) : () -> ()
      %dma_start3A_271 = arith.constant 4 : i32
      %dma_start3A_272 = arith.constant 0 : i32
      %dma_start3A_273 = tpu.memref_slice %arg9[%dma_start3A_271, %dma_start3A_272] : memref<8x128xi32, #tpu.memory_space<vmem>> -> memref<1x128xi32, #tpu.memory_space<vmem>>
      %dma_start3A_274 = tpu.memref_squeeze %dma_start3A_273 : memref<1x128xi32, #tpu.memory_space<vmem>> -> memref<128xi32, #tpu.memory_space<vmem>>
      %dma_start3A_275 = arith.constant 0 : i32
      %dma_start3A_276 = arith.constant 0 : i32
      %dma_start3A_277 = tpu.memref_slice %arg2[%dma_start3A_275, %dma_start3A_276] : memref<10240x128xf32, #tpu.memory_space<hbm>> -> memref<10240x128xf32, #tpu.memory_space<hbm>>
      tpu.enqueue_indirect_dma source(%dma_start3A_277 : memref<10240x128xf32, #tpu.memory_space<hbm>>) target(%arg11 : memref<128x128xf32, #tpu.memory_space<vmem>>) offsets(%dma_start3A_274 : memref<128xi32, #tpu.memory_space<vmem>>) semaphore(%arg16 : memref<!tpu.dma_semaphore, #tpu.memory_space<semaphore_mem>>)
      %dma_wait3A_278 = arith.constant 0 : i32
      %dma_wait3A_279 = arith.constant 0 : i32
      %dma_wait3A_280 = tpu.memref_slice %arg9[%dma_wait3A_278, %dma_wait3A_279] : memref<8x128xi32, #tpu.memory_space<vmem>> -> memref<1x128xi32, #tpu.memory_space<vmem>>
      %dma_wait3A_281 = tpu.memref_squeeze %dma_wait3A_280 : memref<1x128xi32, #tpu.memory_space<vmem>> -> memref<128xi32, #tpu.memory_space<vmem>>
      %dma_wait3A_282 = arith.constant 0 : i32
      %dma_wait3A_283 = arith.constant 0 : i32
      %dma_wait3A_284 = tpu.memref_slice %arg2[%dma_wait3A_282, %dma_wait3A_283] : memref<10240x128xf32, #tpu.memory_space<hbm>> -> memref<10240x128xf32, #tpu.memory_space<hbm>>
      tpu.wait_indirect_dma semaphore(%arg17 : memref<!tpu.dma_semaphore, #tpu.memory_space<semaphore_mem>>) src(%dma_wait3A_284 : memref<10240x128xf32, #tpu.memory_space<hbm>>) dst(%arg12 : memref<128x128xf32, #tpu.memory_space<vmem>>)
      %run_scoped3A_285 = arith.constant 3 : i32
      "tpu.region"() ({
        %run_scoped3A_339 = tpu.sem_alloc : memref<!tpu.dma_semaphore, #tpu.memory_space<semaphore_mem>>
        %dma_start3A_340 = arith.constant 0 : i32
        %dma_start3A_341 = tpu.memref_slice %arg10[%run_scoped3A_285, %dma_start3A_340] : memref<8x128xi32, #tpu.memory_space<vmem>> -> memref<1x128xi32, #tpu.memory_space<vmem>>
        %dma_start3A_342 = tpu.memref_squeeze %dma_start3A_341 : memref<1x128xi32, #tpu.memory_space<vmem>> -> memref<128xi32, #tpu.memory_space<vmem>>
        %dma_start3A_343 = arith.constant 0 : i32
        %dma_start3A_344 = arith.constant 0 : i32
        %dma_start3A_345 = tpu.memref_slice %arg13[%dma_start3A_343, %dma_start3A_344] : memref<10240x128xf32, #tpu.memory_space<vmem_shared>> -> memref<10240x128xf32, #tpu.memory_space<vmem_shared>>
        tpu.enqueue_indirect_dma source(%arg12 : memref<128x128xf32, #tpu.memory_space<vmem>>) target(%dma_start3A_345 : memref<10240x128xf32, #tpu.memory_space<vmem_shared>>) offsets(%dma_start3A_342 : memref<128xi32, #tpu.memory_space<vmem>>) semaphore(%run_scoped3A_339 : memref<!tpu.dma_semaphore, #tpu.memory_space<semaphore_mem>>) {add = true}
        %dma_wait3A_346 = arith.constant 0 : i32
        %dma_wait3A_347 = tpu.memref_slice %arg10[%run_scoped3A_285, %dma_wait3A_346] : memref<8x128xi32, #tpu.memory_space<vmem>> -> memref<1x128xi32, #tpu.memory_space<vmem>>
        %dma_wait3A_348 = tpu.memref_squeeze %dma_wait3A_347 : memref<1x128xi32, #tpu.memory_space<vmem>> -> memref<128xi32, #tpu.memory_space<vmem>>
        %dma_wait3A_349 = arith.constant 0 : i32
        %dma_wait3A_350 = arith.constant 0 : i32
        %dma_wait3A_351 = tpu.memref_slice %arg13[%dma_wait3A_349, %dma_wait3A_350] : memref<10240x128xf32, #tpu.memory_space<vmem_shared>> -> memref<10240x128xf32, #tpu.memory_space<vmem_shared>>
        tpu.wait_indirect_dma semaphore(%run_scoped3A_339 : memref<!tpu.dma_semaphore, #tpu.memory_space<semaphore_mem>>) src(%arg12 : memref<128x128xf32, #tpu.memory_space<vmem>>) dst(%dma_wait3A_351 : memref<10240x128xf32, #tpu.memory_space<vmem_shared>>)
        tpu.yield
      }) : () -> ()
      %dma_start3A_286 = arith.constant 5 : i32
      %dma_start3A_287 = arith.constant 0 : i32
      %dma_start3A_288 = tpu.memref_slice %arg9[%dma_start3A_286, %dma_start3A_287] : memref<8x128xi32, #tpu.memory_space<vmem>> -> memref<1x128xi32, #tpu.memory_space<vmem>>
      %dma_start3A_289 = tpu.memref_squeeze %dma_start3A_288 : memref<1x128xi32, #tpu.memory_space<vmem>> -> memref<128xi32, #tpu.memory_space<vmem>>
      %dma_start3A_290 = arith.constant 0 : i32
      %dma_start3A_291 = arith.constant 0 : i32
      %dma_start3A_292 = tpu.memref_slice %arg2[%dma_start3A_290, %dma_start3A_291] : memref<10240x128xf32, #tpu.memory_space<hbm>> -> memref<10240x128xf32, #tpu.memory_space<hbm>>
      tpu.enqueue_indirect_dma source(%dma_start3A_292 : memref<10240x128xf32, #tpu.memory_space<hbm>>) target(%arg12 : memref<128x128xf32, #tpu.memory_space<vmem>>) offsets(%dma_start3A_289 : memref<128xi32, #tpu.memory_space<vmem>>) semaphore(%arg17 : memref<!tpu.dma_semaphore, #tpu.memory_space<semaphore_mem>>)
      %dma_wait3A_293 = arith.constant 0 : i32
      %dma_wait3A_294 = arith.constant 0 : i32
      %dma_wait3A_295 = tpu.memref_slice %arg9[%dma_wait3A_293, %dma_wait3A_294] : memref<8x128xi32, #tpu.memory_space<vmem>> -> memref<1x128xi32, #tpu.memory_space<vmem>>
      %dma_wait3A_296 = tpu.memref_squeeze %dma_wait3A_295 : memref<1x128xi32, #tpu.memory_space<vmem>> -> memref<128xi32, #tpu.memory_space<vmem>>
      %dma_wait3A_297 = arith.constant 0 : i32
      %dma_wait3A_298 = arith.constant 0 : i32
      %dma_wait3A_299 = tpu.memref_slice %arg2[%dma_wait3A_297, %dma_wait3A_298] : memref<10240x128xf32, #tpu.memory_space<hbm>> -> memref<10240x128xf32, #tpu.memory_space<hbm>>
      tpu.wait_indirect_dma semaphore(%arg16 : memref<!tpu.dma_semaphore, #tpu.memory_space<semaphore_mem>>) src(%dma_wait3A_299 : memref<10240x128xf32, #tpu.memory_space<hbm>>) dst(%arg11 : memref<128x128xf32, #tpu.memory_space<vmem>>)
      %run_scoped3A_300 = arith.constant 4 : i32
      "tpu.region"() ({
        %run_scoped3A_339 = tpu.sem_alloc : memref<!tpu.dma_semaphore, #tpu.memory_space<semaphore_mem>>
        %dma_start3A_340 = arith.constant 0 : i32
        %dma_start3A_341 = tpu.memref_slice %arg10[%run_scoped3A_300, %dma_start3A_340] : memref<8x128xi32, #tpu.memory_space<vmem>> -> memref<1x128xi32, #tpu.memory_space<vmem>>
        %dma_start3A_342 = tpu.memref_squeeze %dma_start3A_341 : memref<1x128xi32, #tpu.memory_space<vmem>> -> memref<128xi32, #tpu.memory_space<vmem>>
        %dma_start3A_343 = arith.constant 0 : i32
        %dma_start3A_344 = arith.constant 0 : i32
        %dma_start3A_345 = tpu.memref_slice %arg13[%dma_start3A_343, %dma_start3A_344] : memref<10240x128xf32, #tpu.memory_space<vmem_shared>> -> memref<10240x128xf32, #tpu.memory_space<vmem_shared>>
        tpu.enqueue_indirect_dma source(%arg11 : memref<128x128xf32, #tpu.memory_space<vmem>>) target(%dma_start3A_345 : memref<10240x128xf32, #tpu.memory_space<vmem_shared>>) offsets(%dma_start3A_342 : memref<128xi32, #tpu.memory_space<vmem>>) semaphore(%run_scoped3A_339 : memref<!tpu.dma_semaphore, #tpu.memory_space<semaphore_mem>>) {add = true}
        %dma_wait3A_346 = arith.constant 0 : i32
        %dma_wait3A_347 = tpu.memref_slice %arg10[%run_scoped3A_300, %dma_wait3A_346] : memref<8x128xi32, #tpu.memory_space<vmem>> -> memref<1x128xi32, #tpu.memory_space<vmem>>
        %dma_wait3A_348 = tpu.memref_squeeze %dma_wait3A_347 : memref<1x128xi32, #tpu.memory_space<vmem>> -> memref<128xi32, #tpu.memory_space<vmem>>
        %dma_wait3A_349 = arith.constant 0 : i32
        %dma_wait3A_350 = arith.constant 0 : i32
        %dma_wait3A_351 = tpu.memref_slice %arg13[%dma_wait3A_349, %dma_wait3A_350] : memref<10240x128xf32, #tpu.memory_space<vmem_shared>> -> memref<10240x128xf32, #tpu.memory_space<vmem_shared>>
        tpu.wait_indirect_dma semaphore(%run_scoped3A_339 : memref<!tpu.dma_semaphore, #tpu.memory_space<semaphore_mem>>) src(%arg11 : memref<128x128xf32, #tpu.memory_space<vmem>>) dst(%dma_wait3A_351 : memref<10240x128xf32, #tpu.memory_space<vmem_shared>>)
        tpu.yield
      }) : () -> ()
      %dma_start3A_301 = arith.constant 6 : i32
      %dma_start3A_302 = arith.constant 0 : i32
      %dma_start3A_303 = tpu.memref_slice %arg9[%dma_start3A_301, %dma_start3A_302] : memref<8x128xi32, #tpu.memory_space<vmem>> -> memref<1x128xi32, #tpu.memory_space<vmem>>
      %dma_start3A_304 = tpu.memref_squeeze %dma_start3A_303 : memref<1x128xi32, #tpu.memory_space<vmem>> -> memref<128xi32, #tpu.memory_space<vmem>>
      %dma_start3A_305 = arith.constant 0 : i32
      %dma_start3A_306 = arith.constant 0 : i32
      %dma_start3A_307 = tpu.memref_slice %arg2[%dma_start3A_305, %dma_start3A_306] : memref<10240x128xf32, #tpu.memory_space<hbm>> -> memref<10240x128xf32, #tpu.memory_space<hbm>>
      tpu.enqueue_indirect_dma source(%dma_start3A_307 : memref<10240x128xf32, #tpu.memory_space<hbm>>) target(%arg11 : memref<128x128xf32, #tpu.memory_space<vmem>>) offsets(%dma_start3A_304 : memref<128xi32, #tpu.memory_space<vmem>>) semaphore(%arg16 : memref<!tpu.dma_semaphore, #tpu.memory_space<semaphore_mem>>)
      %dma_wait3A_308 = arith.constant 0 : i32
      %dma_wait3A_309 = arith.constant 0 : i32
      %dma_wait3A_310 = tpu.memref_slice %arg9[%dma_wait3A_308, %dma_wait3A_309] : memref<8x128xi32, #tpu.memory_space<vmem>> -> memref<1x128xi32, #tpu.memory_space<vmem>>
      %dma_wait3A_311 = tpu.memref_squeeze %dma_wait3A_310 : memref<1x128xi32, #tpu.memory_space<vmem>> -> memref<128xi32, #tpu.memory_space<vmem>>
      %dma_wait3A_312 = arith.constant 0 : i32
      %dma_wait3A_313 = arith.constant 0 : i32
      %dma_wait3A_314 = tpu.memref_slice %arg2[%dma_wait3A_312, %dma_wait3A_313] : memref<10240x128xf32, #tpu.memory_space<hbm>> -> memref<10240x128xf32, #tpu.memory_space<hbm>>
      tpu.wait_indirect_dma semaphore(%arg17 : memref<!tpu.dma_semaphore, #tpu.memory_space<semaphore_mem>>) src(%dma_wait3A_314 : memref<10240x128xf32, #tpu.memory_space<hbm>>) dst(%arg12 : memref<128x128xf32, #tpu.memory_space<vmem>>)
      %run_scoped3A_315 = arith.constant 5 : i32
      "tpu.region"() ({
        %run_scoped3A_339 = tpu.sem_alloc : memref<!tpu.dma_semaphore, #tpu.memory_space<semaphore_mem>>
        %dma_start3A_340 = arith.constant 0 : i32
        %dma_start3A_341 = tpu.memref_slice %arg10[%run_scoped3A_315, %dma_start3A_340] : memref<8x128xi32, #tpu.memory_space<vmem>> -> memref<1x128xi32, #tpu.memory_space<vmem>>
        %dma_start3A_342 = tpu.memref_squeeze %dma_start3A_341 : memref<1x128xi32, #tpu.memory_space<vmem>> -> memref<128xi32, #tpu.memory_space<vmem>>
        %dma_start3A_343 = arith.constant 0 : i32
        %dma_start3A_344 = arith.constant 0 : i32
        %dma_start3A_345 = tpu.memref_slice %arg13[%dma_start3A_343, %dma_start3A_344] : memref<10240x128xf32, #tpu.memory_space<vmem_shared>> -> memref<10240x128xf32, #tpu.memory_space<vmem_shared>>
        tpu.enqueue_indirect_dma source(%arg12 : memref<128x128xf32, #tpu.memory_space<vmem>>) target(%dma_start3A_345 : memref<10240x128xf32, #tpu.memory_space<vmem_shared>>) offsets(%dma_start3A_342 : memref<128xi32, #tpu.memory_space<vmem>>) semaphore(%run_scoped3A_339 : memref<!tpu.dma_semaphore, #tpu.memory_space<semaphore_mem>>) {add = true}
        %dma_wait3A_346 = arith.constant 0 : i32
        %dma_wait3A_347 = tpu.memref_slice %arg10[%run_scoped3A_315, %dma_wait3A_346] : memref<8x128xi32, #tpu.memory_space<vmem>> -> memref<1x128xi32, #tpu.memory_space<vmem>>
        %dma_wait3A_348 = tpu.memref_squeeze %dma_wait3A_347 : memref<1x128xi32, #tpu.memory_space<vmem>> -> memref<128xi32, #tpu.memory_space<vmem>>
        %dma_wait3A_349 = arith.constant 0 : i32
        %dma_wait3A_350 = arith.constant 0 : i32
        %dma_wait3A_351 = tpu.memref_slice %arg13[%dma_wait3A_349, %dma_wait3A_350] : memref<10240x128xf32, #tpu.memory_space<vmem_shared>> -> memref<10240x128xf32, #tpu.memory_space<vmem_shared>>
        tpu.wait_indirect_dma semaphore(%run_scoped3A_339 : memref<!tpu.dma_semaphore, #tpu.memory_space<semaphore_mem>>) src(%arg12 : memref<128x128xf32, #tpu.memory_space<vmem>>) dst(%dma_wait3A_351 : memref<10240x128xf32, #tpu.memory_space<vmem_shared>>)
        tpu.yield
      }) : () -> ()
      %dma_start3A_316 = arith.constant 7 : i32
      %dma_start3A_317 = arith.constant 0 : i32
      %dma_start3A_318 = tpu.memref_slice %arg9[%dma_start3A_316, %dma_start3A_317] : memref<8x128xi32, #tpu.memory_space<vmem>> -> memref<1x128xi32, #tpu.memory_space<vmem>>
      %dma_start3A_319 = tpu.memref_squeeze %dma_start3A_318 : memref<1x128xi32, #tpu.memory_space<vmem>> -> memref<128xi32, #tpu.memory_space<vmem>>
      %dma_start3A_320 = arith.constant 0 : i32
      %dma_start3A_321 = arith.constant 0 : i32
      %dma_start3A_322 = tpu.memref_slice %arg2[%dma_start3A_320, %dma_start3A_321] : memref<10240x128xf32, #tpu.memory_space<hbm>> -> memref<10240x128xf32, #tpu.memory_space<hbm>>
      tpu.enqueue_indirect_dma source(%dma_start3A_322 : memref<10240x128xf32, #tpu.memory_space<hbm>>) target(%arg12 : memref<128x128xf32, #tpu.memory_space<vmem>>) offsets(%dma_start3A_319 : memref<128xi32, #tpu.memory_space<vmem>>) semaphore(%arg17 : memref<!tpu.dma_semaphore, #tpu.memory_space<semaphore_mem>>)
      %dma_wait3A_323 = arith.constant 0 : i32
      %dma_wait3A_324 = arith.constant 0 : i32
      %dma_wait3A_325 = tpu.memref_slice %arg9[%dma_wait3A_323, %dma_wait3A_324] : memref<8x128xi32, #tpu.memory_space<vmem>> -> memref<1x128xi32, #tpu.memory_space<vmem>>
      %dma_wait3A_326 = tpu.memref_squeeze %dma_wait3A_325 : memref<1x128xi32, #tpu.memory_space<vmem>> -> memref<128xi32, #tpu.memory_space<vmem>>
      %dma_wait3A_327 = arith.constant 0 : i32
      %dma_wait3A_328 = arith.constant 0 : i32
      %dma_wait3A_329 = tpu.memref_slice %arg2[%dma_wait3A_327, %dma_wait3A_328] : memref<10240x128xf32, #tpu.memory_space<hbm>> -> memref<10240x128xf32, #tpu.memory_space<hbm>>
      tpu.wait_indirect_dma semaphore(%arg16 : memref<!tpu.dma_semaphore, #tpu.memory_space<semaphore_mem>>) src(%dma_wait3A_329 : memref<10240x128xf32, #tpu.memory_space<hbm>>) dst(%arg11 : memref<128x128xf32, #tpu.memory_space<vmem>>)
      %run_scoped3A_330 = arith.constant 6 : i32
      "tpu.region"() ({
        %run_scoped3A_339 = tpu.sem_alloc : memref<!tpu.dma_semaphore, #tpu.memory_space<semaphore_mem>>
        %dma_start3A_340 = arith.constant 0 : i32
        %dma_start3A_341 = tpu.memref_slice %arg10[%run_scoped3A_330, %dma_start3A_340] : memref<8x128xi32, #tpu.memory_space<vmem>> -> memref<1x128xi32, #tpu.memory_space<vmem>>
        %dma_start3A_342 = tpu.memref_squeeze %dma_start3A_341 : memref<1x128xi32, #tpu.memory_space<vmem>> -> memref<128xi32, #tpu.memory_space<vmem>>
        %dma_start3A_343 = arith.constant 0 : i32
        %dma_start3A_344 = arith.constant 0 : i32
        %dma_start3A_345 = tpu.memref_slice %arg13[%dma_start3A_343, %dma_start3A_344] : memref<10240x128xf32, #tpu.memory_space<vmem_shared>> -> memref<10240x128xf32, #tpu.memory_space<vmem_shared>>
        tpu.enqueue_indirect_dma source(%arg11 : memref<128x128xf32, #tpu.memory_space<vmem>>) target(%dma_start3A_345 : memref<10240x128xf32, #tpu.memory_space<vmem_shared>>) offsets(%dma_start3A_342 : memref<128xi32, #tpu.memory_space<vmem>>) semaphore(%run_scoped3A_339 : memref<!tpu.dma_semaphore, #tpu.memory_space<semaphore_mem>>) {add = true}
        %dma_wait3A_346 = arith.constant 0 : i32
        %dma_wait3A_347 = tpu.memref_slice %arg10[%run_scoped3A_330, %dma_wait3A_346] : memref<8x128xi32, #tpu.memory_space<vmem>> -> memref<1x128xi32, #tpu.memory_space<vmem>>
        %dma_wait3A_348 = tpu.memref_squeeze %dma_wait3A_347 : memref<1x128xi32, #tpu.memory_space<vmem>> -> memref<128xi32, #tpu.memory_space<vmem>>
        %dma_wait3A_349 = arith.constant 0 : i32
        %dma_wait3A_350 = arith.constant 0 : i32
        %dma_wait3A_351 = tpu.memref_slice %arg13[%dma_wait3A_349, %dma_wait3A_350] : memref<10240x128xf32, #tpu.memory_space<vmem_shared>> -> memref<10240x128xf32, #tpu.memory_space<vmem_shared>>
        tpu.wait_indirect_dma semaphore(%run_scoped3A_339 : memref<!tpu.dma_semaphore, #tpu.memory_space<semaphore_mem>>) src(%arg11 : memref<128x128xf32, #tpu.memory_space<vmem>>) dst(%dma_wait3A_351 : memref<10240x128xf32, #tpu.memory_space<vmem_shared>>)
        tpu.yield
      }) : () -> ()
      %dma_wait3A_331 = arith.constant 0 : i32
      %dma_wait3A_332 = arith.constant 0 : i32
      %dma_wait3A_333 = tpu.memref_slice %arg9[%dma_wait3A_331, %dma_wait3A_332] : memref<8x128xi32, #tpu.memory_space<vmem>> -> memref<1x128xi32, #tpu.memory_space<vmem>>
      %dma_wait3A_334 = tpu.memref_squeeze %dma_wait3A_333 : memref<1x128xi32, #tpu.memory_space<vmem>> -> memref<128xi32, #tpu.memory_space<vmem>>
      %dma_wait3A_335 = arith.constant 0 : i32
      %dma_wait3A_336 = arith.constant 0 : i32
      %dma_wait3A_337 = tpu.memref_slice %arg2[%dma_wait3A_335, %dma_wait3A_336] : memref<10240x128xf32, #tpu.memory_space<hbm>> -> memref<10240x128xf32, #tpu.memory_space<hbm>>
      tpu.wait_indirect_dma semaphore(%arg17 : memref<!tpu.dma_semaphore, #tpu.memory_space<semaphore_mem>>) src(%dma_wait3A_337 : memref<10240x128xf32, #tpu.memory_space<hbm>>) dst(%arg12 : memref<128x128xf32, #tpu.memory_space<vmem>>)
      %run_scoped3A_338 = arith.constant 7 : i32
      "tpu.region"() ({
        %run_scoped3A_339 = tpu.sem_alloc : memref<!tpu.dma_semaphore, #tpu.memory_space<semaphore_mem>>
        %dma_start3A_340 = arith.constant 0 : i32
        %dma_start3A_341 = tpu.memref_slice %arg10[%run_scoped3A_338, %dma_start3A_340] : memref<8x128xi32, #tpu.memory_space<vmem>> -> memref<1x128xi32, #tpu.memory_space<vmem>>
        %dma_start3A_342 = tpu.memref_squeeze %dma_start3A_341 : memref<1x128xi32, #tpu.memory_space<vmem>> -> memref<128xi32, #tpu.memory_space<vmem>>
        %dma_start3A_343 = arith.constant 0 : i32
        %dma_start3A_344 = arith.constant 0 : i32
        %dma_start3A_345 = tpu.memref_slice %arg13[%dma_start3A_343, %dma_start3A_344] : memref<10240x128xf32, #tpu.memory_space<vmem_shared>> -> memref<10240x128xf32, #tpu.memory_space<vmem_shared>>
        tpu.enqueue_indirect_dma source(%arg12 : memref<128x128xf32, #tpu.memory_space<vmem>>) target(%dma_start3A_345 : memref<10240x128xf32, #tpu.memory_space<vmem_shared>>) offsets(%dma_start3A_342 : memref<128xi32, #tpu.memory_space<vmem>>) semaphore(%run_scoped3A_339 : memref<!tpu.dma_semaphore, #tpu.memory_space<semaphore_mem>>) {add = true}
        %dma_wait3A_346 = arith.constant 0 : i32
        %dma_wait3A_347 = tpu.memref_slice %arg10[%run_scoped3A_338, %dma_wait3A_346] : memref<8x128xi32, #tpu.memory_space<vmem>> -> memref<1x128xi32, #tpu.memory_space<vmem>>
        %dma_wait3A_348 = tpu.memref_squeeze %dma_wait3A_347 : memref<1x128xi32, #tpu.memory_space<vmem>> -> memref<128xi32, #tpu.memory_space<vmem>>
        %dma_wait3A_349 = arith.constant 0 : i32
        %dma_wait3A_350 = arith.constant 0 : i32
        %dma_wait3A_351 = tpu.memref_slice %arg13[%dma_wait3A_349, %dma_wait3A_350] : memref<10240x128xf32, #tpu.memory_space<vmem_shared>> -> memref<10240x128xf32, #tpu.memory_space<vmem_shared>>
        tpu.wait_indirect_dma semaphore(%run_scoped3A_339 : memref<!tpu.dma_semaphore, #tpu.memory_space<semaphore_mem>>) src(%arg12 : memref<128x128xf32, #tpu.memory_space<vmem>>) dst(%dma_wait3A_351 : memref<10240x128xf32, #tpu.memory_space<vmem_shared>>)
        tpu.yield
      }) : () -> ()
    }
    %barrier3A_60 = arith.constant 0 : index
    tpu.barrier barrier_id(%barrier3A_60)
    "tpu.region"() ({
      %run_scoped3A = tpu.sem_alloc : memref<!tpu.dma_semaphore, #tpu.memory_space<semaphore_mem>>
      %dma_start3A_61 = arith.constant 0 : i32
      %dma_start3A_62 = tpu.memref_slice %arg6[%arg0, %mul3A_2, %dma_start3A_61] : memref<2x10240x128xf32, #tpu.memory_space<hbm>> -> memref<1x640x128xf32, #tpu.memory_space<hbm>>
      %dma_start3A_63 = tpu.memref_squeeze %dma_start3A_62 : memref<1x640x128xf32, #tpu.memory_space<hbm>> -> memref<640x128xf32, #tpu.memory_space<hbm>>
      %dma_start3A_64 = arith.constant 0 : i32
      %dma_start3A_65 = tpu.memref_slice %arg13[%mul3A_2, %dma_start3A_64] : memref<10240x128xf32, #tpu.memory_space<vmem_shared>> -> memref<640x128xf32, #tpu.memory_space<vmem_shared>>
      tpu.enqueue_dma source(%dma_start3A_65 : memref<640x128xf32, #tpu.memory_space<vmem_shared>>) target(%dma_start3A_63 : memref<640x128xf32, #tpu.memory_space<hbm>>) target_semaphore(%run_scoped3A : memref<!tpu.dma_semaphore, #tpu.memory_space<semaphore_mem>>)
      %dma_wait3A = arith.constant 0 : i32
      %dma_wait3A_66 = tpu.memref_slice %arg6[%arg0, %mul3A_2, %dma_wait3A] : memref<2x10240x128xf32, #tpu.memory_space<hbm>> -> memref<1x640x128xf32, #tpu.memory_space<hbm>>
      %dma_wait3A_67 = tpu.memref_squeeze %dma_wait3A_66 : memref<1x640x128xf32, #tpu.memory_space<hbm>> -> memref<640x128xf32, #tpu.memory_space<hbm>>
      %dma_wait3A_68 = arith.constant 0 : i32
      %dma_wait3A_69 = tpu.memref_slice %arg13[%mul3A_2, %dma_wait3A_68] : memref<10240x128xf32, #tpu.memory_space<vmem_shared>> -> memref<640x128xf32, #tpu.memory_space<vmem_shared>>
      tpu.wait_dma2 semaphore(%run_scoped3A : memref<!tpu.dma_semaphore, #tpu.memory_space<semaphore_mem>>) src(%dma_wait3A_69 : memref<640x128xf32, #tpu.memory_space<vmem_shared>>) dst(%dma_wait3A_67 : memref<640x128xf32, #tpu.memory_space<hbm>>)
      tpu.yield
    }) : () -> ()
    return
  }
}

module attributes {stable_mosaic.version = 14 : i64} {
  func.func @_prep_body(%arg0: i32, %arg1: memref<1x512x128xf32, #tpu.memory_space<vmem>>, %arg2: memref<1x512x128xf32, #tpu.memory_space<vmem>>, %arg3: memref<512x128xf32, #tpu.memory_space<vmem>>, %arg4: memref<512x128xf32, #tpu.memory_space<vmem>>, %arg5: memref<512x128xf32, #tpu.memory_space<vmem>>) attributes {dimension_semantics = [#tpu.dimension_semantics<arbitrary>], iteration_bounds = array<i64: 20>, scalar_prefetch = 0 : i64, scratch_operands = 0 : i64, tpu.core_type = #tpu.core_type<tc>, window_params = [{transform_indices = @transform_0, window_bounds = array<i64: 1, 512, 128>}, {transform_indices = @transform_1, window_bounds = array<i64: 1, 512, 128>}, {transform_indices = @transform_2, window_bounds = array<i64: 512, 128>}, {transform_indices = @transform_3, window_bounds = array<i64: 512, 128>}, {transform_indices = @transform_4, window_bounds = array<i64: 512, 128>}]} {
    %get3A = arith.constant 0 : index
    %get3A_0 = arith.constant 0 : index
    %get3A_1 = arith.constant 0 : index
    %get3A_2 = vector.load %arg1[%get3A, %get3A_0, %get3A_1] : memref<1x512x128xf32, #tpu.memory_space<vmem>>, vector<1x512x1xf32>
    %get3A_3 = vector.shape_cast %get3A_2 : vector<1x512x1xf32> to vector<512x1xf32>
    %get3A_4 = arith.constant 0 : index
    %get3A_5 = arith.constant 0 : index
    %get3A_6 = arith.constant 0 : index
    %get3A_7 = vector.load %arg2[%get3A_4, %get3A_5, %get3A_6] : memref<1x512x128xf32, #tpu.memory_space<vmem>>, vector<1x512x1xf32>
    %get3A_8 = vector.shape_cast %get3A_7 : vector<1x512x1xf32> to vector<512x1xf32>
    %add3A = arith.addf %get3A_3, %get3A_8 : vector<512x1xf32>
    %add3A_9 = arith.constant 1.000000e+00 : f32
    %add3A_10 = vector.broadcast %add3A_9 : f32 to vector<512x1xf32>
    %add3A_11 = arith.addf %add3A, %add3A_10 : vector<512x1xf32>
    %rsqrt3A = math.rsqrt %add3A_11 : vector<512x1xf32>
    %broadcast_in_dim3A = vector.shape_cast %rsqrt3A : vector<512x1xf32> to vector<512x1xf32>
    %broadcast_in_dim3A_12 = vector.broadcast %broadcast_in_dim3A : vector<512x1xf32> to vector<512x128xf32>
    %swap3A = arith.constant 0 : index
    %swap3A_13 = arith.constant 0 : index
    %swap3A_14 = vector.load %arg5[%swap3A, %swap3A_13] : memref<512x128xf32, #tpu.memory_space<vmem>>, vector<512x128xf32>
    tpu.vector_store %arg5[%swap3A, %swap3A_13], %broadcast_in_dim3A_12 {strides = array<i32>} : memref<512x128xf32, #tpu.memory_space<vmem>>, vector<512x128xf32>,
    %get3A_15 = arith.constant 0 : index
    %get3A_16 = arith.constant 0 : index
    %get3A_17 = vector.load %arg3[%get3A_15, %get3A_16] : memref<512x128xf32, #tpu.memory_space<vmem>>, vector<512x128xf32>
    %mul3A = arith.mulf %get3A_17, %broadcast_in_dim3A_12 : vector<512x128xf32>
    %swap3A_18 = arith.constant 0 : index
    %swap3A_19 = arith.constant 0 : index
    %swap3A_20 = vector.load %arg4[%swap3A_18, %swap3A_19] : memref<512x128xf32, #tpu.memory_space<vmem>>, vector<512x128xf32>
    tpu.vector_store %arg4[%swap3A_18, %swap3A_19], %mul3A {strides = array<i32>} : memref<512x128xf32, #tpu.memory_space<vmem>>, vector<512x128xf32>,
    return
  }
  func.func @transform_0(%arg0: i32) -> (i32, i32, i32) {
    %c0_i32 = arith.constant 0 : i32
    %c0_i32_0 = arith.constant 0 : i32
    %c0_i32_1 = arith.constant 0 : i32
    return %c0_i32, %arg0, %c0_i32_0 : i32, i32, i32
  }
  func.func @transform_1(%arg0: i32) -> (i32, i32, i32) {
    %c1_i32 = arith.constant 1 : i32
    %c0_i32 = arith.constant 0 : i32
    %c0_i32_0 = arith.constant 0 : i32
    return %c1_i32, %arg0, %c0_i32 : i32, i32, i32
  }
  func.func @transform_2(%arg0: i32) -> (i32, i32) {
    %c0_i32 = arith.constant 0 : i32
    %c0_i32_0 = arith.constant 0 : i32
    return %arg0, %c0_i32 : i32, i32
  }
  func.func @transform_3(%arg0: i32) -> (i32, i32) {
    %c0_i32 = arith.constant 0 : i32
    %c0_i32_0 = arith.constant 0 : i32
    return %arg0, %c0_i32 : i32, i32
  }
  func.func @transform_4(%arg0: i32) -> (i32, i32) {
    %c0_i32 = arith.constant 0 : i32
    %c0_i32_0 = arith.constant 0 : i32
    return %arg0, %c0_i32 : i32, i32
  }
}

module attributes {stable_mosaic.version = 14 : i64} {
  func.func @_final_body(%arg0: i32, %arg1: memref<1x512x128xf32, #tpu.memory_space<vmem>>, %arg2: memref<1x512x128xf32, #tpu.memory_space<vmem>>, %arg3: memref<512x128xf32, #tpu.memory_space<vmem>>, %arg4: memref<1x128xf32, #tpu.memory_space<vmem>>, %arg5: memref<512x128xf32, #tpu.memory_space<vmem>>) attributes {dimension_semantics = [#tpu.dimension_semantics<arbitrary>], iteration_bounds = array<i64: 20>, scalar_prefetch = 0 : i64, scratch_operands = 0 : i64, tpu.core_type = #tpu.core_type<tc>, window_params = [{transform_indices = @transform_0, window_bounds = array<i64: 1, 512, 128>}, {transform_indices = @transform_1, window_bounds = array<i64: 1, 512, 128>}, {transform_indices = @transform_2, window_bounds = array<i64: 512, 128>}, {pipeline_mode = #tpu.pipeline_mode<synchronous>, transform_indices = @transform_3, window_bounds = array<i64: 1, 128>}, {transform_indices = @transform_4, window_bounds = array<i64: 512, 128>}]} {
    %get3A = arith.constant 0 : index
    %get3A_0 = arith.constant 0 : index
    %get3A_1 = arith.constant 0 : index
    %get3A_2 = vector.load %arg1[%get3A, %get3A_0, %get3A_1] : memref<1x512x128xf32, #tpu.memory_space<vmem>>, vector<1x512x128xf32>
    %get3A_3 = vector.shape_cast %get3A_2 : vector<1x512x128xf32> to vector<512x128xf32>
    %get3A_4 = arith.constant 0 : index
    %get3A_5 = arith.constant 0 : index
    %get3A_6 = arith.constant 0 : index
    %get3A_7 = vector.load %arg2[%get3A_4, %get3A_5, %get3A_6] : memref<1x512x128xf32, #tpu.memory_space<vmem>>, vector<1x512x128xf32>
    %get3A_8 = vector.shape_cast %get3A_7 : vector<1x512x128xf32> to vector<512x128xf32>
    %add3A = arith.addf %get3A_3, %get3A_8 : vector<512x128xf32>
    %get3A_9 = arith.constant 0 : index
    %get3A_10 = arith.constant 0 : index
    %get3A_11 = vector.load %arg3[%get3A_9, %get3A_10] : memref<512x128xf32, #tpu.memory_space<vmem>>, vector<512x128xf32>
    %mul3A = arith.mulf %add3A, %get3A_11 : vector<512x128xf32>
    %get3A_12 = arith.constant 0 : index
    %get3A_13 = arith.constant 0 : index
    %get3A_14 = vector.load %arg4[%get3A_12, %get3A_13] : memref<1x128xf32, #tpu.memory_space<vmem>>, vector<1x128xf32>
    %add3A_15 = vector.broadcast %get3A_14 : vector<1x128xf32> to vector<512x128xf32>
    %add3A_16 = arith.addf %mul3A, %add3A_15 : vector<512x128xf32>
    %swap3A = arith.constant 0 : index
    %swap3A_17 = arith.constant 0 : index
    %swap3A_18 = vector.load %arg5[%swap3A, %swap3A_17] : memref<512x128xf32, #tpu.memory_space<vmem>>, vector<512x128xf32>
    tpu.vector_store %arg5[%swap3A, %swap3A_17], %add3A_16 {strides = array<i32>} : memref<512x128xf32, #tpu.memory_space<vmem>>, vector<512x128xf32>,
    return
  }
  func.func @transform_0(%arg0: i32) -> (i32, i32, i32) {
    %c0_i32 = arith.constant 0 : i32
    %c0_i32_0 = arith.constant 0 : i32
    %c0_i32_1 = arith.constant 0 : i32
    return %c0_i32, %arg0, %c0_i32_0 : i32, i32, i32
  }
  func.func @transform_1(%arg0: i32) -> (i32, i32, i32) {
    %c1_i32 = arith.constant 1 : i32
    %c0_i32 = arith.constant 0 : i32
    %c0_i32_0 = arith.constant 0 : i32
    return %c1_i32, %arg0, %c0_i32 : i32, i32, i32
  }
  func.func @transform_2(%arg0: i32) -> (i32, i32) {
    %c0_i32 = arith.constant 0 : i32
    %c0_i32_0 = arith.constant 0 : i32
    return %arg0, %c0_i32 : i32, i32
  }
  func.func @transform_3(%arg0: i32) -> (i32, i32) {
    %c0_i32 = arith.constant 0 : i32
    %c0_i32_0 = arith.constant 0 : i32
    %c0_i32_1 = arith.constant 0 : i32
    return %c0_i32, %c0_i32_0 : i32, i32
  }
  func.func @transform_4(%arg0: i32) -> (i32, i32) {
    %c0_i32 = arith.constant 0 : i32
    %c0_i32_0 = arith.constant 0 : i32
    return %arg0, %c0_i32 : i32, i32
  }
}

module attributes {stable_mosaic.version = 14 : i64} {
  func.func @_mid_body(%arg0: i32, %arg1: memref<1x512x128xf32, #tpu.memory_space<vmem>>, %arg2: memref<1x512x128xf32, #tpu.memory_space<vmem>>, %arg3: memref<512x128xf32, #tpu.memory_space<vmem>>, %arg4: memref<128x256xf32, #tpu.memory_space<vmem>>, %arg5: memref<1x256xf32, #tpu.memory_space<vmem>>, %arg6: memref<256x128xf32, #tpu.memory_space<vmem>>, %arg7: memref<512x128xf32, #tpu.memory_space<vmem>>) attributes {dimension_semantics = [#tpu.dimension_semantics<arbitrary>], iteration_bounds = array<i64: 20>, scalar_prefetch = 0 : i64, scratch_operands = 0 : i64, tpu.core_type = #tpu.core_type<tc>, window_params = [{transform_indices = @transform_0, window_bounds = array<i64: 1, 512, 128>}, {transform_indices = @transform_1, window_bounds = array<i64: 1, 512, 128>}, {transform_indices = @transform_2, window_bounds = array<i64: 512, 128>}, {pipeline_mode = #tpu.pipeline_mode<synchronous>, transform_indices = @transform_3, window_bounds = array<i64: 128, 256>}, {pipeline_mode = #tpu.pipeline_mode<synchronous>, transform_indices = @transform_4, window_bounds = array<i64: 1, 256>}, {pipeline_mode = #tpu.pipeline_mode<synchronous>, transform_indices = @transform_5, window_bounds = array<i64: 256, 128>}, {transform_indices = @transform_6, window_bounds = array<i64: 512, 128>}]} {
    %get3A = arith.constant 0 : index
    %get3A_0 = arith.constant 0 : index
    %get3A_1 = arith.constant 0 : index
    %get3A_2 = vector.load %arg1[%get3A, %get3A_0, %get3A_1] : memref<1x512x128xf32, #tpu.memory_space<vmem>>, vector<1x512x128xf32>
    %get3A_3 = vector.shape_cast %get3A_2 : vector<1x512x128xf32> to vector<512x128xf32>
    %get3A_4 = arith.constant 0 : index
    %get3A_5 = arith.constant 0 : index
    %get3A_6 = arith.constant 0 : index
    %get3A_7 = vector.load %arg2[%get3A_4, %get3A_5, %get3A_6] : memref<1x512x128xf32, #tpu.memory_space<vmem>>, vector<1x512x128xf32>
    %get3A_8 = vector.shape_cast %get3A_7 : vector<1x512x128xf32> to vector<512x128xf32>
    %add3A = arith.addf %get3A_3, %get3A_8 : vector<512x128xf32>
    %get3A_9 = arith.constant 0 : index
    %get3A_10 = arith.constant 0 : index
    %get3A_11 = vector.load %arg3[%get3A_9, %get3A_10] : memref<512x128xf32, #tpu.memory_space<vmem>>, vector<512x128xf32>
    %mul3A = arith.mulf %add3A, %get3A_11 : vector<512x128xf32>
    %get3A_12 = arith.constant 0 : index
    %get3A_13 = arith.constant 0 : index
    %get3A_14 = vector.load %arg4[%get3A_12, %get3A_13] : memref<128x256xf32, #tpu.memory_space<vmem>>, vector<128x256xf32>
    %dot_general3A = arith.constant dense<0.000000e+00> : vector<512x256xf32>
    %dot_general3A_15 = tpu.matmul %mul3A, %get3A_14, %dot_general3A {dimension_numbers = #tpu.dot_dimension_numbers<[1], [0], [0], [1], [0, 0, 1, 1], [], []>, transpose_lhs_hint = false} : vector<512x128xf32>, vector<128x256xf32>, vector<512x256xf32> -> vector<512x256xf32>
    %get3A_16 = arith.constant 0 : index
    %get3A_17 = arith.constant 0 : index
    %get3A_18 = vector.load %arg5[%get3A_16, %get3A_17] : memref<1x256xf32, #tpu.memory_space<vmem>>, vector<1x256xf32>
    %add3A_19 = vector.broadcast %get3A_18 : vector<1x256xf32> to vector<512x256xf32>
    %add3A_20 = arith.addf %dot_general3A_15, %add3A_19 : vector<512x256xf32>
    %max3A = arith.constant 0.000000e+00 : f32
    %max3A_21 = vector.broadcast %max3A : f32 to vector<512x256xf32>
    %max3A_22 = arith.maximumf %add3A_20, %max3A_21 : vector<512x256xf32>
    %get3A_23 = arith.constant 0 : index
    %get3A_24 = arith.constant 0 : index
    %get3A_25 = vector.load %arg6[%get3A_23, %get3A_24] : memref<256x128xf32, #tpu.memory_space<vmem>>, vector<256x128xf32>
    %dot_general3A_26 = arith.constant dense<0.000000e+00> : vector<512x128xf32>
    %dot_general3A_27 = tpu.matmul %max3A_22, %get3A_25, %dot_general3A_26 {dimension_numbers = #tpu.dot_dimension_numbers<[1], [0], [0], [1], [0, 0, 1, 1], [], []>, transpose_lhs_hint = false} : vector<512x256xf32>, vector<256x128xf32>, vector<512x128xf32> -> vector<512x128xf32>
    %get3A_28 = arith.constant 0 : index
    %get3A_29 = arith.constant 0 : index
    %get3A_30 = vector.load %arg3[%get3A_28, %get3A_29] : memref<512x128xf32, #tpu.memory_space<vmem>>, vector<512x128xf32>
    %mul3A_31 = arith.mulf %dot_general3A_27, %get3A_30 : vector<512x128xf32>
    %swap3A = arith.constant 0 : index
    %swap3A_32 = arith.constant 0 : index
    %swap3A_33 = vector.load %arg7[%swap3A, %swap3A_32] : memref<512x128xf32, #tpu.memory_space<vmem>>, vector<512x128xf32>
    tpu.vector_store %arg7[%swap3A, %swap3A_32], %mul3A_31 {strides = array<i32>} : memref<512x128xf32, #tpu.memory_space<vmem>>, vector<512x128xf32>,
    return
  }
  func.func @transform_0(%arg0: i32) -> (i32, i32, i32) {
    %c0_i32 = arith.constant 0 : i32
    %c0_i32_0 = arith.constant 0 : i32
    %c0_i32_1 = arith.constant 0 : i32
    return %c0_i32, %arg0, %c0_i32_0 : i32, i32, i32
  }
  func.func @transform_1(%arg0: i32) -> (i32, i32, i32) {
    %c1_i32 = arith.constant 1 : i32
    %c0_i32 = arith.constant 0 : i32
    %c0_i32_0 = arith.constant 0 : i32
    return %c1_i32, %arg0, %c0_i32 : i32, i32, i32
  }
  func.func @transform_2(%arg0: i32) -> (i32, i32) {
    %c0_i32 = arith.constant 0 : i32
    %c0_i32_0 = arith.constant 0 : i32
    return %arg0, %c0_i32 : i32, i32
  }
  func.func @transform_3(%arg0: i32) -> (i32, i32) {
    %c0_i32 = arith.constant 0 : i32
    %c0_i32_0 = arith.constant 0 : i32
    %c0_i32_1 = arith.constant 0 : i32
    return %c0_i32, %c0_i32_0 : i32, i32
  }
  func.func @transform_4(%arg0: i32) -> (i32, i32) {
    %c0_i32 = arith.constant 0 : i32
    %c0_i32_0 = arith.constant 0 : i32
    %c0_i32_1 = arith.constant 0 : i32
    return %c0_i32, %c0_i32_0 : i32, i32
  }
  func.func @transform_5(%arg0: i32) -> (i32, i32) {
    %c0_i32 = arith.constant 0 : i32
    %c0_i32_0 = arith.constant 0 : i32
    %c0_i32_1 = arith.constant 0 : i32
    return %c0_i32, %c0_i32_0 : i32, i32
  }
  func.func @transform_6(%arg0: i32) -> (i32, i32) {
    %c0_i32 = arith.constant 0 : i32
    %c0_i32_0 = arith.constant 0 : i32
    return %arg0, %c0_i32 : i32, i32
  }
}

</mosaic_0001>

<sc_bundles>
// kernel: kernel.11.cloned.1.call-start
scs
__scs_entry_jumppad:
0x0: {  	(pc) =	sbr.rel $0x88, $3  }
0x1: {  	(tag) =	ssettag $0x0;
	lr =	simm.s32 $0x1  }
0x2: {  	[smem:$0x3F9B] =	sst lr;
	_ =	strace $0xD0000000  }
0x3: {  	_ = 	snop  }
0x4: {  	_ = 	snop  }
0x5: {  	_ = 	snop  }
0x6: {  	_ = 	snop  }
0x7: {  	_ = 	snop  }
__scs_overlays_trampoline_lowered:
0x8: {  	[smem:$0x3FAA] =	sst s0  }
0x9: {  	[smem:$0x3FAB] =	sst s1  }
0xa: {  	[smem:$0x3FAC] =	sst s2  }
0xb: {  	[smem:$0x3FAD] =	sst s3  }
0xc: {  	[smem:$0x3FAE] =	sst s4  }
0xd: {  	[smem:$0x3FAF] =	sst s5  }
0xe: {  	[smem:$0x3FB0] =	sst s6  }
0xf: {  	[smem:$0x3FB1] =	sst s7  }
0x10: {  	[smem:$0x3FB2] =	sst s8  }
0x11: {  	[smem:$0x3FB3] =	sst s9;
	s0 =	simm.s32 @!p0 $0x0  }
0x12: {  	s1 =	sld [smem:$0x3F99];
	s0 =	simm.s32 @p0 $0x1  }
0x13: {  	[smem:$0x3FB4] =	sst s0;
	s0 =	simm.s32 @!p1 $0x0  }
0x14: {  	s2 =	sld [smem:$0x3F98];
	s0 =	simm.s32 @p1 $0x1  }
0x15: {  	[smem:$0x3FB5] =	sst s0;
	s0 =	simm.s32 @!p2 $0x0  }
0x16: {  	s3 =	sld [smem:$0x3FDB];
	s0 =	simm.s32 @p2 $0x1  }
0x17: {  	s4 =	simm.s32 $0x1BF5;
	[smem:$0x3FB7] =	sst s0  }
0x18: {  	s0 =	sld [smem:$0x3F9A];
	_ =	swait.ge [sflag:s4], $0x0  }
0x19: {  	s7 =	sld [smem:$0x3F9B]  }
0x1a: {  	s8 =	sadd.s32 $0xFFFFE003, lr  }
0x1b: {  	s9 =	sadd.s32 $0xFFFFFEF7, lr;
	s5 =	simm.s32 $0xFFFFFFFF;
	p2 =	slt.u32 s8, $0xFFFFF086  }
0x1c: {  	p1 =	slt.u32 s9, $0xF7A;
	s5 =	simm.s32 @!p2 $0x0  }
0x1d: {  	s5 =	simm.s32 @p1 $0x1;
	p0 =	seq.s32 s7, s2  }
0x1e: {  	s7 =	smul.u32 @!p0 $0xF7A, s2;
	p2 =	seq.s32 @!p0 s5, $0x0  }
0x1f: {  	s9 =	smul.u32 $0xF7A, s1;
	s8 =	simm.s32 @!p0 $0x1BF5;
	p2 =	por !p2, p0  }
0x20: {  	[sflag:s8] =	ssyncset.s32 @!p0 $0xFFFFF086;
	s6 =	sadd.s32 @!p0 s3, s7;
	s7 =	simm.s32 @!p0 $0x108  }
0x21: {  	s3 =	sadd.s32 s3, s9;
	s6 =	sadd.s32 @!p0 $0x88, s6;
	s7 =	simm.s32 @p2 $0x1082  }
0x22: {  	[simem:s7], [sflag:s8] =	dma.local @!p0 [hbm:s6], $0xF7A  }
0x23: {  	s9 =	sor.u32 $0xD0000000, s2;
	s6 =	simm.s32 $0x108;
	_ =	swait.ge @!p0 [sflag:s8], $0x0  }
0x24: {  	s3 =	sadd.s32 $0x88, s3;
	s6 =	simm.s32 @!p1 $0x1082;
	[sflag:s4] =	ssyncset.s32 $0xFFFFF086  }
0x25: {  	[simem:s6], [sflag:s4] =	dma.local [hbm:s3], $0xF7A  }
0x26: {  	[smem:$0x3F9B] =	sst s1;
	(tag) =	ssettag s2;
	_ =	strace s9  }
0x27: {  	s1 =	sld [smem:$0x3FAB]  }
0x28: {  	s2 =	sld [smem:$0x3FAC]  }
0x29: {  	s4 =	sld [smem:$0x3FAE]  }
0x2a: {  	p0 =	seq.s32 s5, $0x0;
	s5 =	sld [smem:$0x3FAF]  }
0x2b: {  	s6 =	sld [smem:$0x3FB0]  }
0x2c: {  	s7 =	sld [smem:$0x3FB1]  }
0x2d: {  	s3 =	simm.s32 $0x108;
	s8 =	sld [smem:$0x3FB2]  }
0x2e: {  	s3 =	simm.s32 @!p0 $0x1082;
	s9 =	sld [smem:$0x3FB3]  }
0x2f: {  	lr =	sadd.s32 s0, s3;
	s0 =	sld [smem:$0x3FAA]  }
0x30: {  	s3 =	sld [smem:$0x3FAD]  }
0x31: {  	[smem:$0x3FB6] =	sst s10  }
0x32: {  	s10 =	sld [smem:$0x3FB4];
	_ =	sdelay $0x3  }
0x33: {  	p0 =	seq.s32 s10, $0x1;
	s10 =	sld [smem:$0x3FB6];
	_ =	sdelay $0x3  }
0x34: {  	[smem:$0x3FB6] =	sst s10  }
0x35: {  	s10 =	sld [smem:$0x3FB5];
	_ =	sdelay $0x3  }
0x36: {  	p1 =	seq.s32 s10, $0x1;
	s10 =	sld [smem:$0x3FB6];
	_ =	sdelay $0x3  }
0x37: {  	[smem:$0x3FB6] =	sst s10  }
0x38: {  	s10 =	sld [smem:$0x3FB7]  }
0x39: {  	_ = 	snop;
	(pc) =	sbr.ind lr, $3  }
0x3a: {  	_ = 	snop  }
0x3b: {  	_ = 	snop  }
0x3c: {  	p2 =	seq.s32 s10, $0x1;
	s10 =	sld [smem:$0x3FB6]  }
0x3d: {  	_ =	shalt  }
0x3e: {  	_ =	shalt  }
0x3f: {  	_ =	shalt  }
0x40: {  	_ =	shalt  }
0x41: {  	_ =	shalt  }
0x42: {  	_ =	shalt  }
0x43: {  	_ =	shalt  }
0x44: {  	_ =	shalt  }
0x45: {  	_ =	shalt  }
0x46: {  	_ =	shalt  }
0x47: {  	_ =	shalt  }
0x48: {  	_ =	shalt  }
0x49: {  	_ =	shalt  }
0x4a: {  	_ =	shalt  }
0x4b: {  	_ =	shalt  }
0x4c: {  	_ =	shalt  }
0x4d: {  	_ =	shalt  }
0x4e: {  	_ =	shalt  }
0x4f: {  	_ =	shalt  }
0x50: {  	_ =	shalt  }
0x51: {  	_ =	shalt  }
0x52: {  	_ =	shalt  }
0x53: {  	_ =	shalt  }
0x54: {  	_ =	shalt  }
0x55: {  	_ =	shalt  }
0x56: {  	_ =	shalt  }
0x57: {  	_ =	shalt  }
0x58: {  	_ =	shalt  }
0x59: {  	_ =	shalt  }
0x5a: {  	_ =	shalt  }
0x5b: {  	_ =	shalt  }
0x5c: {  	_ =	shalt  }
0x5d: {  	_ =	shalt  }
0x5e: {  	_ =	shalt  }
0x5f: {  	_ =	shalt  }
0x60: {  	_ =	shalt  }
0x61: {  	_ =	shalt  }
0x62: {  	_ =	shalt  }
0x63: {  	_ =	shalt  }
0x64: {  	_ =	shalt  }
0x65: {  	_ =	shalt  }
0x66: {  	_ =	shalt  }
0x67: {  	_ =	shalt  }
0x68: {  	_ =	shalt  }
0x69: {  	_ =	shalt  }
0x6a: {  	_ =	shalt  }
0x6b: {  	_ =	shalt  }
0x6c: {  	_ =	shalt  }
0x6d: {  	_ =	shalt  }
0x6e: {  	_ =	shalt  }
0x6f: {  	_ =	shalt  }
0x70: {  	_ =	shalt  }
0x71: {  	_ =	shalt  }
0x72: {  	_ =	shalt  }
0x73: {  	_ =	shalt  }
0x74: {  	_ =	shalt  }
0x75: {  	_ =	shalt  }
0x76: {  	_ =	shalt  }
0x77: {  	_ =	shalt  }
0x78: {  	_ =	shalt  }
0x79: {  	_ =	shalt  }
0x7a: {  	_ =	shalt  }
0x7b: {  	_ =	shalt  }
0x7c: {  	_ =	shalt  }
0x7d: {  	_ =	shalt  }
0x7e: {  	_ =	shalt  }
0x7f: {  	_ =	shalt  }
0x80: {  	_ =	shalt  }
0x81: {  	_ =	shalt  }
0x82: {  	_ =	shalt  }
0x83: {  	_ =	shalt  }
0x84: {  	_ =	shalt  }
0x85: {  	_ =	shalt  }
0x86: {  	_ =	shalt  }
0x87: {  	_ =	shalt  }
.Lfunc_end0:
.L_simem_size_0:
called_computation.1_lowered:
.L_overlay_start_0:
0x88: {  	s2 =	sld [smem:$0x3FD9]  }
0x89: {  	s3 =	sld [smem:$0x3FFE];
	_ =	sdelay $0x1  }
0x8a: {  	s1 =	srdreg.scid  }
0x8b: {  	s0 =	sand.u32 $0x1, s1  }
0x8c: {  	s17 =	sshll.u32 s0, $0xA;
	s2 =	sadd.s32 s3, s2  }
0x8d: {  	s2 =	sadd.s32 s2, s17  }
0x8e: {  	[smem:$0x3FC2] =	sst s2  }
0x8f: {  	_ = 	snop  }
0x90: {  	s2 =	sld [smem:$0x3FD0];
	(tm) =	ssettm $0x1  }
0x91: {  	s18 =	sld [smem:$0x3FFB];
	_ =	sdelay $0x3  }
0x92: {  	_ =	strace s18  }
0x93: {  	s3 =	sld [smem:$0x3FFC];
	_ =	sdelay $0x3  }
0x94: {  	_ =	strace s3  }
0x95: {  	s3 =	sld [smem:$0x3FFD];
	_ =	sdelay $0x3  }
0x96: {  	_ =	strace s3  }
0x97: {  	_ =	strace $0x8FFFFFFF  }
0x98: {  	s19 =	sld [smem:$0x3FDB];
	_ =	sdelay $0x1  }
0x99: {  	s4 =	simm.s32 $_scs_section_size  }
0x9a: {  	s5 =	simm.s32 $_size__tile_overlayer_lowered;
	s6 =	simm.s32 $_tile_overlayer_lowered  }
0x9b: {  	s22 =	simm.s32 $0x1BFF;
	s21 =	sshll.u32 s6, $0x1;
	s3 =	sadd.s32 s4, s19  }
0x9c: {  	s7 =	simm.s32 $0x0;
	s20 =	sshll.u32 s5, $0x1;
	s5 =	sadd.s32 s21, s3  }
0x9d: {  	[timem:s7], [sflag:s22] =	dma.local [hbm:s5], s20  }
0x9e: {  	_ =	swait.ge [sflag:s22], s20  }
0x9f: {  	s4 =	ssub.s32 $0x0, s20;
	[sflag:s22] =	ssyncset.done $0x0  }
0xa0: {  	[sflag:s22] =	ssyncadd.s32 s4;
	_ =	sdelay $0x1  }
0xa1: {  	s23 =	simm.s32 $0x1B8B  }
0xa2: {  	_ =	swait.ge [sflag:s23], $0x1  }
0xa3: {  	[sflag:s23] =	ssyncset.done $0x0  }
0xa4: {  	s25 =	simm.s32 $0x1B8E;
	s24 =	sld [smem:$0x3FFE];
	[sflag:s23] =	ssyncadd.s32 $0xFFFFFFFF  }
0xa5: {  	s26 =	simm.s32 $execute0_lowered;
	[smem:$0x3FD2] =	sst s25  }
0xa6: {  	s5 =	sshll.u32 s26, $0x1;
	_ =	strace $0x80000049;
	[dreg:$0x1] =	wrdreg $0xFFFFFFFF  }
0xa7: {  	s28 =	simm.s32 $_size_execute0_lowered;
	s3 =	sadd.s32 s3, s5;
	[dreg:$0x0] =	wrdreg $0x0  }
0xa8: {  	s5 =	sshll.u32 s28, $0x1;
	[dreg:$0x2] =	wrdreg s3  }
0xa9: {  	[dreg:$0x3] =	wrdreg s5  }
0xaa: {  	[dreg:$0x4] =	wrdreg $0xC0  }
0xab: {  	_ =	task [dreg:s7], $0x5FFFF  }
0xac: {  	[dreg:$0x1] =	wrdreg $0xFFFFFFFF  }
0xad: {  	[dreg:$0x0] =	wrdreg $0x60  }
0xae: {  	[dreg:$0x2] =	wrdreg s24  }
0xaf: {  	[dreg:$0x3] =	wrdreg s2  }
0xb0: {  	[dreg:$0x4] =	wrdreg $0x90000  }
0xb1: {  	[dreg:$0x5] =	wrdreg $0x9  }
0xb2: {  	_ =	task.clear_ibuf [dreg:s7], $0x6FFFF;
	_ =	strace $0x90000049  }
0xb3: {  	s29 =	simm.s32 $0x9;
	_ =	strace $0x8000004B  }
0xb4: {  	_ =	swait.ge [sflag:s29], $0x1  }
0xb5: {  	[sflag:s29] =	ssyncadd.s32 $0xFFFFFFFF  }
0xb6: {  	_ =	strace $0x9000004B  }
0xb7: {  	_ =	sfence  }
0xb8: {  	s30 =	sld [smem:$0x0];
	_ =	sdelay $0x2  }
0xb9: {  	s31 =	sshll.u32 s1, $0xD;
	s1 =	sshrl.u32 s1, $0x2  }
0xba: {  	s3 =	sand.u32 $0x4000, s31;
	s1 =	sadd.s32 s1, s30  }
0xbb: {  	s0 =	sor.u32 s3, s0;
	s1 =	sshll.u32 s1, $0x11  }
0xbc: {  	s0 =	sor.u32 s1, s0  }
0xbd: {  	s0 =	sadd.s32 $0x8F2B, s0  }
0xbe: {  	[sflag:s0] =	ssyncadd.remote.s32 $0x1  }
0xbf: {  	_ =	sfence.sel $0xFFFF  }
0xc0: {  	[dreg:$0x0] =	wrdreg $0xFFFFFFFF;
	(pc) =	sbr.abs _section_cstart, $3  }
0xc1: {  	[dreg:$0x1] =	wrdreg $0xFFFFFFFF  }
0xc2: {  	_ =	task.clear_ibuf [dreg:s7], $0x2FFFF;
	_ =	strace $0x9FFFFFFF  }
0xc3: {  	(tm) =	ssettm $0x7FFFFFFF  }
tec
execute0_lowered:
.L_overlay_start_1:
0x0: {  	(tag) =	ssettag $0x1  }
0x1: {  	s0 =	rddreg [dreg:$0x0]  }
0x2: {  	s5 =	rddreg [dreg:$0x1]  }
0x3: {  	s2 =	rddreg [dreg:$0x2];
	s1 =	stileid.u32  }
0x4: {  	s3 =	simm.s32 $0x0;
	s4 =	srdreg.scid;
	s23 =	simm.s32 $0x100  }
0x5: {  	s25 =	simm.s32 $0x480;
	s26 =	simm.s32 $0x180;
	[smem:$0x7FF] =	sst s3  }
0x6: {  	s30 =	simm.s32 $0x500;
	_ =	strace $0x8000004A;
	[dreg:$0x4] =	wrdreg s23  }
0x7: {  	s31 =	simm.s32 $0x200;
	s14 =	simm.s32 $0x300;
	[dreg:$0x5] =	wrdreg s25  }
0x8: {  	s15 =	simm.s32 $0x680;
	s17 =	simm.s32 $0x380;
	[dreg:$0x6] =	wrdreg s26  }
0x9: {  	s18 =	simm.s32 $0x700;
	s19 =	simm.s32 $0x780;
	[dreg:$0x7] =	wrdreg s30  }
0xa: {  	s20 =	simm.s32 $0x880;
	s28 =	simm.s32 $0xF80;
	[dreg:$0x8] =	wrdreg s31  }
0xb: {  	s29 =	simm.s32 $0x0;
	s6 =	smul.u32 $0x500, s1;
	[dreg:$0xc] =	wrdreg s14  }
0xc: {  	s7 =	sand.u32 $0x1, s4;
	s21 =	smul.u32 $0x14000, s1;
	[dreg:$0xd] =	wrdreg s15  }
0xd: {  	s4 =	sadd.s32 $0x34800, s0;
	s12 =	smul.u32 $0x50000, s1;
	[dreg:$0xe] =	wrdreg s17  }
0xe: {  	s11 =	sadd.s32 $0xC800, s0;
	s13 =	smul.u32 $0x2800, s1;
	[dreg:$0xf] =	wrdreg s18  }
0xf: {  	s16 =	sshll.u32 s1, $0x6;
	p0 =	seq.s32 s7, $0x0;
	[dreg:$0x10] =	wrdreg s19  }
0x10: {  	s9 =	smul.u32 $0x140000, s7;
	s7 =	ssub.s32 $0x2, s7;
	[dreg:$0x11] =	wrdreg s20  }
0x11: {  	s14 =	simm.s32 $0x800;
	s15 =	simm.s32 $0xC00;
	s23 =	simm.s32 $0x980  }
0x12: {  	s17 =	simm.s32 $0x80;
	s25 =	simm.s32 $0xA00;
	s18 =	simm.s32 $0x1000  }
0x13: {  	s26 =	simm.s32 $0xD80;
	s19 =	simm.s32 $0x5000;
	[dreg:$0x14] =	wrdreg s23  }
0x14: {  	s30 =	simm.s32 $0xA80;
	s20 =	simm.s32 $0x3;
	[dreg:$0x16] =	wrdreg s25  }
0x15: {  	s31 =	simm.s32 $0xE00;
	s8 =	sadd.s32 $0x5000, s6;
	[dreg:$0x17] =	wrdreg s26  }
0x16: {  	s22 =	sshrl.u32 s7, $0x1;
	s24 =	sshrl.u32 s12, $0x2;
	[dreg:$0x18] =	wrdreg s30  }
0x17: {  	s11 =	smov.u32 @p0 s4;
	[dreg:$0x19] =	wrdreg s31;
	s23 =	simm.s32 $0xB00  }
0x18: {  	s25 =	simm.s32 $0xB80;
	s26 =	simm.s32 $0xF00;
	s8 =	smov.u32 @p0 s6  }
0x19: {  	s6 =	sadd.s32 s21, s9;
	s9 =	ssub.s32 s7, s22;
	s12 =	sadd.s32 s24, s2  }
0x1a: {  	s7 =	simm.s32 $0x580;
	s21 =	simm.s32 $0x900;
	s22 =	simm.s32 $0xC80  }
0x1b: {  	s24 =	simm.s32 $0xD00;
	s10 =	sadd.s32 s8, s0;
	[dreg:$0x9] =	wrdreg s7  }
0x1c: {  	s6 =	sshrl.u32 s6, $0x3;
	s5 =	sadd.s32 s5, s8;
	[dreg:$0x12] =	wrdreg s21  }
0x1d: {  	s8 =	simm.s32 $0x280;
	s9 =	smax.u32 s9, $0x1;
	[dreg:$0x13] =	wrdreg s22  }
0x1e: {  	[dreg:$0x15] =	wrdreg s24;
	s21 =	simm.s32 $0x4;
	s22 =	simm.s32 $0x2  }
0x1f: {  	s24 =	simm.s32 $0xE80;
	s0 =	sadd.s32 s6, s0;
	[dreg:$0x1b] =	wrdreg s9  }
0x20: {  	s6 =	sadd.s32 $0x2000, s10;
	[dreg:$0xa] =	wrdreg s8;
	s10 =	simm.s32 $0x600  }
0x21: {  	s9 =	sadd.s32 s11, s13;
	s11 =	sshrl.u32 s12, $0x3;
	s12 =	simm.s32 $0x5  }
0x22: {  	s13 =	simm.s32 $0x400;
	s0 =	sadd.s32 $0x5C800, s0;
	[dreg:$0xb] =	wrdreg s10  }
0x23: {  	s10 =	sor.u32 $0x1C05, s16;
	s16 =	simm.s32 $0x1;
	[dreg:$0x1a] =	wrdreg s0  }
.LBB2_1:
0x24: {  	[spmem:s11], [sflag:s10] =	dma.local [hbm:s9], $0x2800  }
0x25: {  	_ =	swait.ge [sflag:s12], $0x2800  }
0x26: {  	[sflag:s12] =	ssyncset.done $0x0  }
0x27: {  	[sflag:s12] =	ssyncadd.s32 $0xFFFFD800  }
0x28: {  	[tilespmem:s3], [sflag:$0x1] =	stream.linear.gather [hbm4b:s5+s3], $0x400, $0x38;
	[tilespmem:$0x1D000] =	vst v63  }
0x29: {  	s0 =	sadd.s32 $0x0, s5  }
0x2a: {  	[tilespmem:s13], [sflag:$0x1] =	stream.linear.gather [hbm4b:s6+s3], $0x400, $0x38;
	[tilespmem:$0x1D000] =	vst v63  }
0x2b: {  	s30 =	sadd.s32 $0x0, s6;
	s0 =	sadd.s32 $0x80, s0;
	[bflag:$0x0] =	sbarrier.arrive $0xFFFF  }
0x2c: {  	[tilespmem:s14], [sflag:$0x2] =	stream.linear.gather [hbm4b:s0+s3], $0x400, $0x38;
	[tilespmem:$0x1D000] =	vst v63  }
0x2d: {  	s7 =	sadd.s32 $0x80, s30  }
0x2e: {  	[tilespmem:s15], [sflag:$0x2] =	stream.linear.gather [hbm4b:s7+s3], $0x400, $0x38;
	[tilespmem:$0x1D000] =	vst v63  }
0x2f: {  	_ =	swait.ge [sflag:s16], $0x400  }
0x30: {  	[sflag:s16] =	ssyncset.done $0x0  }
0x31: {  	[sflag:s16] =	ssyncadd.s32 $0xFFFFFC00  }
0x32: {  	_ =	swait.ge [sflag:s16], $0x400  }
0x33: {  	[sflag:s16] =	ssyncset.done $0x0  }
0x34: {  	[sflag:s16] =	ssyncadd.s32 $0xFFFFFC00  }
0x35: {  	[tilespmem:s18], [sflag:$0x3] =	stream.indirect.gather [hbm4b:s4+s17], $0x80, s3, s17, $0xb8;
	[tilespmem:$0x1D000] =	vst v63  }
0x36: {  	_ = 	snop  }
0x37: {  	[tilespmem:s19], [sflag:$0x4] =	stream.indirect.gather [hbm4b:s4+s17], $0x80, s17, s17, $0xb8;
	[tilespmem:$0x1D000] =	vst v63  }
0x38: {  	_ =	swait.ge [sflag:s20], $0x4000  }
0x39: {  	[sflag:s20] =	ssyncset.done $0x0  }
0x3a: {  	[sflag:s20] =	ssyncadd.s32 $0xFFFFC000  }
0x3b: {  	[spmem:s2] =	stream.indirect.scatter.add.f32 [tilespmem:s18], [sflag:$0x5], $0x80, s13, s17, $0xb8;
	[tilespmem:$0x1D000] =	vst v63  }
0x3c: {  	_ =	swait.ge [sflag:s12], $0x4000  }
0x3d: {  	[sflag:s12] =	ssyncset.done $0x0  }
0x3e: {  	s8 =	rddreg [dreg:$0x4];
	[sflag:s12] =	ssyncadd.s32 $0xFFFFC000  }
0x3f: {  	[tilespmem:s18], [sflag:$0x3] =	stream.indirect.gather [hbm4b:s4+s17], $0x80, s8, s17, $0xb8;
	[tilespmem:$0x1D000] =	vst v63  }
0x40: {  	_ =	swait.ge [sflag:s21], $0x4000  }
0x41: {  	[sflag:s21] =	ssyncset.done $0x0  }
0x42: {  	s1 =	rddreg [dreg:$0x5];
	[sflag:s21] =	ssyncadd.s32 $0xFFFFC000  }
0x43: {  	[spmem:s2] =	stream.indirect.scatter.add.f32 [tilespmem:s19], [sflag:$0x5], $0x80, s1, s17, $0xb8;
	[tilespmem:$0x1D000] =	vst v63  }
0x44: {  	_ =	swait.ge [sflag:s12], $0x4000  }
0x45: {  	[sflag:s12] =	ssyncset.done $0x0  }
0x46: {  	s7 =	rddreg [dreg:$0x6];
	[sflag:s12] =	ssyncadd.s32 $0xFFFFC000  }
0x47: {  	[tilespmem:s19], [sflag:$0x4] =	stream.indirect.gather [hbm4b:s4+s17], $0x80, s7, s17, $0xb8;
	[tilespmem:$0x1D000] =	vst v63  }
0x48: {  	_ =	swait.ge [sflag:s20], $0x4000  }
0x49: {  	[sflag:s20] =	ssyncset.done $0x0  }
0x4a: {  	s8 =	rddreg [dreg:$0x7];
	[sflag:s20] =	ssyncadd.s32 $0xFFFFC000  }
0x4b: {  	[spmem:s2] =	stream.indirect.scatter.add.f32 [tilespmem:s18], [sflag:$0x5], $0x80, s8, s17, $0xb8;
	[tilespmem:$0x1D000] =	vst v63  }
0x4c: {  	_ =	swait.ge [sflag:s12], $0x4000  }
0x4d: {  	[sflag:s12] =	ssyncset.done $0x0  }
0x4e: {  	s1 =	rddreg [dreg:$0x8];
	[sflag:s12] =	ssyncadd.s32 $0xFFFFC000  }
0x4f: {  	[tilespmem:s18], [sflag:$0x3] =	stream.indirect.gather [hbm4b:s4+s17], $0x80, s1, s17, $0xb8;
	[tilespmem:$0x1D000] =	vst v63  }
0x50: {  	_ =	swait.ge [sflag:s21], $0x4000  }
0x51: {  	[sflag:s21] =	ssyncset.done $0x0  }
0x52: {  	s7 =	rddreg [dreg:$0x9];
	[sflag:s21] =	ssyncadd.s32 $0xFFFFC000  }
0x53: {  	[spmem:s2] =	stream.indirect.scatter.add.f32 [tilespmem:s19], [sflag:$0x5], $0x80, s7, s17, $0xb8;
	[tilespmem:$0x1D000] =	vst v63  }
0x54: {  	_ =	swait.ge [sflag:s12], $0x4000  }
0x55: {  	[sflag:s12] =	ssyncset.done $0x0  }
0x56: {  	s8 =	rddreg [dreg:$0xa];
	[sflag:s12] =	ssyncadd.s32 $0xFFFFC000  }
0x57: {  	[tilespmem:s19], [sflag:$0x4] =	stream.indirect.gather [hbm4b:s4+s17], $0x80, s8, s17, $0xb8;
	[tilespmem:$0x1D000] =	vst v63  }
0x58: {  	_ =	swait.ge [sflag:s20], $0x4000  }
0x59: {  	[sflag:s20] =	ssyncset.done $0x0  }
0x5a: {  	s1 =	rddreg [dreg:$0xb];
	[sflag:s20] =	ssyncadd.s32 $0xFFFFC000  }
0x5b: {  	[spmem:s2] =	stream.indirect.scatter.add.f32 [tilespmem:s18], [sflag:$0x5], $0x80, s1, s17, $0xb8;
	[tilespmem:$0x1D000] =	vst v63  }
0x5c: {  	_ =	swait.ge [sflag:s12], $0x4000  }
0x5d: {  	[sflag:s12] =	ssyncset.done $0x0  }
0x5e: {  	s7 =	rddreg [dreg:$0xc];
	[sflag:s12] =	ssyncadd.s32 $0xFFFFC000  }
0x5f: {  	[tilespmem:s18], [sflag:$0x3] =	stream.indirect.gather [hbm4b:s4+s17], $0x80, s7, s17, $0xb8;
	[tilespmem:$0x1D000] =	vst v63  }
0x60: {  	_ =	swait.ge [sflag:s21], $0x4000  }
0x61: {  	[sflag:s21] =	ssyncset.done $0x0  }
0x62: {  	s8 =	rddreg [dreg:$0xd];
	[sflag:s21] =	ssyncadd.s32 $0xFFFFC000  }
0x63: {  	[spmem:s2] =	stream.indirect.scatter.add.f32 [tilespmem:s19], [sflag:$0x5], $0x80, s8, s17, $0xb8;
	[tilespmem:$0x1D000] =	vst v63  }
0x64: {  	_ =	swait.ge [sflag:s12], $0x4000  }
0x65: {  	[sflag:s12] =	ssyncset.done $0x0  }
0x66: {  	s1 =	rddreg [dreg:$0xe];
	[sflag:s12] =	ssyncadd.s32 $0xFFFFC000  }
0x67: {  	[tilespmem:s19], [sflag:$0x4] =	stream.indirect.gather [hbm4b:s4+s17], $0x80, s1, s17, $0xb8;
	[tilespmem:$0x1D000] =	vst v63  }
0x68: {  	_ =	swait.ge [sflag:s20], $0x4000  }
0x69: {  	[sflag:s20] =	ssyncset.done $0x0  }
0x6a: {  	s7 =	rddreg [dreg:$0xf];
	[sflag:s20] =	ssyncadd.s32 $0xFFFFC000  }
0x6b: {  	[spmem:s2] =	stream.indirect.scatter.add.f32 [tilespmem:s18], [sflag:$0x5], $0x80, s7, s17, $0xb8;
	[tilespmem:$0x1D000] =	vst v63  }
0x6c: {  	_ =	swait.ge [sflag:s12], $0x4000  }
0x6d: {  	[sflag:s12] =	ssyncset.done $0x0  }
0x6e: {  	[sflag:s12] =	ssyncadd.s32 $0xFFFFC000  }
0x6f: {  	_ =	swait.ge [sflag:s21], $0x4000  }
0x70: {  	[sflag:s21] =	ssyncset.done $0x0  }
0x71: {  	s8 =	rddreg [dreg:$0x10];
	[sflag:s21] =	ssyncadd.s32 $0xFFFFC000  }
0x72: {  	[spmem:s2] =	stream.indirect.scatter.add.f32 [tilespmem:s19], [sflag:$0x5], $0x80, s8, s17, $0xb8;
	[tilespmem:$0x1D000] =	vst v63  }
0x73: {  	p0 =	por $0x0, $0x0;
	_ =	swait.ge [sflag:s12], $0x4000  }
0x74: {  	s30 =	sadd.s32 @!p0 $0x0, s6;
	s0 =	sadd.s32 @!p0 $0x0, s5;
	[sflag:s12] =	ssyncset.done $0x0  }
0x75: {  	s31 =	simm.s32 @!p0 $0x0;
	s0 =	sadd.s32 @!p0 $0x100, s0;
	[sflag:s12] =	ssyncadd.s32 $0xFFFFC000  }
0x76: {  	[tilespmem:s31], [sflag:$0x1] =	stream.linear.gather @!p0 [hbm4b:s0+s31], $0x400, $0x38;
	[tilespmem:$0x1D000] =	vst v63  }
0x77: {  	s0 =	sadd.s32 @!p0 $0x100, s30;
	s30 =	simm.s32 @!p0 $0x400  }
0x78: {  	[tilespmem:s30], [sflag:$0x1] =	stream.linear.gather @!p0 [hbm4b:s0+s31], $0x400, $0x38;
	[tilespmem:$0x1D000] =	vst v63  }
0x79: {  	_ =	swait.ge [sflag:s22], $0x400  }
0x7a: {  	[sflag:s22] =	ssyncset.done $0x0  }
0x7b: {  	[sflag:s22] =	ssyncadd.s32 $0xFFFFFC00  }
0x7c: {  	_ =	swait.ge [sflag:s22], $0x400  }
0x7d: {  	[sflag:s22] =	ssyncset.done $0x0  }
0x7e: {  	[sflag:s22] =	ssyncadd.s32 $0xFFFFFC00  }
0x7f: {  	[tilespmem:s18], [sflag:$0x3] =	stream.indirect.gather [hbm4b:s4+s17], $0x80, s14, s17, $0xb8;
	[tilespmem:$0x1D000] =	vst v63  }
0x80: {  	s1 =	rddreg [dreg:$0x11]  }
0x81: {  	[tilespmem:s19], [sflag:$0x4] =	stream.indirect.gather [hbm4b:s4+s17], $0x80, s1, s17, $0xb8;
	[tilespmem:$0x1D000] =	vst v63  }
0x82: {  	_ =	swait.ge [sflag:s20], $0x4000  }
0x83: {  	[sflag:s20] =	ssyncset.done $0x0  }
0x84: {  	[sflag:s20] =	ssyncadd.s32 $0xFFFFC000  }
0x85: {  	[spmem:s2] =	stream.indirect.scatter.add.f32 [tilespmem:s18], [sflag:$0x5], $0x80, s15, s17, $0xb8;
	[tilespmem:$0x1D000] =	vst v63  }
0x86: {  	_ =	swait.ge [sflag:s12], $0x4000  }
0x87: {  	[sflag:s12] =	ssyncset.done $0x0  }
0x88: {  	s7 =	rddreg [dreg:$0x12];
	[sflag:s12] =	ssyncadd.s32 $0xFFFFC000  }
0x89: {  	[tilespmem:s18], [sflag:$0x3] =	stream.indirect.gather [hbm4b:s4+s17], $0x80, s7, s17, $0xb8;
	[tilespmem:$0x1D000] =	vst v63  }
0x8a: {  	_ =	swait.ge [sflag:s21], $0x4000  }
0x8b: {  	[sflag:s21] =	ssyncset.done $0x0  }
0x8c: {  	s8 =	rddreg [dreg:$0x13];
	[sflag:s21] =	ssyncadd.s32 $0xFFFFC000  }
0x8d: {  	[spmem:s2] =	stream.indirect.scatter.add.f32 [tilespmem:s19], [sflag:$0x5], $0x80, s8, s17, $0xb8;
	[tilespmem:$0x1D000] =	vst v63  }
0x8e: {  	_ =	swait.ge [sflag:s12], $0x4000  }
0x8f: {  	[sflag:s12] =	ssyncset.done $0x0  }
0x90: {  	s1 =	rddreg [dreg:$0x14];
	[sflag:s12] =	ssyncadd.s32 $0xFFFFC000  }
0x91: {  	[tilespmem:s19], [sflag:$0x4] =	stream.indirect.gather [hbm4b:s4+s17], $0x80, s1, s17, $0xb8;
	[tilespmem:$0x1D000] =	vst v63  }
0x92: {  	_ =	swait.ge [sflag:s20], $0x4000  }
0x93: {  	[sflag:s20] =	ssyncset.done $0x0  }
0x94: {  	s7 =	rddreg [dreg:$0x15];
	[sflag:s20] =	ssyncadd.s32 $0xFFFFC000  }
0x95: {  	[spmem:s2] =	stream.indirect.scatter.add.f32 [tilespmem:s18], [sflag:$0x5], $0x80, s7, s17, $0xb8;
	[tilespmem:$0x1D000] =	vst v63  }
0x96: {  	_ =	swait.ge [sflag:s12], $0x4000  }
0x97: {  	[sflag:s12] =	ssyncset.done $0x0  }
0x98: {  	s8 =	rddreg [dreg:$0x16];
	[sflag:s12] =	ssyncadd.s32 $0xFFFFC000  }
0x99: {  	[tilespmem:s18], [sflag:$0x3] =	stream.indirect.gather [hbm4b:s4+s17], $0x80, s8, s17, $0xb8;
	[tilespmem:$0x1D000] =	vst v63  }
0x9a: {  	_ =	swait.ge [sflag:s21], $0x4000  }
0x9b: {  	[sflag:s21] =	ssyncset.done $0x0  }
0x9c: {  	s1 =	rddreg [dreg:$0x17];
	[sflag:s21] =	ssyncadd.s32 $0xFFFFC000  }
0x9d: {  	[spmem:s2] =	stream.indirect.scatter.add.f32 [tilespmem:s19], [sflag:$0x5], $0x80, s1, s17, $0xb8;
	[tilespmem:$0x1D000] =	vst v63  }
0x9e: {  	_ =	swait.ge [sflag:s12], $0x4000  }
0x9f: {  	[sflag:s12] =	ssyncset.done $0x0  }
0xa0: {  	s7 =	rddreg [dreg:$0x18];
	[sflag:s12] =	ssyncadd.s32 $0xFFFFC000  }
0xa1: {  	[tilespmem:s19], [sflag:$0x4] =	stream.indirect.gather [hbm4b:s4+s17], $0x80, s7, s17, $0xb8;
	[tilespmem:$0x1D000] =	vst v63  }
0xa2: {  	_ =	swait.ge [sflag:s20], $0x4000  }
0xa3: {  	[sflag:s20] =	ssyncset.done $0x0  }
0xa4: {  	s8 =	rddreg [dreg:$0x19];
	[sflag:s20] =	ssyncadd.s32 $0xFFFFC000  }
0xa5: {  	[spmem:s2] =	stream.indirect.scatter.add.f32 [tilespmem:s18], [sflag:$0x5], $0x80, s8, s17, $0xb8;
	[tilespmem:$0x1D000] =	vst v63  }
0xa6: {  	_ =	swait.ge [sflag:s12], $0x4000  }
0xa7: {  	[sflag:s12] =	ssyncset.done $0x0  }
0xa8: {  	[sflag:s12] =	ssyncadd.s32 $0xFFFFC000  }
0xa9: {  	[tilespmem:s18], [sflag:$0x3] =	stream.indirect.gather [hbm4b:s4+s17], $0x80, s23, s17, $0xb8;
	[tilespmem:$0x1D000] =	vst v63  }
0xaa: {  	_ =	swait.ge [sflag:s21], $0x4000  }
0xab: {  	[sflag:s21] =	ssyncset.done $0x0  }
0xac: {  	[sflag:s21] =	ssyncadd.s32 $0xFFFFC000  }
0xad: {  	[spmem:s2] =	stream.indirect.scatter.add.f32 [tilespmem:s19], [sflag:$0x5], $0x80, s24, s17, $0xb8;
	[tilespmem:$0x1D000] =	vst v63  }
0xae: {  	_ =	swait.ge [sflag:s12], $0x4000  }
0xaf: {  	[sflag:s12] =	ssyncset.done $0x0  }
0xb0: {  	[sflag:s12] =	ssyncadd.s32 $0xFFFFC000  }
0xb1: {  	[tilespmem:s19], [sflag:$0x4] =	stream.indirect.gather [hbm4b:s4+s17], $0x80, s25, s17, $0xb8;
	[tilespmem:$0x1D000] =	vst v63  }
0xb2: {  	_ =	swait.ge [sflag:s20], $0x4000  }
0xb3: {  	[sflag:s20] =	ssyncset.done $0x0  }
0xb4: {  	[sflag:s20] =	ssyncadd.s32 $0xFFFFC000  }
0xb5: {  	[spmem:s2] =	stream.indirect.scatter.add.f32 [tilespmem:s18], [sflag:$0x5], $0x80, s26, s17, $0xb8;
	[tilespmem:$0x1D000] =	vst v63  }
0xb6: {  	_ =	swait.ge [sflag:s12], $0x4000  }
0xb7: {  	[sflag:s12] =	ssyncset.done $0x0  }
0xb8: {  	[sflag:s12] =	ssyncadd.s32 $0xFFFFC000  }
0xb9: {  	_ =	swait.ge [sflag:s21], $0x4000  }
0xba: {  	[sflag:s21] =	ssyncset.done $0x0  }
0xbb: {  	[sflag:s21] =	ssyncadd.s32 $0xFFFFC000  }
0xbc: {  	[spmem:s2] =	stream.indirect.scatter.add.f32 [tilespmem:s19], [sflag:$0x5], $0x80, s28, s17, $0xb8;
	[tilespmem:$0x1D000] =	vst v63  }
0xbd: {  	s30 =	simm.s32 $0x100;
	_ =	swait.ge [sflag:s12], $0x4000  }
0xbe: {  	s31 =	simm.s32 $0x200;
	s0 =	sadd.s32 $0x100, s5;
	[sflag:s12] =	ssyncset.done $0x0  }
.LBB2_2:
0xbf: {  	s0 =	sadd.s32 $0x80, s0;
	s1 =	sadd.s32 s30, s6;
	[sflag:s12] =	ssyncadd.s32 $0xFFFFC000  }
0xc0: {  	[tilespmem:s14], [sflag:$0x2] =	stream.linear.gather [hbm4b:s0+s3], $0x400, $0x38;
	[tilespmem:$0x1D000] =	vst v63  }
0xc1: {  	s1 =	sadd.s32 $0x80, s1  }
0xc2: {  	[tilespmem:s15], [sflag:$0x2] =	stream.linear.gather [hbm4b:s1+s3], $0x400, $0x38;
	[tilespmem:$0x1D000] =	vst v63  }
0xc3: {  	_ =	swait.ge [sflag:s16], $0x400  }
0xc4: {  	[sflag:s16] =	ssyncset.done $0x0  }
0xc5: {  	[sflag:s16] =	ssyncadd.s32 $0xFFFFFC00  }
0xc6: {  	_ =	swait.ge [sflag:s16], $0x400  }
0xc7: {  	[sflag:s16] =	ssyncset.done $0x0  }
0xc8: {  	[sflag:s16] =	ssyncadd.s32 $0xFFFFFC00  }
0xc9: {  	[tilespmem:s18], [sflag:$0x3] =	stream.indirect.gather [hbm4b:s4+s17], $0x80, s3, s17, $0xb8;
	[tilespmem:$0x1D000] =	vst v63  }
0xca: {  	_ = 	snop  }
0xcb: {  	[tilespmem:s19], [sflag:$0x4] =	stream.indirect.gather [hbm4b:s4+s17], $0x80, s17, s17, $0xb8;
	[tilespmem:$0x1D000] =	vst v63  }
0xcc: {  	_ =	swait.ge [sflag:s20], $0x4000  }
0xcd: {  	[sflag:s20] =	ssyncset.done $0x0  }
0xce: {  	[sflag:s20] =	ssyncadd.s32 $0xFFFFC000  }
0xcf: {  	[spmem:s2] =	stream.indirect.scatter.add.f32 [tilespmem:s18], [sflag:$0x5], $0x80, s13, s17, $0xb8;
	[tilespmem:$0x1D000] =	vst v63  }
0xd0: {  	_ =	swait.ge [sflag:s12], $0x4000  }
0xd1: {  	[sflag:s12] =	ssyncset.done $0x0  }
0xd2: {  	s8 =	rddreg [dreg:$0x4];
	[sflag:s12] =	ssyncadd.s32 $0xFFFFC000  }
0xd3: {  	[tilespmem:s18], [sflag:$0x3] =	stream.indirect.gather [hbm4b:s4+s17], $0x80, s8, s17, $0xb8;
	[tilespmem:$0x1D000] =	vst v63  }
0xd4: {  	_ =	swait.ge [sflag:s21], $0x4000  }
0xd5: {  	[sflag:s21] =	ssyncset.done $0x0  }
0xd6: {  	s7 =	rddreg [dreg:$0x5];
	[sflag:s21] =	ssyncadd.s32 $0xFFFFC000  }
0xd7: {  	[spmem:s2] =	stream.indirect.scatter.add.f32 [tilespmem:s19], [sflag:$0x5], $0x80, s7, s17, $0xb8;
	[tilespmem:$0x1D000] =	vst v63  }
0xd8: {  	_ =	swait.ge [sflag:s12], $0x4000  }
0xd9: {  	[sflag:s12] =	ssyncset.done $0x0  }
0xda: {  	s8 =	rddreg [dreg:$0x6];
	[sflag:s12] =	ssyncadd.s32 $0xFFFFC000  }
0xdb: {  	[tilespmem:s19], [sflag:$0x4] =	stream.indirect.gather [hbm4b:s4+s17], $0x80, s8, s17, $0xb8;
	[tilespmem:$0x1D000] =	vst v63  }
0xdc: {  	_ =	swait.ge [sflag:s20], $0x4000  }
0xdd: {  	[sflag:s20] =	ssyncset.done $0x0  }
0xde: {  	s7 =	rddreg [dreg:$0x7];
	[sflag:s20] =	ssyncadd.s32 $0xFFFFC000  }
0xdf: {  	[spmem:s2] =	stream.indirect.scatter.add.f32 [tilespmem:s18], [sflag:$0x5], $0x80, s7, s17, $0xb8;
	[tilespmem:$0x1D000] =	vst v63  }
0xe0: {  	_ =	swait.ge [sflag:s12], $0x4000  }
0xe1: {  	[sflag:s12] =	ssyncset.done $0x0  }
0xe2: {  	s8 =	rddreg [dreg:$0x8];
	[sflag:s12] =	ssyncadd.s32 $0xFFFFC000  }
0xe3: {  	[tilespmem:s18], [sflag:$0x3] =	stream.indirect.gather [hbm4b:s4+s17], $0x80, s8, s17, $0xb8;
	[tilespmem:$0x1D000] =	vst v63  }
0xe4: {  	_ =	swait.ge [sflag:s21], $0x4000  }
0xe5: {  	[sflag:s21] =	ssyncset.done $0x0  }
0xe6: {  	s7 =	rddreg [dreg:$0x9];
	[sflag:s21] =	ssyncadd.s32 $0xFFFFC000  }
0xe7: {  	[spmem:s2] =	stream.indirect.scatter.add.f32 [tilespmem:s19], [sflag:$0x5], $0x80, s7, s17, $0xb8;
	[tilespmem:$0x1D000] =	vst v63  }
0xe8: {  	_ =	swait.ge [sflag:s12], $0x4000  }
0xe9: {  	[sflag:s12] =	ssyncset.done $0x0  }
0xea: {  	s8 =	rddreg [dreg:$0xa];
	[sflag:s12] =	ssyncadd.s32 $0xFFFFC000  }
0xeb: {  	[tilespmem:s19], [sflag:$0x4] =	stream.indirect.gather [hbm4b:s4+s17], $0x80, s8, s17, $0xb8;
	[tilespmem:$0x1D000] =	vst v63  }
0xec: {  	_ =	swait.ge [sflag:s20], $0x4000  }
0xed: {  	[sflag:s20] =	ssyncset.done $0x0  }
0xee: {  	s7 =	rddreg [dreg:$0xb];
	[sflag:s20] =	ssyncadd.s32 $0xFFFFC000  }
0xef: {  	[spmem:s2] =	stream.indirect.scatter.add.f32 [tilespmem:s18], [sflag:$0x5], $0x80, s7, s17, $0xb8;
	[tilespmem:$0x1D000] =	vst v63  }
0xf0: {  	_ =	swait.ge [sflag:s12], $0x4000  }
0xf1: {  	[sflag:s12] =	ssyncset.done $0x0  }
0xf2: {  	s8 =	rddreg [dreg:$0xc];
	[sflag:s12] =	ssyncadd.s32 $0xFFFFC000  }
0xf3: {  	[tilespmem:s18], [sflag:$0x3] =	stream.indirect.gather [hbm4b:s4+s17], $0x80, s8, s17, $0xb8;
	[tilespmem:$0x1D000] =	vst v63  }
0xf4: {  	_ =	swait.ge [sflag:s21], $0x4000  }
0xf5: {  	[sflag:s21] =	ssyncset.done $0x0  }
0xf6: {  	s7 =	rddreg [dreg:$0xd];
	[sflag:s21] =	ssyncadd.s32 $0xFFFFC000  }
0xf7: {  	[spmem:s2] =	stream.indirect.scatter.add.f32 [tilespmem:s19], [sflag:$0x5], $0x80, s7, s17, $0xb8;
	[tilespmem:$0x1D000] =	vst v63  }
0xf8: {  	_ =	swait.ge [sflag:s12], $0x4000  }
0xf9: {  	[sflag:s12] =	ssyncset.done $0x0  }
0xfa: {  	s8 =	rddreg [dreg:$0xe];
	[sflag:s12] =	ssyncadd.s32 $0xFFFFC000  }
0xfb: {  	[tilespmem:s19], [sflag:$0x4] =	stream.indirect.gather [hbm4b:s4+s17], $0x80, s8, s17, $0xb8;
	[tilespmem:$0x1D000] =	vst v63  }
0xfc: {  	_ =	swait.ge [sflag:s20], $0x4000  }
0xfd: {  	[sflag:s20] =	ssyncset.done $0x0  }
0xfe: {  	s7 =	rddreg [dreg:$0xf];
	[sflag:s20] =	ssyncadd.s32 $0xFFFFC000  }
0xff: {  	[spmem:s2] =	stream.indirect.scatter.add.f32 [tilespmem:s18], [sflag:$0x5], $0x80, s7, s17, $0xb8;
	[tilespmem:$0x1D000] =	vst v63  }
0x100: {  	_ =	swait.ge [sflag:s12], $0x4000  }
0x101: {  	[sflag:s12] =	ssyncset.done $0x0  }
0x102: {  	[sflag:s12] =	ssyncadd.s32 $0xFFFFC000  }
0x103: {  	_ =	swait.ge [sflag:s21], $0x4000  }
0x104: {  	[sflag:s21] =	ssyncset.done $0x0  }
0x105: {  	s8 =	rddreg [dreg:$0x10];
	[sflag:s21] =	ssyncadd.s32 $0xFFFFC000  }
0x106: {  	[spmem:s2] =	stream.indirect.scatter.add.f32 [tilespmem:s19], [sflag:$0x5], $0x80, s8, s17, $0xb8;
	[tilespmem:$0x1D000] =	vst v63  }
0x107: {  	p1 =	seq.s32 s30, $0x400;
	_ =	swait.ge [sflag:s12], $0x4000  }
0x108: {  	s1 =	sadd.s32 @!p1 s30, s5;
	s30 =	sadd.s32 @!p1 s30, s6;
	[sflag:s12] =	ssyncset.done $0x0  }
0x109: {  	s1 =	sadd.s32 @!p1 $0x100, s1;
	s7 =	simm.s32 @!p1 $0x0;
	[sflag:s12] =	ssyncadd.s32 $0xFFFFC000  }
0x10a: {  	[tilespmem:s7], [sflag:$0x1] =	stream.linear.gather @!p1 [hbm4b:s1+s7], $0x400, $0x38;
	[tilespmem:$0x1D000] =	vst v63  }
0x10b: {  	s8 =	simm.s32 @!p1 $0x400;
	s1 =	sadd.s32 @!p1 $0x100, s30  }
0x10c: {  	[tilespmem:s8], [sflag:$0x1] =	stream.linear.gather @!p1 [hbm4b:s1+s7], $0x400, $0x38;
	[tilespmem:$0x1D000] =	vst v63  }
0x10d: {  	_ =	swait.ge [sflag:s22], $0x400  }
0x10e: {  	[sflag:s22] =	ssyncset.done $0x0  }
0x10f: {  	[sflag:s22] =	ssyncadd.s32 $0xFFFFFC00  }
0x110: {  	_ =	swait.ge [sflag:s22], $0x400  }
0x111: {  	[sflag:s22] =	ssyncset.done $0x0  }
0x112: {  	[sflag:s22] =	ssyncadd.s32 $0xFFFFFC00  }
0x113: {  	[tilespmem:s18], [sflag:$0x3] =	stream.indirect.gather [hbm4b:s4+s17], $0x80, s14, s17, $0xb8;
	[tilespmem:$0x1D000] =	vst v63  }
0x114: {  	s1 =	rddreg [dreg:$0x11]  }
0x115: {  	[tilespmem:s19], [sflag:$0x4] =	stream.indirect.gather [hbm4b:s4+s17], $0x80, s1, s17, $0xb8;
	[tilespmem:$0x1D000] =	vst v63  }
0x116: {  	_ =	swait.ge [sflag:s20], $0x4000  }
0x117: {  	[sflag:s20] =	ssyncset.done $0x0  }
0x118: {  	[sflag:s20] =	ssyncadd.s32 $0xFFFFC000  }
0x119: {  	[spmem:s2] =	stream.indirect.scatter.add.f32 [tilespmem:s18], [sflag:$0x5], $0x80, s15, s17, $0xb8;
	[tilespmem:$0x1D000] =	vst v63  }
0x11a: {  	_ =	swait.ge [sflag:s12], $0x4000  }
0x11b: {  	[sflag:s12] =	ssyncset.done $0x0  }
0x11c: {  	s7 =	rddreg [dreg:$0x12];
	[sflag:s12] =	ssyncadd.s32 $0xFFFFC000  }
0x11d: {  	[tilespmem:s18], [sflag:$0x3] =	stream.indirect.gather [hbm4b:s4+s17], $0x80, s7, s17, $0xb8;
	[tilespmem:$0x1D000] =	vst v63  }
0x11e: {  	_ =	swait.ge [sflag:s21], $0x4000  }
0x11f: {  	[sflag:s21] =	ssyncset.done $0x0  }
0x120: {  	s8 =	rddreg [dreg:$0x13];
	[sflag:s21] =	ssyncadd.s32 $0xFFFFC000  }
0x121: {  	[spmem:s2] =	stream.indirect.scatter.add.f32 [tilespmem:s19], [sflag:$0x5], $0x80, s8, s17, $0xb8;
	[tilespmem:$0x1D000] =	vst v63  }
0x122: {  	_ =	swait.ge [sflag:s12], $0x4000  }
0x123: {  	[sflag:s12] =	ssyncset.done $0x0  }
0x124: {  	s1 =	rddreg [dreg:$0x14];
	[sflag:s12] =	ssyncadd.s32 $0xFFFFC000  }
0x125: {  	[tilespmem:s19], [sflag:$0x4] =	stream.indirect.gather [hbm4b:s4+s17], $0x80, s1, s17, $0xb8;
	[tilespmem:$0x1D000] =	vst v63  }
0x126: {  	_ =	swait.ge [sflag:s20], $0x4000  }
0x127: {  	[sflag:s20] =	ssyncset.done $0x0  }
0x128: {  	s7 =	rddreg [dreg:$0x15];
	[sflag:s20] =	ssyncadd.s32 $0xFFFFC000  }
0x129: {  	[spmem:s2] =	stream.indirect.scatter.add.f32 [tilespmem:s18], [sflag:$0x5], $0x80, s7, s17, $0xb8;
	[tilespmem:$0x1D000] =	vst v63  }
0x12a: {  	_ =	swait.ge [sflag:s12], $0x4000  }
0x12b: {  	[sflag:s12] =	ssyncset.done $0x0  }
0x12c: {  	s8 =	rddreg [dreg:$0x16];
	[sflag:s12] =	ssyncadd.s32 $0xFFFFC000  }
0x12d: {  	[tilespmem:s18], [sflag:$0x3] =	stream.indirect.gather [hbm4b:s4+s17], $0x80, s8, s17, $0xb8;
	[tilespmem:$0x1D000] =	vst v63  }
0x12e: {  	_ =	swait.ge [sflag:s21], $0x4000  }
0x12f: {  	[sflag:s21] =	ssyncset.done $0x0  }
0x130: {  	s1 =	rddreg [dreg:$0x17];
	[sflag:s21] =	ssyncadd.s32 $0xFFFFC000  }
0x131: {  	[spmem:s2] =	stream.indirect.scatter.add.f32 [tilespmem:s19], [sflag:$0x5], $0x80, s1, s17, $0xb8;
	[tilespmem:$0x1D000] =	vst v63  }
0x132: {  	_ =	swait.ge [sflag:s12], $0x4000  }
0x133: {  	[sflag:s12] =	ssyncset.done $0x0  }
0x134: {  	s7 =	rddreg [dreg:$0x18];
	[sflag:s12] =	ssyncadd.s32 $0xFFFFC000  }
0x135: {  	[tilespmem:s19], [sflag:$0x4] =	stream.indirect.gather [hbm4b:s4+s17], $0x80, s7, s17, $0xb8;
	[tilespmem:$0x1D000] =	vst v63  }
0x136: {  	_ =	swait.ge [sflag:s20], $0x4000  }
0x137: {  	[sflag:s20] =	ssyncset.done $0x0  }
0x138: {  	s8 =	rddreg [dreg:$0x19];
	[sflag:s20] =	ssyncadd.s32 $0xFFFFC000  }
0x139: {  	[spmem:s2] =	stream.indirect.scatter.add.f32 [tilespmem:s18], [sflag:$0x5], $0x80, s8, s17, $0xb8;
	[tilespmem:$0x1D000] =	vst v63  }
0x13a: {  	_ =	swait.ge [sflag:s12], $0x4000  }
0x13b: {  	[sflag:s12] =	ssyncset.done $0x0  }
0x13c: {  	[sflag:s12] =	ssyncadd.s32 $0xFFFFC000  }
0x13d: {  	[tilespmem:s18], [sflag:$0x3] =	stream.indirect.gather [hbm4b:s4+s17], $0x80, s23, s17, $0xb8;
	[tilespmem:$0x1D000] =	vst v63  }
0x13e: {  	_ =	swait.ge [sflag:s21], $0x4000  }
0x13f: {  	[sflag:s21] =	ssyncset.done $0x0  }
0x140: {  	[sflag:s21] =	ssyncadd.s32 $0xFFFFC000  }
0x141: {  	[spmem:s2] =	stream.indirect.scatter.add.f32 [tilespmem:s19], [sflag:$0x5], $0x80, s24, s17, $0xb8;
	[tilespmem:$0x1D000] =	vst v63  }
0x142: {  	_ =	swait.ge [sflag:s12], $0x4000  }
0x143: {  	[sflag:s12] =	ssyncset.done $0x0  }
0x144: {  	[sflag:s12] =	ssyncadd.s32 $0xFFFFC000  }
0x145: {  	[tilespmem:s19], [sflag:$0x4] =	stream.indirect.gather [hbm4b:s4+s17], $0x80, s25, s17, $0xb8;
	[tilespmem:$0x1D000] =	vst v63  }
0x146: {  	_ =	swait.ge [sflag:s20], $0x4000  }
0x147: {  	[sflag:s20] =	ssyncset.done $0x0  }
0x148: {  	[sflag:s20] =	ssyncadd.s32 $0xFFFFC000  }
0x149: {  	[spmem:s2] =	stream.indirect.scatter.add.f32 [tilespmem:s18], [sflag:$0x5], $0x80, s26, s17, $0xb8;
	[tilespmem:$0x1D000] =	vst v63  }
0x14a: {  	_ =	swait.ge [sflag:s12], $0x4000  }
0x14b: {  	[sflag:s12] =	ssyncset.done $0x0  }
0x14c: {  	s0 =	smov.u32 s31;
	s31 =	sadd.s32 $0x100, s31;
	[sflag:s12] =	ssyncadd.s32 $0xFFFFC000  }
0x14d: {  	p0 =	sne.s32 s31, $0x500;
	_ =	swait.ge [sflag:s21], $0x4000  }
.Ltmp0:
0x14e: {  	[sflag:s21] =	ssyncset.done $0x0;
	(pc) =	sbr.rel @p0 .LBB2_2-.Ltmp0, $4  }
0x14f: {  	[sflag:s21] =	ssyncadd.s32 $0xFFFFC000  }
0x150: {  	[spmem:s2] =	stream.indirect.scatter.add.f32 [tilespmem:s19], [sflag:$0x5], $0x80, s28, s17, $0xb8;
	[tilespmem:$0x1D000] =	vst v63  }
0x151: {  	s30 =	smov.u32 s0;
	_ =	swait.ge [sflag:s12], $0x4000  }
0x152: {  	s0 =	sadd.s32 s30, s5;
	[sflag:s12] =	ssyncset.done $0x0  }
0x153: {  	s0 =	sadd.s32 $0x80, s0;
	s1 =	sadd.s32 s30, s6;
	[sflag:s12] =	ssyncadd.s32 $0xFFFFC000  }
0x154: {  	[tilespmem:s14], [sflag:$0x2] =	stream.linear.gather [hbm4b:s0+s3], $0x400, $0x38;
	[tilespmem:$0x1D000] =	vst v63  }
0x155: {  	s7 =	sadd.s32 $0x80, s1  }
0x156: {  	[tilespmem:s15], [sflag:$0x2] =	stream.linear.gather [hbm4b:s7+s3], $0x400, $0x38;
	[tilespmem:$0x1D000] =	vst v63  }
0x157: {  	_ =	swait.ge [sflag:s16], $0x400  }
0x158: {  	[sflag:s16] =	ssyncset.done $0x0  }
0x159: {  	[sflag:s16] =	ssyncadd.s32 $0xFFFFFC00  }
0x15a: {  	_ =	swait.ge [sflag:s16], $0x400  }
0x15b: {  	[sflag:s16] =	ssyncset.done $0x0  }
0x15c: {  	[sflag:s16] =	ssyncadd.s32 $0xFFFFFC00  }
0x15d: {  	[tilespmem:s18], [sflag:$0x3] =	stream.indirect.gather [hbm4b:s4+s17], $0x80, s3, s17, $0xb8;
	[tilespmem:$0x1D000] =	vst v63  }
0x15e: {  	_ = 	snop  }
0x15f: {  	[tilespmem:s19], [sflag:$0x4] =	stream.indirect.gather [hbm4b:s4+s17], $0x80, s17, s17, $0xb8;
	[tilespmem:$0x1D000] =	vst v63  }
0x160: {  	_ =	swait.ge [sflag:s20], $0x4000  }
0x161: {  	[sflag:s20] =	ssyncset.done $0x0  }
0x162: {  	[sflag:s20] =	ssyncadd.s32 $0xFFFFC000  }
0x163: {  	[spmem:s2] =	stream.indirect.scatter.add.f32 [tilespmem:s18], [sflag:$0x5], $0x80, s13, s17, $0xb8;
	[tilespmem:$0x1D000] =	vst v63  }
0x164: {  	_ =	swait.ge [sflag:s12], $0x4000  }
0x165: {  	[sflag:s12] =	ssyncset.done $0x0  }
0x166: {  	s8 =	rddreg [dreg:$0x4];
	[sflag:s12] =	ssyncadd.s32 $0xFFFFC000  }
0x167: {  	[tilespmem:s18], [sflag:$0x3] =	stream.indirect.gather [hbm4b:s4+s17], $0x80, s8, s17, $0xb8;
	[tilespmem:$0x1D000] =	vst v63  }
0x168: {  	_ =	swait.ge [sflag:s21], $0x4000  }
0x169: {  	[sflag:s21] =	ssyncset.done $0x0  }
0x16a: {  	s31 =	rddreg [dreg:$0x5];
	[sflag:s21] =	ssyncadd.s32 $0xFFFFC000  }
0x16b: {  	[spmem:s2] =	stream.indirect.scatter.add.f32 [tilespmem:s19], [sflag:$0x5], $0x80, s31, s17, $0xb8;
	[tilespmem:$0x1D000] =	vst v63  }
0x16c: {  	_ =	swait.ge [sflag:s12], $0x4000  }
0x16d: {  	[sflag:s12] =	ssyncset.done $0x0  }
0x16e: {  	s1 =	rddreg [dreg:$0x6];
	[sflag:s12] =	ssyncadd.s32 $0xFFFFC000  }
0x16f: {  	[tilespmem:s19], [sflag:$0x4] =	stream.indirect.gather [hbm4b:s4+s17], $0x80, s1, s17, $0xb8;
	[tilespmem:$0x1D000] =	vst v63  }
0x170: {  	_ =	swait.ge [sflag:s20], $0x4000  }
0x171: {  	[sflag:s20] =	ssyncset.done $0x0  }
0x172: {  	s7 =	rddreg [dreg:$0x7];
	[sflag:s20] =	ssyncadd.s32 $0xFFFFC000  }
0x173: {  	[spmem:s2] =	stream.indirect.scatter.add.f32 [tilespmem:s18], [sflag:$0x5], $0x80, s7, s17, $0xb8;
	[tilespmem:$0x1D000] =	vst v63  }
0x174: {  	_ =	swait.ge [sflag:s12], $0x4000  }
0x175: {  	[sflag:s12] =	ssyncset.done $0x0  }
0x176: {  	s8 =	rddreg [dreg:$0x8];
	[sflag:s12] =	ssyncadd.s32 $0xFFFFC000  }
0x177: {  	[tilespmem:s18], [sflag:$0x3] =	stream.indirect.gather [hbm4b:s4+s17], $0x80, s8, s17, $0xb8;
	[tilespmem:$0x1D000] =	vst v63  }
0x178: {  	_ =	swait.ge [sflag:s21], $0x4000  }
0x179: {  	[sflag:s21] =	ssyncset.done $0x0  }
0x17a: {  	s31 =	rddreg [dreg:$0x9];
	[sflag:s21] =	ssyncadd.s32 $0xFFFFC000  }
0x17b: {  	[spmem:s2] =	stream.indirect.scatter.add.f32 [tilespmem:s19], [sflag:$0x5], $0x80, s31, s17, $0xb8;
	[tilespmem:$0x1D000] =	vst v63  }
0x17c: {  	_ =	swait.ge [sflag:s12], $0x4000  }
0x17d: {  	[sflag:s12] =	ssyncset.done $0x0  }
0x17e: {  	s1 =	rddreg [dreg:$0xa];
	[sflag:s12] =	ssyncadd.s32 $0xFFFFC000  }
0x17f: {  	[tilespmem:s19], [sflag:$0x4] =	stream.indirect.gather [hbm4b:s4+s17], $0x80, s1, s17, $0xb8;
	[tilespmem:$0x1D000] =	vst v63  }
0x180: {  	_ =	swait.ge [sflag:s20], $0x4000  }
0x181: {  	[sflag:s20] =	ssyncset.done $0x0  }
0x182: {  	s7 =	rddreg [dreg:$0xb];
	[sflag:s20] =	ssyncadd.s32 $0xFFFFC000  }
0x183: {  	[spmem:s2] =	stream.indirect.scatter.add.f32 [tilespmem:s18], [sflag:$0x5], $0x80, s7, s17, $0xb8;
	[tilespmem:$0x1D000] =	vst v63  }
0x184: {  	_ =	swait.ge [sflag:s12], $0x4000  }
0x185: {  	[sflag:s12] =	ssyncset.done $0x0  }
0x186: {  	s8 =	rddreg [dreg:$0xc];
	[sflag:s12] =	ssyncadd.s32 $0xFFFFC000  }
0x187: {  	[tilespmem:s18], [sflag:$0x3] =	stream.indirect.gather [hbm4b:s4+s17], $0x80, s8, s17, $0xb8;
	[tilespmem:$0x1D000] =	vst v63  }
0x188: {  	_ =	swait.ge [sflag:s21], $0x4000  }
0x189: {  	[sflag:s21] =	ssyncset.done $0x0  }
0x18a: {  	s31 =	rddreg [dreg:$0xd];
	[sflag:s21] =	ssyncadd.s32 $0xFFFFC000  }
0x18b: {  	[spmem:s2] =	stream.indirect.scatter.add.f32 [tilespmem:s19], [sflag:$0x5], $0x80, s31, s17, $0xb8;
	[tilespmem:$0x1D000] =	vst v63  }
0x18c: {  	_ =	swait.ge [sflag:s12], $0x4000  }
0x18d: {  	[sflag:s12] =	ssyncset.done $0x0  }
0x18e: {  	s1 =	rddreg [dreg:$0xe];
	[sflag:s12] =	ssyncadd.s32 $0xFFFFC000  }
0x18f: {  	[tilespmem:s19], [sflag:$0x4] =	stream.indirect.gather [hbm4b:s4+s17], $0x80, s1, s17, $0xb8;
	[tilespmem:$0x1D000] =	vst v63  }
0x190: {  	_ =	swait.ge [sflag:s20], $0x4000  }
0x191: {  	[sflag:s20] =	ssyncset.done $0x0  }
0x192: {  	s7 =	rddreg [dreg:$0xf];
	[sflag:s20] =	ssyncadd.s32 $0xFFFFC000  }
0x193: {  	[spmem:s2] =	stream.indirect.scatter.add.f32 [tilespmem:s18], [sflag:$0x5], $0x80, s7, s17, $0xb8;
	[tilespmem:$0x1D000] =	vst v63  }
0x194: {  	_ =	swait.ge [sflag:s12], $0x4000  }
0x195: {  	[sflag:s12] =	ssyncset.done $0x0  }
0x196: {  	[sflag:s12] =	ssyncadd.s32 $0xFFFFC000  }
0x197: {  	_ =	swait.ge [sflag:s21], $0x4000  }
0x198: {  	[sflag:s21] =	ssyncset.done $0x0  }
0x199: {  	p0 =	seq.s32 s30, $0x400;
	s8 =	rddreg [dreg:$0x10];
	[sflag:s21] =	ssyncadd.s32 $0xFFFFC000  }
0x19a: {  	[spmem:s2] =	stream.indirect.scatter.add.f32 [tilespmem:s19], [sflag:$0x5], $0x80, s8, s17, $0xb8;
	[tilespmem:$0x1D000] =	vst v63  }
0x19b: {  	s0 =	sadd.s32 @!p0 s30, s5;
	_ =	swait.ge [sflag:s12], $0x4000  }
0x19c: {  	s0 =	sadd.s32 @!p0 $0x100, s0;
	[sflag:s12] =	ssyncset.done $0x0  }
0x19d: {  	s1 =	sadd.s32 @!p0 s30, s6;
	s7 =	simm.s32 @!p0 $0x0;
	[sflag:s12] =	ssyncadd.s32 $0xFFFFC000  }
0x19e: {  	[tilespmem:s7], [sflag:$0x1] =	stream.linear.gather @!p0 [hbm4b:s0+s7], $0x400, $0x38;
	[tilespmem:$0x1D000] =	vst v63  }
0x19f: {  	s0 =	sadd.s32 @!p0 $0x100, s1;
	s1 =	simm.s32 @!p0 $0x400  }
0x1a0: {  	[tilespmem:s1], [sflag:$0x1] =	stream.linear.gather @!p0 [hbm4b:s0+s7], $0x400, $0x38;
	[tilespmem:$0x1D000] =	vst v63  }
0x1a1: {  	_ =	swait.ge [sflag:s22], $0x400  }
0x1a2: {  	[sflag:s22] =	ssyncset.done $0x0  }
0x1a3: {  	[sflag:s22] =	ssyncadd.s32 $0xFFFFFC00  }
0x1a4: {  	_ =	swait.ge [sflag:s22], $0x400  }
0x1a5: {  	[sflag:s22] =	ssyncset.done $0x0  }
0x1a6: {  	[sflag:s22] =	ssyncadd.s32 $0xFFFFFC00  }
0x1a7: {  	[tilespmem:s18], [sflag:$0x3] =	stream.indirect.gather [hbm4b:s4+s17], $0x80, s14, s17, $0xb8;
	[tilespmem:$0x1D000] =	vst v63  }
0x1a8: {  	s31 =	rddreg [dreg:$0x11]  }
0x1a9: {  	[tilespmem:s19], [sflag:$0x4] =	stream.indirect.gather [hbm4b:s4+s17], $0x80, s31, s17, $0xb8;
	[tilespmem:$0x1D000] =	vst v63  }
0x1aa: {  	_ =	swait.ge [sflag:s20], $0x4000  }
0x1ab: {  	[sflag:s20] =	ssyncset.done $0x0  }
0x1ac: {  	[sflag:s20] =	ssyncadd.s32 $0xFFFFC000  }
0x1ad: {  	[spmem:s2] =	stream.indirect.scatter.add.f32 [tilespmem:s18], [sflag:$0x5], $0x80, s15, s17, $0xb8;
	[tilespmem:$0x1D000] =	vst v63  }
0x1ae: {  	_ =	swait.ge [sflag:s12], $0x4000  }
0x1af: {  	[sflag:s12] =	ssyncset.done $0x0  }
0x1b0: {  	s1 =	rddreg [dreg:$0x12];
	[sflag:s12] =	ssyncadd.s32 $0xFFFFC000  }
0x1b1: {  	[tilespmem:s18], [sflag:$0x3] =	stream.indirect.gather [hbm4b:s4+s17], $0x80, s1, s17, $0xb8;
	[tilespmem:$0x1D000] =	vst v63  }
0x1b2: {  	_ =	swait.ge [sflag:s21], $0x4000  }
0x1b3: {  	[sflag:s21] =	ssyncset.done $0x0  }
0x1b4: {  	s7 =	rddreg [dreg:$0x13];
	[sflag:s21] =	ssyncadd.s32 $0xFFFFC000  }
0x1b5: {  	[spmem:s2] =	stream.indirect.scatter.add.f32 [tilespmem:s19], [sflag:$0x5], $0x80, s7, s17, $0xb8;
	[tilespmem:$0x1D000] =	vst v63  }
0x1b6: {  	_ =	swait.ge [sflag:s12], $0x4000  }
0x1b7: {  	[sflag:s12] =	ssyncset.done $0x0  }
0x1b8: {  	s8 =	rddreg [dreg:$0x14];
	[sflag:s12] =	ssyncadd.s32 $0xFFFFC000  }
0x1b9: {  	[tilespmem:s19], [sflag:$0x4] =	stream.indirect.gather [hbm4b:s4+s17], $0x80, s8, s17, $0xb8;
	[tilespmem:$0x1D000] =	vst v63  }
0x1ba: {  	_ =	swait.ge [sflag:s20], $0x4000  }
0x1bb: {  	[sflag:s20] =	ssyncset.done $0x0  }
0x1bc: {  	s30 =	rddreg [dreg:$0x15];
	[sflag:s20] =	ssyncadd.s32 $0xFFFFC000  }
0x1bd: {  	[spmem:s2] =	stream.indirect.scatter.add.f32 [tilespmem:s18], [sflag:$0x5], $0x80, s30, s17, $0xb8;
	[tilespmem:$0x1D000] =	vst v63  }
0x1be: {  	_ =	swait.ge [sflag:s12], $0x4000  }
0x1bf: {  	[sflag:s12] =	ssyncset.done $0x0  }
0x1c0: {  	s31 =	rddreg [dreg:$0x16];
	[sflag:s12] =	ssyncadd.s32 $0xFFFFC000  }
0x1c1: {  	[tilespmem:s18], [sflag:$0x3] =	stream.indirect.gather [hbm4b:s4+s17], $0x80, s31, s17, $0xb8;
	[tilespmem:$0x1D000] =	vst v63  }
0x1c2: {  	_ =	swait.ge [sflag:s21], $0x4000  }
0x1c3: {  	[sflag:s21] =	ssyncset.done $0x0  }
0x1c4: {  	s1 =	rddreg [dreg:$0x17];
	[sflag:s21] =	ssyncadd.s32 $0xFFFFC000  }
0x1c5: {  	[spmem:s2] =	stream.indirect.scatter.add.f32 [tilespmem:s19], [sflag:$0x5], $0x80, s1, s17, $0xb8;
	[tilespmem:$0x1D000] =	vst v63  }
0x1c6: {  	_ =	swait.ge [sflag:s12], $0x4000  }
0x1c7: {  	[sflag:s12] =	ssyncset.done $0x0  }
0x1c8: {  	s7 =	rddreg [dreg:$0x18];
	[sflag:s12] =	ssyncadd.s32 $0xFFFFC000  }
0x1c9: {  	[tilespmem:s19], [sflag:$0x4] =	stream.indirect.gather [hbm4b:s4+s17], $0x80, s7, s17, $0xb8;
	[tilespmem:$0x1D000] =	vst v63  }
0x1ca: {  	_ =	swait.ge [sflag:s20], $0x4000  }
0x1cb: {  	[sflag:s20] =	ssyncset.done $0x0  }
0x1cc: {  	s8 =	rddreg [dreg:$0x19];
	[sflag:s20] =	ssyncadd.s32 $0xFFFFC000  }
0x1cd: {  	[spmem:s2] =	stream.indirect.scatter.add.f32 [tilespmem:s18], [sflag:$0x5], $0x80, s8, s17, $0xb8;
	[tilespmem:$0x1D000] =	vst v63  }
0x1ce: {  	_ =	swait.ge [sflag:s12], $0x4000  }
0x1cf: {  	[sflag:s12] =	ssyncset.done $0x0  }
0x1d0: {  	[sflag:s12] =	ssyncadd.s32 $0xFFFFC000  }
0x1d1: {  	[tilespmem:s18], [sflag:$0x3] =	stream.indirect.gather [hbm4b:s4+s17], $0x80, s23, s17, $0xb8;
	[tilespmem:$0x1D000] =	vst v63  }
0x1d2: {  	_ =	swait.ge [sflag:s21], $0x4000  }
0x1d3: {  	[sflag:s21] =	ssyncset.done $0x0  }
0x1d4: {  	[sflag:s21] =	ssyncadd.s32 $0xFFFFC000  }
0x1d5: {  	[spmem:s2] =	stream.indirect.scatter.add.f32 [tilespmem:s19], [sflag:$0x5], $0x80, s24, s17, $0xb8;
	[tilespmem:$0x1D000] =	vst v63  }
0x1d6: {  	_ =	swait.ge [sflag:s12], $0x4000  }
0x1d7: {  	[sflag:s12] =	ssyncset.done $0x0  }
0x1d8: {  	[sflag:s12] =	ssyncadd.s32 $0xFFFFC000  }
0x1d9: {  	[tilespmem:s19], [sflag:$0x4] =	stream.indirect.gather [hbm4b:s4+s17], $0x80, s25, s17, $0xb8;
	[tilespmem:$0x1D000] =	vst v63  }
0x1da: {  	_ =	swait.ge [sflag:s20], $0x4000  }
0x1db: {  	[sflag:s20] =	ssyncset.done $0x0  }
0x1dc: {  	[sflag:s20] =	ssyncadd.s32 $0xFFFFC000  }
0x1dd: {  	[spmem:s2] =	stream.indirect.scatter.add.f32 [tilespmem:s18], [sflag:$0x5], $0x80, s26, s17, $0xb8;
	[tilespmem:$0x1D000] =	vst v63  }
0x1de: {  	_ =	swait.ge [sflag:s12], $0x4000  }
0x1df: {  	[sflag:s12] =	ssyncset.done $0x0  }
0x1e0: {  	[sflag:s12] =	ssyncadd.s32 $0xFFFFC000  }
0x1e1: {  	_ =	swait.ge [sflag:s21], $0x4000  }
0x1e2: {  	[sflag:s21] =	ssyncset.done $0x0  }
0x1e3: {  	[sflag:s21] =	ssyncadd.s32 $0xFFFFC000  }
0x1e4: {  	[spmem:s2] =	stream.indirect.scatter.add.f32 [tilespmem:s19], [sflag:$0x5], $0x80, s28, s17, $0xb8;
	[tilespmem:$0x1D000] =	vst v63  }
0x1e5: {  	_ =	swait.ge [sflag:s12], $0x4000  }
0x1e6: {  	[sflag:s12] =	ssyncset.done $0x0  }
0x1e7: {  	[sflag:s12] =	ssyncadd.s32 $0xFFFFC000  }
0x1e8: {  	[bflag:$0x0] =	sbarrier.arrive $0xFFFF  }
0x1e9: {  	s30 =	rddreg [dreg:$0x1a]  }
0x1ea: {  	[hbm:s30], [sflag:s10] =	dma.local [spmem:s11], $0x2800  }
0x1eb: {  	_ =	swait.ge [sflag:s12], $0x2800  }
0x1ec: {  	s29 =	sadd.s32 $0x1, s29;
	s31 =	rddreg [dreg:$0x1b]  }
0x1ed: {  	p0 =	sne.s32 s29, s31  }
.Ltmp1:
0x1ee: {  	_ = 	snop;
	(pc) =	sbr.rel @p0 .LBB2_1-.Ltmp1, $3  }
0x1ef: {  	_ =	sdelay $0x1  }
0x1f0: {  	[sflag:s12] =	ssyncset.done $0x0  }
0x1f1: {  	[sflag:s12] =	ssyncadd.s32 $0xFFFFD800  }
0x1f2: {  	_ =	sfence.sel $0x180000  }
0x1f3: {  	[bflag:$0x0] =	sbarrier.arrive $0xFFFF  }
0x1f4: {  	_ =	strace $0x9000004A  }
0x1f5: {  	s0 =	stileid.u32;
	[bflag:$0x2] =	sbarrier.arrive $0xFFFF  }
0x1f6: {  	p0 =	sne.s32 s0, $0x0;
	s0 =	rddreg [dreg:$0x3]  }
0x1f7: {  	s0 =	sadd.s32 @!p0 $0x100000, s0  }
0x1f8: {  	[sflag:s0] =	ssyncadd.tile.s32 @!p0 $0x1;
	_ =	shalt  }
.Lfunc_end2:
_tile_overlayer_lowered:
.L_overlay_start_2:
0x1f9: {  	(tag) =	ssettag $0x2  }
0x1fa: {  	s0 =	rddreg [dreg:$0x0];
	s2 =	stileid.u32  }
0x1fb: {  	s1 =	rddreg [dreg:$0x1];
	p0 =	sne.s32 s2, $0x0  }
0x1fc: {  	s3 =	rddreg [dreg:$0x2];
	[bflag:$0x3] =	sbarrier.arrive $0xFFFF;
	s2 =	simm.s32 @!p0 $0x1C05  }
0x1fd: {  	[timem:s3], [sflag:s2] =	dma.local @!p0 [hbm:s0], s1  }
0x1fe: {  	s0 =	simm.s32 @!p0 $0x5  }
0x1ff: {  	_ =	swait.ge @!p0 [sflag:s0], s1  }
0x200: {  	s1 =	ssub.s32 @!p0 $0x0, s1;
	[sflag:s0] =	ssyncset.done @!p0 $0x0  }
0x201: {  	[sflag:s0] =	ssyncadd.s32 @!p0 s1  }
0x202: {  	[bflag:$0x3] =	sbarrier.arrive $0xFFFF  }
0x203: {  	_ =	shalt  }

// kernel: kernel.14.cloned.1.call-start
scs
__scs_entry_jumppad:
0x0: {  	(pc) =	sbr.rel $0x88, $3  }
0x1: {  	(tag) =	ssettag $0x0;
	lr =	simm.s32 $0x1  }
0x2: {  	[smem:$0x3F9B] =	sst lr;
	_ =	strace $0xD0000000  }
0x3: {  	_ = 	snop  }
0x4: {  	_ = 	snop  }
0x5: {  	_ = 	snop  }
0x6: {  	_ = 	snop  }
0x7: {  	_ = 	snop  }
__scs_overlays_trampoline_lowered:
0x8: {  	[smem:$0x3FAA] =	sst s0  }
0x9: {  	[smem:$0x3FAB] =	sst s1  }
0xa: {  	[smem:$0x3FAC] =	sst s2  }
0xb: {  	[smem:$0x3FAD] =	sst s3  }
0xc: {  	[smem:$0x3FAE] =	sst s4  }
0xd: {  	[smem:$0x3FAF] =	sst s5  }
0xe: {  	[smem:$0x3FB0] =	sst s6  }
0xf: {  	[smem:$0x3FB1] =	sst s7  }
0x10: {  	[smem:$0x3FB2] =	sst s8  }
0x11: {  	[smem:$0x3FB3] =	sst s9;
	s0 =	simm.s32 @!p0 $0x0  }
0x12: {  	s1 =	sld [smem:$0x3F99];
	s0 =	simm.s32 @p0 $0x1  }
0x13: {  	[smem:$0x3FB4] =	sst s0;
	s0 =	simm.s32 @!p1 $0x0  }
0x14: {  	s2 =	sld [smem:$0x3F98];
	s0 =	simm.s32 @p1 $0x1  }
0x15: {  	[smem:$0x3FB5] =	sst s0;
	s0 =	simm.s32 @!p2 $0x0  }
0x16: {  	s3 =	sld [smem:$0x3FDB];
	s0 =	simm.s32 @p2 $0x1  }
0x17: {  	s4 =	simm.s32 $0x1BF5;
	[smem:$0x3FB7] =	sst s0  }
0x18: {  	s0 =	sld [smem:$0x3F9A];
	_ =	swait.ge [sflag:s4], $0x0  }
0x19: {  	s7 =	sld [smem:$0x3F9B]  }
0x1a: {  	s8 =	sadd.s32 $0xFFFFE003, lr  }
0x1b: {  	s9 =	sadd.s32 $0xFFFFFEF7, lr;
	s5 =	simm.s32 $0xFFFFFFFF;
	p2 =	slt.u32 s8, $0xFFFFF086  }
0x1c: {  	p1 =	slt.u32 s9, $0xF7A;
	s5 =	simm.s32 @!p2 $0x0  }
0x1d: {  	s5 =	simm.s32 @p1 $0x1;
	p0 =	seq.s32 s7, s2  }
0x1e: {  	s7 =	smul.u32 @!p0 $0xF7A, s2;
	p2 =	seq.s32 @!p0 s5, $0x0  }
0x1f: {  	s9 =	smul.u32 $0xF7A, s1;
	s8 =	simm.s32 @!p0 $0x1BF5;
	p2 =	por !p2, p0  }
0x20: {  	[sflag:s8] =	ssyncset.s32 @!p0 $0xFFFFF086;
	s6 =	sadd.s32 @!p0 s3, s7;
	s7 =	simm.s32 @!p0 $0x108  }
0x21: {  	s3 =	sadd.s32 s3, s9;
	s6 =	sadd.s32 @!p0 $0x88, s6;
	s7 =	simm.s32 @p2 $0x1082  }
0x22: {  	[simem:s7], [sflag:s8] =	dma.local @!p0 [hbm:s6], $0xF7A  }
0x23: {  	s9 =	sor.u32 $0xD0000000, s2;
	s6 =	simm.s32 $0x108;
	_ =	swait.ge @!p0 [sflag:s8], $0x0  }
0x24: {  	s3 =	sadd.s32 $0x88, s3;
	s6 =	simm.s32 @!p1 $0x1082;
	[sflag:s4] =	ssyncset.s32 $0xFFFFF086  }
0x25: {  	[simem:s6], [sflag:s4] =	dma.local [hbm:s3], $0xF7A  }
0x26: {  	[smem:$0x3F9B] =	sst s1;
	(tag) =	ssettag s2;
	_ =	strace s9  }
0x27: {  	s1 =	sld [smem:$0x3FAB]  }
0x28: {  	s2 =	sld [smem:$0x3FAC]  }
0x29: {  	s4 =	sld [smem:$0x3FAE]  }
0x2a: {  	p0 =	seq.s32 s5, $0x0;
	s5 =	sld [smem:$0x3FAF]  }
0x2b: {  	s6 =	sld [smem:$0x3FB0]  }
0x2c: {  	s7 =	sld [smem:$0x3FB1]  }
0x2d: {  	s3 =	simm.s32 $0x108;
	s8 =	sld [smem:$0x3FB2]  }
0x2e: {  	s3 =	simm.s32 @!p0 $0x1082;
	s9 =	sld [smem:$0x3FB3]  }
0x2f: {  	lr =	sadd.s32 s0, s3;
	s0 =	sld [smem:$0x3FAA]  }
0x30: {  	s3 =	sld [smem:$0x3FAD]  }
0x31: {  	[smem:$0x3FB6] =	sst s10  }
0x32: {  	s10 =	sld [smem:$0x3FB4];
	_ =	sdelay $0x3  }
0x33: {  	p0 =	seq.s32 s10, $0x1;
	s10 =	sld [smem:$0x3FB6];
	_ =	sdelay $0x3  }
0x34: {  	[smem:$0x3FB6] =	sst s10  }
0x35: {  	s10 =	sld [smem:$0x3FB5];
	_ =	sdelay $0x3  }
0x36: {  	p1 =	seq.s32 s10, $0x1;
	s10 =	sld [smem:$0x3FB6];
	_ =	sdelay $0x3  }
0x37: {  	[smem:$0x3FB6] =	sst s10  }
0x38: {  	s10 =	sld [smem:$0x3FB7]  }
0x39: {  	_ = 	snop;
	(pc) =	sbr.ind lr, $3  }
0x3a: {  	_ = 	snop  }
0x3b: {  	_ = 	snop  }
0x3c: {  	p2 =	seq.s32 s10, $0x1;
	s10 =	sld [smem:$0x3FB6]  }
0x3d: {  	_ =	shalt  }
0x3e: {  	_ =	shalt  }
0x3f: {  	_ =	shalt  }
0x40: {  	_ =	shalt  }
0x41: {  	_ =	shalt  }
0x42: {  	_ =	shalt  }
0x43: {  	_ =	shalt  }
0x44: {  	_ =	shalt  }
0x45: {  	_ =	shalt  }
0x46: {  	_ =	shalt  }
0x47: {  	_ =	shalt  }
0x48: {  	_ =	shalt  }
0x49: {  	_ =	shalt  }
0x4a: {  	_ =	shalt  }
0x4b: {  	_ =	shalt  }
0x4c: {  	_ =	shalt  }
0x4d: {  	_ =	shalt  }
0x4e: {  	_ =	shalt  }
0x4f: {  	_ =	shalt  }
0x50: {  	_ =	shalt  }
0x51: {  	_ =	shalt  }
0x52: {  	_ =	shalt  }
0x53: {  	_ =	shalt  }
0x54: {  	_ =	shalt  }
0x55: {  	_ =	shalt  }
0x56: {  	_ =	shalt  }
0x57: {  	_ =	shalt  }
0x58: {  	_ =	shalt  }
0x59: {  	_ =	shalt  }
0x5a: {  	_ =	shalt  }
0x5b: {  	_ =	shalt  }
0x5c: {  	_ =	shalt  }
0x5d: {  	_ =	shalt  }
0x5e: {  	_ =	shalt  }
0x5f: {  	_ =	shalt  }
0x60: {  	_ =	shalt  }
0x61: {  	_ =	shalt  }
0x62: {  	_ =	shalt  }
0x63: {  	_ =	shalt  }
0x64: {  	_ =	shalt  }
0x65: {  	_ =	shalt  }
0x66: {  	_ =	shalt  }
0x67: {  	_ =	shalt  }
0x68: {  	_ =	shalt  }
0x69: {  	_ =	shalt  }
0x6a: {  	_ =	shalt  }
0x6b: {  	_ =	shalt  }
0x6c: {  	_ =	shalt  }
0x6d: {  	_ =	shalt  }
0x6e: {  	_ =	shalt  }
0x6f: {  	_ =	shalt  }
0x70: {  	_ =	shalt  }
0x71: {  	_ =	shalt  }
0x72: {  	_ =	shalt  }
0x73: {  	_ =	shalt  }
0x74: {  	_ =	shalt  }
0x75: {  	_ =	shalt  }
0x76: {  	_ =	shalt  }
0x77: {  	_ =	shalt  }
0x78: {  	_ =	shalt  }
0x79: {  	_ =	shalt  }
0x7a: {  	_ =	shalt  }
0x7b: {  	_ =	shalt  }
0x7c: {  	_ =	shalt  }
0x7d: {  	_ =	shalt  }
0x7e: {  	_ =	shalt  }
0x7f: {  	_ =	shalt  }
0x80: {  	_ =	shalt  }
0x81: {  	_ =	shalt  }
0x82: {  	_ =	shalt  }
0x83: {  	_ =	shalt  }
0x84: {  	_ =	shalt  }
0x85: {  	_ =	shalt  }
0x86: {  	_ =	shalt  }
0x87: {  	_ =	shalt  }
.Lfunc_end0:
.L_simem_size_0:
called_computation.2_lowered:
.L_overlay_start_0:
0x88: {  	s2 =	sld [smem:$0x3FD9]  }
0x89: {  	s3 =	sld [smem:$0x3FFE];
	_ =	sdelay $0x1  }
0x8a: {  	s1 =	srdreg.scid  }
0x8b: {  	s0 =	sand.u32 $0x1, s1  }
0x8c: {  	s17 =	sshll.u32 s0, $0xA;
	s2 =	sadd.s32 s3, s2  }
0x8d: {  	s2 =	sadd.s32 s2, s17  }
0x8e: {  	[smem:$0x3FC2] =	sst s2  }
0x8f: {  	_ = 	snop  }
0x90: {  	s2 =	sld [smem:$0x3FD0];
	(tm) =	ssettm $0x1  }
0x91: {  	s18 =	sld [smem:$0x3FFB];
	_ =	sdelay $0x3  }
0x92: {  	_ =	strace s18  }
0x93: {  	s3 =	sld [smem:$0x3FFC];
	_ =	sdelay $0x3  }
0x94: {  	_ =	strace s3  }
0x95: {  	s3 =	sld [smem:$0x3FFD];
	_ =	sdelay $0x3  }
0x96: {  	_ =	strace s3  }
0x97: {  	_ =	strace $0x8FFFFFFF  }
0x98: {  	s19 =	sld [smem:$0x3FDB];
	_ =	sdelay $0x1  }
0x99: {  	s4 =	simm.s32 $_scs_section_size  }
0x9a: {  	s5 =	simm.s32 $_size__tile_overlayer_lowered;
	s6 =	simm.s32 $_tile_overlayer_lowered  }
0x9b: {  	s22 =	simm.s32 $0x1BFF;
	s21 =	sshll.u32 s6, $0x1;
	s3 =	sadd.s32 s4, s19  }
0x9c: {  	s7 =	simm.s32 $0x0;
	s20 =	sshll.u32 s5, $0x1;
	s5 =	sadd.s32 s21, s3  }
0x9d: {  	[timem:s7], [sflag:s22] =	dma.local [hbm:s5], s20  }
0x9e: {  	_ =	swait.ge [sflag:s22], s20  }
0x9f: {  	s4 =	ssub.s32 $0x0, s20;
	[sflag:s22] =	ssyncset.done $0x0  }
0xa0: {  	[sflag:s22] =	ssyncadd.s32 s4;
	_ =	sdelay $0x1  }
0xa1: {  	s23 =	simm.s32 $0x1B8B  }
0xa2: {  	_ =	swait.ge [sflag:s23], $0x1  }
0xa3: {  	[sflag:s23] =	ssyncset.done $0x0  }
0xa4: {  	s25 =	simm.s32 $0x1B8E;
	s24 =	sld [smem:$0x3FFE];
	[sflag:s23] =	ssyncadd.s32 $0xFFFFFFFF  }
0xa5: {  	s26 =	simm.s32 $execute0_lowered;
	[smem:$0x3FD2] =	sst s25  }
0xa6: {  	s5 =	sshll.u32 s26, $0x1;
	_ =	strace $0x8000004C;
	[dreg:$0x1] =	wrdreg $0xFFFFFFFF  }
0xa7: {  	s28 =	simm.s32 $_size_execute0_lowered;
	s3 =	sadd.s32 s3, s5;
	[dreg:$0x0] =	wrdreg $0x0  }
0xa8: {  	s5 =	sshll.u32 s28, $0x1;
	[dreg:$0x2] =	wrdreg s3  }
0xa9: {  	[dreg:$0x3] =	wrdreg s5  }
0xaa: {  	[dreg:$0x4] =	wrdreg $0xC0  }
0xab: {  	_ =	task [dreg:s7], $0x5FFFF  }
0xac: {  	[dreg:$0x1] =	wrdreg $0xFFFFFFFF  }
0xad: {  	[dreg:$0x0] =	wrdreg $0x60  }
0xae: {  	[dreg:$0x2] =	wrdreg s24  }
0xaf: {  	[dreg:$0x3] =	wrdreg s2  }
0xb0: {  	[dreg:$0x4] =	wrdreg $0x90000  }
0xb1: {  	[dreg:$0x5] =	wrdreg $0x9  }
0xb2: {  	_ =	task.clear_ibuf [dreg:s7], $0x6FFFF;
	_ =	strace $0x9000004C  }
0xb3: {  	s29 =	simm.s32 $0x9;
	_ =	strace $0x8000004E  }
0xb4: {  	_ =	swait.ge [sflag:s29], $0x1  }
0xb5: {  	[sflag:s29] =	ssyncadd.s32 $0xFFFFFFFF  }
0xb6: {  	_ =	strace $0x9000004E  }
0xb7: {  	_ =	sfence  }
0xb8: {  	s30 =	sld [smem:$0x0];
	_ =	sdelay $0x2  }
0xb9: {  	s31 =	sshll.u32 s1, $0xD;
	s1 =	sshrl.u32 s1, $0x2  }
0xba: {  	s3 =	sand.u32 $0x4000, s31;
	s1 =	sadd.s32 s1, s30  }
0xbb: {  	s0 =	sor.u32 s3, s0;
	s1 =	sshll.u32 s1, $0x11  }
0xbc: {  	s0 =	sor.u32 s1, s0  }
0xbd: {  	s0 =	sadd.s32 $0x8F2B, s0  }
0xbe: {  	[sflag:s0] =	ssyncadd.remote.s32 $0x1  }
0xbf: {  	_ =	sfence.sel $0xFFFF  }
0xc0: {  	[dreg:$0x0] =	wrdreg $0xFFFFFFFF;
	(pc) =	sbr.abs _section_cstart, $3  }
0xc1: {  	[dreg:$0x1] =	wrdreg $0xFFFFFFFF  }
0xc2: {  	_ =	task.clear_ibuf [dreg:s7], $0x2FFFF;
	_ =	strace $0x9FFFFFFF  }
0xc3: {  	(tm) =	ssettm $0x7FFFFFFF  }
tec
execute0_lowered:
.L_overlay_start_1:
0x0: {  	(tag) =	ssettag $0x1  }
0x1: {  	s0 =	rddreg [dreg:$0x0]  }
0x2: {  	s5 =	rddreg [dreg:$0x1]  }
0x3: {  	s2 =	rddreg [dreg:$0x2];
	s1 =	stileid.u32  }
0x4: {  	s3 =	simm.s32 $0x0;
	s4 =	srdreg.scid;
	s23 =	simm.s32 $0x100  }
0x5: {  	s25 =	simm.s32 $0x480;
	s26 =	simm.s32 $0x180;
	[smem:$0x7FF] =	sst s3  }
0x6: {  	s30 =	simm.s32 $0x500;
	_ =	strace $0x8000004D;
	[dreg:$0x4] =	wrdreg s23  }
0x7: {  	s31 =	simm.s32 $0x200;
	s14 =	simm.s32 $0x300;
	[dreg:$0x5] =	wrdreg s25  }
0x8: {  	s15 =	simm.s32 $0x680;
	s17 =	simm.s32 $0x380;
	[dreg:$0x6] =	wrdreg s26  }
0x9: {  	s18 =	simm.s32 $0x700;
	s19 =	simm.s32 $0x780;
	[dreg:$0x7] =	wrdreg s30  }
0xa: {  	s20 =	simm.s32 $0x880;
	s28 =	simm.s32 $0xF80;
	[dreg:$0x8] =	wrdreg s31  }
0xb: {  	s29 =	simm.s32 $0x0;
	s6 =	smul.u32 $0x500, s1;
	[dreg:$0xc] =	wrdreg s14  }
0xc: {  	s7 =	sand.u32 $0x1, s4;
	s21 =	smul.u32 $0x14000, s1;
	[dreg:$0xd] =	wrdreg s15  }
0xd: {  	s4 =	sadd.s32 $0x34800, s0;
	s12 =	smul.u32 $0x50000, s1;
	[dreg:$0xe] =	wrdreg s17  }
0xe: {  	s11 =	sadd.s32 $0xC800, s0;
	s13 =	smul.u32 $0x2800, s1;
	[dreg:$0xf] =	wrdreg s18  }
0xf: {  	s16 =	sshll.u32 s1, $0x6;
	p0 =	seq.s32 s7, $0x0;
	[dreg:$0x10] =	wrdreg s19  }
0x10: {  	s9 =	smul.u32 $0x140000, s7;
	s7 =	ssub.s32 $0x2, s7;
	[dreg:$0x11] =	wrdreg s20  }
0x11: {  	s14 =	simm.s32 $0x800;
	s15 =	simm.s32 $0xC00;
	s23 =	simm.s32 $0x980  }
0x12: {  	s17 =	simm.s32 $0x80;
	s25 =	simm.s32 $0xA00;
	s18 =	simm.s32 $0x1000  }
0x13: {  	s26 =	simm.s32 $0xD80;
	s19 =	simm.s32 $0x5000;
	[dreg:$0x14] =	wrdreg s23  }
0x14: {  	s30 =	simm.s32 $0xA80;
	s20 =	simm.s32 $0x3;
	[dreg:$0x16] =	wrdreg s25  }
0x15: {  	s31 =	simm.s32 $0xE00;
	s8 =	sadd.s32 $0x5000, s6;
	[dreg:$0x17] =	wrdreg s26  }
0x16: {  	s22 =	sshrl.u32 s7, $0x1;
	s24 =	sshrl.u32 s12, $0x2;
	[dreg:$0x18] =	wrdreg s30  }
0x17: {  	s11 =	smov.u32 @p0 s4;
	[dreg:$0x19] =	wrdreg s31;
	s23 =	simm.s32 $0xB00  }
0x18: {  	s25 =	simm.s32 $0xB80;
	s26 =	simm.s32 $0xF00;
	s8 =	smov.u32 @p0 s6  }
0x19: {  	s6 =	sadd.s32 s21, s9;
	s9 =	ssub.s32 s7, s22;
	s12 =	sadd.s32 s24, s2  }
0x1a: {  	s7 =	simm.s32 $0x580;
	s21 =	simm.s32 $0x900;
	s22 =	simm.s32 $0xC80  }
0x1b: {  	s24 =	simm.s32 $0xD00;
	s10 =	sadd.s32 s8, s0;
	[dreg:$0x9] =	wrdreg s7  }
0x1c: {  	s6 =	sshrl.u32 s6, $0x3;
	s5 =	sadd.s32 s5, s8;
	[dreg:$0x12] =	wrdreg s21  }
0x1d: {  	s8 =	simm.s32 $0x280;
	s9 =	smax.u32 s9, $0x1;
	[dreg:$0x13] =	wrdreg s22  }
0x1e: {  	[dreg:$0x15] =	wrdreg s24;
	s21 =	simm.s32 $0x4;
	s22 =	simm.s32 $0x2  }
0x1f: {  	s24 =	simm.s32 $0xE80;
	s0 =	sadd.s32 s6, s0;
	[dreg:$0x1b] =	wrdreg s9  }
0x20: {  	s6 =	sadd.s32 $0x2000, s10;
	[dreg:$0xa] =	wrdreg s8;
	s10 =	simm.s32 $0x600  }
0x21: {  	s9 =	sadd.s32 s11, s13;
	s11 =	sshrl.u32 s12, $0x3;
	s12 =	simm.s32 $0x5  }
0x22: {  	s13 =	simm.s32 $0x400;
	s0 =	sadd.s32 $0x5C800, s0;
	[dreg:$0xb] =	wrdreg s10  }
0x23: {  	s10 =	sor.u32 $0x1C05, s16;
	s16 =	simm.s32 $0x1;
	[dreg:$0x1a] =	wrdreg s0  }
.LBB2_1:
0x24: {  	[spmem:s11], [sflag:s10] =	dma.local [hbm:s9], $0x2800  }
0x25: {  	_ =	swait.ge [sflag:s12], $0x2800  }
0x26: {  	[sflag:s12] =	ssyncset.done $0x0  }
0x27: {  	[sflag:s12] =	ssyncadd.s32 $0xFFFFD800  }
0x28: {  	[tilespmem:s3], [sflag:$0x1] =	stream.linear.gather [hbm4b:s5+s3], $0x400, $0x38;
	[tilespmem:$0x1D000] =	vst v63  }
0x29: {  	s0 =	sadd.s32 $0x0, s5  }
0x2a: {  	[tilespmem:s13], [sflag:$0x1] =	stream.linear.gather [hbm4b:s6+s3], $0x400, $0x38;
	[tilespmem:$0x1D000] =	vst v63  }
0x2b: {  	s30 =	sadd.s32 $0x0, s6;
	s0 =	sadd.s32 $0x80, s0;
	[bflag:$0x0] =	sbarrier.arrive $0xFFFF  }
0x2c: {  	[tilespmem:s14], [sflag:$0x2] =	stream.linear.gather [hbm4b:s0+s3], $0x400, $0x38;
	[tilespmem:$0x1D000] =	vst v63  }
0x2d: {  	s7 =	sadd.s32 $0x80, s30  }
0x2e: {  	[tilespmem:s15], [sflag:$0x2] =	stream.linear.gather [hbm4b:s7+s3], $0x400, $0x38;
	[tilespmem:$0x1D000] =	vst v63  }
0x2f: {  	_ =	swait.ge [sflag:s16], $0x400  }
0x30: {  	[sflag:s16] =	ssyncset.done $0x0  }
0x31: {  	[sflag:s16] =	ssyncadd.s32 $0xFFFFFC00  }
0x32: {  	_ =	swait.ge [sflag:s16], $0x400  }
0x33: {  	[sflag:s16] =	ssyncset.done $0x0  }
0x34: {  	[sflag:s16] =	ssyncadd.s32 $0xFFFFFC00  }
0x35: {  	[tilespmem:s18], [sflag:$0x3] =	stream.indirect.gather [hbm4b:s4+s17], $0x80, s3, s17, $0xb8;
	[tilespmem:$0x1D000] =	vst v63  }
0x36: {  	_ = 	snop  }
0x37: {  	[tilespmem:s19], [sflag:$0x4] =	stream.indirect.gather [hbm4b:s4+s17], $0x80, s17, s17, $0xb8;
	[tilespmem:$0x1D000] =	vst v63  }
0x38: {  	_ =	swait.ge [sflag:s20], $0x4000  }
0x39: {  	[sflag:s20] =	ssyncset.done $0x0  }
0x3a: {  	[sflag:s20] =	ssyncadd.s32 $0xFFFFC000  }
0x3b: {  	[spmem:s2] =	stream.indirect.scatter.add.f32 [tilespmem:s18], [sflag:$0x5], $0x80, s13, s17, $0xb8;
	[tilespmem:$0x1D000] =	vst v63  }
0x3c: {  	_ =	swait.ge [sflag:s12], $0x4000  }
0x3d: {  	[sflag:s12] =	ssyncset.done $0x0  }
0x3e: {  	s8 =	rddreg [dreg:$0x4];
	[sflag:s12] =	ssyncadd.s32 $0xFFFFC000  }
0x3f: {  	[tilespmem:s18], [sflag:$0x3] =	stream.indirect.gather [hbm4b:s4+s17], $0x80, s8, s17, $0xb8;
	[tilespmem:$0x1D000] =	vst v63  }
0x40: {  	_ =	swait.ge [sflag:s21], $0x4000  }
0x41: {  	[sflag:s21] =	ssyncset.done $0x0  }
0x42: {  	s1 =	rddreg [dreg:$0x5];
	[sflag:s21] =	ssyncadd.s32 $0xFFFFC000  }
0x43: {  	[spmem:s2] =	stream.indirect.scatter.add.f32 [tilespmem:s19], [sflag:$0x5], $0x80, s1, s17, $0xb8;
	[tilespmem:$0x1D000] =	vst v63  }
0x44: {  	_ =	swait.ge [sflag:s12], $0x4000  }
0x45: {  	[sflag:s12] =	ssyncset.done $0x0  }
0x46: {  	s7 =	rddreg [dreg:$0x6];
	[sflag:s12] =	ssyncadd.s32 $0xFFFFC000  }
0x47: {  	[tilespmem:s19], [sflag:$0x4] =	stream.indirect.gather [hbm4b:s4+s17], $0x80, s7, s17, $0xb8;
	[tilespmem:$0x1D000] =	vst v63  }
0x48: {  	_ =	swait.ge [sflag:s20], $0x4000  }
0x49: {  	[sflag:s20] =	ssyncset.done $0x0  }
0x4a: {  	s8 =	rddreg [dreg:$0x7];
	[sflag:s20] =	ssyncadd.s32 $0xFFFFC000  }
0x4b: {  	[spmem:s2] =	stream.indirect.scatter.add.f32 [tilespmem:s18], [sflag:$0x5], $0x80, s8, s17, $0xb8;
	[tilespmem:$0x1D000] =	vst v63  }
0x4c: {  	_ =	swait.ge [sflag:s12], $0x4000  }
0x4d: {  	[sflag:s12] =	ssyncset.done $0x0  }
0x4e: {  	s1 =	rddreg [dreg:$0x8];
	[sflag:s12] =	ssyncadd.s32 $0xFFFFC000  }
0x4f: {  	[tilespmem:s18], [sflag:$0x3] =	stream.indirect.gather [hbm4b:s4+s17], $0x80, s1, s17, $0xb8;
	[tilespmem:$0x1D000] =	vst v63  }
0x50: {  	_ =	swait.ge [sflag:s21], $0x4000  }
0x51: {  	[sflag:s21] =	ssyncset.done $0x0  }
0x52: {  	s7 =	rddreg [dreg:$0x9];
	[sflag:s21] =	ssyncadd.s32 $0xFFFFC000  }
0x53: {  	[spmem:s2] =	stream.indirect.scatter.add.f32 [tilespmem:s19], [sflag:$0x5], $0x80, s7, s17, $0xb8;
	[tilespmem:$0x1D000] =	vst v63  }
0x54: {  	_ =	swait.ge [sflag:s12], $0x4000  }
0x55: {  	[sflag:s12] =	ssyncset.done $0x0  }
0x56: {  	s8 =	rddreg [dreg:$0xa];
	[sflag:s12] =	ssyncadd.s32 $0xFFFFC000  }
0x57: {  	[tilespmem:s19], [sflag:$0x4] =	stream.indirect.gather [hbm4b:s4+s17], $0x80, s8, s17, $0xb8;
	[tilespmem:$0x1D000] =	vst v63  }
0x58: {  	_ =	swait.ge [sflag:s20], $0x4000  }
0x59: {  	[sflag:s20] =	ssyncset.done $0x0  }
0x5a: {  	s1 =	rddreg [dreg:$0xb];
	[sflag:s20] =	ssyncadd.s32 $0xFFFFC000  }
0x5b: {  	[spmem:s2] =	stream.indirect.scatter.add.f32 [tilespmem:s18], [sflag:$0x5], $0x80, s1, s17, $0xb8;
	[tilespmem:$0x1D000] =	vst v63  }
0x5c: {  	_ =	swait.ge [sflag:s12], $0x4000  }
0x5d: {  	[sflag:s12] =	ssyncset.done $0x0  }
0x5e: {  	s7 =	rddreg [dreg:$0xc];
	[sflag:s12] =	ssyncadd.s32 $0xFFFFC000  }
0x5f: {  	[tilespmem:s18], [sflag:$0x3] =	stream.indirect.gather [hbm4b:s4+s17], $0x80, s7, s17, $0xb8;
	[tilespmem:$0x1D000] =	vst v63  }
0x60: {  	_ =	swait.ge [sflag:s21], $0x4000  }
0x61: {  	[sflag:s21] =	ssyncset.done $0x0  }
0x62: {  	s8 =	rddreg [dreg:$0xd];
	[sflag:s21] =	ssyncadd.s32 $0xFFFFC000  }
0x63: {  	[spmem:s2] =	stream.indirect.scatter.add.f32 [tilespmem:s19], [sflag:$0x5], $0x80, s8, s17, $0xb8;
	[tilespmem:$0x1D000] =	vst v63  }
0x64: {  	_ =	swait.ge [sflag:s12], $0x4000  }
0x65: {  	[sflag:s12] =	ssyncset.done $0x0  }
0x66: {  	s1 =	rddreg [dreg:$0xe];
	[sflag:s12] =	ssyncadd.s32 $0xFFFFC000  }
0x67: {  	[tilespmem:s19], [sflag:$0x4] =	stream.indirect.gather [hbm4b:s4+s17], $0x80, s1, s17, $0xb8;
	[tilespmem:$0x1D000] =	vst v63  }
0x68: {  	_ =	swait.ge [sflag:s20], $0x4000  }
0x69: {  	[sflag:s20] =	ssyncset.done $0x0  }
0x6a: {  	s7 =	rddreg [dreg:$0xf];
	[sflag:s20] =	ssyncadd.s32 $0xFFFFC000  }
0x6b: {  	[spmem:s2] =	stream.indirect.scatter.add.f32 [tilespmem:s18], [sflag:$0x5], $0x80, s7, s17, $0xb8;
	[tilespmem:$0x1D000] =	vst v63  }
0x6c: {  	_ =	swait.ge [sflag:s12], $0x4000  }
0x6d: {  	[sflag:s12] =	ssyncset.done $0x0  }
0x6e: {  	[sflag:s12] =	ssyncadd.s32 $0xFFFFC000  }
0x6f: {  	_ =	swait.ge [sflag:s21], $0x4000  }
0x70: {  	[sflag:s21] =	ssyncset.done $0x0  }
0x71: {  	s8 =	rddreg [dreg:$0x10];
	[sflag:s21] =	ssyncadd.s32 $0xFFFFC000  }
0x72: {  	[spmem:s2] =	stream.indirect.scatter.add.f32 [tilespmem:s19], [sflag:$0x5], $0x80, s8, s17, $0xb8;
	[tilespmem:$0x1D000] =	vst v63  }
0x73: {  	p0 =	por $0x0, $0x0;
	_ =	swait.ge [sflag:s12], $0x4000  }
0x74: {  	s30 =	sadd.s32 @!p0 $0x0, s6;
	s0 =	sadd.s32 @!p0 $0x0, s5;
	[sflag:s12] =	ssyncset.done $0x0  }
0x75: {  	s31 =	simm.s32 @!p0 $0x0;
	s0 =	sadd.s32 @!p0 $0x100, s0;
	[sflag:s12] =	ssyncadd.s32 $0xFFFFC000  }
0x76: {  	[tilespmem:s31], [sflag:$0x1] =	stream.linear.gather @!p0 [hbm4b:s0+s31], $0x400, $0x38;
	[tilespmem:$0x1D000] =	vst v63  }
0x77: {  	s0 =	sadd.s32 @!p0 $0x100, s30;
	s30 =	simm.s32 @!p0 $0x400  }
0x78: {  	[tilespmem:s30], [sflag:$0x1] =	stream.linear.gather @!p0 [hbm4b:s0+s31], $0x400, $0x38;
	[tilespmem:$0x1D000] =	vst v63  }
0x79: {  	_ =	swait.ge [sflag:s22], $0x400  }
0x7a: {  	[sflag:s22] =	ssyncset.done $0x0  }
0x7b: {  	[sflag:s22] =	ssyncadd.s32 $0xFFFFFC00  }
0x7c: {  	_ =	swait.ge [sflag:s22], $0x400  }
0x7d: {  	[sflag:s22] =	ssyncset.done $0x0  }
0x7e: {  	[sflag:s22] =	ssyncadd.s32 $0xFFFFFC00  }
0x7f: {  	[tilespmem:s18], [sflag:$0x3] =	stream.indirect.gather [hbm4b:s4+s17], $0x80, s14, s17, $0xb8;
	[tilespmem:$0x1D000] =	vst v63  }
0x80: {  	s1 =	rddreg [dreg:$0x11]  }
0x81: {  	[tilespmem:s19], [sflag:$0x4] =	stream.indirect.gather [hbm4b:s4+s17], $0x80, s1, s17, $0xb8;
	[tilespmem:$0x1D000] =	vst v63  }
0x82: {  	_ =	swait.ge [sflag:s20], $0x4000  }
0x83: {  	[sflag:s20] =	ssyncset.done $0x0  }
0x84: {  	[sflag:s20] =	ssyncadd.s32 $0xFFFFC000  }
0x85: {  	[spmem:s2] =	stream.indirect.scatter.add.f32 [tilespmem:s18], [sflag:$0x5], $0x80, s15, s17, $0xb8;
	[tilespmem:$0x1D000] =	vst v63  }
0x86: {  	_ =	swait.ge [sflag:s12], $0x4000  }
0x87: {  	[sflag:s12] =	ssyncset.done $0x0  }
0x88: {  	s7 =	rddreg [dreg:$0x12];
	[sflag:s12] =	ssyncadd.s32 $0xFFFFC000  }
0x89: {  	[tilespmem:s18], [sflag:$0x3] =	stream.indirect.gather [hbm4b:s4+s17], $0x80, s7, s17, $0xb8;
	[tilespmem:$0x1D000] =	vst v63  }
0x8a: {  	_ =	swait.ge [sflag:s21], $0x4000  }
0x8b: {  	[sflag:s21] =	ssyncset.done $0x0  }
0x8c: {  	s8 =	rddreg [dreg:$0x13];
	[sflag:s21] =	ssyncadd.s32 $0xFFFFC000  }
0x8d: {  	[spmem:s2] =	stream.indirect.scatter.add.f32 [tilespmem:s19], [sflag:$0x5], $0x80, s8, s17, $0xb8;
	[tilespmem:$0x1D000] =	vst v63  }
0x8e: {  	_ =	swait.ge [sflag:s12], $0x4000  }
0x8f: {  	[sflag:s12] =	ssyncset.done $0x0  }
0x90: {  	s1 =	rddreg [dreg:$0x14];
	[sflag:s12] =	ssyncadd.s32 $0xFFFFC000  }
0x91: {  	[tilespmem:s19], [sflag:$0x4] =	stream.indirect.gather [hbm4b:s4+s17], $0x80, s1, s17, $0xb8;
	[tilespmem:$0x1D000] =	vst v63  }
0x92: {  	_ =	swait.ge [sflag:s20], $0x4000  }
0x93: {  	[sflag:s20] =	ssyncset.done $0x0  }
0x94: {  	s7 =	rddreg [dreg:$0x15];
	[sflag:s20] =	ssyncadd.s32 $0xFFFFC000  }
0x95: {  	[spmem:s2] =	stream.indirect.scatter.add.f32 [tilespmem:s18], [sflag:$0x5], $0x80, s7, s17, $0xb8;
	[tilespmem:$0x1D000] =	vst v63  }
0x96: {  	_ =	swait.ge [sflag:s12], $0x4000  }
0x97: {  	[sflag:s12] =	ssyncset.done $0x0  }
0x98: {  	s8 =	rddreg [dreg:$0x16];
	[sflag:s12] =	ssyncadd.s32 $0xFFFFC000  }
0x99: {  	[tilespmem:s18], [sflag:$0x3] =	stream.indirect.gather [hbm4b:s4+s17], $0x80, s8, s17, $0xb8;
	[tilespmem:$0x1D000] =	vst v63  }
0x9a: {  	_ =	swait.ge [sflag:s21], $0x4000  }
0x9b: {  	[sflag:s21] =	ssyncset.done $0x0  }
0x9c: {  	s1 =	rddreg [dreg:$0x17];
	[sflag:s21] =	ssyncadd.s32 $0xFFFFC000  }
0x9d: {  	[spmem:s2] =	stream.indirect.scatter.add.f32 [tilespmem:s19], [sflag:$0x5], $0x80, s1, s17, $0xb8;
	[tilespmem:$0x1D000] =	vst v63  }
0x9e: {  	_ =	swait.ge [sflag:s12], $0x4000  }
0x9f: {  	[sflag:s12] =	ssyncset.done $0x0  }
0xa0: {  	s7 =	rddreg [dreg:$0x18];
	[sflag:s12] =	ssyncadd.s32 $0xFFFFC000  }
0xa1: {  	[tilespmem:s19], [sflag:$0x4] =	stream.indirect.gather [hbm4b:s4+s17], $0x80, s7, s17, $0xb8;
	[tilespmem:$0x1D000] =	vst v63  }
0xa2: {  	_ =	swait.ge [sflag:s20], $0x4000  }
0xa3: {  	[sflag:s20] =	ssyncset.done $0x0  }
0xa4: {  	s8 =	rddreg [dreg:$0x19];
	[sflag:s20] =	ssyncadd.s32 $0xFFFFC000  }
0xa5: {  	[spmem:s2] =	stream.indirect.scatter.add.f32 [tilespmem:s18], [sflag:$0x5], $0x80, s8, s17, $0xb8;
	[tilespmem:$0x1D000] =	vst v63  }
0xa6: {  	_ =	swait.ge [sflag:s12], $0x4000  }
0xa7: {  	[sflag:s12] =	ssyncset.done $0x0  }
0xa8: {  	[sflag:s12] =	ssyncadd.s32 $0xFFFFC000  }
0xa9: {  	[tilespmem:s18], [sflag:$0x3] =	stream.indirect.gather [hbm4b:s4+s17], $0x80, s23, s17, $0xb8;
	[tilespmem:$0x1D000] =	vst v63  }
0xaa: {  	_ =	swait.ge [sflag:s21], $0x4000  }
0xab: {  	[sflag:s21] =	ssyncset.done $0x0  }
0xac: {  	[sflag:s21] =	ssyncadd.s32 $0xFFFFC000  }
0xad: {  	[spmem:s2] =	stream.indirect.scatter.add.f32 [tilespmem:s19], [sflag:$0x5], $0x80, s24, s17, $0xb8;
	[tilespmem:$0x1D000] =	vst v63  }
0xae: {  	_ =	swait.ge [sflag:s12], $0x4000  }
0xaf: {  	[sflag:s12] =	ssyncset.done $0x0  }
0xb0: {  	[sflag:s12] =	ssyncadd.s32 $0xFFFFC000  }
0xb1: {  	[tilespmem:s19], [sflag:$0x4] =	stream.indirect.gather [hbm4b:s4+s17], $0x80, s25, s17, $0xb8;
	[tilespmem:$0x1D000] =	vst v63  }
0xb2: {  	_ =	swait.ge [sflag:s20], $0x4000  }
0xb3: {  	[sflag:s20] =	ssyncset.done $0x0  }
0xb4: {  	[sflag:s20] =	ssyncadd.s32 $0xFFFFC000  }
0xb5: {  	[spmem:s2] =	stream.indirect.scatter.add.f32 [tilespmem:s18], [sflag:$0x5], $0x80, s26, s17, $0xb8;
	[tilespmem:$0x1D000] =	vst v63  }
0xb6: {  	_ =	swait.ge [sflag:s12], $0x4000  }
0xb7: {  	[sflag:s12] =	ssyncset.done $0x0  }
0xb8: {  	[sflag:s12] =	ssyncadd.s32 $0xFFFFC000  }
0xb9: {  	_ =	swait.ge [sflag:s21], $0x4000  }
0xba: {  	[sflag:s21] =	ssyncset.done $0x0  }
0xbb: {  	[sflag:s21] =	ssyncadd.s32 $0xFFFFC000  }
0xbc: {  	[spmem:s2] =	stream.indirect.scatter.add.f32 [tilespmem:s19], [sflag:$0x5], $0x80, s28, s17, $0xb8;
	[tilespmem:$0x1D000] =	vst v63  }
0xbd: {  	s30 =	simm.s32 $0x100;
	_ =	swait.ge [sflag:s12], $0x4000  }
0xbe: {  	s31 =	simm.s32 $0x200;
	s0 =	sadd.s32 $0x100, s5;
	[sflag:s12] =	ssyncset.done $0x0  }
.LBB2_2:
0xbf: {  	s0 =	sadd.s32 $0x80, s0;
	s1 =	sadd.s32 s30, s6;
	[sflag:s12] =	ssyncadd.s32 $0xFFFFC000  }
0xc0: {  	[tilespmem:s14], [sflag:$0x2] =	stream.linear.gather [hbm4b:s0+s3], $0x400, $0x38;
	[tilespmem:$0x1D000] =	vst v63  }
0xc1: {  	s1 =	sadd.s32 $0x80, s1  }
0xc2: {  	[tilespmem:s15], [sflag:$0x2] =	stream.linear.gather [hbm4b:s1+s3], $0x400, $0x38;
	[tilespmem:$0x1D000] =	vst v63  }
0xc3: {  	_ =	swait.ge [sflag:s16], $0x400  }
0xc4: {  	[sflag:s16] =	ssyncset.done $0x0  }
0xc5: {  	[sflag:s16] =	ssyncadd.s32 $0xFFFFFC00  }
0xc6: {  	_ =	swait.ge [sflag:s16], $0x400  }
0xc7: {  	[sflag:s16] =	ssyncset.done $0x0  }
0xc8: {  	[sflag:s16] =	ssyncadd.s32 $0xFFFFFC00  }
0xc9: {  	[tilespmem:s18], [sflag:$0x3] =	stream.indirect.gather [hbm4b:s4+s17], $0x80, s3, s17, $0xb8;
	[tilespmem:$0x1D000] =	vst v63  }
0xca: {  	_ = 	snop  }
0xcb: {  	[tilespmem:s19], [sflag:$0x4] =	stream.indirect.gather [hbm4b:s4+s17], $0x80, s17, s17, $0xb8;
	[tilespmem:$0x1D000] =	vst v63  }
0xcc: {  	_ =	swait.ge [sflag:s20], $0x4000  }
0xcd: {  	[sflag:s20] =	ssyncset.done $0x0  }
0xce: {  	[sflag:s20] =	ssyncadd.s32 $0xFFFFC000  }
0xcf: {  	[spmem:s2] =	stream.indirect.scatter.add.f32 [tilespmem:s18], [sflag:$0x5], $0x80, s13, s17, $0xb8;
	[tilespmem:$0x1D000] =	vst v63  }
0xd0: {  	_ =	swait.ge [sflag:s12], $0x4000  }
0xd1: {  	[sflag:s12] =	ssyncset.done $0x0  }
0xd2: {  	s8 =	rddreg [dreg:$0x4];
	[sflag:s12] =	ssyncadd.s32 $0xFFFFC000  }
0xd3: {  	[tilespmem:s18], [sflag:$0x3] =	stream.indirect.gather [hbm4b:s4+s17], $0x80, s8, s17, $0xb8;
	[tilespmem:$0x1D000] =	vst v63  }
0xd4: {  	_ =	swait.ge [sflag:s21], $0x4000  }
0xd5: {  	[sflag:s21] =	ssyncset.done $0x0  }
0xd6: {  	s7 =	rddreg [dreg:$0x5];
	[sflag:s21] =	ssyncadd.s32 $0xFFFFC000  }
0xd7: {  	[spmem:s2] =	stream.indirect.scatter.add.f32 [tilespmem:s19], [sflag:$0x5], $0x80, s7, s17, $0xb8;
	[tilespmem:$0x1D000] =	vst v63  }
0xd8: {  	_ =	swait.ge [sflag:s12], $0x4000  }
0xd9: {  	[sflag:s12] =	ssyncset.done $0x0  }
0xda: {  	s8 =	rddreg [dreg:$0x6];
	[sflag:s12] =	ssyncadd.s32 $0xFFFFC000  }
0xdb: {  	[tilespmem:s19], [sflag:$0x4] =	stream.indirect.gather [hbm4b:s4+s17], $0x80, s8, s17, $0xb8;
	[tilespmem:$0x1D000] =	vst v63  }
0xdc: {  	_ =	swait.ge [sflag:s20], $0x4000  }
0xdd: {  	[sflag:s20] =	ssyncset.done $0x0  }
0xde: {  	s7 =	rddreg [dreg:$0x7];
	[sflag:s20] =	ssyncadd.s32 $0xFFFFC000  }
0xdf: {  	[spmem:s2] =	stream.indirect.scatter.add.f32 [tilespmem:s18], [sflag:$0x5], $0x80, s7, s17, $0xb8;
	[tilespmem:$0x1D000] =	vst v63  }
0xe0: {  	_ =	swait.ge [sflag:s12], $0x4000  }
0xe1: {  	[sflag:s12] =	ssyncset.done $0x0  }
0xe2: {  	s8 =	rddreg [dreg:$0x8];
	[sflag:s12] =	ssyncadd.s32 $0xFFFFC000  }
0xe3: {  	[tilespmem:s18], [sflag:$0x3] =	stream.indirect.gather [hbm4b:s4+s17], $0x80, s8, s17, $0xb8;
	[tilespmem:$0x1D000] =	vst v63  }
0xe4: {  	_ =	swait.ge [sflag:s21], $0x4000  }
0xe5: {  	[sflag:s21] =	ssyncset.done $0x0  }
0xe6: {  	s7 =	rddreg [dreg:$0x9];
	[sflag:s21] =	ssyncadd.s32 $0xFFFFC000  }
0xe7: {  	[spmem:s2] =	stream.indirect.scatter.add.f32 [tilespmem:s19], [sflag:$0x5], $0x80, s7, s17, $0xb8;
	[tilespmem:$0x1D000] =	vst v63  }
0xe8: {  	_ =	swait.ge [sflag:s12], $0x4000  }
0xe9: {  	[sflag:s12] =	ssyncset.done $0x0  }
0xea: {  	s8 =	rddreg [dreg:$0xa];
	[sflag:s12] =	ssyncadd.s32 $0xFFFFC000  }
0xeb: {  	[tilespmem:s19], [sflag:$0x4] =	stream.indirect.gather [hbm4b:s4+s17], $0x80, s8, s17, $0xb8;
	[tilespmem:$0x1D000] =	vst v63  }
0xec: {  	_ =	swait.ge [sflag:s20], $0x4000  }
0xed: {  	[sflag:s20] =	ssyncset.done $0x0  }
0xee: {  	s7 =	rddreg [dreg:$0xb];
	[sflag:s20] =	ssyncadd.s32 $0xFFFFC000  }
0xef: {  	[spmem:s2] =	stream.indirect.scatter.add.f32 [tilespmem:s18], [sflag:$0x5], $0x80, s7, s17, $0xb8;
	[tilespmem:$0x1D000] =	vst v63  }
0xf0: {  	_ =	swait.ge [sflag:s12], $0x4000  }
0xf1: {  	[sflag:s12] =	ssyncset.done $0x0  }
0xf2: {  	s8 =	rddreg [dreg:$0xc];
	[sflag:s12] =	ssyncadd.s32 $0xFFFFC000  }
0xf3: {  	[tilespmem:s18], [sflag:$0x3] =	stream.indirect.gather [hbm4b:s4+s17], $0x80, s8, s17, $0xb8;
	[tilespmem:$0x1D000] =	vst v63  }
0xf4: {  	_ =	swait.ge [sflag:s21], $0x4000  }
0xf5: {  	[sflag:s21] =	ssyncset.done $0x0  }
0xf6: {  	s7 =	rddreg [dreg:$0xd];
	[sflag:s21] =	ssyncadd.s32 $0xFFFFC000  }
0xf7: {  	[spmem:s2] =	stream.indirect.scatter.add.f32 [tilespmem:s19], [sflag:$0x5], $0x80, s7, s17, $0xb8;
	[tilespmem:$0x1D000] =	vst v63  }
0xf8: {  	_ =	swait.ge [sflag:s12], $0x4000  }
0xf9: {  	[sflag:s12] =	ssyncset.done $0x0  }
0xfa: {  	s8 =	rddreg [dreg:$0xe];
	[sflag:s12] =	ssyncadd.s32 $0xFFFFC000  }
0xfb: {  	[tilespmem:s19], [sflag:$0x4] =	stream.indirect.gather [hbm4b:s4+s17], $0x80, s8, s17, $0xb8;
	[tilespmem:$0x1D000] =	vst v63  }
0xfc: {  	_ =	swait.ge [sflag:s20], $0x4000  }
0xfd: {  	[sflag:s20] =	ssyncset.done $0x0  }
0xfe: {  	s7 =	rddreg [dreg:$0xf];
	[sflag:s20] =	ssyncadd.s32 $0xFFFFC000  }
0xff: {  	[spmem:s2] =	stream.indirect.scatter.add.f32 [tilespmem:s18], [sflag:$0x5], $0x80, s7, s17, $0xb8;
	[tilespmem:$0x1D000] =	vst v63  }
0x100: {  	_ =	swait.ge [sflag:s12], $0x4000  }
0x101: {  	[sflag:s12] =	ssyncset.done $0x0  }
0x102: {  	[sflag:s12] =	ssyncadd.s32 $0xFFFFC000  }
0x103: {  	_ =	swait.ge [sflag:s21], $0x4000  }
0x104: {  	[sflag:s21] =	ssyncset.done $0x0  }
0x105: {  	s8 =	rddreg [dreg:$0x10];
	[sflag:s21] =	ssyncadd.s32 $0xFFFFC000  }
0x106: {  	[spmem:s2] =	stream.indirect.scatter.add.f32 [tilespmem:s19], [sflag:$0x5], $0x80, s8, s17, $0xb8;
	[tilespmem:$0x1D000] =	vst v63  }
0x107: {  	p1 =	seq.s32 s30, $0x400;
	_ =	swait.ge [sflag:s12], $0x4000  }
0x108: {  	s1 =	sadd.s32 @!p1 s30, s5;
	s30 =	sadd.s32 @!p1 s30, s6;
	[sflag:s12] =	ssyncset.done $0x0  }
0x109: {  	s1 =	sadd.s32 @!p1 $0x100, s1;
	s7 =	simm.s32 @!p1 $0x0;
	[sflag:s12] =	ssyncadd.s32 $0xFFFFC000  }
0x10a: {  	[tilespmem:s7], [sflag:$0x1] =	stream.linear.gather @!p1 [hbm4b:s1+s7], $0x400, $0x38;
	[tilespmem:$0x1D000] =	vst v63  }
0x10b: {  	s8 =	simm.s32 @!p1 $0x400;
	s1 =	sadd.s32 @!p1 $0x100, s30  }
0x10c: {  	[tilespmem:s8], [sflag:$0x1] =	stream.linear.gather @!p1 [hbm4b:s1+s7], $0x400, $0x38;
	[tilespmem:$0x1D000] =	vst v63  }
0x10d: {  	_ =	swait.ge [sflag:s22], $0x400  }
0x10e: {  	[sflag:s22] =	ssyncset.done $0x0  }
0x10f: {  	[sflag:s22] =	ssyncadd.s32 $0xFFFFFC00  }
0x110: {  	_ =	swait.ge [sflag:s22], $0x400  }
0x111: {  	[sflag:s22] =	ssyncset.done $0x0  }
0x112: {  	[sflag:s22] =	ssyncadd.s32 $0xFFFFFC00  }
0x113: {  	[tilespmem:s18], [sflag:$0x3] =	stream.indirect.gather [hbm4b:s4+s17], $0x80, s14, s17, $0xb8;
	[tilespmem:$0x1D000] =	vst v63  }
0x114: {  	s1 =	rddreg [dreg:$0x11]  }
0x115: {  	[tilespmem:s19], [sflag:$0x4] =	stream.indirect.gather [hbm4b:s4+s17], $0x80, s1, s17, $0xb8;
	[tilespmem:$0x1D000] =	vst v63  }
0x116: {  	_ =	swait.ge [sflag:s20], $0x4000  }
0x117: {  	[sflag:s20] =	ssyncset.done $0x0  }
0x118: {  	[sflag:s20] =	ssyncadd.s32 $0xFFFFC000  }
0x119: {  	[spmem:s2] =	stream.indirect.scatter.add.f32 [tilespmem:s18], [sflag:$0x5], $0x80, s15, s17, $0xb8;
	[tilespmem:$0x1D000] =	vst v63  }
0x11a: {  	_ =	swait.ge [sflag:s12], $0x4000  }
0x11b: {  	[sflag:s12] =	ssyncset.done $0x0  }
0x11c: {  	s7 =	rddreg [dreg:$0x12];
	[sflag:s12] =	ssyncadd.s32 $0xFFFFC000  }
0x11d: {  	[tilespmem:s18], [sflag:$0x3] =	stream.indirect.gather [hbm4b:s4+s17], $0x80, s7, s17, $0xb8;
	[tilespmem:$0x1D000] =	vst v63  }
0x11e: {  	_ =	swait.ge [sflag:s21], $0x4000  }
0x11f: {  	[sflag:s21] =	ssyncset.done $0x0  }
0x120: {  	s8 =	rddreg [dreg:$0x13];
	[sflag:s21] =	ssyncadd.s32 $0xFFFFC000  }
0x121: {  	[spmem:s2] =	stream.indirect.scatter.add.f32 [tilespmem:s19], [sflag:$0x5], $0x80, s8, s17, $0xb8;
	[tilespmem:$0x1D000] =	vst v63  }
0x122: {  	_ =	swait.ge [sflag:s12], $0x4000  }
0x123: {  	[sflag:s12] =	ssyncset.done $0x0  }
0x124: {  	s1 =	rddreg [dreg:$0x14];
	[sflag:s12] =	ssyncadd.s32 $0xFFFFC000  }
0x125: {  	[tilespmem:s19], [sflag:$0x4] =	stream.indirect.gather [hbm4b:s4+s17], $0x80, s1, s17, $0xb8;
	[tilespmem:$0x1D000] =	vst v63  }
0x126: {  	_ =	swait.ge [sflag:s20], $0x4000  }
0x127: {  	[sflag:s20] =	ssyncset.done $0x0  }
0x128: {  	s7 =	rddreg [dreg:$0x15];
	[sflag:s20] =	ssyncadd.s32 $0xFFFFC000  }
0x129: {  	[spmem:s2] =	stream.indirect.scatter.add.f32 [tilespmem:s18], [sflag:$0x5], $0x80, s7, s17, $0xb8;
	[tilespmem:$0x1D000] =	vst v63  }
0x12a: {  	_ =	swait.ge [sflag:s12], $0x4000  }
0x12b: {  	[sflag:s12] =	ssyncset.done $0x0  }
0x12c: {  	s8 =	rddreg [dreg:$0x16];
	[sflag:s12] =	ssyncadd.s32 $0xFFFFC000  }
0x12d: {  	[tilespmem:s18], [sflag:$0x3] =	stream.indirect.gather [hbm4b:s4+s17], $0x80, s8, s17, $0xb8;
	[tilespmem:$0x1D000] =	vst v63  }
0x12e: {  	_ =	swait.ge [sflag:s21], $0x4000  }
0x12f: {  	[sflag:s21] =	ssyncset.done $0x0  }
0x130: {  	s1 =	rddreg [dreg:$0x17];
	[sflag:s21] =	ssyncadd.s32 $0xFFFFC000  }
0x131: {  	[spmem:s2] =	stream.indirect.scatter.add.f32 [tilespmem:s19], [sflag:$0x5], $0x80, s1, s17, $0xb8;
	[tilespmem:$0x1D000] =	vst v63  }
0x132: {  	_ =	swait.ge [sflag:s12], $0x4000  }
0x133: {  	[sflag:s12] =	ssyncset.done $0x0  }
0x134: {  	s7 =	rddreg [dreg:$0x18];
	[sflag:s12] =	ssyncadd.s32 $0xFFFFC000  }
0x135: {  	[tilespmem:s19], [sflag:$0x4] =	stream.indirect.gather [hbm4b:s4+s17], $0x80, s7, s17, $0xb8;
	[tilespmem:$0x1D000] =	vst v63  }
0x136: {  	_ =	swait.ge [sflag:s20], $0x4000  }
0x137: {  	[sflag:s20] =	ssyncset.done $0x0  }
0x138: {  	s8 =	rddreg [dreg:$0x19];
	[sflag:s20] =	ssyncadd.s32 $0xFFFFC000  }
0x139: {  	[spmem:s2] =	stream.indirect.scatter.add.f32 [tilespmem:s18], [sflag:$0x5], $0x80, s8, s17, $0xb8;
	[tilespmem:$0x1D000] =	vst v63  }
0x13a: {  	_ =	swait.ge [sflag:s12], $0x4000  }
0x13b: {  	[sflag:s12] =	ssyncset.done $0x0  }
0x13c: {  	[sflag:s12] =	ssyncadd.s32 $0xFFFFC000  }
0x13d: {  	[tilespmem:s18], [sflag:$0x3] =	stream.indirect.gather [hbm4b:s4+s17], $0x80, s23, s17, $0xb8;
	[tilespmem:$0x1D000] =	vst v63  }
0x13e: {  	_ =	swait.ge [sflag:s21], $0x4000  }
0x13f: {  	[sflag:s21] =	ssyncset.done $0x0  }
0x140: {  	[sflag:s21] =	ssyncadd.s32 $0xFFFFC000  }
0x141: {  	[spmem:s2] =	stream.indirect.scatter.add.f32 [tilespmem:s19], [sflag:$0x5], $0x80, s24, s17, $0xb8;
	[tilespmem:$0x1D000] =	vst v63  }
0x142: {  	_ =	swait.ge [sflag:s12], $0x4000  }
0x143: {  	[sflag:s12] =	ssyncset.done $0x0  }
0x144: {  	[sflag:s12] =	ssyncadd.s32 $0xFFFFC000  }
0x145: {  	[tilespmem:s19], [sflag:$0x4] =	stream.indirect.gather [hbm4b:s4+s17], $0x80, s25, s17, $0xb8;
	[tilespmem:$0x1D000] =	vst v63  }
0x146: {  	_ =	swait.ge [sflag:s20], $0x4000  }
0x147: {  	[sflag:s20] =	ssyncset.done $0x0  }
0x148: {  	[sflag:s20] =	ssyncadd.s32 $0xFFFFC000  }
0x149: {  	[spmem:s2] =	stream.indirect.scatter.add.f32 [tilespmem:s18], [sflag:$0x5], $0x80, s26, s17, $0xb8;
	[tilespmem:$0x1D000] =	vst v63  }
0x14a: {  	_ =	swait.ge [sflag:s12], $0x4000  }
0x14b: {  	[sflag:s12] =	ssyncset.done $0x0  }
0x14c: {  	s0 =	smov.u32 s31;
	s31 =	sadd.s32 $0x100, s31;
	[sflag:s12] =	ssyncadd.s32 $0xFFFFC000  }
0x14d: {  	p0 =	sne.s32 s31, $0x500;
	_ =	swait.ge [sflag:s21], $0x4000  }
.Ltmp0:
0x14e: {  	[sflag:s21] =	ssyncset.done $0x0;
	(pc) =	sbr.rel @p0 .LBB2_2-.Ltmp0, $4  }
0x14f: {  	[sflag:s21] =	ssyncadd.s32 $0xFFFFC000  }
0x150: {  	[spmem:s2] =	stream.indirect.scatter.add.f32 [tilespmem:s19], [sflag:$0x5], $0x80, s28, s17, $0xb8;
	[tilespmem:$0x1D000] =	vst v63  }
0x151: {  	s30 =	smov.u32 s0;
	_ =	swait.ge [sflag:s12], $0x4000  }
0x152: {  	s0 =	sadd.s32 s30, s5;
	[sflag:s12] =	ssyncset.done $0x0  }
0x153: {  	s0 =	sadd.s32 $0x80, s0;
	s1 =	sadd.s32 s30, s6;
	[sflag:s12] =	ssyncadd.s32 $0xFFFFC000  }
0x154: {  	[tilespmem:s14], [sflag:$0x2] =	stream.linear.gather [hbm4b:s0+s3], $0x400, $0x38;
	[tilespmem:$0x1D000] =	vst v63  }
0x155: {  	s7 =	sadd.s32 $0x80, s1  }
0x156: {  	[tilespmem:s15], [sflag:$0x2] =	stream.linear.gather [hbm4b:s7+s3], $0x400, $0x38;
	[tilespmem:$0x1D000] =	vst v63  }
0x157: {  	_ =	swait.ge [sflag:s16], $0x400  }
0x158: {  	[sflag:s16] =	ssyncset.done $0x0  }
0x159: {  	[sflag:s16] =	ssyncadd.s32 $0xFFFFFC00  }
0x15a: {  	_ =	swait.ge [sflag:s16], $0x400  }
0x15b: {  	[sflag:s16] =	ssyncset.done $0x0  }
0x15c: {  	[sflag:s16] =	ssyncadd.s32 $0xFFFFFC00  }
0x15d: {  	[tilespmem:s18], [sflag:$0x3] =	stream.indirect.gather [hbm4b:s4+s17], $0x80, s3, s17, $0xb8;
	[tilespmem:$0x1D000] =	vst v63  }
0x15e: {  	_ = 	snop  }
0x15f: {  	[tilespmem:s19], [sflag:$0x4] =	stream.indirect.gather [hbm4b:s4+s17], $0x80, s17, s17, $0xb8;
	[tilespmem:$0x1D000] =	vst v63  }
0x160: {  	_ =	swait.ge [sflag:s20], $0x4000  }
0x161: {  	[sflag:s20] =	ssyncset.done $0x0  }
0x162: {  	[sflag:s20] =	ssyncadd.s32 $0xFFFFC000  }
0x163: {  	[spmem:s2] =	stream.indirect.scatter.add.f32 [tilespmem:s18], [sflag:$0x5], $0x80, s13, s17, $0xb8;
	[tilespmem:$0x1D000] =	vst v63  }
0x164: {  	_ =	swait.ge [sflag:s12], $0x4000  }
0x165: {  	[sflag:s12] =	ssyncset.done $0x0  }
0x166: {  	s8 =	rddreg [dreg:$0x4];
	[sflag:s12] =	ssyncadd.s32 $0xFFFFC000  }
0x167: {  	[tilespmem:s18], [sflag:$0x3] =	stream.indirect.gather [hbm4b:s4+s17], $0x80, s8, s17, $0xb8;
	[tilespmem:$0x1D000] =	vst v63  }
0x168: {  	_ =	swait.ge [sflag:s21], $0x4000  }
0x169: {  	[sflag:s21] =	ssyncset.done $0x0  }
0x16a: {  	s31 =	rddreg [dreg:$0x5];
	[sflag:s21] =	ssyncadd.s32 $0xFFFFC000  }
0x16b: {  	[spmem:s2] =	stream.indirect.scatter.add.f32 [tilespmem:s19], [sflag:$0x5], $0x80, s31, s17, $0xb8;
	[tilespmem:$0x1D000] =	vst v63  }
0x16c: {  	_ =	swait.ge [sflag:s12], $0x4000  }
0x16d: {  	[sflag:s12] =	ssyncset.done $0x0  }
0x16e: {  	s1 =	rddreg [dreg:$0x6];
	[sflag:s12] =	ssyncadd.s32 $0xFFFFC000  }
0x16f: {  	[tilespmem:s19], [sflag:$0x4] =	stream.indirect.gather [hbm4b:s4+s17], $0x80, s1, s17, $0xb8;
	[tilespmem:$0x1D000] =	vst v63  }
0x170: {  	_ =	swait.ge [sflag:s20], $0x4000  }
0x171: {  	[sflag:s20] =	ssyncset.done $0x0  }
0x172: {  	s7 =	rddreg [dreg:$0x7];
	[sflag:s20] =	ssyncadd.s32 $0xFFFFC000  }
0x173: {  	[spmem:s2] =	stream.indirect.scatter.add.f32 [tilespmem:s18], [sflag:$0x5], $0x80, s7, s17, $0xb8;
	[tilespmem:$0x1D000] =	vst v63  }
0x174: {  	_ =	swait.ge [sflag:s12], $0x4000  }
0x175: {  	[sflag:s12] =	ssyncset.done $0x0  }
0x176: {  	s8 =	rddreg [dreg:$0x8];
	[sflag:s12] =	ssyncadd.s32 $0xFFFFC000  }
0x177: {  	[tilespmem:s18], [sflag:$0x3] =	stream.indirect.gather [hbm4b:s4+s17], $0x80, s8, s17, $0xb8;
	[tilespmem:$0x1D000] =	vst v63  }
0x178: {  	_ =	swait.ge [sflag:s21], $0x4000  }
0x179: {  	[sflag:s21] =	ssyncset.done $0x0  }
0x17a: {  	s31 =	rddreg [dreg:$0x9];
	[sflag:s21] =	ssyncadd.s32 $0xFFFFC000  }
0x17b: {  	[spmem:s2] =	stream.indirect.scatter.add.f32 [tilespmem:s19], [sflag:$0x5], $0x80, s31, s17, $0xb8;
	[tilespmem:$0x1D000] =	vst v63  }
0x17c: {  	_ =	swait.ge [sflag:s12], $0x4000  }
0x17d: {  	[sflag:s12] =	ssyncset.done $0x0  }
0x17e: {  	s1 =	rddreg [dreg:$0xa];
	[sflag:s12] =	ssyncadd.s32 $0xFFFFC000  }
0x17f: {  	[tilespmem:s19], [sflag:$0x4] =	stream.indirect.gather [hbm4b:s4+s17], $0x80, s1, s17, $0xb8;
	[tilespmem:$0x1D000] =	vst v63  }
0x180: {  	_ =	swait.ge [sflag:s20], $0x4000  }
0x181: {  	[sflag:s20] =	ssyncset.done $0x0  }
0x182: {  	s7 =	rddreg [dreg:$0xb];
	[sflag:s20] =	ssyncadd.s32 $0xFFFFC000  }
0x183: {  	[spmem:s2] =	stream.indirect.scatter.add.f32 [tilespmem:s18], [sflag:$0x5], $0x80, s7, s17, $0xb8;
	[tilespmem:$0x1D000] =	vst v63  }
0x184: {  	_ =	swait.ge [sflag:s12], $0x4000  }
0x185: {  	[sflag:s12] =	ssyncset.done $0x0  }
0x186: {  	s8 =	rddreg [dreg:$0xc];
	[sflag:s12] =	ssyncadd.s32 $0xFFFFC000  }
0x187: {  	[tilespmem:s18], [sflag:$0x3] =	stream.indirect.gather [hbm4b:s4+s17], $0x80, s8, s17, $0xb8;
	[tilespmem:$0x1D000] =	vst v63  }
0x188: {  	_ =	swait.ge [sflag:s21], $0x4000  }
0x189: {  	[sflag:s21] =	ssyncset.done $0x0  }
0x18a: {  	s31 =	rddreg [dreg:$0xd];
	[sflag:s21] =	ssyncadd.s32 $0xFFFFC000  }
0x18b: {  	[spmem:s2] =	stream.indirect.scatter.add.f32 [tilespmem:s19], [sflag:$0x5], $0x80, s31, s17, $0xb8;
	[tilespmem:$0x1D000] =	vst v63  }
0x18c: {  	_ =	swait.ge [sflag:s12], $0x4000  }
0x18d: {  	[sflag:s12] =	ssyncset.done $0x0  }
0x18e: {  	s1 =	rddreg [dreg:$0xe];
	[sflag:s12] =	ssyncadd.s32 $0xFFFFC000  }
0x18f: {  	[tilespmem:s19], [sflag:$0x4] =	stream.indirect.gather [hbm4b:s4+s17], $0x80, s1, s17, $0xb8;
	[tilespmem:$0x1D000] =	vst v63  }
0x190: {  	_ =	swait.ge [sflag:s20], $0x4000  }
0x191: {  	[sflag:s20] =	ssyncset.done $0x0  }
0x192: {  	s7 =	rddreg [dreg:$0xf];
	[sflag:s20] =	ssyncadd.s32 $0xFFFFC000  }
0x193: {  	[spmem:s2] =	stream.indirect.scatter.add.f32 [tilespmem:s18], [sflag:$0x5], $0x80, s7, s17, $0xb8;
	[tilespmem:$0x1D000] =	vst v63  }
0x194: {  	_ =	swait.ge [sflag:s12], $0x4000  }
0x195: {  	[sflag:s12] =	ssyncset.done $0x0  }
0x196: {  	[sflag:s12] =	ssyncadd.s32 $0xFFFFC000  }
0x197: {  	_ =	swait.ge [sflag:s21], $0x4000  }
0x198: {  	[sflag:s21] =	ssyncset.done $0x0  }
0x199: {  	p0 =	seq.s32 s30, $0x400;
	s8 =	rddreg [dreg:$0x10];
	[sflag:s21] =	ssyncadd.s32 $0xFFFFC000  }
0x19a: {  	[spmem:s2] =	stream.indirect.scatter.add.f32 [tilespmem:s19], [sflag:$0x5], $0x80, s8, s17, $0xb8;
	[tilespmem:$0x1D000] =	vst v63  }
0x19b: {  	s0 =	sadd.s32 @!p0 s30, s5;
	_ =	swait.ge [sflag:s12], $0x4000  }
0x19c: {  	s0 =	sadd.s32 @!p0 $0x100, s0;
	[sflag:s12] =	ssyncset.done $0x0  }
0x19d: {  	s1 =	sadd.s32 @!p0 s30, s6;
	s7 =	simm.s32 @!p0 $0x0;
	[sflag:s12] =	ssyncadd.s32 $0xFFFFC000  }
0x19e: {  	[tilespmem:s7], [sflag:$0x1] =	stream.linear.gather @!p0 [hbm4b:s0+s7], $0x400, $0x38;
	[tilespmem:$0x1D000] =	vst v63  }
0x19f: {  	s0 =	sadd.s32 @!p0 $0x100, s1;
	s1 =	simm.s32 @!p0 $0x400  }
0x1a0: {  	[tilespmem:s1], [sflag:$0x1] =	stream.linear.gather @!p0 [hbm4b:s0+s7], $0x400, $0x38;
	[tilespmem:$0x1D000] =	vst v63  }
0x1a1: {  	_ =	swait.ge [sflag:s22], $0x400  }
0x1a2: {  	[sflag:s22] =	ssyncset.done $0x0  }
0x1a3: {  	[sflag:s22] =	ssyncadd.s32 $0xFFFFFC00  }
0x1a4: {  	_ =	swait.ge [sflag:s22], $0x400  }
0x1a5: {  	[sflag:s22] =	ssyncset.done $0x0  }
0x1a6: {  	[sflag:s22] =	ssyncadd.s32 $0xFFFFFC00  }
0x1a7: {  	[tilespmem:s18], [sflag:$0x3] =	stream.indirect.gather [hbm4b:s4+s17], $0x80, s14, s17, $0xb8;
	[tilespmem:$0x1D000] =	vst v63  }
0x1a8: {  	s31 =	rddreg [dreg:$0x11]  }
0x1a9: {  	[tilespmem:s19], [sflag:$0x4] =	stream.indirect.gather [hbm4b:s4+s17], $0x80, s31, s17, $0xb8;
	[tilespmem:$0x1D000] =	vst v63  }
0x1aa: {  	_ =	swait.ge [sflag:s20], $0x4000  }
0x1ab: {  	[sflag:s20] =	ssyncset.done $0x0  }
0x1ac: {  	[sflag:s20] =	ssyncadd.s32 $0xFFFFC000  }
0x1ad: {  	[spmem:s2] =	stream.indirect.scatter.add.f32 [tilespmem:s18], [sflag:$0x5], $0x80, s15, s17, $0xb8;
	[tilespmem:$0x1D000] =	vst v63  }
0x1ae: {  	_ =	swait.ge [sflag:s12], $0x4000  }
0x1af: {  	[sflag:s12] =	ssyncset.done $0x0  }
0x1b0: {  	s1 =	rddreg [dreg:$0x12];
	[sflag:s12] =	ssyncadd.s32 $0xFFFFC000  }
0x1b1: {  	[tilespmem:s18], [sflag:$0x3] =	stream.indirect.gather [hbm4b:s4+s17], $0x80, s1, s17, $0xb8;
	[tilespmem:$0x1D000] =	vst v63  }
0x1b2: {  	_ =	swait.ge [sflag:s21], $0x4000  }
0x1b3: {  	[sflag:s21] =	ssyncset.done $0x0  }
0x1b4: {  	s7 =	rddreg [dreg:$0x13];
	[sflag:s21] =	ssyncadd.s32 $0xFFFFC000  }
0x1b5: {  	[spmem:s2] =	stream.indirect.scatter.add.f32 [tilespmem:s19], [sflag:$0x5], $0x80, s7, s17, $0xb8;
	[tilespmem:$0x1D000] =	vst v63  }
0x1b6: {  	_ =	swait.ge [sflag:s12], $0x4000  }
0x1b7: {  	[sflag:s12] =	ssyncset.done $0x0  }
0x1b8: {  	s8 =	rddreg [dreg:$0x14];
	[sflag:s12] =	ssyncadd.s32 $0xFFFFC000  }
0x1b9: {  	[tilespmem:s19], [sflag:$0x4] =	stream.indirect.gather [hbm4b:s4+s17], $0x80, s8, s17, $0xb8;
	[tilespmem:$0x1D000] =	vst v63  }
0x1ba: {  	_ =	swait.ge [sflag:s20], $0x4000  }
0x1bb: {  	[sflag:s20] =	ssyncset.done $0x0  }
0x1bc: {  	s30 =	rddreg [dreg:$0x15];
	[sflag:s20] =	ssyncadd.s32 $0xFFFFC000  }
0x1bd: {  	[spmem:s2] =	stream.indirect.scatter.add.f32 [tilespmem:s18], [sflag:$0x5], $0x80, s30, s17, $0xb8;
	[tilespmem:$0x1D000] =	vst v63  }
0x1be: {  	_ =	swait.ge [sflag:s12], $0x4000  }
0x1bf: {  	[sflag:s12] =	ssyncset.done $0x0  }
0x1c0: {  	s31 =	rddreg [dreg:$0x16];
	[sflag:s12] =	ssyncadd.s32 $0xFFFFC000  }
0x1c1: {  	[tilespmem:s18], [sflag:$0x3] =	stream.indirect.gather [hbm4b:s4+s17], $0x80, s31, s17, $0xb8;
	[tilespmem:$0x1D000] =	vst v63  }
0x1c2: {  	_ =	swait.ge [sflag:s21], $0x4000  }
0x1c3: {  	[sflag:s21] =	ssyncset.done $0x0  }
0x1c4: {  	s1 =	rddreg [dreg:$0x17];
	[sflag:s21] =	ssyncadd.s32 $0xFFFFC000  }
0x1c5: {  	[spmem:s2] =	stream.indirect.scatter.add.f32 [tilespmem:s19], [sflag:$0x5], $0x80, s1, s17, $0xb8;
	[tilespmem:$0x1D000] =	vst v63  }
0x1c6: {  	_ =	swait.ge [sflag:s12], $0x4000  }
0x1c7: {  	[sflag:s12] =	ssyncset.done $0x0  }
0x1c8: {  	s7 =	rddreg [dreg:$0x18];
	[sflag:s12] =	ssyncadd.s32 $0xFFFFC000  }
0x1c9: {  	[tilespmem:s19], [sflag:$0x4] =	stream.indirect.gather [hbm4b:s4+s17], $0x80, s7, s17, $0xb8;
	[tilespmem:$0x1D000] =	vst v63  }
0x1ca: {  	_ =	swait.ge [sflag:s20], $0x4000  }
0x1cb: {  	[sflag:s20] =	ssyncset.done $0x0  }
0x1cc: {  	s8 =	rddreg [dreg:$0x19];
	[sflag:s20] =	ssyncadd.s32 $0xFFFFC000  }
0x1cd: {  	[spmem:s2] =	stream.indirect.scatter.add.f32 [tilespmem:s18], [sflag:$0x5], $0x80, s8, s17, $0xb8;
	[tilespmem:$0x1D000] =	vst v63  }
0x1ce: {  	_ =	swait.ge [sflag:s12], $0x4000  }
0x1cf: {  	[sflag:s12] =	ssyncset.done $0x0  }
0x1d0: {  	[sflag:s12] =	ssyncadd.s32 $0xFFFFC000  }
0x1d1: {  	[tilespmem:s18], [sflag:$0x3] =	stream.indirect.gather [hbm4b:s4+s17], $0x80, s23, s17, $0xb8;
	[tilespmem:$0x1D000] =	vst v63  }
0x1d2: {  	_ =	swait.ge [sflag:s21], $0x4000  }
0x1d3: {  	[sflag:s21] =	ssyncset.done $0x0  }
0x1d4: {  	[sflag:s21] =	ssyncadd.s32 $0xFFFFC000  }
0x1d5: {  	[spmem:s2] =	stream.indirect.scatter.add.f32 [tilespmem:s19], [sflag:$0x5], $0x80, s24, s17, $0xb8;
	[tilespmem:$0x1D000] =	vst v63  }
0x1d6: {  	_ =	swait.ge [sflag:s12], $0x4000  }
0x1d7: {  	[sflag:s12] =	ssyncset.done $0x0  }
0x1d8: {  	[sflag:s12] =	ssyncadd.s32 $0xFFFFC000  }
0x1d9: {  	[tilespmem:s19], [sflag:$0x4] =	stream.indirect.gather [hbm4b:s4+s17], $0x80, s25, s17, $0xb8;
	[tilespmem:$0x1D000] =	vst v63  }
0x1da: {  	_ =	swait.ge [sflag:s20], $0x4000  }
0x1db: {  	[sflag:s20] =	ssyncset.done $0x0  }
0x1dc: {  	[sflag:s20] =	ssyncadd.s32 $0xFFFFC000  }
0x1dd: {  	[spmem:s2] =	stream.indirect.scatter.add.f32 [tilespmem:s18], [sflag:$0x5], $0x80, s26, s17, $0xb8;
	[tilespmem:$0x1D000] =	vst v63  }
0x1de: {  	_ =	swait.ge [sflag:s12], $0x4000  }
0x1df: {  	[sflag:s12] =	ssyncset.done $0x0  }
0x1e0: {  	[sflag:s12] =	ssyncadd.s32 $0xFFFFC000  }
0x1e1: {  	_ =	swait.ge [sflag:s21], $0x4000  }
0x1e2: {  	[sflag:s21] =	ssyncset.done $0x0  }
0x1e3: {  	[sflag:s21] =	ssyncadd.s32 $0xFFFFC000  }
0x1e4: {  	[spmem:s2] =	stream.indirect.scatter.add.f32 [tilespmem:s19], [sflag:$0x5], $0x80, s28, s17, $0xb8;
	[tilespmem:$0x1D000] =	vst v63  }
0x1e5: {  	_ =	swait.ge [sflag:s12], $0x4000  }
0x1e6: {  	[sflag:s12] =	ssyncset.done $0x0  }
0x1e7: {  	[sflag:s12] =	ssyncadd.s32 $0xFFFFC000  }
0x1e8: {  	[bflag:$0x0] =	sbarrier.arrive $0xFFFF  }
0x1e9: {  	s30 =	rddreg [dreg:$0x1a]  }
0x1ea: {  	[hbm:s30], [sflag:s10] =	dma.local [spmem:s11], $0x2800  }
0x1eb: {  	_ =	swait.ge [sflag:s12], $0x2800  }
0x1ec: {  	s29 =	sadd.s32 $0x1, s29;
	s31 =	rddreg [dreg:$0x1b]  }
0x1ed: {  	p0 =	sne.s32 s29, s31  }
.Ltmp1:
0x1ee: {  	_ = 	snop;
	(pc) =	sbr.rel @p0 .LBB2_1-.Ltmp1, $3  }
0x1ef: {  	_ =	sdelay $0x1  }
0x1f0: {  	[sflag:s12] =	ssyncset.done $0x0  }
0x1f1: {  	[sflag:s12] =	ssyncadd.s32 $0xFFFFD800  }
0x1f2: {  	_ =	sfence.sel $0x180000  }
0x1f3: {  	[bflag:$0x0] =	sbarrier.arrive $0xFFFF  }
0x1f4: {  	_ =	strace $0x9000004D  }
0x1f5: {  	s0 =	stileid.u32;
	[bflag:$0x2] =	sbarrier.arrive $0xFFFF  }
0x1f6: {  	p0 =	sne.s32 s0, $0x0;
	s0 =	rddreg [dreg:$0x3]  }
0x1f7: {  	s0 =	sadd.s32 @!p0 $0x100000, s0  }
0x1f8: {  	[sflag:s0] =	ssyncadd.tile.s32 @!p0 $0x1;
	_ =	shalt  }
.Lfunc_end2:
_tile_overlayer_lowered:
.L_overlay_start_2:
0x1f9: {  	(tag) =	ssettag $0x2  }
0x1fa: {  	s0 =	rddreg [dreg:$0x0];
	s2 =	stileid.u32  }
0x1fb: {  	s1 =	rddreg [dreg:$0x1];
	p0 =	sne.s32 s2, $0x0  }
0x1fc: {  	s3 =	rddreg [dreg:$0x2];
	[bflag:$0x3] =	sbarrier.arrive $0xFFFF;
	s2 =	simm.s32 @!p0 $0x1C05  }
0x1fd: {  	[timem:s3], [sflag:s2] =	dma.local @!p0 [hbm:s0], s1  }
0x1fe: {  	s0 =	simm.s32 @!p0 $0x5  }
0x1ff: {  	_ =	swait.ge @!p0 [sflag:s0], s1  }
0x200: {  	s1 =	ssub.s32 @!p0 $0x0, s1;
	[sflag:s0] =	ssyncset.done @!p0 $0x0  }
0x201: {  	[sflag:s0] =	ssyncadd.s32 @!p0 s1  }
0x202: {  	[bflag:$0x3] =	sbarrier.arrive $0xFFFF  }
0x203: {  	_ =	shalt  }

// kernel: kernel.8.cloned.1.call-start
scs
__scs_entry_jumppad:
0x0: {  	(pc) =	sbr.rel $0x88, $3  }
0x1: {  	(tag) =	ssettag $0x0;
	lr =	simm.s32 $0x1  }
0x2: {  	[smem:$0x3F9B] =	sst lr;
	_ =	strace $0xD0000000  }
0x3: {  	_ = 	snop  }
0x4: {  	_ = 	snop  }
0x5: {  	_ = 	snop  }
0x6: {  	_ = 	snop  }
0x7: {  	_ = 	snop  }
__scs_overlays_trampoline_lowered:
0x8: {  	[smem:$0x3FAA] =	sst s0  }
0x9: {  	[smem:$0x3FAB] =	sst s1  }
0xa: {  	[smem:$0x3FAC] =	sst s2  }
0xb: {  	[smem:$0x3FAD] =	sst s3  }
0xc: {  	[smem:$0x3FAE] =	sst s4  }
0xd: {  	[smem:$0x3FAF] =	sst s5  }
0xe: {  	[smem:$0x3FB0] =	sst s6  }
0xf: {  	[smem:$0x3FB1] =	sst s7  }
0x10: {  	[smem:$0x3FB2] =	sst s8  }
0x11: {  	[smem:$0x3FB3] =	sst s9;
	s0 =	simm.s32 @!p0 $0x0  }
0x12: {  	s1 =	sld [smem:$0x3F99];
	s0 =	simm.s32 @p0 $0x1  }
0x13: {  	[smem:$0x3FB4] =	sst s0;
	s0 =	simm.s32 @!p1 $0x0  }
0x14: {  	s2 =	sld [smem:$0x3F98];
	s0 =	simm.s32 @p1 $0x1  }
0x15: {  	[smem:$0x3FB5] =	sst s0;
	s0 =	simm.s32 @!p2 $0x0  }
0x16: {  	s3 =	sld [smem:$0x3FDB];
	s0 =	simm.s32 @p2 $0x1  }
0x17: {  	s4 =	simm.s32 $0x1BF5;
	[smem:$0x3FB7] =	sst s0  }
0x18: {  	s0 =	sld [smem:$0x3F9A];
	_ =	swait.ge [sflag:s4], $0x0  }
0x19: {  	s7 =	sld [smem:$0x3F9B]  }
0x1a: {  	s8 =	sadd.s32 $0xFFFFE003, lr  }
0x1b: {  	s9 =	sadd.s32 $0xFFFFFEF7, lr;
	s5 =	simm.s32 $0xFFFFFFFF;
	p2 =	slt.u32 s8, $0xFFFFF086  }
0x1c: {  	p1 =	slt.u32 s9, $0xF7A;
	s5 =	simm.s32 @!p2 $0x0  }
0x1d: {  	s5 =	simm.s32 @p1 $0x1;
	p0 =	seq.s32 s7, s2  }
0x1e: {  	s7 =	smul.u32 @!p0 $0xF7A, s2;
	p2 =	seq.s32 @!p0 s5, $0x0  }
0x1f: {  	s9 =	smul.u32 $0xF7A, s1;
	s8 =	simm.s32 @!p0 $0x1BF5;
	p2 =	por !p2, p0  }
0x20: {  	[sflag:s8] =	ssyncset.s32 @!p0 $0xFFFFF086;
	s6 =	sadd.s32 @!p0 s3, s7;
	s7 =	simm.s32 @!p0 $0x108  }
0x21: {  	s3 =	sadd.s32 s3, s9;
	s6 =	sadd.s32 @!p0 $0x88, s6;
	s7 =	simm.s32 @p2 $0x1082  }
0x22: {  	[simem:s7], [sflag:s8] =	dma.local @!p0 [hbm:s6], $0xF7A  }
0x23: {  	s9 =	sor.u32 $0xD0000000, s2;
	s6 =	simm.s32 $0x108;
	_ =	swait.ge @!p0 [sflag:s8], $0x0  }
0x24: {  	s3 =	sadd.s32 $0x88, s3;
	s6 =	simm.s32 @!p1 $0x1082;
	[sflag:s4] =	ssyncset.s32 $0xFFFFF086  }
0x25: {  	[simem:s6], [sflag:s4] =	dma.local [hbm:s3], $0xF7A  }
0x26: {  	[smem:$0x3F9B] =	sst s1;
	(tag) =	ssettag s2;
	_ =	strace s9  }
0x27: {  	s1 =	sld [smem:$0x3FAB]  }
0x28: {  	s2 =	sld [smem:$0x3FAC]  }
0x29: {  	s4 =	sld [smem:$0x3FAE]  }
0x2a: {  	p0 =	seq.s32 s5, $0x0;
	s5 =	sld [smem:$0x3FAF]  }
0x2b: {  	s6 =	sld [smem:$0x3FB0]  }
0x2c: {  	s7 =	sld [smem:$0x3FB1]  }
0x2d: {  	s3 =	simm.s32 $0x108;
	s8 =	sld [smem:$0x3FB2]  }
0x2e: {  	s3 =	simm.s32 @!p0 $0x1082;
	s9 =	sld [smem:$0x3FB3]  }
0x2f: {  	lr =	sadd.s32 s0, s3;
	s0 =	sld [smem:$0x3FAA]  }
0x30: {  	s3 =	sld [smem:$0x3FAD]  }
0x31: {  	[smem:$0x3FB6] =	sst s10  }
0x32: {  	s10 =	sld [smem:$0x3FB4];
	_ =	sdelay $0x3  }
0x33: {  	p0 =	seq.s32 s10, $0x1;
	s10 =	sld [smem:$0x3FB6];
	_ =	sdelay $0x3  }
0x34: {  	[smem:$0x3FB6] =	sst s10  }
0x35: {  	s10 =	sld [smem:$0x3FB5];
	_ =	sdelay $0x3  }
0x36: {  	p1 =	seq.s32 s10, $0x1;
	s10 =	sld [smem:$0x3FB6];
	_ =	sdelay $0x3  }
0x37: {  	[smem:$0x3FB6] =	sst s10  }
0x38: {  	s10 =	sld [smem:$0x3FB7]  }
0x39: {  	_ = 	snop;
	(pc) =	sbr.ind lr, $3  }
0x3a: {  	_ = 	snop  }
0x3b: {  	_ = 	snop  }
0x3c: {  	p2 =	seq.s32 s10, $0x1;
	s10 =	sld [smem:$0x3FB6]  }
0x3d: {  	_ =	shalt  }
0x3e: {  	_ =	shalt  }
0x3f: {  	_ =	shalt  }
0x40: {  	_ =	shalt  }
0x41: {  	_ =	shalt  }
0x42: {  	_ =	shalt  }
0x43: {  	_ =	shalt  }
0x44: {  	_ =	shalt  }
0x45: {  	_ =	shalt  }
0x46: {  	_ =	shalt  }
0x47: {  	_ =	shalt  }
0x48: {  	_ =	shalt  }
0x49: {  	_ =	shalt  }
0x4a: {  	_ =	shalt  }
0x4b: {  	_ =	shalt  }
0x4c: {  	_ =	shalt  }
0x4d: {  	_ =	shalt  }
0x4e: {  	_ =	shalt  }
0x4f: {  	_ =	shalt  }
0x50: {  	_ =	shalt  }
0x51: {  	_ =	shalt  }
0x52: {  	_ =	shalt  }
0x53: {  	_ =	shalt  }
0x54: {  	_ =	shalt  }
0x55: {  	_ =	shalt  }
0x56: {  	_ =	shalt  }
0x57: {  	_ =	shalt  }
0x58: {  	_ =	shalt  }
0x59: {  	_ =	shalt  }
0x5a: {  	_ =	shalt  }
0x5b: {  	_ =	shalt  }
0x5c: {  	_ =	shalt  }
0x5d: {  	_ =	shalt  }
0x5e: {  	_ =	shalt  }
0x5f: {  	_ =	shalt  }
0x60: {  	_ =	shalt  }
0x61: {  	_ =	shalt  }
0x62: {  	_ =	shalt  }
0x63: {  	_ =	shalt  }
0x64: {  	_ =	shalt  }
0x65: {  	_ =	shalt  }
0x66: {  	_ =	shalt  }
0x67: {  	_ =	shalt  }
0x68: {  	_ =	shalt  }
0x69: {  	_ =	shalt  }
0x6a: {  	_ =	shalt  }
0x6b: {  	_ =	shalt  }
0x6c: {  	_ =	shalt  }
0x6d: {  	_ =	shalt  }
0x6e: {  	_ =	shalt  }
0x6f: {  	_ =	shalt  }
0x70: {  	_ =	shalt  }
0x71: {  	_ =	shalt  }
0x72: {  	_ =	shalt  }
0x73: {  	_ =	shalt  }
0x74: {  	_ =	shalt  }
0x75: {  	_ =	shalt  }
0x76: {  	_ =	shalt  }
0x77: {  	_ =	shalt  }
0x78: {  	_ =	shalt  }
0x79: {  	_ =	shalt  }
0x7a: {  	_ =	shalt  }
0x7b: {  	_ =	shalt  }
0x7c: {  	_ =	shalt  }
0x7d: {  	_ =	shalt  }
0x7e: {  	_ =	shalt  }
0x7f: {  	_ =	shalt  }
0x80: {  	_ =	shalt  }
0x81: {  	_ =	shalt  }
0x82: {  	_ =	shalt  }
0x83: {  	_ =	shalt  }
0x84: {  	_ =	shalt  }
0x85: {  	_ =	shalt  }
0x86: {  	_ =	shalt  }
0x87: {  	_ =	shalt  }
.Lfunc_end0:
.L_simem_size_0:
called_computation_lowered:
.L_overlay_start_0:
0x88: {  	s2 =	sld [smem:$0x3FD9]  }
0x89: {  	s3 =	sld [smem:$0x3FFE];
	_ =	sdelay $0x1  }
0x8a: {  	s1 =	srdreg.scid  }
0x8b: {  	s0 =	sand.u32 $0x1, s1  }
0x8c: {  	s16 =	sshll.u32 s0, $0xA;
	s2 =	sadd.s32 s3, s2  }
0x8d: {  	s2 =	sadd.s32 s2, s16  }
0x8e: {  	[smem:$0x3FC2] =	sst s2  }
0x8f: {  	_ = 	snop  }
0x90: {  	(tm) =	ssettm $0x1  }
0x91: {  	s17 =	sld [smem:$0x3FFB];
	_ =	sdelay $0x3  }
0x92: {  	_ =	strace s17  }
0x93: {  	s2 =	sld [smem:$0x3FFC];
	_ =	sdelay $0x3  }
0x94: {  	_ =	strace s2  }
0x95: {  	s2 =	sld [smem:$0x3FFD];
	_ =	sdelay $0x3  }
0x96: {  	_ =	strace s2  }
0x97: {  	_ =	strace $0x8FFFFFFF  }
0x98: {  	s18 =	sld [smem:$0x3FDB];
	_ =	sdelay $0x1  }
0x99: {  	s19 =	simm.s32 $_scs_section_size  }
0x9a: {  	s4 =	simm.s32 $_size__tile_overlayer_lowered;
	s5 =	simm.s32 $_tile_overlayer_lowered  }
0x9b: {  	s22 =	simm.s32 $0x1BFF;
	s21 =	sshll.u32 s5, $0x1;
	s2 =	sadd.s32 s19, s18  }
0x9c: {  	s6 =	simm.s32 $0x0;
	s20 =	sshll.u32 s4, $0x1;
	s4 =	sadd.s32 s21, s2  }
0x9d: {  	[timem:s6], [sflag:s22] =	dma.local [hbm:s4], s20  }
0x9e: {  	_ =	swait.ge [sflag:s22], s20  }
0x9f: {  	s3 =	ssub.s32 $0x0, s20;
	[sflag:s22] =	ssyncset.done $0x0  }
0xa0: {  	[sflag:s22] =	ssyncadd.s32 s3;
	_ =	sdelay $0x1  }
0xa1: {  	s23 =	simm.s32 $0x1B8B  }
0xa2: {  	_ =	swait.ge [sflag:s23], $0x1  }
0xa3: {  	[sflag:s23] =	ssyncset.done $0x0  }
0xa4: {  	s25 =	simm.s32 $0x1B8E;
	s24 =	sld [smem:$0x3FFE];
	[sflag:s23] =	ssyncadd.s32 $0xFFFFFFFF  }
0xa5: {  	s26 =	simm.s32 $execute0_lowered;
	[smem:$0x3FD2] =	sst s25  }
0xa6: {  	s4 =	sshll.u32 s26, $0x1;
	_ =	strace $0x80000046;
	[dreg:$0x1] =	wrdreg $0xFFFFFFFF  }
0xa7: {  	s28 =	simm.s32 $_size_execute0_lowered;
	s2 =	sadd.s32 s2, s4;
	[dreg:$0x0] =	wrdreg $0x0  }
0xa8: {  	s4 =	sshll.u32 s28, $0x1;
	[dreg:$0x2] =	wrdreg s2  }
0xa9: {  	[dreg:$0x3] =	wrdreg s4  }
0xaa: {  	[dreg:$0x4] =	wrdreg $0xC0  }
0xab: {  	_ =	task [dreg:s6], $0x5FFFF  }
0xac: {  	[dreg:$0x1] =	wrdreg $0xFFFFFFFF  }
0xad: {  	[dreg:$0x0] =	wrdreg $0x60  }
0xae: {  	[dreg:$0x2] =	wrdreg s24  }
0xaf: {  	[dreg:$0x3] =	wrdreg $0x68000  }
0xb0: {  	[dreg:$0x4] =	wrdreg $0x9  }
0xb1: {  	_ =	task.clear_ibuf [dreg:s6], $0x5FFFF;
	_ =	strace $0x90000046  }
0xb2: {  	s29 =	simm.s32 $0x9;
	_ =	strace $0x80000048  }
0xb3: {  	_ =	swait.ge [sflag:s29], $0x1  }
0xb4: {  	[sflag:s29] =	ssyncadd.s32 $0xFFFFFFFF  }
0xb5: {  	_ =	strace $0x90000048  }
0xb6: {  	_ =	sfence  }
0xb7: {  	s30 =	sld [smem:$0x0];
	_ =	sdelay $0x2  }
0xb8: {  	s31 =	sshll.u32 s1, $0xD;
	s1 =	sshrl.u32 s1, $0x2  }
0xb9: {  	s3 =	sand.u32 $0x4000, s31;
	s1 =	sadd.s32 s1, s30  }
0xba: {  	s0 =	sor.u32 s3, s0;
	s1 =	sshll.u32 s1, $0x11  }
0xbb: {  	s0 =	sor.u32 s1, s0  }
0xbc: {  	s0 =	sadd.s32 $0x8F2B, s0  }
0xbd: {  	[sflag:s0] =	ssyncadd.remote.s32 $0x1  }
0xbe: {  	_ =	sfence.sel $0xFFFF  }
0xbf: {  	[dreg:$0x0] =	wrdreg $0xFFFFFFFF;
	(pc) =	sbr.abs _section_cstart, $3  }
0xc0: {  	[dreg:$0x1] =	wrdreg $0xFFFFFFFF  }
0xc1: {  	_ =	task.clear_ibuf [dreg:s6], $0x2FFFF;
	_ =	strace $0x9FFFFFFF  }
0xc2: {  	(tm) =	ssettm $0x7FFFFFFF  }
0xc3: {  	_ =	shalt  }
tec
execute0_lowered:
.L_overlay_start_1:
0x0: {  	(tag) =	ssettag $0x1  }
0x1: {  	s1 =	srdreg.scid;
	s5 =	rddreg [dreg:$0x0]  }
0x2: {  	s0 =	stileid.u32;
	s2 =	rddreg [dreg:$0x1];
	s3 =	simm.s32 $0x0  }
0x3: {  	s14 =	simm.s32 $0x0;
	s6 =	sand.u32 $0x1, s1;
	s1 =	rddreg [dreg:$0x2]  }
0x4: {  	s28 =	sshll.u32 s0, $0x1;
	[smem:$0x7FF] =	sst s3;
	s7 =	smul.u32 $0x14000, s0  }
0x5: {  	s29 =	smul.u32 $0x50000, s0;
	s31 =	sshll.u32 s0, $0x6;
	s4 =	sor.u32 s6, s28  }
0x6: {  	_ =	strace $0x80000047;
	s8 =	smul.u32 $0x140000, s6;
	s6 =	ssub.s32 $0x2, s6  }
0x7: {  	s4 =	smul.u32 $0x500, s4;
	s10 =	sshrl.u32 s7, $0x3;
	s11 =	sshrl.u32 s6, $0x1  }
0x8: {  	s30 =	sshrl.u32 s29, $0x2;
	s7 =	sadd.s32 s7, s8;
	s10 =	sadd.s32 s10, s5  }
0x9: {  	s11 =	ssub.s32 s6, s11;
	s13 =	sadd.s32 s30, s2;
	s6 =	sor.u32 $0x1C01, s31  }
0xa: {  	s9 =	sadd.s32 s4, s5;
	s4 =	sadd.s32 $0xC000, s5;
	s7 =	sshrl.u32 s7, $0x3  }
0xb: {  	s12 =	sadd.s32 s7, s5;
	s5 =	sadd.s32 $0xC800, s10;
	s7 =	sadd.s32 $0x2000, s9  }
0xc: {  	s9 =	smax.u32 s11, $0x1;
	s10 =	sshrl.u32 s13, $0x3;
	s11 =	simm.s32 $0x1  }
0xd: {  	s13 =	simm.s32 $0x80;
	s8 =	sadd.s32 $0x34800, s12;
	s12 =	simm.s32 $0x2800  }
.LBB2_1:
0xe: {  	[spmem:s10], [sflag:s6] =	dma.local [hbm:s5], $0x2800  }
0xf: {  	_ =	swait.ge [sflag:s11], $0x2800  }
0x10: {  	[sflag:s11] =	ssyncset.done $0x0  }
0x11: {  	[sflag:s11] =	ssyncadd.s32 $0xFFFFD800  }
0x12: {  	[tilespmem:s3], [sflag:$0x1] =	stream.linear.gather [hbm4b:s7+s3], $0x2800, $0x38;
	[tilespmem:$0x1A800] =	vst v63  }
0x13: {  	_ =	swait.ge [sflag:s11], $0x2800  }
0x14: {  	[sflag:s11] =	ssyncset.done $0x0  }
0x15: {  	[sflag:s11] =	ssyncadd.s32 $0xFFFFD800  }
0x16: {  	[tilespmem:s12], [sflag:$0x1] =	stream.linear.gather [hbm4b:s4+s3], $0x4000, $0x38;
	[tilespmem:$0x1A800] =	vst v63  }
0x17: {  	_ =	swait.ge [sflag:s11], $0x4000  }
0x18: {  	[sflag:s11] =	ssyncset.done $0x0  }
0x19: {  	[sflag:s11] =	ssyncadd.s32 $0xFFFFC000  }
0x1a: {  	s15 =	simm.s32 $0x0;
	[bflag:$0x0] =	sbarrier.arrive $0xFFFF  }
0x1b: {  	[spmem:s2] =	stream.indirect.scatter.add.f32 [tilespmem:s12], [sflag:$0x1], $0x80, s15, s13, $0xb8;
	[tilespmem:$0x1A800] =	vst v63  }
0x1c: {  	_ =	swait.ge [sflag:s11], $0x4000  }
0x1d: {  	s15 =	simm.s32 $0x200;
	[sflag:s11] =	ssyncset.done $0x0  }
.LBB2_2:
0x1e: {  	s16 =	sshra.s32 s15, $0x2;
	[sflag:s11] =	ssyncadd.s32 $0xFFFFC000;
	p0 =	sne.s32 s15, $0x9E00  }
0x1f: {  	[spmem:s2] =	stream.indirect.scatter.add.f32 [tilespmem:s12], [sflag:$0x1], $0x80, s16, s13, $0xb8;
	[tilespmem:$0x1A800] =	vst v63  }
.Ltmp0:
0x20: {  	_ = 	snop;
	(pc) =	sbr.rel @p0 .LBB2_2-.Ltmp0, $4  }
0x21: {  	_ = 	snop  }
0x22: {  	s15 =	sadd.s32 $0x200, s15  }
0x23: {  	_ =	swait.ge [sflag:s11], $0x4000  }
0x24: {  	[sflag:s11] =	ssyncset.done $0x0  }
0x25: {  	s14 =	sadd.s32 $0x1, s14  }
0x26: {  	[sflag:s11] =	ssyncadd.s32 $0xFFFFC000;
	p0 =	sne.s32 s14, s9  }
.Ltmp1:
0x27: {  	[bflag:$0x0] =	sbarrier.arrive $0xFFFF;
	(pc) =	sbr.rel @p0 .LBB2_1-.Ltmp1, $4  }
0x28: {  	[hbm:s8], [sflag:s6] =	dma.local [spmem:s10], $0x2800  }
0x29: {  	_ =	swait.ge [sflag:s11], $0x2800  }
0x2a: {  	[sflag:s11] =	ssyncset.done $0x0  }
0x2b: {  	[sflag:s11] =	ssyncadd.s32 $0xFFFFD800  }
0x2c: {  	_ =	sfence.sel $0x180000  }
0x2d: {  	[bflag:$0x0] =	sbarrier.arrive $0xFFFF  }
0x2e: {  	p0 =	sne.s32 s0, $0x0;
	_ =	strace $0x90000047  }
0x2f: {  	s0 =	sadd.s32 @!p0 $0x100000, s1;
	[bflag:$0x2] =	sbarrier.arrive $0xFFFF  }
0x30: {  	[sflag:s0] =	ssyncadd.tile.s32 @!p0 $0x1;
	_ =	shalt  }
.Lfunc_end2:
_tile_overlayer_lowered:
.L_overlay_start_2:
0x31: {  	(tag) =	ssettag $0x2  }
0x32: {  	s0 =	rddreg [dreg:$0x0];
	s2 =	stileid.u32  }
0x33: {  	s1 =	rddreg [dreg:$0x1];
	p0 =	sne.s32 s2, $0x0  }
0x34: {  	s3 =	rddreg [dreg:$0x2];
	[bflag:$0x3] =	sbarrier.arrive $0xFFFF;
	s2 =	simm.s32 @!p0 $0x1C01  }
0x35: {  	[timem:s3], [sflag:s2] =	dma.local @!p0 [hbm:s0], s1  }
0x36: {  	s0 =	simm.s32 @!p0 $0x1  }
0x37: {  	_ =	swait.ge @!p0 [sflag:s0], s1  }
0x38: {  	s1 =	ssub.s32 @!p0 $0x0, s1;
	[sflag:s0] =	ssyncset.done @!p0 $0x0  }
0x39: {  	[sflag:s0] =	ssyncadd.s32 @!p0 s1  }
0x3a: {  	[bflag:$0x3] =	sbarrier.arrive $0xFFFF  }
0x3b: {  	_ =	shalt  }

</sc_bundles>
